<compile_context>
chip_gen: v7x
topology: tpu7x:2x2x1
jax: 0.10.2.dev20260603
libtpu: 0.0.44.dev20260713+nightly
codegen_flags: <defaults>
</compile_context>

<pallas_src>
import functools

import jax
import jax.numpy as jnp
from jax import lax
from jax.experimental import pallas as pl
from jax.experimental.pallas import tpu as pltpu
from jax.experimental.pallas import tpu_sc as plsc

NC, NS, LANES = 2, 16, 16
NW = NC * NS
ROWBLK = 1024


def _sc_mesh():
    return plsc.VectorSubcoreMesh(core_axis_name="c", subcore_axis_name="s")


def _make_deg_kernel(epw, npad, e, nhalf):
    win = epw // nhalf
    nreal_win = e // win

    @functools.partial(
        pl.kernel,
        out_type=jax.ShapeDtypeStruct((NW, npad), jnp.float32),
        mesh=_sc_mesh(),
        scratch_types=[
            pltpu.VMEM((epw,), jnp.int32),
            pltpu.VMEM((npad,), jnp.float32),
        ],
        compiler_params=pltpu.CompilerParams(needs_layout_passes=False),
    )
    def deg_kernel(ei_hbm, pad_hbm, out_hbm, dst_v, hist_v):
        c = lax.axis_index("c")
        s = lax.axis_index("s")
        w = c * NS + s
        for h in range(nhalf):
            wi = w * nhalf + h
            seg = dst_v.at[pl.ds(h * win, win)]

            @pl.when(wi < nreal_win)
            def _():
                pltpu.sync_copy(ei_hbm.at[1, pl.ds(wi * win, win)], seg)

            @pl.when(wi >= nreal_win)
            def _():
                pltpu.sync_copy(
                    pad_hbm.at[pl.ds((wi - nreal_win) * win, win)], seg)

        def zero_body(i, carry):
            hist_v[pl.ds(i * LANES, LANES)] = jnp.zeros((LANES,), jnp.float32)
            return carry

        lax.fori_loop(0, npad // LANES, zero_body, 0)

        ones = jnp.ones((LANES,), jnp.float32)

        def hist_body(i, carry):
            idx = dst_v[pl.ds(i * LANES, LANES)]
            plsc.addupdate_scatter(hist_v, [idx], ones)
            return carry

        lax.fori_loop(0, epw // LANES, hist_body, 0)
        pltpu.sync_copy(hist_v, out_hbm.at[w])

    return deg_kernel


def _make_agg_kernel(epw, npad, dim, chunk, nbuf, nhalf, e):
    stripe = npad // NS
    nch2 = epw // chunk // nhalf
    win = epw // nhalf
    nreal_win = e // win

    @functools.partial(
        pl.kernel,
        out_type=jax.ShapeDtypeStruct((NC, npad, dim), jnp.float32),
        mesh=_sc_mesh(),
        scratch_types=[
            pltpu.VMEM((nch2, chunk), jnp.int32),
            pltpu.VMEM((nch2, chunk), jnp.int32),
            [pltpu.VMEM((chunk, dim), jnp.float32) for _ in range(nbuf)],
            pltpu.VMEM_SHARED((npad, dim), jnp.float32),
            [pltpu.SemaphoreType.DMA for _ in range(nbuf)],
        ],
        compiler_params=pltpu.CompilerParams(needs_layout_passes=False),
    )
    def agg_kernel(g_hbm, ei_hbm, pad_hbm, out_hbm,
                   sidx, didx, bufs, acc, sems):
        c = lax.axis_index("c")
        s = lax.axis_index("s")
        w = c * NS + s
        rows0 = bufs[0]

        def zrow(t, carry):
            rows0[t // (dim // LANES), pl.ds((t % (dim // LANES)) * LANES, LANES)] = (
                jnp.zeros((LANES,), jnp.float32)
            )
            return carry

        lax.fori_loop(0, chunk * (dim // LANES), zrow, 0)

        def zstripe(j, carry):
            pltpu.sync_copy(rows0, acc.at[pl.ds(s * stripe + j * chunk, chunk)])
            return carry

        lax.fori_loop(0, stripe // chunk, zstripe, 0)
        plsc.subcore_barrier()

        for h in range(nhalf):
            wi = w * nhalf + h

            @pl.when(wi < nreal_win)
            def _():
                row0 = wi * nch2
                pltpu.sync_copy(ei_hbm.at[0, pl.ds(row0, nch2)], sidx)
                pltpu.sync_copy(ei_hbm.at[1, pl.ds(row0, nch2)], didx)

            @pl.when(wi >= nreal_win)
            def _():
                pltpu.sync_copy(pad_hbm.at[wi - nreal_win], sidx)
                pltpu.sync_copy(pad_hbm.at[wi - nreal_win], didx)

            for b in range(nbuf):
                pltpu.async_copy(g_hbm.at[sidx.at[b]], bufs[b], sems[b])

            def chunk_body(j, carry):
                for b in range(nbuf):
                    i = j * nbuf + b
                    pltpu.make_async_copy(
                        g_hbm.at[sidx.at[i]], bufs[b], sems[b]).wait()
                    pltpu.sync_copy(bufs[b], acc.at[didx.at[i]], add=True)

                    @pl.when(i + nbuf < nch2)
                    def _():
                        pltpu.async_copy(
                            g_hbm.at[sidx.at[i + nbuf]], bufs[b], sems[b])
                return carry

            lax.fori_loop(0, nch2 // nbuf, chunk_body, 0)
        plsc.subcore_barrier()
        pltpu.sync_copy(
            acc.at[pl.ds(s * stripe, stripe)],
            out_hbm.at[c, pl.ds(s * stripe, stripe)],
        )

    return agg_kernel


def _dinv_from_hist(hist_blk):
    deg = jnp.sum(hist_blk, axis=0) + 1.0
    return lax.rsqrt(deg)


def _make_tc_first(n):
    def _tc_first(hist_ref, x_ref, w_ref, g_ref):
        dinv = _dinv_from_hist(hist_ref[...])
        h = jnp.dot(x_ref[...], w_ref[...], preferred_element_type=jnp.float32)
        rid = (pl.program_id(0) * ROWBLK
               + jax.lax.broadcasted_iota(jnp.int32, (ROWBLK, 1), 0))
        g_ref[...] = jnp.where(rid < n, h * dinv[:, None], 0.0)

    return _tc_first


def _tc_mid(hist_ref, s_ref, g_ref, b_ref, w_ref, g2_ref):
    dinv = _dinv_from_hist(hist_ref[...])
    agg = s_ref[0] + s_ref[1] + g_ref[...]
    act = jnp.maximum(agg * dinv[:, None] + b_ref[...], 0.0)
    h = jnp.dot(act, w_ref[...], preferred_element_type=jnp.float32)
    g2_ref[...] = h * dinv[:, None]


def _tc_last(hist_ref, s_ref, g_ref, b_ref, out_ref):
    dinv = _dinv_from_hist(hist_ref[...])
    agg = s_ref[0] + s_ref[1] + g_ref[...]
    out_ref[...] = agg * dinv[:, None] + b_ref[...]


def kernel(x, edge_index, W1, b1, W2, b2):
    n, dim = x.shape
    e = edge_index.shape[1]
    npad = ((n + ROWBLK) // ROWBLK) * ROWBLK
    chunk, nbuf, nhalf = 64, 4, 4
    chw = nhalf * nbuf * chunk
    epw = ((e + NW * chw - 1) // (NW * chw)) * chw
    epad = NW * epw
    grid = npad // ROWBLK

    win = epw // nhalf
    assert e % win == 0 and e % chunk == 0 and (e // NW) % 8 == 0
    pad_tail = n + jnp.arange(epad - e, dtype=jnp.int32) % (npad - n)
    pad3 = pad_tail.reshape((epad - e) // win, win // chunk, chunk)
    ei3 = edge_index.reshape(2, e // chunk, chunk)
    b1r = b1.reshape(1, dim)
    b2r = b2.reshape(1, dim)

    hist = _make_deg_kernel(epw, npad, e, nhalf)(edge_index, pad_tail)
    agg = _make_agg_kernel(epw, npad, dim, chunk, nbuf, nhalf, e)

    hist_spec = pl.BlockSpec((NW, ROWBLK), lambda i: (0, i))
    row_spec = pl.BlockSpec((ROWBLK, dim), lambda i: (i, 0))
    s_spec = pl.BlockSpec((NC, ROWBLK, dim), lambda i: (0, i, 0))
    full_spec = pl.BlockSpec((dim, dim), lambda i: (0, 0))
    bias_spec = pl.BlockSpec((1, dim), lambda i: (0, 0))
    out_type = jax.ShapeDtypeStruct((npad, dim), jnp.float32)

    g1 = pl.pallas_call(
        _make_tc_first(n),
        grid=(grid,),
        in_specs=[hist_spec, row_spec, full_spec],
        out_specs=row_spec,
        out_shape=out_type,
    )(hist, x, W1)

    s1 = agg(g1, ei3, pad3)

    g2 = pl.pallas_call(
        _tc_mid,
        grid=(grid,),
        in_specs=[hist_spec, s_spec, row_spec, bias_spec, full_spec],
        out_specs=row_spec,
        out_shape=out_type,
    )(hist, s1, g1, b1r, W2)

    s2 = agg(g2, ei3, pad3)

    out = pl.pallas_call(
        _tc_last,
        grid=(grid,),
        in_specs=[hist_spec, s_spec, row_spec, bias_spec],
        out_specs=row_spec,
        out_shape=jax.ShapeDtypeStruct((n, dim), jnp.float32),
    )(hist, s2, g2, b2r)

    return out

# --- scband reference (transcript-rebuilt; emitter-appended) ---
"""Pipeline reference for scband-graph-convolutional-network-41437844471994 (READ-ONLY COPY).

The authoritative reference and input builder live on the scoring server;
editing this copy changes nothing except your own understanding.
"""

import jax, jax.numpy as jnp
import numpy as np


def gcn_conv(x, edge_index, W, b):
    # PyG GCNConv: add self-loops, symmetric D^-1/2 (A+I) D^-1/2 normalization,
    # linear transform, scatter-add aggregation to dst nodes, bias.
    N = x.shape[0]
    src = edge_index[0]
    dst = edge_index[1]
    self_idx = jnp.arange(N, dtype=src.dtype)
    src = jnp.concatenate([src, self_idx])
    dst = jnp.concatenate([dst, self_idx])
    h = x @ W
    deg = jnp.zeros((N,), dtype=h.dtype).at[dst].add(1.0)
    dinv = jnp.where(deg > 0, 1.0 / jnp.sqrt(deg), 0.0)
    norm = dinv[src] * dinv[dst]
    msg = h[src] * norm[:, None]
    out = jnp.zeros((N, h.shape[1]), dtype=h.dtype).at[dst].add(msg)
    return out + b


def setup_inputs(seed: int = 0):
    key = jax.random.key(seed)
    ks = jax.random.split(key, 6)
    N, E = 10000, 320000
    input_dim, hidden_dim, out_half = 128, 128, 128  # output_dim=256 -> conv2 out = 128
    x = jax.random.normal(ks[0], (N, input_dim), dtype=jnp.float32)
    edge_index = jax.random.randint(ks[1], (2, E), 0, N, dtype=jnp.int32)
    W1 = jax.random.normal(ks[2], (input_dim, hidden_dim), dtype=jnp.float32) * (1.0 / np.sqrt(input_dim))
    b1 = jnp.zeros((hidden_dim,), dtype=jnp.float32)
    W2 = jax.random.normal(ks[3], (hidden_dim, out_half), dtype=jnp.float32) * (1.0 / np.sqrt(hidden_dim))
    b2 = jnp.zeros((out_half,), dtype=jnp.float32)
    return {"x": x, "edge_index": edge_index, "W1": W1, "b1": b1, "W2": W2, "b2": b2}


def reference(x, edge_index, W1, b1, W2, b2):
    h = jax.nn.relu(gcn_conv(x, edge_index, W1, b1))
    # F.dropout(p=0.5, training=self.training): identity in eval mode
    out = gcn_conv(h, edge_index, W2, b2)
    return out

if __name__ == "__main__":
    import jax
    _d = setup_inputs()
    print(jax.jit(kernel)(*tuple(_d.values())))

</pallas_src>

<mosaic_0001>
#map = affine_map<(d0, d1) -> (0, 0)>
#map1 = affine_map<(d0, d1) -> (0)>
module attributes {stable_mosaic.version = 14 : i64} {
  func.func @deg_kernel(%arg0: i32, %arg1: i32, %arg2: memref<2x320000xi32, #tpu.memory_space<hbm>>, %arg3: memref<7680xi32, #tpu.memory_space<hbm>>, %arg4: memref<32x10240xf32, #tpu.memory_space<hbm>>, %arg5: memref<10240xi32, #tpu.memory_space<vmem>>, %arg6: memref<10240xf32, #tpu.memory_space<vmem>>) attributes {dimension_semantics = [#tpu.dimension_semantics<core_parallel>, #tpu.dimension_semantics<subcore_parallel>], iteration_bounds = array<i64: 2, 16>, scalar_prefetch = 0 : i64, scratch_operands = 2 : i64, tpu.core_type = #tpu.core_type<sc_vector_subcore>, window_params = [{transform_indices = #map}, {transform_indices = #map1}, {transform_indices = #map}]} {
    %mul3A = arith.constant 16 : i32
    %mul3A_0 = arith.muli %arg0, %mul3A : i32
    %add3A = arith.addi %mul3A_0, %arg1 : i32
    %mul3A_1 = arith.constant 4 : i32
    %mul3A_2 = arith.muli %add3A, %mul3A_1 : i32
    %add3A_3 = arith.constant 0 : i32
    %add3A_4 = arith.addi %mul3A_2, %add3A_3 : i32
    %lt3A = arith.constant 125 : i32
    %lt3A_5 = arith.cmpi slt, %add3A_4, %lt3A : i32
    %convert_element_type3A = arith.extui %lt3A_5 : i1 to i32
    %cond3A = arith.constant 0 : i32
    %cond3A_6 = arith.cmpi ne, %convert_element_type3A, %cond3A : i32
    scf.if %cond3A_6 {
      %mul3A_65 = arith.constant 2560 : i32
      %mul3A_66 = arith.muli %add3A_4, %mul3A_65 : i32
      %run_scoped3A = arith.constant 1 : i32
      "tpu.region"() ({
        %run_scoped3A_67 = tpu.sem_alloc : memref<!tpu.dma_semaphore, #tpu.memory_space<semaphore_mem>>
        %dma_start3A = arith.constant 0 : i32
        %dma_start3A_68 = tpu.memref_slice %arg5[%dma_start3A] : memref<10240xi32, #tpu.memory_space<vmem>> -> memref<2560xi32, #tpu.memory_space<vmem>>
        %dma_start3A_69 = tpu.memref_slice %arg2[%run_scoped3A, %mul3A_66] : memref<2x320000xi32, #tpu.memory_space<hbm>> -> memref<1x2560xi32, #tpu.memory_space<hbm>>
        %dma_start3A_70 = tpu.memref_squeeze %dma_start3A_69 : memref<1x2560xi32, #tpu.memory_space<hbm>> -> memref<2560xi32, #tpu.memory_space<hbm>>
        %dma_start3A_71 = arith.constant 0 : i32
        %dma_start3A_72 = tpu.memref_slice %arg5[%dma_start3A_71] : memref<10240xi32, #tpu.memory_space<vmem>> -> memref<2560xi32, #tpu.memory_space<vmem>>
        %dma_start3A_73 = tpu.memref_slice %arg2[%run_scoped3A, %mul3A_66] : memref<2x320000xi32, #tpu.memory_space<hbm>> -> memref<1x2560xi32, #tpu.memory_space<hbm>>
        %dma_start3A_74 = tpu.memref_squeeze %dma_start3A_73 : memref<1x2560xi32, #tpu.memory_space<hbm>> -> memref<2560xi32, #tpu.memory_space<hbm>>
        tpu.enqueue_dma source(%dma_start3A_74 : memref<2560xi32, #tpu.memory_space<hbm>>) target(%dma_start3A_72 : memref<2560xi32, #tpu.memory_space<vmem>>) target_semaphore(%run_scoped3A_67 : memref<!tpu.dma_semaphore, #tpu.memory_space<semaphore_mem>>)
        %dma_wait3A = arith.constant 0 : i32
        %dma_wait3A_75 = tpu.memref_slice %arg5[%dma_wait3A] : memref<10240xi32, #tpu.memory_space<vmem>> -> memref<2560xi32, #tpu.memory_space<vmem>>
        %dma_wait3A_76 = tpu.memref_slice %arg2[%run_scoped3A, %mul3A_66] : memref<2x320000xi32, #tpu.memory_space<hbm>> -> memref<1x2560xi32, #tpu.memory_space<hbm>>
        %dma_wait3A_77 = tpu.memref_squeeze %dma_wait3A_76 : memref<1x2560xi32, #tpu.memory_space<hbm>> -> memref<2560xi32, #tpu.memory_space<hbm>>
        %dma_wait3A_78 = arith.constant 0 : i32
        %dma_wait3A_79 = tpu.memref_slice %arg5[%dma_wait3A_78] : memref<10240xi32, #tpu.memory_space<vmem>> -> memref<2560xi32, #tpu.memory_space<vmem>>
        %dma_wait3A_80 = tpu.memref_slice %arg2[%run_scoped3A, %mul3A_66] : memref<2x320000xi32, #tpu.memory_space<hbm>> -> memref<1x2560xi32, #tpu.memory_space<hbm>>
        %dma_wait3A_81 = tpu.memref_squeeze %dma_wait3A_80 : memref<1x2560xi32, #tpu.memory_space<hbm>> -> memref<2560xi32, #tpu.memory_space<hbm>>
        tpu.wait_dma2 semaphore(%run_scoped3A_67 : memref<!tpu.dma_semaphore, #tpu.memory_space<semaphore_mem>>) src(%dma_wait3A_81 : memref<2560xi32, #tpu.memory_space<hbm>>) dst(%dma_wait3A_79 : memref<2560xi32, #tpu.memory_space<vmem>>)
        tpu.yield
      }) : () -> ()
    } else {
    }
    %ge3A = arith.constant 125 : i32
    %ge3A_7 = arith.cmpi sge, %add3A_4, %ge3A : i32
    %convert_element_type3A_8 = arith.extui %ge3A_7 : i1 to i32
    %cond3A_9 = arith.constant 0 : i32
    %cond3A_10 = arith.cmpi ne, %convert_element_type3A_8, %cond3A_9 : i32
    scf.if %cond3A_10 {
      %sub3A = arith.constant 125 : i32
      %sub3A_65 = arith.subi %add3A_4, %sub3A : i32
      %mul3A_66 = arith.constant 2560 : i32
      %mul3A_67 = arith.muli %sub3A_65, %mul3A_66 : i32
      "tpu.region"() ({
        %run_scoped3A = tpu.sem_alloc : memref<!tpu.dma_semaphore, #tpu.memory_space<semaphore_mem>>
        %dma_start3A = arith.constant 0 : i32
        %dma_start3A_68 = tpu.memref_slice %arg5[%dma_start3A] : memref<10240xi32, #tpu.memory_space<vmem>> -> memref<2560xi32, #tpu.memory_space<vmem>>
        %dma_start3A_69 = tpu.memref_slice %arg3[%mul3A_67] : memref<7680xi32, #tpu.memory_space<hbm>> -> memref<2560xi32, #tpu.memory_space<hbm>>
        %dma_start3A_70 = arith.constant 0 : i32
        %dma_start3A_71 = tpu.memref_slice %arg5[%dma_start3A_70] : memref<10240xi32, #tpu.memory_space<vmem>> -> memref<2560xi32, #tpu.memory_space<vmem>>
        %dma_start3A_72 = tpu.memref_slice %arg3[%mul3A_67] : memref<7680xi32, #tpu.memory_space<hbm>> -> memref<2560xi32, #tpu.memory_space<hbm>>
        tpu.enqueue_dma source(%dma_start3A_72 : memref<2560xi32, #tpu.memory_space<hbm>>) target(%dma_start3A_71 : memref<2560xi32, #tpu.memory_space<vmem>>) target_semaphore(%run_scoped3A : memref<!tpu.dma_semaphore, #tpu.memory_space<semaphore_mem>>)
        %dma_wait3A = arith.constant 0 : i32
        %dma_wait3A_73 = tpu.memref_slice %arg5[%dma_wait3A] : memref<10240xi32, #tpu.memory_space<vmem>> -> memref<2560xi32, #tpu.memory_space<vmem>>
        %dma_wait3A_74 = tpu.memref_slice %arg3[%mul3A_67] : memref<7680xi32, #tpu.memory_space<hbm>> -> memref<2560xi32, #tpu.memory_space<hbm>>
        %dma_wait3A_75 = arith.constant 0 : i32
        %dma_wait3A_76 = tpu.memref_slice %arg5[%dma_wait3A_75] : memref<10240xi32, #tpu.memory_space<vmem>> -> memref<2560xi32, #tpu.memory_space<vmem>>
        %dma_wait3A_77 = tpu.memref_slice %arg3[%mul3A_67] : memref<7680xi32, #tpu.memory_space<hbm>> -> memref<2560xi32, #tpu.memory_space<hbm>>
        tpu.wait_dma2 semaphore(%run_scoped3A : memref<!tpu.dma_semaphore, #tpu.memory_space<semaphore_mem>>) src(%dma_wait3A_77 : memref<2560xi32, #tpu.memory_space<hbm>>) dst(%dma_wait3A_76 : memref<2560xi32, #tpu.memory_space<vmem>>)
        tpu.yield
      }) : () -> ()
    } else {
    }
    %mul3A_11 = arith.constant 4 : i32
    %mul3A_12 = arith.muli %add3A, %mul3A_11 : i32
    %add3A_13 = arith.constant 1 : i32
    %add3A_14 = arith.addi %mul3A_12, %add3A_13 : i32
    %lt3A_15 = arith.constant 125 : i32
    %lt3A_16 = arith.cmpi slt, %add3A_14, %lt3A_15 : i32
    %convert_element_type3A_17 = arith.extui %lt3A_16 : i1 to i32
    %cond3A_18 = arith.constant 0 : i32
    %cond3A_19 = arith.cmpi ne, %convert_element_type3A_17, %cond3A_18 : i32
    scf.if %cond3A_19 {
      %mul3A_65 = arith.constant 2560 : i32
      %mul3A_66 = arith.muli %add3A_14, %mul3A_65 : i32
      %run_scoped3A = arith.constant 1 : i32
      "tpu.region"() ({
        %run_scoped3A_67 = tpu.sem_alloc : memref<!tpu.dma_semaphore, #tpu.memory_space<semaphore_mem>>
        %dma_start3A = arith.constant 2560 : i32
        %dma_start3A_68 = tpu.memref_slice %arg5[%dma_start3A] : memref<10240xi32, #tpu.memory_space<vmem>> -> memref<2560xi32, #tpu.memory_space<vmem>>
        %dma_start3A_69 = tpu.memref_slice %arg2[%run_scoped3A, %mul3A_66] : memref<2x320000xi32, #tpu.memory_space<hbm>> -> memref<1x2560xi32, #tpu.memory_space<hbm>>
        %dma_start3A_70 = tpu.memref_squeeze %dma_start3A_69 : memref<1x2560xi32, #tpu.memory_space<hbm>> -> memref<2560xi32, #tpu.memory_space<hbm>>
        %dma_start3A_71 = arith.constant 2560 : i32
        %dma_start3A_72 = tpu.memref_slice %arg5[%dma_start3A_71] : memref<10240xi32, #tpu.memory_space<vmem>> -> memref<2560xi32, #tpu.memory_space<vmem>>
        %dma_start3A_73 = tpu.memref_slice %arg2[%run_scoped3A, %mul3A_66] : memref<2x320000xi32, #tpu.memory_space<hbm>> -> memref<1x2560xi32, #tpu.memory_space<hbm>>
        %dma_start3A_74 = tpu.memref_squeeze %dma_start3A_73 : memref<1x2560xi32, #tpu.memory_space<hbm>> -> memref<2560xi32, #tpu.memory_space<hbm>>
        tpu.enqueue_dma source(%dma_start3A_74 : memref<2560xi32, #tpu.memory_space<hbm>>) target(%dma_start3A_72 : memref<2560xi32, #tpu.memory_space<vmem>>) target_semaphore(%run_scoped3A_67 : memref<!tpu.dma_semaphore, #tpu.memory_space<semaphore_mem>>)
        %dma_wait3A = arith.constant 2560 : i32
        %dma_wait3A_75 = tpu.memref_slice %arg5[%dma_wait3A] : memref<10240xi32, #tpu.memory_space<vmem>> -> memref<2560xi32, #tpu.memory_space<vmem>>
        %dma_wait3A_76 = tpu.memref_slice %arg2[%run_scoped3A, %mul3A_66] : memref<2x320000xi32, #tpu.memory_space<hbm>> -> memref<1x2560xi32, #tpu.memory_space<hbm>>
        %dma_wait3A_77 = tpu.memref_squeeze %dma_wait3A_76 : memref<1x2560xi32, #tpu.memory_space<hbm>> -> memref<2560xi32, #tpu.memory_space<hbm>>
        %dma_wait3A_78 = arith.constant 2560 : i32
        %dma_wait3A_79 = tpu.memref_slice %arg5[%dma_wait3A_78] : memref<10240xi32, #tpu.memory_space<vmem>> -> memref<2560xi32, #tpu.memory_space<vmem>>
        %dma_wait3A_80 = tpu.memref_slice %arg2[%run_scoped3A, %mul3A_66] : memref<2x320000xi32, #tpu.memory_space<hbm>> -> memref<1x2560xi32, #tpu.memory_space<hbm>>
        %dma_wait3A_81 = tpu.memref_squeeze %dma_wait3A_80 : memref<1x2560xi32, #tpu.memory_space<hbm>> -> memref<2560xi32, #tpu.memory_space<hbm>>
        tpu.wait_dma2 semaphore(%run_scoped3A_67 : memref<!tpu.dma_semaphore, #tpu.memory_space<semaphore_mem>>) src(%dma_wait3A_81 : memref<2560xi32, #tpu.memory_space<hbm>>) dst(%dma_wait3A_79 : memref<2560xi32, #tpu.memory_space<vmem>>)
        tpu.yield
      }) : () -> ()
    } else {
    }
    %ge3A_20 = arith.constant 125 : i32
    %ge3A_21 = arith.cmpi sge, %add3A_14, %ge3A_20 : i32
    %convert_element_type3A_22 = arith.extui %ge3A_21 : i1 to i32
    %cond3A_23 = arith.constant 0 : i32
    %cond3A_24 = arith.cmpi ne, %convert_element_type3A_22, %cond3A_23 : i32
    scf.if %cond3A_24 {
      %sub3A = arith.constant 125 : i32
      %sub3A_65 = arith.subi %add3A_14, %sub3A : i32
      %mul3A_66 = arith.constant 2560 : i32
      %mul3A_67 = arith.muli %sub3A_65, %mul3A_66 : i32
      "tpu.region"() ({
        %run_scoped3A = tpu.sem_alloc : memref<!tpu.dma_semaphore, #tpu.memory_space<semaphore_mem>>
        %dma_start3A = arith.constant 2560 : i32
        %dma_start3A_68 = tpu.memref_slice %arg5[%dma_start3A] : memref<10240xi32, #tpu.memory_space<vmem>> -> memref<2560xi32, #tpu.memory_space<vmem>>
        %dma_start3A_69 = tpu.memref_slice %arg3[%mul3A_67] : memref<7680xi32, #tpu.memory_space<hbm>> -> memref<2560xi32, #tpu.memory_space<hbm>>
        %dma_start3A_70 = arith.constant 2560 : i32
        %dma_start3A_71 = tpu.memref_slice %arg5[%dma_start3A_70] : memref<10240xi32, #tpu.memory_space<vmem>> -> memref<2560xi32, #tpu.memory_space<vmem>>
        %dma_start3A_72 = tpu.memref_slice %arg3[%mul3A_67] : memref<7680xi32, #tpu.memory_space<hbm>> -> memref<2560xi32, #tpu.memory_space<hbm>>
        tpu.enqueue_dma source(%dma_start3A_72 : memref<2560xi32, #tpu.memory_space<hbm>>) target(%dma_start3A_71 : memref<2560xi32, #tpu.memory_space<vmem>>) target_semaphore(%run_scoped3A : memref<!tpu.dma_semaphore, #tpu.memory_space<semaphore_mem>>)
        %dma_wait3A = arith.constant 2560 : i32
        %dma_wait3A_73 = tpu.memref_slice %arg5[%dma_wait3A] : memref<10240xi32, #tpu.memory_space<vmem>> -> memref<2560xi32, #tpu.memory_space<vmem>>
        %dma_wait3A_74 = tpu.memref_slice %arg3[%mul3A_67] : memref<7680xi32, #tpu.memory_space<hbm>> -> memref<2560xi32, #tpu.memory_space<hbm>>
        %dma_wait3A_75 = arith.constant 2560 : i32
        %dma_wait3A_76 = tpu.memref_slice %arg5[%dma_wait3A_75] : memref<10240xi32, #tpu.memory_space<vmem>> -> memref<2560xi32, #tpu.memory_space<vmem>>
        %dma_wait3A_77 = tpu.memref_slice %arg3[%mul3A_67] : memref<7680xi32, #tpu.memory_space<hbm>> -> memref<2560xi32, #tpu.memory_space<hbm>>
        tpu.wait_dma2 semaphore(%run_scoped3A : memref<!tpu.dma_semaphore, #tpu.memory_space<semaphore_mem>>) src(%dma_wait3A_77 : memref<2560xi32, #tpu.memory_space<hbm>>) dst(%dma_wait3A_76 : memref<2560xi32, #tpu.memory_space<vmem>>)
        tpu.yield
      }) : () -> ()
    } else {
    }
    %mul3A_25 = arith.constant 4 : i32
    %mul3A_26 = arith.muli %add3A, %mul3A_25 : i32
    %add3A_27 = arith.constant 2 : i32
    %add3A_28 = arith.addi %mul3A_26, %add3A_27 : i32
    %lt3A_29 = arith.constant 125 : i32
    %lt3A_30 = arith.cmpi slt, %add3A_28, %lt3A_29 : i32
    %convert_element_type3A_31 = arith.extui %lt3A_30 : i1 to i32
    %cond3A_32 = arith.constant 0 : i32
    %cond3A_33 = arith.cmpi ne, %convert_element_type3A_31, %cond3A_32 : i32
    scf.if %cond3A_33 {
      %mul3A_65 = arith.constant 2560 : i32
      %mul3A_66 = arith.muli %add3A_28, %mul3A_65 : i32
      %run_scoped3A = arith.constant 1 : i32
      "tpu.region"() ({
        %run_scoped3A_67 = tpu.sem_alloc : memref<!tpu.dma_semaphore, #tpu.memory_space<semaphore_mem>>
        %dma_start3A = arith.constant 5120 : i32
        %dma_start3A_68 = tpu.memref_slice %arg5[%dma_start3A] : memref<10240xi32, #tpu.memory_space<vmem>> -> memref<2560xi32, #tpu.memory_space<vmem>>
        %dma_start3A_69 = tpu.memref_slice %arg2[%run_scoped3A, %mul3A_66] : memref<2x320000xi32, #tpu.memory_space<hbm>> -> memref<1x2560xi32, #tpu.memory_space<hbm>>
        %dma_start3A_70 = tpu.memref_squeeze %dma_start3A_69 : memref<1x2560xi32, #tpu.memory_space<hbm>> -> memref<2560xi32, #tpu.memory_space<hbm>>
        %dma_start3A_71 = arith.constant 5120 : i32
        %dma_start3A_72 = tpu.memref_slice %arg5[%dma_start3A_71] : memref<10240xi32, #tpu.memory_space<vmem>> -> memref<2560xi32, #tpu.memory_space<vmem>>
        %dma_start3A_73 = tpu.memref_slice %arg2[%run_scoped3A, %mul3A_66] : memref<2x320000xi32, #tpu.memory_space<hbm>> -> memref<1x2560xi32, #tpu.memory_space<hbm>>
        %dma_start3A_74 = tpu.memref_squeeze %dma_start3A_73 : memref<1x2560xi32, #tpu.memory_space<hbm>> -> memref<2560xi32, #tpu.memory_space<hbm>>
        tpu.enqueue_dma source(%dma_start3A_74 : memref<2560xi32, #tpu.memory_space<hbm>>) target(%dma_start3A_72 : memref<2560xi32, #tpu.memory_space<vmem>>) target_semaphore(%run_scoped3A_67 : memref<!tpu.dma_semaphore, #tpu.memory_space<semaphore_mem>>)
        %dma_wait3A = arith.constant 5120 : i32
        %dma_wait3A_75 = tpu.memref_slice %arg5[%dma_wait3A] : memref<10240xi32, #tpu.memory_space<vmem>> -> memref<2560xi32, #tpu.memory_space<vmem>>
        %dma_wait3A_76 = tpu.memref_slice %arg2[%run_scoped3A, %mul3A_66] : memref<2x320000xi32, #tpu.memory_space<hbm>> -> memref<1x2560xi32, #tpu.memory_space<hbm>>
        %dma_wait3A_77 = tpu.memref_squeeze %dma_wait3A_76 : memref<1x2560xi32, #tpu.memory_space<hbm>> -> memref<2560xi32, #tpu.memory_space<hbm>>
        %dma_wait3A_78 = arith.constant 5120 : i32
        %dma_wait3A_79 = tpu.memref_slice %arg5[%dma_wait3A_78] : memref<10240xi32, #tpu.memory_space<vmem>> -> memref<2560xi32, #tpu.memory_space<vmem>>
        %dma_wait3A_80 = tpu.memref_slice %arg2[%run_scoped3A, %mul3A_66] : memref<2x320000xi32, #tpu.memory_space<hbm>> -> memref<1x2560xi32, #tpu.memory_space<hbm>>
        %dma_wait3A_81 = tpu.memref_squeeze %dma_wait3A_80 : memref<1x2560xi32, #tpu.memory_space<hbm>> -> memref<2560xi32, #tpu.memory_space<hbm>>
        tpu.wait_dma2 semaphore(%run_scoped3A_67 : memref<!tpu.dma_semaphore, #tpu.memory_space<semaphore_mem>>) src(%dma_wait3A_81 : memref<2560xi32, #tpu.memory_space<hbm>>) dst(%dma_wait3A_79 : memref<2560xi32, #tpu.memory_space<vmem>>)
        tpu.yield
      }) : () -> ()
    } else {
    }
    %ge3A_34 = arith.constant 125 : i32
    %ge3A_35 = arith.cmpi sge, %add3A_28, %ge3A_34 : i32
    %convert_element_type3A_36 = arith.extui %ge3A_35 : i1 to i32
    %cond3A_37 = arith.constant 0 : i32
    %cond3A_38 = arith.cmpi ne, %convert_element_type3A_36, %cond3A_37 : i32
    scf.if %cond3A_38 {
      %sub3A = arith.constant 125 : i32
      %sub3A_65 = arith.subi %add3A_28, %sub3A : i32
      %mul3A_66 = arith.constant 2560 : i32
      %mul3A_67 = arith.muli %sub3A_65, %mul3A_66 : i32
      "tpu.region"() ({
        %run_scoped3A = tpu.sem_alloc : memref<!tpu.dma_semaphore, #tpu.memory_space<semaphore_mem>>
        %dma_start3A = arith.constant 5120 : i32
        %dma_start3A_68 = tpu.memref_slice %arg5[%dma_start3A] : memref<10240xi32, #tpu.memory_space<vmem>> -> memref<2560xi32, #tpu.memory_space<vmem>>
        %dma_start3A_69 = tpu.memref_slice %arg3[%mul3A_67] : memref<7680xi32, #tpu.memory_space<hbm>> -> memref<2560xi32, #tpu.memory_space<hbm>>
        %dma_start3A_70 = arith.constant 5120 : i32
        %dma_start3A_71 = tpu.memref_slice %arg5[%dma_start3A_70] : memref<10240xi32, #tpu.memory_space<vmem>> -> memref<2560xi32, #tpu.memory_space<vmem>>
        %dma_start3A_72 = tpu.memref_slice %arg3[%mul3A_67] : memref<7680xi32, #tpu.memory_space<hbm>> -> memref<2560xi32, #tpu.memory_space<hbm>>
        tpu.enqueue_dma source(%dma_start3A_72 : memref<2560xi32, #tpu.memory_space<hbm>>) target(%dma_start3A_71 : memref<2560xi32, #tpu.memory_space<vmem>>) target_semaphore(%run_scoped3A : memref<!tpu.dma_semaphore, #tpu.memory_space<semaphore_mem>>)
        %dma_wait3A = arith.constant 5120 : i32
        %dma_wait3A_73 = tpu.memref_slice %arg5[%dma_wait3A] : memref<10240xi32, #tpu.memory_space<vmem>> -> memref<2560xi32, #tpu.memory_space<vmem>>
        %dma_wait3A_74 = tpu.memref_slice %arg3[%mul3A_67] : memref<7680xi32, #tpu.memory_space<hbm>> -> memref<2560xi32, #tpu.memory_space<hbm>>
        %dma_wait3A_75 = arith.constant 5120 : i32
        %dma_wait3A_76 = tpu.memref_slice %arg5[%dma_wait3A_75] : memref<10240xi32, #tpu.memory_space<vmem>> -> memref<2560xi32, #tpu.memory_space<vmem>>
        %dma_wait3A_77 = tpu.memref_slice %arg3[%mul3A_67] : memref<7680xi32, #tpu.memory_space<hbm>> -> memref<2560xi32, #tpu.memory_space<hbm>>
        tpu.wait_dma2 semaphore(%run_scoped3A : memref<!tpu.dma_semaphore, #tpu.memory_space<semaphore_mem>>) src(%dma_wait3A_77 : memref<2560xi32, #tpu.memory_space<hbm>>) dst(%dma_wait3A_76 : memref<2560xi32, #tpu.memory_space<vmem>>)
        tpu.yield
      }) : () -> ()
    } else {
    }
    %mul3A_39 = arith.constant 4 : i32
    %mul3A_40 = arith.muli %add3A, %mul3A_39 : i32
    %add3A_41 = arith.constant 3 : i32
    %add3A_42 = arith.addi %mul3A_40, %add3A_41 : i32
    %lt3A_43 = arith.constant 125 : i32
    %lt3A_44 = arith.cmpi slt, %add3A_42, %lt3A_43 : i32
    %convert_element_type3A_45 = arith.extui %lt3A_44 : i1 to i32
    %cond3A_46 = arith.constant 0 : i32
    %cond3A_47 = arith.cmpi ne, %convert_element_type3A_45, %cond3A_46 : i32
    scf.if %cond3A_47 {
      %mul3A_65 = arith.constant 2560 : i32
      %mul3A_66 = arith.muli %add3A_42, %mul3A_65 : i32
      %run_scoped3A = arith.constant 1 : i32
      "tpu.region"() ({
        %run_scoped3A_67 = tpu.sem_alloc : memref<!tpu.dma_semaphore, #tpu.memory_space<semaphore_mem>>
        %dma_start3A = arith.constant 7680 : i32
        %dma_start3A_68 = tpu.memref_slice %arg5[%dma_start3A] : memref<10240xi32, #tpu.memory_space<vmem>> -> memref<2560xi32, #tpu.memory_space<vmem>>
        %dma_start3A_69 = tpu.memref_slice %arg2[%run_scoped3A, %mul3A_66] : memref<2x320000xi32, #tpu.memory_space<hbm>> -> memref<1x2560xi32, #tpu.memory_space<hbm>>
        %dma_start3A_70 = tpu.memref_squeeze %dma_start3A_69 : memref<1x2560xi32, #tpu.memory_space<hbm>> -> memref<2560xi32, #tpu.memory_space<hbm>>
        %dma_start3A_71 = arith.constant 7680 : i32
        %dma_start3A_72 = tpu.memref_slice %arg5[%dma_start3A_71] : memref<10240xi32, #tpu.memory_space<vmem>> -> memref<2560xi32, #tpu.memory_space<vmem>>
        %dma_start3A_73 = tpu.memref_slice %arg2[%run_scoped3A, %mul3A_66] : memref<2x320000xi32, #tpu.memory_space<hbm>> -> memref<1x2560xi32, #tpu.memory_space<hbm>>
        %dma_start3A_74 = tpu.memref_squeeze %dma_start3A_73 : memref<1x2560xi32, #tpu.memory_space<hbm>> -> memref<2560xi32, #tpu.memory_space<hbm>>
        tpu.enqueue_dma source(%dma_start3A_74 : memref<2560xi32, #tpu.memory_space<hbm>>) target(%dma_start3A_72 : memref<2560xi32, #tpu.memory_space<vmem>>) target_semaphore(%run_scoped3A_67 : memref<!tpu.dma_semaphore, #tpu.memory_space<semaphore_mem>>)
        %dma_wait3A = arith.constant 7680 : i32
        %dma_wait3A_75 = tpu.memref_slice %arg5[%dma_wait3A] : memref<10240xi32, #tpu.memory_space<vmem>> -> memref<2560xi32, #tpu.memory_space<vmem>>
        %dma_wait3A_76 = tpu.memref_slice %arg2[%run_scoped3A, %mul3A_66] : memref<2x320000xi32, #tpu.memory_space<hbm>> -> memref<1x2560xi32, #tpu.memory_space<hbm>>
        %dma_wait3A_77 = tpu.memref_squeeze %dma_wait3A_76 : memref<1x2560xi32, #tpu.memory_space<hbm>> -> memref<2560xi32, #tpu.memory_space<hbm>>
        %dma_wait3A_78 = arith.constant 7680 : i32
        %dma_wait3A_79 = tpu.memref_slice %arg5[%dma_wait3A_78] : memref<10240xi32, #tpu.memory_space<vmem>> -> memref<2560xi32, #tpu.memory_space<vmem>>
        %dma_wait3A_80 = tpu.memref_slice %arg2[%run_scoped3A, %mul3A_66] : memref<2x320000xi32, #tpu.memory_space<hbm>> -> memref<1x2560xi32, #tpu.memory_space<hbm>>
        %dma_wait3A_81 = tpu.memref_squeeze %dma_wait3A_80 : memref<1x2560xi32, #tpu.memory_space<hbm>> -> memref<2560xi32, #tpu.memory_space<hbm>>
        tpu.wait_dma2 semaphore(%run_scoped3A_67 : memref<!tpu.dma_semaphore, #tpu.memory_space<semaphore_mem>>) src(%dma_wait3A_81 : memref<2560xi32, #tpu.memory_space<hbm>>) dst(%dma_wait3A_79 : memref<2560xi32, #tpu.memory_space<vmem>>)
        tpu.yield
      }) : () -> ()
    } else {
    }
    %ge3A_48 = arith.constant 125 : i32
    %ge3A_49 = arith.cmpi sge, %add3A_42, %ge3A_48 : i32
    %convert_element_type3A_50 = arith.extui %ge3A_49 : i1 to i32
    %cond3A_51 = arith.constant 0 : i32
    %cond3A_52 = arith.cmpi ne, %convert_element_type3A_50, %cond3A_51 : i32
    scf.if %cond3A_52 {
      %sub3A = arith.constant 125 : i32
      %sub3A_65 = arith.subi %add3A_42, %sub3A : i32
      %mul3A_66 = arith.constant 2560 : i32
      %mul3A_67 = arith.muli %sub3A_65, %mul3A_66 : i32
      "tpu.region"() ({
        %run_scoped3A = tpu.sem_alloc : memref<!tpu.dma_semaphore, #tpu.memory_space<semaphore_mem>>
        %dma_start3A = arith.constant 7680 : i32
        %dma_start3A_68 = tpu.memref_slice %arg5[%dma_start3A] : memref<10240xi32, #tpu.memory_space<vmem>> -> memref<2560xi32, #tpu.memory_space<vmem>>
        %dma_start3A_69 = tpu.memref_slice %arg3[%mul3A_67] : memref<7680xi32, #tpu.memory_space<hbm>> -> memref<2560xi32, #tpu.memory_space<hbm>>
        %dma_start3A_70 = arith.constant 7680 : i32
        %dma_start3A_71 = tpu.memref_slice %arg5[%dma_start3A_70] : memref<10240xi32, #tpu.memory_space<vmem>> -> memref<2560xi32, #tpu.memory_space<vmem>>
        %dma_start3A_72 = tpu.memref_slice %arg3[%mul3A_67] : memref<7680xi32, #tpu.memory_space<hbm>> -> memref<2560xi32, #tpu.memory_space<hbm>>
        tpu.enqueue_dma source(%dma_start3A_72 : memref<2560xi32, #tpu.memory_space<hbm>>) target(%dma_start3A_71 : memref<2560xi32, #tpu.memory_space<vmem>>) target_semaphore(%run_scoped3A : memref<!tpu.dma_semaphore, #tpu.memory_space<semaphore_mem>>)
        %dma_wait3A = arith.constant 7680 : i32
        %dma_wait3A_73 = tpu.memref_slice %arg5[%dma_wait3A] : memref<10240xi32, #tpu.memory_space<vmem>> -> memref<2560xi32, #tpu.memory_space<vmem>>
        %dma_wait3A_74 = tpu.memref_slice %arg3[%mul3A_67] : memref<7680xi32, #tpu.memory_space<hbm>> -> memref<2560xi32, #tpu.memory_space<hbm>>
        %dma_wait3A_75 = arith.constant 7680 : i32
        %dma_wait3A_76 = tpu.memref_slice %arg5[%dma_wait3A_75] : memref<10240xi32, #tpu.memory_space<vmem>> -> memref<2560xi32, #tpu.memory_space<vmem>>
        %dma_wait3A_77 = tpu.memref_slice %arg3[%mul3A_67] : memref<7680xi32, #tpu.memory_space<hbm>> -> memref<2560xi32, #tpu.memory_space<hbm>>
        tpu.wait_dma2 semaphore(%run_scoped3A : memref<!tpu.dma_semaphore, #tpu.memory_space<semaphore_mem>>) src(%dma_wait3A_77 : memref<2560xi32, #tpu.memory_space<hbm>>) dst(%dma_wait3A_76 : memref<2560xi32, #tpu.memory_space<vmem>>)
        tpu.yield
      }) : () -> ()
    } else {
    }
    %scan3A = arith.constant 0 : i32
    %scan3A_53 = arith.constant 0 : i32
    %scan3A_54 = arith.constant 640 : i32
    %scan3A_55 = arith.addi %scan3A_53, %scan3A_54 : i32
    %scan3A_56 = arith.constant 1 : i32
    scf.for %scan3A_65 = %scan3A_53 to %scan3A_55 step %scan3A_56  : i32 {
      %broadcast_in_dim3A_66 = arith.constant 0.000000e+00 : f32
      %broadcast_in_dim3A_67 = vector.broadcast %broadcast_in_dim3A_66 : f32 to vector<16xf32>
      %mul3A_68 = arith.constant 16 : i32
      %mul3A_69 = arith.muli %scan3A_65, %mul3A_68 : i32
      %swap3A = arith.index_cast %mul3A_69 : i32 to index
      %swap3A_70 = tpu.vector_load %arg6[%swap3A] {strides = array<i32>} : memref<10240xf32, #tpu.memory_space<vmem>>, vector<16xf32>,
      tpu.vector_store %arg6[%swap3A], %broadcast_in_dim3A_67 {strides = array<i32>} : memref<10240xf32, #tpu.memory_space<vmem>>, vector<16xf32>,
    }
    %scan3A_57 = arith.constant 640 : i32
    %broadcast_in_dim3A = arith.constant 1.000000e+00 : f32
    %broadcast_in_dim3A_58 = vector.broadcast %broadcast_in_dim3A : f32 to vector<16xf32>
    %scan3A_59 = arith.constant 0 : i32
    %scan3A_60 = arith.constant 0 : i32
    %scan3A_61 = arith.constant 640 : i32
    %scan3A_62 = arith.addi %scan3A_60, %scan3A_61 : i32
    %scan3A_63 = arith.constant 1 : i32
    scf.for %scan3A_65 = %scan3A_60 to %scan3A_62 step %scan3A_63  : i32 {
      %mul3A_66 = arith.constant 16 : i32
      %mul3A_67 = arith.muli %scan3A_65, %mul3A_66 : i32
      %get3A = arith.index_cast %mul3A_67 : i32 to index
      %get3A_68 = tpu.vector_load %arg5[%get3A] {strides = array<i32>} : memref<10240xi32, #tpu.memory_space<vmem>>, vector<16xi32>,
      tpu.vector_store_idx %arg6[%get3A_68], %broadcast_in_dim3A_58 {add = true} : memref<10240xf32, #tpu.memory_space<vmem>>[vector<16xi32>], vector<16xf32>,
    }
    %scan3A_64 = arith.constant 640 : i32
    "tpu.region"() ({
      %run_scoped3A = tpu.sem_alloc : memref<!tpu.dma_semaphore, #tpu.memory_space<semaphore_mem>>
      %dma_start3A = arith.constant 0 : i32
      %dma_start3A_65 = tpu.memref_slice %arg4[%add3A, %dma_start3A] : memref<32x10240xf32, #tpu.memory_space<hbm>> -> memref<1x10240xf32, #tpu.memory_space<hbm>>
      %dma_start3A_66 = tpu.memref_squeeze %dma_start3A_65 : memref<1x10240xf32, #tpu.memory_space<hbm>> -> memref<10240xf32, #tpu.memory_space<hbm>>
      %dma_start3A_67 = arith.constant 0 : i32
      %dma_start3A_68 = tpu.memref_slice %arg4[%add3A, %dma_start3A_67] : memref<32x10240xf32, #tpu.memory_space<hbm>> -> memref<1x10240xf32, #tpu.memory_space<hbm>>
      %dma_start3A_69 = tpu.memref_squeeze %dma_start3A_68 : memref<1x10240xf32, #tpu.memory_space<hbm>> -> memref<10240xf32, #tpu.memory_space<hbm>>
      tpu.enqueue_dma source(%arg6 : memref<10240xf32, #tpu.memory_space<vmem>>) target(%dma_start3A_69 : memref<10240xf32, #tpu.memory_space<hbm>>) target_semaphore(%run_scoped3A : memref<!tpu.dma_semaphore, #tpu.memory_space<semaphore_mem>>)
      %dma_wait3A = arith.constant 0 : i32
      %dma_wait3A_70 = tpu.memref_slice %arg4[%add3A, %dma_wait3A] : memref<32x10240xf32, #tpu.memory_space<hbm>> -> memref<1x10240xf32, #tpu.memory_space<hbm>>
      %dma_wait3A_71 = tpu.memref_squeeze %dma_wait3A_70 : memref<1x10240xf32, #tpu.memory_space<hbm>> -> memref<10240xf32, #tpu.memory_space<hbm>>
      %dma_wait3A_72 = arith.constant 0 : i32
      %dma_wait3A_73 = tpu.memref_slice %arg4[%add3A, %dma_wait3A_72] : memref<32x10240xf32, #tpu.memory_space<hbm>> -> memref<1x10240xf32, #tpu.memory_space<hbm>>
      %dma_wait3A_74 = tpu.memref_squeeze %dma_wait3A_73 : memref<1x10240xf32, #tpu.memory_space<hbm>> -> memref<10240xf32, #tpu.memory_space<hbm>>
      tpu.wait_dma2 semaphore(%run_scoped3A : memref<!tpu.dma_semaphore, #tpu.memory_space<semaphore_mem>>) src(%arg6 : memref<10240xf32, #tpu.memory_space<vmem>>) dst(%dma_wait3A_74 : memref<10240xf32, #tpu.memory_space<hbm>>)
      tpu.yield
    }) : () -> ()
    return
  }
}

#map = affine_map<(d0, d1) -> (0, 0)>
#map1 = affine_map<(d0, d1) -> (0, 0, 0)>
module attributes {stable_mosaic.version = 14 : i64} {
  func.func @agg_kernel(%arg0: i32, %arg1: i32, %arg2: memref<10240x128xf32, #tpu.memory_space<hbm>>, %arg3: memref<2x5000x64xi32, #tpu.memory_space<hbm>>, %arg4: memref<3x40x64xi32, #tpu.memory_space<hbm>>, %arg5: memref<2x10240x128xf32, #tpu.memory_space<hbm>>, %arg6: memref<40x64xi32, #tpu.memory_space<vmem>>, %arg7: memref<40x64xi32, #tpu.memory_space<vmem>>, %arg8: memref<64x128xf32, #tpu.memory_space<vmem>>, %arg9: memref<64x128xf32, #tpu.memory_space<vmem>>, %arg10: memref<64x128xf32, #tpu.memory_space<vmem>>, %arg11: memref<64x128xf32, #tpu.memory_space<vmem>>, %arg12: memref<10240x128xf32, #tpu.memory_space<vmem_shared>>, %arg13: memref<!tpu.dma_semaphore, #tpu.memory_space<semaphore_mem>>, %arg14: memref<!tpu.dma_semaphore, #tpu.memory_space<semaphore_mem>>, %arg15: memref<!tpu.dma_semaphore, #tpu.memory_space<semaphore_mem>>, %arg16: memref<!tpu.dma_semaphore, #tpu.memory_space<semaphore_mem>>) attributes {dimension_semantics = [#tpu.dimension_semantics<core_parallel>, #tpu.dimension_semantics<subcore_parallel>], iteration_bounds = array<i64: 2, 16>, scalar_prefetch = 0 : i64, scratch_operands = 11 : i64, tpu.core_type = #tpu.core_type<sc_vector_subcore>, window_params = [{transform_indices = #map}, {transform_indices = #map1}, {transform_indices = #map1}, {transform_indices = #map1}]} {
    %mul3A = arith.constant 16 : i32
    %mul3A_0 = arith.muli %arg0, %mul3A : i32
    %add3A = arith.addi %mul3A_0, %arg1 : i32
    %scan3A = arith.constant 0 : i32
    %scan3A_1 = arith.constant 0 : i32
    %scan3A_2 = arith.constant 512 : i32
    %scan3A_3 = arith.addi %scan3A_1, %scan3A_2 : i32
    %scan3A_4 = arith.constant 1 : i32
    scf.for %scan3A_204 = %scan3A_1 to %scan3A_3 step %scan3A_4  : i32 {
      %broadcast_in_dim3A = arith.constant 0.000000e+00 : f32
      %broadcast_in_dim3A_205 = vector.broadcast %broadcast_in_dim3A : f32 to vector<16xf32>
      %jit3A = arith.constant 8 : i32
      %div3A = arith.divsi %scan3A_204, %jit3A : i32
      %sign3A = arith.constant 0 : i32
      %sign3A_206 = arith.cmpi sgt, %scan3A_204, %sign3A : i32
      %sign3A_207 = arith.extui %sign3A_206 : i1 to i32
      %sign3A_208 = arith.constant 0 : i32
      %sign3A_209 = arith.cmpi slt, %scan3A_204, %sign3A_208 : i32
      %sign3A_210 = arith.extui %sign3A_209 : i1 to i32
      %sign3A_211 = arith.subi %sign3A_207, %sign3A_210 : i32
      %sign3A_212 = arith.constant 0 : i32
      %sign3A_213 = arith.cmpi sgt, %jit3A, %sign3A_212 : i32
      %sign3A_214 = arith.extui %sign3A_213 : i1 to i32
      %sign3A_215 = arith.constant 0 : i32
      %sign3A_216 = arith.cmpi slt, %jit3A, %sign3A_215 : i32
      %sign3A_217 = arith.extui %sign3A_216 : i1 to i32
      %sign3A_218 = arith.subi %sign3A_214, %sign3A_217 : i32
      %ne3A = arith.cmpi ne, %sign3A_211, %sign3A_218 : i32
      %rem3A = arith.remsi %scan3A_204, %jit3A : i32
      %ne3A_219 = arith.constant 0 : i32
      %ne3A_220 = arith.cmpi ne, %rem3A, %ne3A_219 : i32
      %and3A = arith.andi %ne3A, %ne3A_220 : i1
      %sub3A = arith.constant 1 : i32
      %sub3A_221 = arith.subi %div3A, %sub3A : i32
      %select_n3A = arith.select %and3A, %sub3A_221, %div3A : i32
      %jit3A_222 = arith.constant 8 : i32
      %eq3A = arith.constant 0 : i32
      %eq3A_223 = arith.cmpi eq, %jit3A_222, %eq3A : i32
      %jit3A_224 = arith.constant 1 : i32
      %select_n3A_225 = arith.select %eq3A_223, %jit3A_224, %jit3A_222 : i32
      %rem3A_226 = arith.remsi %scan3A_204, %select_n3A_225 : i32
      %ne3A_227 = arith.constant 0 : i32
      %ne3A_228 = arith.cmpi ne, %rem3A_226, %ne3A_227 : i32
      %lt3A_229 = arith.constant 0 : i32
      %lt3A_230 = arith.cmpi slt, %rem3A_226, %lt3A_229 : i32
      %lt3A_231 = arith.constant 0 : i32
      %lt3A_232 = arith.cmpi slt, %select_n3A_225, %lt3A_231 : i32
      %ne3A_233 = arith.xori %lt3A_230, %lt3A_232 : i1
      %and3A_234 = arith.andi %ne3A_233, %ne3A_228 : i1
      %add3A_235 = arith.addi %rem3A_226, %select_n3A_225 : i32
      %select_n3A_236 = arith.select %and3A_234, %add3A_235, %rem3A_226 : i32
      %mul3A_237 = arith.constant 16 : i32
      %mul3A_238 = arith.muli %select_n3A_236, %mul3A_237 : i32
      %swap3A = arith.index_cast %select_n3A : i32 to index
      %swap3A_239 = arith.index_cast %mul3A_238 : i32 to index
      %swap3A_240 = tpu.vector_load %arg8[%swap3A, %swap3A_239] {strides = array<i32>} : memref<64x128xf32, #tpu.memory_space<vmem>>, vector<16xf32>,
      tpu.vector_store %arg8[%swap3A, %swap3A_239], %broadcast_in_dim3A_205 {strides = array<i32>} : memref<64x128xf32, #tpu.memory_space<vmem>>, vector<16xf32>,
    }
    %scan3A_5 = arith.constant 512 : i32
    %scan3A_6 = arith.constant 0 : i32
    %scan3A_7 = arith.constant 0 : i32
    %scan3A_8 = arith.constant 10 : i32
    %scan3A_9 = arith.addi %scan3A_7, %scan3A_8 : i32
    %scan3A_10 = arith.constant 1 : i32
    scf.for %scan3A_204 = %scan3A_7 to %scan3A_9 step %scan3A_10  : i32 {
      %mul3A_205 = arith.constant 640 : i32
      %mul3A_206 = arith.muli %arg1, %mul3A_205 : i32
      %mul3A_207 = arith.constant 64 : i32
      %mul3A_208 = arith.muli %scan3A_204, %mul3A_207 : i32
      %add3A_209 = arith.addi %mul3A_206, %mul3A_208 : i32
      "tpu.region"() ({
        %run_scoped3A = tpu.sem_alloc : memref<!tpu.dma_semaphore, #tpu.memory_space<semaphore_mem>>
        %dma_start3A_210 = arith.constant 0 : i32
        %dma_start3A_211 = tpu.memref_slice %arg12[%add3A_209, %dma_start3A_210] : memref<10240x128xf32, #tpu.memory_space<vmem_shared>> -> memref<64x128xf32, #tpu.memory_space<vmem_shared>>
        %dma_start3A_212 = arith.constant 0 : i32
        %dma_start3A_213 = tpu.memref_slice %arg12[%add3A_209, %dma_start3A_212] : memref<10240x128xf32, #tpu.memory_space<vmem_shared>> -> memref<64x128xf32, #tpu.memory_space<vmem_shared>>
        tpu.enqueue_dma source(%arg8 : memref<64x128xf32, #tpu.memory_space<vmem>>) target(%dma_start3A_213 : memref<64x128xf32, #tpu.memory_space<vmem_shared>>) target_semaphore(%run_scoped3A : memref<!tpu.dma_semaphore, #tpu.memory_space<semaphore_mem>>)
        %dma_wait3A = arith.constant 0 : i32
        %dma_wait3A_214 = tpu.memref_slice %arg12[%add3A_209, %dma_wait3A] : memref<10240x128xf32, #tpu.memory_space<vmem_shared>> -> memref<64x128xf32, #tpu.memory_space<vmem_shared>>
        %dma_wait3A_215 = arith.constant 0 : i32
        %dma_wait3A_216 = tpu.memref_slice %arg12[%add3A_209, %dma_wait3A_215] : memref<10240x128xf32, #tpu.memory_space<vmem_shared>> -> memref<64x128xf32, #tpu.memory_space<vmem_shared>>
        tpu.wait_dma2 semaphore(%run_scoped3A : memref<!tpu.dma_semaphore, #tpu.memory_space<semaphore_mem>>) src(%arg8 : memref<64x128xf32, #tpu.memory_space<vmem>>) dst(%dma_wait3A_216 : memref<64x128xf32, #tpu.memory_space<vmem_shared>>)
        tpu.yield
      }) : () -> ()
    }
    %scan3A_11 = arith.constant 10 : i32
    %barrier3A = arith.constant 0 : index
    tpu.barrier barrier_id(%barrier3A)
    %mul3A_12 = arith.constant 4 : i32
    %mul3A_13 = arith.muli %add3A, %mul3A_12 : i32
    %add3A_14 = arith.constant 0 : i32
    %add3A_15 = arith.addi %mul3A_13, %add3A_14 : i32
    %lt3A = arith.constant 125 : i32
    %lt3A_16 = arith.cmpi slt, %add3A_15, %lt3A : i32
    %convert_element_type3A = arith.extui %lt3A_16 : i1 to i32
    %cond3A = arith.constant 0 : i32
    %cond3A_17 = arith.cmpi ne, %convert_element_type3A, %cond3A : i32
    scf.if %cond3A_17 {
      %mul3A_204 = arith.constant 40 : i32
      %mul3A_205 = arith.muli %add3A_15, %mul3A_204 : i32
      %run_scoped3A = arith.constant 0 : i32
      "tpu.region"() ({
        %run_scoped3A_207 = tpu.sem_alloc : memref<!tpu.dma_semaphore, #tpu.memory_space<semaphore_mem>>
        %dma_start3A_208 = arith.constant 0 : i32
        %dma_start3A_209 = tpu.memref_slice %arg3[%run_scoped3A, %mul3A_205, %dma_start3A_208] : memref<2x5000x64xi32, #tpu.memory_space<hbm>> -> memref<1x40x64xi32, #tpu.memory_space<hbm>>
        %dma_start3A_210 = tpu.memref_squeeze %dma_start3A_209 : memref<1x40x64xi32, #tpu.memory_space<hbm>> -> memref<40x64xi32, #tpu.memory_space<hbm>>
        %dma_start3A_211 = arith.constant 0 : i32
        %dma_start3A_212 = tpu.memref_slice %arg3[%run_scoped3A, %mul3A_205, %dma_start3A_211] : memref<2x5000x64xi32, #tpu.memory_space<hbm>> -> memref<1x40x64xi32, #tpu.memory_space<hbm>>
        %dma_start3A_213 = tpu.memref_squeeze %dma_start3A_212 : memref<1x40x64xi32, #tpu.memory_space<hbm>> -> memref<40x64xi32, #tpu.memory_space<hbm>>
        tpu.enqueue_dma source(%dma_start3A_213 : memref<40x64xi32, #tpu.memory_space<hbm>>) target(%arg6 : memref<40x64xi32, #tpu.memory_space<vmem>>) target_semaphore(%run_scoped3A_207 : memref<!tpu.dma_semaphore, #tpu.memory_space<semaphore_mem>>)
        %dma_wait3A = arith.constant 0 : i32
        %dma_wait3A_214 = tpu.memref_slice %arg3[%run_scoped3A, %mul3A_205, %dma_wait3A] : memref<2x5000x64xi32, #tpu.memory_space<hbm>> -> memref<1x40x64xi32, #tpu.memory_space<hbm>>
        %dma_wait3A_215 = tpu.memref_squeeze %dma_wait3A_214 : memref<1x40x64xi32, #tpu.memory_space<hbm>> -> memref<40x64xi32, #tpu.memory_space<hbm>>
        %dma_wait3A_216 = arith.constant 0 : i32
        %dma_wait3A_217 = tpu.memref_slice %arg3[%run_scoped3A, %mul3A_205, %dma_wait3A_216] : memref<2x5000x64xi32, #tpu.memory_space<hbm>> -> memref<1x40x64xi32, #tpu.memory_space<hbm>>
        %dma_wait3A_218 = tpu.memref_squeeze %dma_wait3A_217 : memref<1x40x64xi32, #tpu.memory_space<hbm>> -> memref<40x64xi32, #tpu.memory_space<hbm>>
        tpu.wait_dma2 semaphore(%run_scoped3A_207 : memref<!tpu.dma_semaphore, #tpu.memory_space<semaphore_mem>>) src(%dma_wait3A_218 : memref<40x64xi32, #tpu.memory_space<hbm>>) dst(%arg6 : memref<40x64xi32, #tpu.memory_space<vmem>>)
        tpu.yield
      }) : () -> ()
      %run_scoped3A_206 = arith.constant 1 : i32
      "tpu.region"() ({
        %run_scoped3A_207 = tpu.sem_alloc : memref<!tpu.dma_semaphore, #tpu.memory_space<semaphore_mem>>
        %dma_start3A_208 = arith.constant 0 : i32
        %dma_start3A_209 = tpu.memref_slice %arg3[%run_scoped3A_206, %mul3A_205, %dma_start3A_208] : memref<2x5000x64xi32, #tpu.memory_space<hbm>> -> memref<1x40x64xi32, #tpu.memory_space<hbm>>
        %dma_start3A_210 = tpu.memref_squeeze %dma_start3A_209 : memref<1x40x64xi32, #tpu.memory_space<hbm>> -> memref<40x64xi32, #tpu.memory_space<hbm>>
        %dma_start3A_211 = arith.constant 0 : i32
        %dma_start3A_212 = tpu.memref_slice %arg3[%run_scoped3A_206, %mul3A_205, %dma_start3A_211] : memref<2x5000x64xi32, #tpu.memory_space<hbm>> -> memref<1x40x64xi32, #tpu.memory_space<hbm>>
        %dma_start3A_213 = tpu.memref_squeeze %dma_start3A_212 : memref<1x40x64xi32, #tpu.memory_space<hbm>> -> memref<40x64xi32, #tpu.memory_space<hbm>>
        tpu.enqueue_dma source(%dma_start3A_213 : memref<40x64xi32, #tpu.memory_space<hbm>>) target(%arg7 : memref<40x64xi32, #tpu.memory_space<vmem>>) target_semaphore(%run_scoped3A_207 : memref<!tpu.dma_semaphore, #tpu.memory_space<semaphore_mem>>)
        %dma_wait3A = arith.constant 0 : i32
        %dma_wait3A_214 = tpu.memref_slice %arg3[%run_scoped3A_206, %mul3A_205, %dma_wait3A] : memref<2x5000x64xi32, #tpu.memory_space<hbm>> -> memref<1x40x64xi32, #tpu.memory_space<hbm>>
        %dma_wait3A_215 = tpu.memref_squeeze %dma_wait3A_214 : memref<1x40x64xi32, #tpu.memory_space<hbm>> -> memref<40x64xi32, #tpu.memory_space<hbm>>
        %dma_wait3A_216 = arith.constant 0 : i32
        %dma_wait3A_217 = tpu.memref_slice %arg3[%run_scoped3A_206, %mul3A_205, %dma_wait3A_216] : memref<2x5000x64xi32, #tpu.memory_space<hbm>> -> memref<1x40x64xi32, #tpu.memory_space<hbm>>
        %dma_wait3A_218 = tpu.memref_squeeze %dma_wait3A_217 : memref<1x40x64xi32, #tpu.memory_space<hbm>> -> memref<40x64xi32, #tpu.memory_space<hbm>>
        tpu.wait_dma2 semaphore(%run_scoped3A_207 : memref<!tpu.dma_semaphore, #tpu.memory_space<semaphore_mem>>) src(%dma_wait3A_218 : memref<40x64xi32, #tpu.memory_space<hbm>>) dst(%arg7 : memref<40x64xi32, #tpu.memory_space<vmem>>)
        tpu.yield
      }) : () -> ()
    } else {
    }
    %ge3A = arith.constant 125 : i32
    %ge3A_18 = arith.cmpi sge, %add3A_15, %ge3A : i32
    %convert_element_type3A_19 = arith.extui %ge3A_18 : i1 to i32
    %cond3A_20 = arith.constant 0 : i32
    %cond3A_21 = arith.cmpi ne, %convert_element_type3A_19, %cond3A_20 : i32
    scf.if %cond3A_21 {
      %sub3A = arith.constant 125 : i32
      %sub3A_204 = arith.subi %add3A_15, %sub3A : i32
      "tpu.region"() ({
        %run_scoped3A = tpu.sem_alloc : memref<!tpu.dma_semaphore, #tpu.memory_space<semaphore_mem>>
        %dma_start3A_207 = arith.constant 0 : i32
        %dma_start3A_208 = arith.constant 0 : i32
        %dma_start3A_209 = tpu.memref_slice %arg4[%sub3A_204, %dma_start3A_207, %dma_start3A_208] : memref<3x40x64xi32, #tpu.memory_space<hbm>> -> memref<1x40x64xi32, #tpu.memory_space<hbm>>
        %dma_start3A_210 = tpu.memref_squeeze %dma_start3A_209 : memref<1x40x64xi32, #tpu.memory_space<hbm>> -> memref<40x64xi32, #tpu.memory_space<hbm>>
        %dma_start3A_211 = arith.constant 0 : i32
        %dma_start3A_212 = arith.constant 0 : i32
        %dma_start3A_213 = tpu.memref_slice %arg4[%sub3A_204, %dma_start3A_211, %dma_start3A_212] : memref<3x40x64xi32, #tpu.memory_space<hbm>> -> memref<1x40x64xi32, #tpu.memory_space<hbm>>
        %dma_start3A_214 = tpu.memref_squeeze %dma_start3A_213 : memref<1x40x64xi32, #tpu.memory_space<hbm>> -> memref<40x64xi32, #tpu.memory_space<hbm>>
        tpu.enqueue_dma source(%dma_start3A_214 : memref<40x64xi32, #tpu.memory_space<hbm>>) target(%arg6 : memref<40x64xi32, #tpu.memory_space<vmem>>) target_semaphore(%run_scoped3A : memref<!tpu.dma_semaphore, #tpu.memory_space<semaphore_mem>>)
        %dma_wait3A = arith.constant 0 : i32
        %dma_wait3A_215 = arith.constant 0 : i32
        %dma_wait3A_216 = tpu.memref_slice %arg4[%sub3A_204, %dma_wait3A, %dma_wait3A_215] : memref<3x40x64xi32, #tpu.memory_space<hbm>> -> memref<1x40x64xi32, #tpu.memory_space<hbm>>
        %dma_wait3A_217 = tpu.memref_squeeze %dma_wait3A_216 : memref<1x40x64xi32, #tpu.memory_space<hbm>> -> memref<40x64xi32, #tpu.memory_space<hbm>>
        %dma_wait3A_218 = arith.constant 0 : i32
        %dma_wait3A_219 = arith.constant 0 : i32
        %dma_wait3A_220 = tpu.memref_slice %arg4[%sub3A_204, %dma_wait3A_218, %dma_wait3A_219] : memref<3x40x64xi32, #tpu.memory_space<hbm>> -> memref<1x40x64xi32, #tpu.memory_space<hbm>>
        %dma_wait3A_221 = tpu.memref_squeeze %dma_wait3A_220 : memref<1x40x64xi32, #tpu.memory_space<hbm>> -> memref<40x64xi32, #tpu.memory_space<hbm>>
        tpu.wait_dma2 semaphore(%run_scoped3A : memref<!tpu.dma_semaphore, #tpu.memory_space<semaphore_mem>>) src(%dma_wait3A_221 : memref<40x64xi32, #tpu.memory_space<hbm>>) dst(%arg6 : memref<40x64xi32, #tpu.memory_space<vmem>>)
        tpu.yield
      }) : () -> ()
      %sub3A_205 = arith.constant 125 : i32
      %sub3A_206 = arith.subi %add3A_15, %sub3A_205 : i32
      "tpu.region"() ({
        %run_scoped3A = tpu.sem_alloc : memref<!tpu.dma_semaphore, #tpu.memory_space<semaphore_mem>>
        %dma_start3A_207 = arith.constant 0 : i32
        %dma_start3A_208 = arith.constant 0 : i32
        %dma_start3A_209 = tpu.memref_slice %arg4[%sub3A_206, %dma_start3A_207, %dma_start3A_208] : memref<3x40x64xi32, #tpu.memory_space<hbm>> -> memref<1x40x64xi32, #tpu.memory_space<hbm>>
        %dma_start3A_210 = tpu.memref_squeeze %dma_start3A_209 : memref<1x40x64xi32, #tpu.memory_space<hbm>> -> memref<40x64xi32, #tpu.memory_space<hbm>>
        %dma_start3A_211 = arith.constant 0 : i32
        %dma_start3A_212 = arith.constant 0 : i32
        %dma_start3A_213 = tpu.memref_slice %arg4[%sub3A_206, %dma_start3A_211, %dma_start3A_212] : memref<3x40x64xi32, #tpu.memory_space<hbm>> -> memref<1x40x64xi32, #tpu.memory_space<hbm>>
        %dma_start3A_214 = tpu.memref_squeeze %dma_start3A_213 : memref<1x40x64xi32, #tpu.memory_space<hbm>> -> memref<40x64xi32, #tpu.memory_space<hbm>>
        tpu.enqueue_dma source(%dma_start3A_214 : memref<40x64xi32, #tpu.memory_space<hbm>>) target(%arg7 : memref<40x64xi32, #tpu.memory_space<vmem>>) target_semaphore(%run_scoped3A : memref<!tpu.dma_semaphore, #tpu.memory_space<semaphore_mem>>)
        %dma_wait3A = arith.constant 0 : i32
        %dma_wait3A_215 = arith.constant 0 : i32
        %dma_wait3A_216 = tpu.memref_slice %arg4[%sub3A_206, %dma_wait3A, %dma_wait3A_215] : memref<3x40x64xi32, #tpu.memory_space<hbm>> -> memref<1x40x64xi32, #tpu.memory_space<hbm>>
        %dma_wait3A_217 = tpu.memref_squeeze %dma_wait3A_216 : memref<1x40x64xi32, #tpu.memory_space<hbm>> -> memref<40x64xi32, #tpu.memory_space<hbm>>
        %dma_wait3A_218 = arith.constant 0 : i32
        %dma_wait3A_219 = arith.constant 0 : i32
        %dma_wait3A_220 = tpu.memref_slice %arg4[%sub3A_206, %dma_wait3A_218, %dma_wait3A_219] : memref<3x40x64xi32, #tpu.memory_space<hbm>> -> memref<1x40x64xi32, #tpu.memory_space<hbm>>
        %dma_wait3A_221 = tpu.memref_squeeze %dma_wait3A_220 : memref<1x40x64xi32, #tpu.memory_space<hbm>> -> memref<40x64xi32, #tpu.memory_space<hbm>>
        tpu.wait_dma2 semaphore(%run_scoped3A : memref<!tpu.dma_semaphore, #tpu.memory_space<semaphore_mem>>) src(%dma_wait3A_221 : memref<40x64xi32, #tpu.memory_space<hbm>>) dst(%arg7 : memref<40x64xi32, #tpu.memory_space<vmem>>)
        tpu.yield
      }) : () -> ()
    } else {
    }
    %dma_start3A = arith.constant 0 : i32
    %dma_start3A_22 = arith.constant 0 : i32
    %dma_start3A_23 = tpu.memref_slice %arg6[%dma_start3A, %dma_start3A_22] : memref<40x64xi32, #tpu.memory_space<vmem>> -> memref<1x64xi32, #tpu.memory_space<vmem>>
    %dma_start3A_24 = tpu.memref_squeeze %dma_start3A_23 : memref<1x64xi32, #tpu.memory_space<vmem>> -> memref<64xi32, #tpu.memory_space<vmem>>
    %dma_start3A_25 = arith.constant 0 : i32
    %dma_start3A_26 = arith.constant 0 : i32
    %dma_start3A_27 = tpu.memref_slice %arg2[%dma_start3A_25, %dma_start3A_26] : memref<10240x128xf32, #tpu.memory_space<hbm>> -> memref<10240x128xf32, #tpu.memory_space<hbm>>
    tpu.enqueue_indirect_dma source(%dma_start3A_27 : memref<10240x128xf32, #tpu.memory_space<hbm>>) target(%arg8 : memref<64x128xf32, #tpu.memory_space<vmem>>) offsets(%dma_start3A_24 : memref<64xi32, #tpu.memory_space<vmem>>) semaphore(%arg13 : memref<!tpu.dma_semaphore, #tpu.memory_space<semaphore_mem>>)
    %dma_start3A_28 = arith.constant 1 : i32
    %dma_start3A_29 = arith.constant 0 : i32
    %dma_start3A_30 = tpu.memref_slice %arg6[%dma_start3A_28, %dma_start3A_29] : memref<40x64xi32, #tpu.memory_space<vmem>> -> memref<1x64xi32, #tpu.memory_space<vmem>>
    %dma_start3A_31 = tpu.memref_squeeze %dma_start3A_30 : memref<1x64xi32, #tpu.memory_space<vmem>> -> memref<64xi32, #tpu.memory_space<vmem>>
    %dma_start3A_32 = arith.constant 0 : i32
    %dma_start3A_33 = arith.constant 0 : i32
    %dma_start3A_34 = tpu.memref_slice %arg2[%dma_start3A_32, %dma_start3A_33] : memref<10240x128xf32, #tpu.memory_space<hbm>> -> memref<10240x128xf32, #tpu.memory_space<hbm>>
    tpu.enqueue_indirect_dma source(%dma_start3A_34 : memref<10240x128xf32, #tpu.memory_space<hbm>>) target(%arg9 : memref<64x128xf32, #tpu.memory_space<vmem>>) offsets(%dma_start3A_31 : memref<64xi32, #tpu.memory_space<vmem>>) semaphore(%arg14 : memref<!tpu.dma_semaphore, #tpu.memory_space<semaphore_mem>>)
    %dma_start3A_35 = arith.constant 2 : i32
    %dma_start3A_36 = arith.constant 0 : i32
    %dma_start3A_37 = tpu.memref_slice %arg6[%dma_start3A_35, %dma_start3A_36] : memref<40x64xi32, #tpu.memory_space<vmem>> -> memref<1x64xi32, #tpu.memory_space<vmem>>
    %dma_start3A_38 = tpu.memref_squeeze %dma_start3A_37 : memref<1x64xi32, #tpu.memory_space<vmem>> -> memref<64xi32, #tpu.memory_space<vmem>>
    %dma_start3A_39 = arith.constant 0 : i32
    %dma_start3A_40 = arith.constant 0 : i32
    %dma_start3A_41 = tpu.memref_slice %arg2[%dma_start3A_39, %dma_start3A_40] : memref<10240x128xf32, #tpu.memory_space<hbm>> -> memref<10240x128xf32, #tpu.memory_space<hbm>>
    tpu.enqueue_indirect_dma source(%dma_start3A_41 : memref<10240x128xf32, #tpu.memory_space<hbm>>) target(%arg10 : memref<64x128xf32, #tpu.memory_space<vmem>>) offsets(%dma_start3A_38 : memref<64xi32, #tpu.memory_space<vmem>>) semaphore(%arg15 : memref<!tpu.dma_semaphore, #tpu.memory_space<semaphore_mem>>)
    %dma_start3A_42 = arith.constant 3 : i32
    %dma_start3A_43 = arith.constant 0 : i32
    %dma_start3A_44 = tpu.memref_slice %arg6[%dma_start3A_42, %dma_start3A_43] : memref<40x64xi32, #tpu.memory_space<vmem>> -> memref<1x64xi32, #tpu.memory_space<vmem>>
    %dma_start3A_45 = tpu.memref_squeeze %dma_start3A_44 : memref<1x64xi32, #tpu.memory_space<vmem>> -> memref<64xi32, #tpu.memory_space<vmem>>
    %dma_start3A_46 = arith.constant 0 : i32
    %dma_start3A_47 = arith.constant 0 : i32
    %dma_start3A_48 = tpu.memref_slice %arg2[%dma_start3A_46, %dma_start3A_47] : memref<10240x128xf32, #tpu.memory_space<hbm>> -> memref<10240x128xf32, #tpu.memory_space<hbm>>
    tpu.enqueue_indirect_dma source(%dma_start3A_48 : memref<10240x128xf32, #tpu.memory_space<hbm>>) target(%arg11 : memref<64x128xf32, #tpu.memory_space<vmem>>) offsets(%dma_start3A_45 : memref<64xi32, #tpu.memory_space<vmem>>) semaphore(%arg16 : memref<!tpu.dma_semaphore, #tpu.memory_space<semaphore_mem>>)
    %scan3A_49 = arith.constant 0 : i32
    %scan3A_50 = arith.constant 0 : i32
    %scan3A_51 = arith.constant 10 : i32
    %scan3A_52 = arith.addi %scan3A_50, %scan3A_51 : i32
    %scan3A_53 = arith.constant 1 : i32
    scf.for %scan3A_204 = %scan3A_50 to %scan3A_52 step %scan3A_53  : i32 {
      %mul3A_205 = arith.constant 4 : i32
      %mul3A_206 = arith.muli %scan3A_204, %mul3A_205 : i32
      %add3A_207 = arith.constant 0 : i32
      %add3A_208 = arith.addi %mul3A_206, %add3A_207 : i32
      %dma_wait3A = arith.constant 0 : i32
      %dma_wait3A_209 = tpu.memref_slice %arg6[%add3A_208, %dma_wait3A] : memref<40x64xi32, #tpu.memory_space<vmem>> -> memref<1x64xi32, #tpu.memory_space<vmem>>
      %dma_wait3A_210 = tpu.memref_squeeze %dma_wait3A_209 : memref<1x64xi32, #tpu.memory_space<vmem>> -> memref<64xi32, #tpu.memory_space<vmem>>
      %dma_wait3A_211 = arith.constant 0 : i32
      %dma_wait3A_212 = arith.constant 0 : i32
      %dma_wait3A_213 = tpu.memref_slice %arg2[%dma_wait3A_211, %dma_wait3A_212] : memref<10240x128xf32, #tpu.memory_space<hbm>> -> memref<10240x128xf32, #tpu.memory_space<hbm>>
      tpu.wait_indirect_dma semaphore(%arg13 : memref<!tpu.dma_semaphore, #tpu.memory_space<semaphore_mem>>) src(%dma_wait3A_213 : memref<10240x128xf32, #tpu.memory_space<hbm>>) dst(%arg8 : memref<64x128xf32, #tpu.memory_space<vmem>>)
      "tpu.region"() ({
        %run_scoped3A = tpu.sem_alloc : memref<!tpu.dma_semaphore, #tpu.memory_space<semaphore_mem>>
        %dma_start3A_272 = arith.constant 0 : i32
        %dma_start3A_273 = tpu.memref_slice %arg7[%add3A_208, %dma_start3A_272] : memref<40x64xi32, #tpu.memory_space<vmem>> -> memref<1x64xi32, #tpu.memory_space<vmem>>
        %dma_start3A_274 = tpu.memref_squeeze %dma_start3A_273 : memref<1x64xi32, #tpu.memory_space<vmem>> -> memref<64xi32, #tpu.memory_space<vmem>>
        %dma_start3A_275 = arith.constant 0 : i32
        %dma_start3A_276 = arith.constant 0 : i32
        %dma_start3A_277 = tpu.memref_slice %arg12[%dma_start3A_275, %dma_start3A_276] : memref<10240x128xf32, #tpu.memory_space<vmem_shared>> -> memref<10240x128xf32, #tpu.memory_space<vmem_shared>>
        tpu.enqueue_indirect_dma source(%arg8 : memref<64x128xf32, #tpu.memory_space<vmem>>) target(%dma_start3A_277 : memref<10240x128xf32, #tpu.memory_space<vmem_shared>>) offsets(%dma_start3A_274 : memref<64xi32, #tpu.memory_space<vmem>>) semaphore(%run_scoped3A : memref<!tpu.dma_semaphore, #tpu.memory_space<semaphore_mem>>) {add = true}
        %dma_wait3A_278 = arith.constant 0 : i32
        %dma_wait3A_279 = tpu.memref_slice %arg7[%add3A_208, %dma_wait3A_278] : memref<40x64xi32, #tpu.memory_space<vmem>> -> memref<1x64xi32, #tpu.memory_space<vmem>>
        %dma_wait3A_280 = tpu.memref_squeeze %dma_wait3A_279 : memref<1x64xi32, #tpu.memory_space<vmem>> -> memref<64xi32, #tpu.memory_space<vmem>>
        %dma_wait3A_281 = arith.constant 0 : i32
        %dma_wait3A_282 = arith.constant 0 : i32
        %dma_wait3A_283 = tpu.memref_slice %arg12[%dma_wait3A_281, %dma_wait3A_282] : memref<10240x128xf32, #tpu.memory_space<vmem_shared>> -> memref<10240x128xf32, #tpu.memory_space<vmem_shared>>
        tpu.wait_indirect_dma semaphore(%run_scoped3A : memref<!tpu.dma_semaphore, #tpu.memory_space<semaphore_mem>>) src(%arg8 : memref<64x128xf32, #tpu.memory_space<vmem>>) dst(%dma_wait3A_283 : memref<10240x128xf32, #tpu.memory_space<vmem_shared>>)
        tpu.yield
      }) : () -> ()
      %add3A_214 = arith.constant 4 : i32
      %add3A_215 = arith.addi %add3A_208, %add3A_214 : i32
      %lt3A_216 = arith.constant 40 : i32
      %lt3A_217 = arith.cmpi slt, %add3A_215, %lt3A_216 : i32
      %convert_element_type3A_218 = arith.extui %lt3A_217 : i1 to i32
      %cond3A_219 = arith.constant 0 : i32
      %cond3A_220 = arith.cmpi ne, %convert_element_type3A_218, %cond3A_219 : i32
      scf.if %cond3A_220 {
        %add3A_272 = arith.constant 4 : i32
        %add3A_273 = arith.addi %add3A_208, %add3A_272 : i32
        %dma_start3A_274 = arith.constant 0 : i32
        %dma_start3A_275 = tpu.memref_slice %arg6[%add3A_273, %dma_start3A_274] : memref<40x64xi32, #tpu.memory_space<vmem>> -> memref<1x64xi32, #tpu.memory_space<vmem>>
        %dma_start3A_276 = tpu.memref_squeeze %dma_start3A_275 : memref<1x64xi32, #tpu.memory_space<vmem>> -> memref<64xi32, #tpu.memory_space<vmem>>
        %dma_start3A_277 = arith.constant 0 : i32
        %dma_start3A_278 = arith.constant 0 : i32
        %dma_start3A_279 = tpu.memref_slice %arg2[%dma_start3A_277, %dma_start3A_278] : memref<10240x128xf32, #tpu.memory_space<hbm>> -> memref<10240x128xf32, #tpu.memory_space<hbm>>
        tpu.enqueue_indirect_dma source(%dma_start3A_279 : memref<10240x128xf32, #tpu.memory_space<hbm>>) target(%arg8 : memref<64x128xf32, #tpu.memory_space<vmem>>) offsets(%dma_start3A_276 : memref<64xi32, #tpu.memory_space<vmem>>) semaphore(%arg13 : memref<!tpu.dma_semaphore, #tpu.memory_space<semaphore_mem>>)
      } else {
      }
      %mul3A_221 = arith.constant 4 : i32
      %mul3A_222 = arith.muli %scan3A_204, %mul3A_221 : i32
      %add3A_223 = arith.constant 1 : i32
      %add3A_224 = arith.addi %mul3A_222, %add3A_223 : i32
      %dma_wait3A_225 = arith.constant 0 : i32
      %dma_wait3A_226 = tpu.memref_slice %arg6[%add3A_224, %dma_wait3A_225] : memref<40x64xi32, #tpu.memory_space<vmem>> -> memref<1x64xi32, #tpu.memory_space<vmem>>
      %dma_wait3A_227 = tpu.memref_squeeze %dma_wait3A_226 : memref<1x64xi32, #tpu.memory_space<vmem>> -> memref<64xi32, #tpu.memory_space<vmem>>
      %dma_wait3A_228 = arith.constant 0 : i32
      %dma_wait3A_229 = arith.constant 0 : i32
      %dma_wait3A_230 = tpu.memref_slice %arg2[%dma_wait3A_228, %dma_wait3A_229] : memref<10240x128xf32, #tpu.memory_space<hbm>> -> memref<10240x128xf32, #tpu.memory_space<hbm>>
      tpu.wait_indirect_dma semaphore(%arg14 : memref<!tpu.dma_semaphore, #tpu.memory_space<semaphore_mem>>) src(%dma_wait3A_230 : memref<10240x128xf32, #tpu.memory_space<hbm>>) dst(%arg9 : memref<64x128xf32, #tpu.memory_space<vmem>>)
      "tpu.region"() ({
        %run_scoped3A = tpu.sem_alloc : memref<!tpu.dma_semaphore, #tpu.memory_space<semaphore_mem>>
        %dma_start3A_272 = arith.constant 0 : i32
        %dma_start3A_273 = tpu.memref_slice %arg7[%add3A_224, %dma_start3A_272] : memref<40x64xi32, #tpu.memory_space<vmem>> -> memref<1x64xi32, #tpu.memory_space<vmem>>
        %dma_start3A_274 = tpu.memref_squeeze %dma_start3A_273 : memref<1x64xi32, #tpu.memory_space<vmem>> -> memref<64xi32, #tpu.memory_space<vmem>>
        %dma_start3A_275 = arith.constant 0 : i32
        %dma_start3A_276 = arith.constant 0 : i32
        %dma_start3A_277 = tpu.memref_slice %arg12[%dma_start3A_275, %dma_start3A_276] : memref<10240x128xf32, #tpu.memory_space<vmem_shared>> -> memref<10240x128xf32, #tpu.memory_space<vmem_shared>>
        tpu.enqueue_indirect_dma source(%arg9 : memref<64x128xf32, #tpu.memory_space<vmem>>) target(%dma_start3A_277 : memref<10240x128xf32, #tpu.memory_space<vmem_shared>>) offsets(%dma_start3A_274 : memref<64xi32, #tpu.memory_space<vmem>>) semaphore(%run_scoped3A : memref<!tpu.dma_semaphore, #tpu.memory_space<semaphore_mem>>) {add = true}
        %dma_wait3A_278 = arith.constant 0 : i32
        %dma_wait3A_279 = tpu.memref_slice %arg7[%add3A_224, %dma_wait3A_278] : memref<40x64xi32, #tpu.memory_space<vmem>> -> memref<1x64xi32, #tpu.memory_space<vmem>>
        %dma_wait3A_280 = tpu.memref_squeeze %dma_wait3A_279 : memref<1x64xi32, #tpu.memory_space<vmem>> -> memref<64xi32, #tpu.memory_space<vmem>>
        %dma_wait3A_281 = arith.constant 0 : i32
        %dma_wait3A_282 = arith.constant 0 : i32
        %dma_wait3A_283 = tpu.memref_slice %arg12[%dma_wait3A_281, %dma_wait3A_282] : memref<10240x128xf32, #tpu.memory_space<vmem_shared>> -> memref<10240x128xf32, #tpu.memory_space<vmem_shared>>
        tpu.wait_indirect_dma semaphore(%run_scoped3A : memref<!tpu.dma_semaphore, #tpu.memory_space<semaphore_mem>>) src(%arg9 : memref<64x128xf32, #tpu.memory_space<vmem>>) dst(%dma_wait3A_283 : memref<10240x128xf32, #tpu.memory_space<vmem_shared>>)
        tpu.yield
      }) : () -> ()
      %add3A_231 = arith.constant 4 : i32
      %add3A_232 = arith.addi %add3A_224, %add3A_231 : i32
      %lt3A_233 = arith.constant 40 : i32
      %lt3A_234 = arith.cmpi slt, %add3A_232, %lt3A_233 : i32
      %convert_element_type3A_235 = arith.extui %lt3A_234 : i1 to i32
      %cond3A_236 = arith.constant 0 : i32
      %cond3A_237 = arith.cmpi ne, %convert_element_type3A_235, %cond3A_236 : i32
      scf.if %cond3A_237 {
        %add3A_272 = arith.constant 4 : i32
        %add3A_273 = arith.addi %add3A_224, %add3A_272 : i32
        %dma_start3A_274 = arith.constant 0 : i32
        %dma_start3A_275 = tpu.memref_slice %arg6[%add3A_273, %dma_start3A_274] : memref<40x64xi32, #tpu.memory_space<vmem>> -> memref<1x64xi32, #tpu.memory_space<vmem>>
        %dma_start3A_276 = tpu.memref_squeeze %dma_start3A_275 : memref<1x64xi32, #tpu.memory_space<vmem>> -> memref<64xi32, #tpu.memory_space<vmem>>
        %dma_start3A_277 = arith.constant 0 : i32
        %dma_start3A_278 = arith.constant 0 : i32
        %dma_start3A_279 = tpu.memref_slice %arg2[%dma_start3A_277, %dma_start3A_278] : memref<10240x128xf32, #tpu.memory_space<hbm>> -> memref<10240x128xf32, #tpu.memory_space<hbm>>
        tpu.enqueue_indirect_dma source(%dma_start3A_279 : memref<10240x128xf32, #tpu.memory_space<hbm>>) target(%arg9 : memref<64x128xf32, #tpu.memory_space<vmem>>) offsets(%dma_start3A_276 : memref<64xi32, #tpu.memory_space<vmem>>) semaphore(%arg14 : memref<!tpu.dma_semaphore, #tpu.memory_space<semaphore_mem>>)
      } else {
      }
      %mul3A_238 = arith.constant 4 : i32
      %mul3A_239 = arith.muli %scan3A_204, %mul3A_238 : i32
      %add3A_240 = arith.constant 2 : i32
      %add3A_241 = arith.addi %mul3A_239, %add3A_240 : i32
      %dma_wait3A_242 = arith.constant 0 : i32
      %dma_wait3A_243 = tpu.memref_slice %arg6[%add3A_241, %dma_wait3A_242] : memref<40x64xi32, #tpu.memory_space<vmem>> -> memref<1x64xi32, #tpu.memory_space<vmem>>
      %dma_wait3A_244 = tpu.memref_squeeze %dma_wait3A_243 : memref<1x64xi32, #tpu.memory_space<vmem>> -> memref<64xi32, #tpu.memory_space<vmem>>
      %dma_wait3A_245 = arith.constant 0 : i32
      %dma_wait3A_246 = arith.constant 0 : i32
      %dma_wait3A_247 = tpu.memref_slice %arg2[%dma_wait3A_245, %dma_wait3A_246] : memref<10240x128xf32, #tpu.memory_space<hbm>> -> memref<10240x128xf32, #tpu.memory_space<hbm>>
      tpu.wait_indirect_dma semaphore(%arg15 : memref<!tpu.dma_semaphore, #tpu.memory_space<semaphore_mem>>) src(%dma_wait3A_247 : memref<10240x128xf32, #tpu.memory_space<hbm>>) dst(%arg10 : memref<64x128xf32, #tpu.memory_space<vmem>>)
      "tpu.region"() ({
        %run_scoped3A = tpu.sem_alloc : memref<!tpu.dma_semaphore, #tpu.memory_space<semaphore_mem>>
        %dma_start3A_272 = arith.constant 0 : i32
        %dma_start3A_273 = tpu.memref_slice %arg7[%add3A_241, %dma_start3A_272] : memref<40x64xi32, #tpu.memory_space<vmem>> -> memref<1x64xi32, #tpu.memory_space<vmem>>
        %dma_start3A_274 = tpu.memref_squeeze %dma_start3A_273 : memref<1x64xi32, #tpu.memory_space<vmem>> -> memref<64xi32, #tpu.memory_space<vmem>>
        %dma_start3A_275 = arith.constant 0 : i32
        %dma_start3A_276 = arith.constant 0 : i32
        %dma_start3A_277 = tpu.memref_slice %arg12[%dma_start3A_275, %dma_start3A_276] : memref<10240x128xf32, #tpu.memory_space<vmem_shared>> -> memref<10240x128xf32, #tpu.memory_space<vmem_shared>>
        tpu.enqueue_indirect_dma source(%arg10 : memref<64x128xf32, #tpu.memory_space<vmem>>) target(%dma_start3A_277 : memref<10240x128xf32, #tpu.memory_space<vmem_shared>>) offsets(%dma_start3A_274 : memref<64xi32, #tpu.memory_space<vmem>>) semaphore(%run_scoped3A : memref<!tpu.dma_semaphore, #tpu.memory_space<semaphore_mem>>) {add = true}
        %dma_wait3A_278 = arith.constant 0 : i32
        %dma_wait3A_279 = tpu.memref_slice %arg7[%add3A_241, %dma_wait3A_278] : memref<40x64xi32, #tpu.memory_space<vmem>> -> memref<1x64xi32, #tpu.memory_space<vmem>>
        %dma_wait3A_280 = tpu.memref_squeeze %dma_wait3A_279 : memref<1x64xi32, #tpu.memory_space<vmem>> -> memref<64xi32, #tpu.memory_space<vmem>>
        %dma_wait3A_281 = arith.constant 0 : i32
        %dma_wait3A_282 = arith.constant 0 : i32
        %dma_wait3A_283 = tpu.memref_slice %arg12[%dma_wait3A_281, %dma_wait3A_282] : memref<10240x128xf32, #tpu.memory_space<vmem_shared>> -> memref<10240x128xf32, #tpu.memory_space<vmem_shared>>
        tpu.wait_indirect_dma semaphore(%run_scoped3A : memref<!tpu.dma_semaphore, #tpu.memory_space<semaphore_mem>>) src(%arg10 : memref<64x128xf32, #tpu.memory_space<vmem>>) dst(%dma_wait3A_283 : memref<10240x128xf32, #tpu.memory_space<vmem_shared>>)
        tpu.yield
      }) : () -> ()
      %add3A_248 = arith.constant 4 : i32
      %add3A_249 = arith.addi %add3A_241, %add3A_248 : i32
      %lt3A_250 = arith.constant 40 : i32
      %lt3A_251 = arith.cmpi slt, %add3A_249, %lt3A_250 : i32
      %convert_element_type3A_252 = arith.extui %lt3A_251 : i1 to i32
      %cond3A_253 = arith.constant 0 : i32
      %cond3A_254 = arith.cmpi ne, %convert_element_type3A_252, %cond3A_253 : i32
      scf.if %cond3A_254 {
        %add3A_272 = arith.constant 4 : i32
        %add3A_273 = arith.addi %add3A_241, %add3A_272 : i32
        %dma_start3A_274 = arith.constant 0 : i32
        %dma_start3A_275 = tpu.memref_slice %arg6[%add3A_273, %dma_start3A_274] : memref<40x64xi32, #tpu.memory_space<vmem>> -> memref<1x64xi32, #tpu.memory_space<vmem>>
        %dma_start3A_276 = tpu.memref_squeeze %dma_start3A_275 : memref<1x64xi32, #tpu.memory_space<vmem>> -> memref<64xi32, #tpu.memory_space<vmem>>
        %dma_start3A_277 = arith.constant 0 : i32
        %dma_start3A_278 = arith.constant 0 : i32
        %dma_start3A_279 = tpu.memref_slice %arg2[%dma_start3A_277, %dma_start3A_278] : memref<10240x128xf32, #tpu.memory_space<hbm>> -> memref<10240x128xf32, #tpu.memory_space<hbm>>
        tpu.enqueue_indirect_dma source(%dma_start3A_279 : memref<10240x128xf32, #tpu.memory_space<hbm>>) target(%arg10 : memref<64x128xf32, #tpu.memory_space<vmem>>) offsets(%dma_start3A_276 : memref<64xi32, #tpu.memory_space<vmem>>) semaphore(%arg15 : memref<!tpu.dma_semaphore, #tpu.memory_space<semaphore_mem>>)
      } else {
      }
      %mul3A_255 = arith.constant 4 : i32
      %mul3A_256 = arith.muli %scan3A_204, %mul3A_255 : i32
      %add3A_257 = arith.constant 3 : i32
      %add3A_258 = arith.addi %mul3A_256, %add3A_257 : i32
      %dma_wait3A_259 = arith.constant 0 : i32
      %dma_wait3A_260 = tpu.memref_slice %arg6[%add3A_258, %dma_wait3A_259] : memref<40x64xi32, #tpu.memory_space<vmem>> -> memref<1x64xi32, #tpu.memory_space<vmem>>
      %dma_wait3A_261 = tpu.memref_squeeze %dma_wait3A_260 : memref<1x64xi32, #tpu.memory_space<vmem>> -> memref<64xi32, #tpu.memory_space<vmem>>
      %dma_wait3A_262 = arith.constant 0 : i32
      %dma_wait3A_263 = arith.constant 0 : i32
      %dma_wait3A_264 = tpu.memref_slice %arg2[%dma_wait3A_262, %dma_wait3A_263] : memref<10240x128xf32, #tpu.memory_space<hbm>> -> memref<10240x128xf32, #tpu.memory_space<hbm>>
      tpu.wait_indirect_dma semaphore(%arg16 : memref<!tpu.dma_semaphore, #tpu.memory_space<semaphore_mem>>) src(%dma_wait3A_264 : memref<10240x128xf32, #tpu.memory_space<hbm>>) dst(%arg11 : memref<64x128xf32, #tpu.memory_space<vmem>>)
      "tpu.region"() ({
        %run_scoped3A = tpu.sem_alloc : memref<!tpu.dma_semaphore, #tpu.memory_space<semaphore_mem>>
        %dma_start3A_272 = arith.constant 0 : i32
        %dma_start3A_273 = tpu.memref_slice %arg7[%add3A_258, %dma_start3A_272] : memref<40x64xi32, #tpu.memory_space<vmem>> -> memref<1x64xi32, #tpu.memory_space<vmem>>
        %dma_start3A_274 = tpu.memref_squeeze %dma_start3A_273 : memref<1x64xi32, #tpu.memory_space<vmem>> -> memref<64xi32, #tpu.memory_space<vmem>>
        %dma_start3A_275 = arith.constant 0 : i32
        %dma_start3A_276 = arith.constant 0 : i32
        %dma_start3A_277 = tpu.memref_slice %arg12[%dma_start3A_275, %dma_start3A_276] : memref<10240x128xf32, #tpu.memory_space<vmem_shared>> -> memref<10240x128xf32, #tpu.memory_space<vmem_shared>>
        tpu.enqueue_indirect_dma source(%arg11 : memref<64x128xf32, #tpu.memory_space<vmem>>) target(%dma_start3A_277 : memref<10240x128xf32, #tpu.memory_space<vmem_shared>>) offsets(%dma_start3A_274 : memref<64xi32, #tpu.memory_space<vmem>>) semaphore(%run_scoped3A : memref<!tpu.dma_semaphore, #tpu.memory_space<semaphore_mem>>) {add = true}
        %dma_wait3A_278 = arith.constant 0 : i32
        %dma_wait3A_279 = tpu.memref_slice %arg7[%add3A_258, %dma_wait3A_278] : memref<40x64xi32, #tpu.memory_space<vmem>> -> memref<1x64xi32, #tpu.memory_space<vmem>>
        %dma_wait3A_280 = tpu.memref_squeeze %dma_wait3A_279 : memref<1x64xi32, #tpu.memory_space<vmem>> -> memref<64xi32, #tpu.memory_space<vmem>>
        %dma_wait3A_281 = arith.constant 0 : i32
        %dma_wait3A_282 = arith.constant 0 : i32
        %dma_wait3A_283 = tpu.memref_slice %arg12[%dma_wait3A_281, %dma_wait3A_282] : memref<10240x128xf32, #tpu.memory_space<vmem_shared>> -> memref<10240x128xf32, #tpu.memory_space<vmem_shared>>
        tpu.wait_indirect_dma semaphore(%run_scoped3A : memref<!tpu.dma_semaphore, #tpu.memory_space<semaphore_mem>>) src(%arg11 : memref<64x128xf32, #tpu.memory_space<vmem>>) dst(%dma_wait3A_283 : memref<10240x128xf32, #tpu.memory_space<vmem_shared>>)
        tpu.yield
      }) : () -> ()
      %add3A_265 = arith.constant 4 : i32
      %add3A_266 = arith.addi %add3A_258, %add3A_265 : i32
      %lt3A_267 = arith.constant 40 : i32
      %lt3A_268 = arith.cmpi slt, %add3A_266, %lt3A_267 : i32
      %convert_element_type3A_269 = arith.extui %lt3A_268 : i1 to i32
      %cond3A_270 = arith.constant 0 : i32
      %cond3A_271 = arith.cmpi ne, %convert_element_type3A_269, %cond3A_270 : i32
      scf.if %cond3A_271 {
        %add3A_272 = arith.constant 4 : i32
        %add3A_273 = arith.addi %add3A_258, %add3A_272 : i32
        %dma_start3A_274 = arith.constant 0 : i32
        %dma_start3A_275 = tpu.memref_slice %arg6[%add3A_273, %dma_start3A_274] : memref<40x64xi32, #tpu.memory_space<vmem>> -> memref<1x64xi32, #tpu.memory_space<vmem>>
        %dma_start3A_276 = tpu.memref_squeeze %dma_start3A_275 : memref<1x64xi32, #tpu.memory_space<vmem>> -> memref<64xi32, #tpu.memory_space<vmem>>
        %dma_start3A_277 = arith.constant 0 : i32
        %dma_start3A_278 = arith.constant 0 : i32
        %dma_start3A_279 = tpu.memref_slice %arg2[%dma_start3A_277, %dma_start3A_278] : memref<10240x128xf32, #tpu.memory_space<hbm>> -> memref<10240x128xf32, #tpu.memory_space<hbm>>
        tpu.enqueue_indirect_dma source(%dma_start3A_279 : memref<10240x128xf32, #tpu.memory_space<hbm>>) target(%arg11 : memref<64x128xf32, #tpu.memory_space<vmem>>) offsets(%dma_start3A_276 : memref<64xi32, #tpu.memory_space<vmem>>) semaphore(%arg16 : memref<!tpu.dma_semaphore, #tpu.memory_space<semaphore_mem>>)
      } else {
      }
    }
    %scan3A_54 = arith.constant 10 : i32
    %mul3A_55 = arith.constant 4 : i32
    %mul3A_56 = arith.muli %add3A, %mul3A_55 : i32
    %add3A_57 = arith.constant 1 : i32
    %add3A_58 = arith.addi %mul3A_56, %add3A_57 : i32
    %lt3A_59 = arith.constant 125 : i32
    %lt3A_60 = arith.cmpi slt, %add3A_58, %lt3A_59 : i32
    %convert_element_type3A_61 = arith.extui %lt3A_60 : i1 to i32
    %cond3A_62 = arith.constant 0 : i32
    %cond3A_63 = arith.cmpi ne, %convert_element_type3A_61, %cond3A_62 : i32
    scf.if %cond3A_63 {
      %mul3A_204 = arith.constant 40 : i32
      %mul3A_205 = arith.muli %add3A_58, %mul3A_204 : i32
      %run_scoped3A = arith.constant 0 : i32
      "tpu.region"() ({
        %run_scoped3A_207 = tpu.sem_alloc : memref<!tpu.dma_semaphore, #tpu.memory_space<semaphore_mem>>
        %dma_start3A_208 = arith.constant 0 : i32
        %dma_start3A_209 = tpu.memref_slice %arg3[%run_scoped3A, %mul3A_205, %dma_start3A_208] : memref<2x5000x64xi32, #tpu.memory_space<hbm>> -> memref<1x40x64xi32, #tpu.memory_space<hbm>>
        %dma_start3A_210 = tpu.memref_squeeze %dma_start3A_209 : memref<1x40x64xi32, #tpu.memory_space<hbm>> -> memref<40x64xi32, #tpu.memory_space<hbm>>
        %dma_start3A_211 = arith.constant 0 : i32
        %dma_start3A_212 = tpu.memref_slice %arg3[%run_scoped3A, %mul3A_205, %dma_start3A_211] : memref<2x5000x64xi32, #tpu.memory_space<hbm>> -> memref<1x40x64xi32, #tpu.memory_space<hbm>>
        %dma_start3A_213 = tpu.memref_squeeze %dma_start3A_212 : memref<1x40x64xi32, #tpu.memory_space<hbm>> -> memref<40x64xi32, #tpu.memory_space<hbm>>
        tpu.enqueue_dma source(%dma_start3A_213 : memref<40x64xi32, #tpu.memory_space<hbm>>) target(%arg6 : memref<40x64xi32, #tpu.memory_space<vmem>>) target_semaphore(%run_scoped3A_207 : memref<!tpu.dma_semaphore, #tpu.memory_space<semaphore_mem>>)
        %dma_wait3A = arith.constant 0 : i32
        %dma_wait3A_214 = tpu.memref_slice %arg3[%run_scoped3A, %mul3A_205, %dma_wait3A] : memref<2x5000x64xi32, #tpu.memory_space<hbm>> -> memref<1x40x64xi32, #tpu.memory_space<hbm>>
        %dma_wait3A_215 = tpu.memref_squeeze %dma_wait3A_214 : memref<1x40x64xi32, #tpu.memory_space<hbm>> -> memref<40x64xi32, #tpu.memory_space<hbm>>
        %dma_wait3A_216 = arith.constant 0 : i32
        %dma_wait3A_217 = tpu.memref_slice %arg3[%run_scoped3A, %mul3A_205, %dma_wait3A_216] : memref<2x5000x64xi32, #tpu.memory_space<hbm>> -> memref<1x40x64xi32, #tpu.memory_space<hbm>>
        %dma_wait3A_218 = tpu.memref_squeeze %dma_wait3A_217 : memref<1x40x64xi32, #tpu.memory_space<hbm>> -> memref<40x64xi32, #tpu.memory_space<hbm>>
        tpu.wait_dma2 semaphore(%run_scoped3A_207 : memref<!tpu.dma_semaphore, #tpu.memory_space<semaphore_mem>>) src(%dma_wait3A_218 : memref<40x64xi32, #tpu.memory_space<hbm>>) dst(%arg6 : memref<40x64xi32, #tpu.memory_space<vmem>>)
        tpu.yield
      }) : () -> ()
      %run_scoped3A_206 = arith.constant 1 : i32
      "tpu.region"() ({
        %run_scoped3A_207 = tpu.sem_alloc : memref<!tpu.dma_semaphore, #tpu.memory_space<semaphore_mem>>
        %dma_start3A_208 = arith.constant 0 : i32
        %dma_start3A_209 = tpu.memref_slice %arg3[%run_scoped3A_206, %mul3A_205, %dma_start3A_208] : memref<2x5000x64xi32, #tpu.memory_space<hbm>> -> memref<1x40x64xi32, #tpu.memory_space<hbm>>
        %dma_start3A_210 = tpu.memref_squeeze %dma_start3A_209 : memref<1x40x64xi32, #tpu.memory_space<hbm>> -> memref<40x64xi32, #tpu.memory_space<hbm>>
        %dma_start3A_211 = arith.constant 0 : i32
        %dma_start3A_212 = tpu.memref_slice %arg3[%run_scoped3A_206, %mul3A_205, %dma_start3A_211] : memref<2x5000x64xi32, #tpu.memory_space<hbm>> -> memref<1x40x64xi32, #tpu.memory_space<hbm>>
        %dma_start3A_213 = tpu.memref_squeeze %dma_start3A_212 : memref<1x40x64xi32, #tpu.memory_space<hbm>> -> memref<40x64xi32, #tpu.memory_space<hbm>>
        tpu.enqueue_dma source(%dma_start3A_213 : memref<40x64xi32, #tpu.memory_space<hbm>>) target(%arg7 : memref<40x64xi32, #tpu.memory_space<vmem>>) target_semaphore(%run_scoped3A_207 : memref<!tpu.dma_semaphore, #tpu.memory_space<semaphore_mem>>)
        %dma_wait3A = arith.constant 0 : i32
        %dma_wait3A_214 = tpu.memref_slice %arg3[%run_scoped3A_206, %mul3A_205, %dma_wait3A] : memref<2x5000x64xi32, #tpu.memory_space<hbm>> -> memref<1x40x64xi32, #tpu.memory_space<hbm>>
        %dma_wait3A_215 = tpu.memref_squeeze %dma_wait3A_214 : memref<1x40x64xi32, #tpu.memory_space<hbm>> -> memref<40x64xi32, #tpu.memory_space<hbm>>
        %dma_wait3A_216 = arith.constant 0 : i32
        %dma_wait3A_217 = tpu.memref_slice %arg3[%run_scoped3A_206, %mul3A_205, %dma_wait3A_216] : memref<2x5000x64xi32, #tpu.memory_space<hbm>> -> memref<1x40x64xi32, #tpu.memory_space<hbm>>
        %dma_wait3A_218 = tpu.memref_squeeze %dma_wait3A_217 : memref<1x40x64xi32, #tpu.memory_space<hbm>> -> memref<40x64xi32, #tpu.memory_space<hbm>>
        tpu.wait_dma2 semaphore(%run_scoped3A_207 : memref<!tpu.dma_semaphore, #tpu.memory_space<semaphore_mem>>) src(%dma_wait3A_218 : memref<40x64xi32, #tpu.memory_space<hbm>>) dst(%arg7 : memref<40x64xi32, #tpu.memory_space<vmem>>)
        tpu.yield
      }) : () -> ()
    } else {
    }
    %ge3A_64 = arith.constant 125 : i32
    %ge3A_65 = arith.cmpi sge, %add3A_58, %ge3A_64 : i32
    %convert_element_type3A_66 = arith.extui %ge3A_65 : i1 to i32
    %cond3A_67 = arith.constant 0 : i32
    %cond3A_68 = arith.cmpi ne, %convert_element_type3A_66, %cond3A_67 : i32
    scf.if %cond3A_68 {
      %sub3A = arith.constant 125 : i32
      %sub3A_204 = arith.subi %add3A_58, %sub3A : i32
      "tpu.region"() ({
        %run_scoped3A = tpu.sem_alloc : memref<!tpu.dma_semaphore, #tpu.memory_space<semaphore_mem>>
        %dma_start3A_207 = arith.constant 0 : i32
        %dma_start3A_208 = arith.constant 0 : i32
        %dma_start3A_209 = tpu.memref_slice %arg4[%sub3A_204, %dma_start3A_207, %dma_start3A_208] : memref<3x40x64xi32, #tpu.memory_space<hbm>> -> memref<1x40x64xi32, #tpu.memory_space<hbm>>
        %dma_start3A_210 = tpu.memref_squeeze %dma_start3A_209 : memref<1x40x64xi32, #tpu.memory_space<hbm>> -> memref<40x64xi32, #tpu.memory_space<hbm>>
        %dma_start3A_211 = arith.constant 0 : i32
        %dma_start3A_212 = arith.constant 0 : i32
        %dma_start3A_213 = tpu.memref_slice %arg4[%sub3A_204, %dma_start3A_211, %dma_start3A_212] : memref<3x40x64xi32, #tpu.memory_space<hbm>> -> memref<1x40x64xi32, #tpu.memory_space<hbm>>
        %dma_start3A_214 = tpu.memref_squeeze %dma_start3A_213 : memref<1x40x64xi32, #tpu.memory_space<hbm>> -> memref<40x64xi32, #tpu.memory_space<hbm>>
        tpu.enqueue_dma source(%dma_start3A_214 : memref<40x64xi32, #tpu.memory_space<hbm>>) target(%arg6 : memref<40x64xi32, #tpu.memory_space<vmem>>) target_semaphore(%run_scoped3A : memref<!tpu.dma_semaphore, #tpu.memory_space<semaphore_mem>>)
        %dma_wait3A = arith.constant 0 : i32
        %dma_wait3A_215 = arith.constant 0 : i32
        %dma_wait3A_216 = tpu.memref_slice %arg4[%sub3A_204, %dma_wait3A, %dma_wait3A_215] : memref<3x40x64xi32, #tpu.memory_space<hbm>> -> memref<1x40x64xi32, #tpu.memory_space<hbm>>
        %dma_wait3A_217 = tpu.memref_squeeze %dma_wait3A_216 : memref<1x40x64xi32, #tpu.memory_space<hbm>> -> memref<40x64xi32, #tpu.memory_space<hbm>>
        %dma_wait3A_218 = arith.constant 0 : i32
        %dma_wait3A_219 = arith.constant 0 : i32
        %dma_wait3A_220 = tpu.memref_slice %arg4[%sub3A_204, %dma_wait3A_218, %dma_wait3A_219] : memref<3x40x64xi32, #tpu.memory_space<hbm>> -> memref<1x40x64xi32, #tpu.memory_space<hbm>>
        %dma_wait3A_221 = tpu.memref_squeeze %dma_wait3A_220 : memref<1x40x64xi32, #tpu.memory_space<hbm>> -> memref<40x64xi32, #tpu.memory_space<hbm>>
        tpu.wait_dma2 semaphore(%run_scoped3A : memref<!tpu.dma_semaphore, #tpu.memory_space<semaphore_mem>>) src(%dma_wait3A_221 : memref<40x64xi32, #tpu.memory_space<hbm>>) dst(%arg6 : memref<40x64xi32, #tpu.memory_space<vmem>>)
        tpu.yield
      }) : () -> ()
      %sub3A_205 = arith.constant 125 : i32
      %sub3A_206 = arith.subi %add3A_58, %sub3A_205 : i32
      "tpu.region"() ({
        %run_scoped3A = tpu.sem_alloc : memref<!tpu.dma_semaphore, #tpu.memory_space<semaphore_mem>>
        %dma_start3A_207 = arith.constant 0 : i32
        %dma_start3A_208 = arith.constant 0 : i32
        %dma_start3A_209 = tpu.memref_slice %arg4[%sub3A_206, %dma_start3A_207, %dma_start3A_208] : memref<3x40x64xi32, #tpu.memory_space<hbm>> -> memref<1x40x64xi32, #tpu.memory_space<hbm>>
        %dma_start3A_210 = tpu.memref_squeeze %dma_start3A_209 : memref<1x40x64xi32, #tpu.memory_space<hbm>> -> memref<40x64xi32, #tpu.memory_space<hbm>>
        %dma_start3A_211 = arith.constant 0 : i32
        %dma_start3A_212 = arith.constant 0 : i32
        %dma_start3A_213 = tpu.memref_slice %arg4[%sub3A_206, %dma_start3A_211, %dma_start3A_212] : memref<3x40x64xi32, #tpu.memory_space<hbm>> -> memref<1x40x64xi32, #tpu.memory_space<hbm>>
        %dma_start3A_214 = tpu.memref_squeeze %dma_start3A_213 : memref<1x40x64xi32, #tpu.memory_space<hbm>> -> memref<40x64xi32, #tpu.memory_space<hbm>>
        tpu.enqueue_dma source(%dma_start3A_214 : memref<40x64xi32, #tpu.memory_space<hbm>>) target(%arg7 : memref<40x64xi32, #tpu.memory_space<vmem>>) target_semaphore(%run_scoped3A : memref<!tpu.dma_semaphore, #tpu.memory_space<semaphore_mem>>)
        %dma_wait3A = arith.constant 0 : i32
        %dma_wait3A_215 = arith.constant 0 : i32
        %dma_wait3A_216 = tpu.memref_slice %arg4[%sub3A_206, %dma_wait3A, %dma_wait3A_215] : memref<3x40x64xi32, #tpu.memory_space<hbm>> -> memref<1x40x64xi32, #tpu.memory_space<hbm>>
        %dma_wait3A_217 = tpu.memref_squeeze %dma_wait3A_216 : memref<1x40x64xi32, #tpu.memory_space<hbm>> -> memref<40x64xi32, #tpu.memory_space<hbm>>
        %dma_wait3A_218 = arith.constant 0 : i32
        %dma_wait3A_219 = arith.constant 0 : i32
        %dma_wait3A_220 = tpu.memref_slice %arg4[%sub3A_206, %dma_wait3A_218, %dma_wait3A_219] : memref<3x40x64xi32, #tpu.memory_space<hbm>> -> memref<1x40x64xi32, #tpu.memory_space<hbm>>
        %dma_wait3A_221 = tpu.memref_squeeze %dma_wait3A_220 : memref<1x40x64xi32, #tpu.memory_space<hbm>> -> memref<40x64xi32, #tpu.memory_space<hbm>>
        tpu.wait_dma2 semaphore(%run_scoped3A : memref<!tpu.dma_semaphore, #tpu.memory_space<semaphore_mem>>) src(%dma_wait3A_221 : memref<40x64xi32, #tpu.memory_space<hbm>>) dst(%arg7 : memref<40x64xi32, #tpu.memory_space<vmem>>)
        tpu.yield
      }) : () -> ()
    } else {
    }
    %dma_start3A_69 = arith.constant 0 : i32
    %dma_start3A_70 = arith.constant 0 : i32
    %dma_start3A_71 = tpu.memref_slice %arg6[%dma_start3A_69, %dma_start3A_70] : memref<40x64xi32, #tpu.memory_space<vmem>> -> memref<1x64xi32, #tpu.memory_space<vmem>>
    %dma_start3A_72 = tpu.memref_squeeze %dma_start3A_71 : memref<1x64xi32, #tpu.memory_space<vmem>> -> memref<64xi32, #tpu.memory_space<vmem>>
    %dma_start3A_73 = arith.constant 0 : i32
    %dma_start3A_74 = arith.constant 0 : i32
    %dma_start3A_75 = tpu.memref_slice %arg2[%dma_start3A_73, %dma_start3A_74] : memref<10240x128xf32, #tpu.memory_space<hbm>> -> memref<10240x128xf32, #tpu.memory_space<hbm>>
    tpu.enqueue_indirect_dma source(%dma_start3A_75 : memref<10240x128xf32, #tpu.memory_space<hbm>>) target(%arg8 : memref<64x128xf32, #tpu.memory_space<vmem>>) offsets(%dma_start3A_72 : memref<64xi32, #tpu.memory_space<vmem>>) semaphore(%arg13 : memref<!tpu.dma_semaphore, #tpu.memory_space<semaphore_mem>>)
    %dma_start3A_76 = arith.constant 1 : i32
    %dma_start3A_77 = arith.constant 0 : i32
    %dma_start3A_78 = tpu.memref_slice %arg6[%dma_start3A_76, %dma_start3A_77] : memref<40x64xi32, #tpu.memory_space<vmem>> -> memref<1x64xi32, #tpu.memory_space<vmem>>
    %dma_start3A_79 = tpu.memref_squeeze %dma_start3A_78 : memref<1x64xi32, #tpu.memory_space<vmem>> -> memref<64xi32, #tpu.memory_space<vmem>>
    %dma_start3A_80 = arith.constant 0 : i32
    %dma_start3A_81 = arith.constant 0 : i32
    %dma_start3A_82 = tpu.memref_slice %arg2[%dma_start3A_80, %dma_start3A_81] : memref<10240x128xf32, #tpu.memory_space<hbm>> -> memref<10240x128xf32, #tpu.memory_space<hbm>>
    tpu.enqueue_indirect_dma source(%dma_start3A_82 : memref<10240x128xf32, #tpu.memory_space<hbm>>) target(%arg9 : memref<64x128xf32, #tpu.memory_space<vmem>>) offsets(%dma_start3A_79 : memref<64xi32, #tpu.memory_space<vmem>>) semaphore(%arg14 : memref<!tpu.dma_semaphore, #tpu.memory_space<semaphore_mem>>)
    %dma_start3A_83 = arith.constant 2 : i32
    %dma_start3A_84 = arith.constant 0 : i32
    %dma_start3A_85 = tpu.memref_slice %arg6[%dma_start3A_83, %dma_start3A_84] : memref<40x64xi32, #tpu.memory_space<vmem>> -> memref<1x64xi32, #tpu.memory_space<vmem>>
    %dma_start3A_86 = tpu.memref_squeeze %dma_start3A_85 : memref<1x64xi32, #tpu.memory_space<vmem>> -> memref<64xi32, #tpu.memory_space<vmem>>
    %dma_start3A_87 = arith.constant 0 : i32
    %dma_start3A_88 = arith.constant 0 : i32
    %dma_start3A_89 = tpu.memref_slice %arg2[%dma_start3A_87, %dma_start3A_88] : memref<10240x128xf32, #tpu.memory_space<hbm>> -> memref<10240x128xf32, #tpu.memory_space<hbm>>
    tpu.enqueue_indirect_dma source(%dma_start3A_89 : memref<10240x128xf32, #tpu.memory_space<hbm>>) target(%arg10 : memref<64x128xf32, #tpu.memory_space<vmem>>) offsets(%dma_start3A_86 : memref<64xi32, #tpu.memory_space<vmem>>) semaphore(%arg15 : memref<!tpu.dma_semaphore, #tpu.memory_space<semaphore_mem>>)
    %dma_start3A_90 = arith.constant 3 : i32
    %dma_start3A_91 = arith.constant 0 : i32
    %dma_start3A_92 = tpu.memref_slice %arg6[%dma_start3A_90, %dma_start3A_91] : memref<40x64xi32, #tpu.memory_space<vmem>> -> memref<1x64xi32, #tpu.memory_space<vmem>>
    %dma_start3A_93 = tpu.memref_squeeze %dma_start3A_92 : memref<1x64xi32, #tpu.memory_space<vmem>> -> memref<64xi32, #tpu.memory_space<vmem>>
    %dma_start3A_94 = arith.constant 0 : i32
    %dma_start3A_95 = arith.constant 0 : i32
    %dma_start3A_96 = tpu.memref_slice %arg2[%dma_start3A_94, %dma_start3A_95] : memref<10240x128xf32, #tpu.memory_space<hbm>> -> memref<10240x128xf32, #tpu.memory_space<hbm>>
    tpu.enqueue_indirect_dma source(%dma_start3A_96 : memref<10240x128xf32, #tpu.memory_space<hbm>>) target(%arg11 : memref<64x128xf32, #tpu.memory_space<vmem>>) offsets(%dma_start3A_93 : memref<64xi32, #tpu.memory_space<vmem>>) semaphore(%arg16 : memref<!tpu.dma_semaphore, #tpu.memory_space<semaphore_mem>>)
    %scan3A_97 = arith.constant 0 : i32
    %scan3A_98 = arith.constant 0 : i32
    %scan3A_99 = arith.constant 10 : i32
    %scan3A_100 = arith.addi %scan3A_98, %scan3A_99 : i32
    %scan3A_101 = arith.constant 1 : i32
    scf.for %scan3A_204 = %scan3A_98 to %scan3A_100 step %scan3A_101  : i32 {
      %mul3A_205 = arith.constant 4 : i32
      %mul3A_206 = arith.muli %scan3A_204, %mul3A_205 : i32
      %add3A_207 = arith.constant 0 : i32
      %add3A_208 = arith.addi %mul3A_206, %add3A_207 : i32
      %dma_wait3A = arith.constant 0 : i32
      %dma_wait3A_209 = tpu.memref_slice %arg6[%add3A_208, %dma_wait3A] : memref<40x64xi32, #tpu.memory_space<vmem>> -> memref<1x64xi32, #tpu.memory_space<vmem>>
      %dma_wait3A_210 = tpu.memref_squeeze %dma_wait3A_209 : memref<1x64xi32, #tpu.memory_space<vmem>> -> memref<64xi32, #tpu.memory_space<vmem>>
      %dma_wait3A_211 = arith.constant 0 : i32
      %dma_wait3A_212 = arith.constant 0 : i32
      %dma_wait3A_213 = tpu.memref_slice %arg2[%dma_wait3A_211, %dma_wait3A_212] : memref<10240x128xf32, #tpu.memory_space<hbm>> -> memref<10240x128xf32, #tpu.memory_space<hbm>>
      tpu.wait_indirect_dma semaphore(%arg13 : memref<!tpu.dma_semaphore, #tpu.memory_space<semaphore_mem>>) src(%dma_wait3A_213 : memref<10240x128xf32, #tpu.memory_space<hbm>>) dst(%arg8 : memref<64x128xf32, #tpu.memory_space<vmem>>)
      "tpu.region"() ({
        %run_scoped3A = tpu.sem_alloc : memref<!tpu.dma_semaphore, #tpu.memory_space<semaphore_mem>>
        %dma_start3A_272 = arith.constant 0 : i32
        %dma_start3A_273 = tpu.memref_slice %arg7[%add3A_208, %dma_start3A_272] : memref<40x64xi32, #tpu.memory_space<vmem>> -> memref<1x64xi32, #tpu.memory_space<vmem>>
        %dma_start3A_274 = tpu.memref_squeeze %dma_start3A_273 : memref<1x64xi32, #tpu.memory_space<vmem>> -> memref<64xi32, #tpu.memory_space<vmem>>
        %dma_start3A_275 = arith.constant 0 : i32
        %dma_start3A_276 = arith.constant 0 : i32
        %dma_start3A_277 = tpu.memref_slice %arg12[%dma_start3A_275, %dma_start3A_276] : memref<10240x128xf32, #tpu.memory_space<vmem_shared>> -> memref<10240x128xf32, #tpu.memory_space<vmem_shared>>
        tpu.enqueue_indirect_dma source(%arg8 : memref<64x128xf32, #tpu.memory_space<vmem>>) target(%dma_start3A_277 : memref<10240x128xf32, #tpu.memory_space<vmem_shared>>) offsets(%dma_start3A_274 : memref<64xi32, #tpu.memory_space<vmem>>) semaphore(%run_scoped3A : memref<!tpu.dma_semaphore, #tpu.memory_space<semaphore_mem>>) {add = true}
        %dma_wait3A_278 = arith.constant 0 : i32
        %dma_wait3A_279 = tpu.memref_slice %arg7[%add3A_208, %dma_wait3A_278] : memref<40x64xi32, #tpu.memory_space<vmem>> -> memref<1x64xi32, #tpu.memory_space<vmem>>
        %dma_wait3A_280 = tpu.memref_squeeze %dma_wait3A_279 : memref<1x64xi32, #tpu.memory_space<vmem>> -> memref<64xi32, #tpu.memory_space<vmem>>
        %dma_wait3A_281 = arith.constant 0 : i32
        %dma_wait3A_282 = arith.constant 0 : i32
        %dma_wait3A_283 = tpu.memref_slice %arg12[%dma_wait3A_281, %dma_wait3A_282] : memref<10240x128xf32, #tpu.memory_space<vmem_shared>> -> memref<10240x128xf32, #tpu.memory_space<vmem_shared>>
        tpu.wait_indirect_dma semaphore(%run_scoped3A : memref<!tpu.dma_semaphore, #tpu.memory_space<semaphore_mem>>) src(%arg8 : memref<64x128xf32, #tpu.memory_space<vmem>>) dst(%dma_wait3A_283 : memref<10240x128xf32, #tpu.memory_space<vmem_shared>>)
        tpu.yield
      }) : () -> ()
      %add3A_214 = arith.constant 4 : i32
      %add3A_215 = arith.addi %add3A_208, %add3A_214 : i32
      %lt3A_216 = arith.constant 40 : i32
      %lt3A_217 = arith.cmpi slt, %add3A_215, %lt3A_216 : i32
      %convert_element_type3A_218 = arith.extui %lt3A_217 : i1 to i32
      %cond3A_219 = arith.constant 0 : i32
      %cond3A_220 = arith.cmpi ne, %convert_element_type3A_218, %cond3A_219 : i32
      scf.if %cond3A_220 {
        %add3A_272 = arith.constant 4 : i32
        %add3A_273 = arith.addi %add3A_208, %add3A_272 : i32
        %dma_start3A_274 = arith.constant 0 : i32
        %dma_start3A_275 = tpu.memref_slice %arg6[%add3A_273, %dma_start3A_274] : memref<40x64xi32, #tpu.memory_space<vmem>> -> memref<1x64xi32, #tpu.memory_space<vmem>>
        %dma_start3A_276 = tpu.memref_squeeze %dma_start3A_275 : memref<1x64xi32, #tpu.memory_space<vmem>> -> memref<64xi32, #tpu.memory_space<vmem>>
        %dma_start3A_277 = arith.constant 0 : i32
        %dma_start3A_278 = arith.constant 0 : i32
        %dma_start3A_279 = tpu.memref_slice %arg2[%dma_start3A_277, %dma_start3A_278] : memref<10240x128xf32, #tpu.memory_space<hbm>> -> memref<10240x128xf32, #tpu.memory_space<hbm>>
        tpu.enqueue_indirect_dma source(%dma_start3A_279 : memref<10240x128xf32, #tpu.memory_space<hbm>>) target(%arg8 : memref<64x128xf32, #tpu.memory_space<vmem>>) offsets(%dma_start3A_276 : memref<64xi32, #tpu.memory_space<vmem>>) semaphore(%arg13 : memref<!tpu.dma_semaphore, #tpu.memory_space<semaphore_mem>>)
      } else {
      }
      %mul3A_221 = arith.constant 4 : i32
      %mul3A_222 = arith.muli %scan3A_204, %mul3A_221 : i32
      %add3A_223 = arith.constant 1 : i32
      %add3A_224 = arith.addi %mul3A_222, %add3A_223 : i32
      %dma_wait3A_225 = arith.constant 0 : i32
      %dma_wait3A_226 = tpu.memref_slice %arg6[%add3A_224, %dma_wait3A_225] : memref<40x64xi32, #tpu.memory_space<vmem>> -> memref<1x64xi32, #tpu.memory_space<vmem>>
      %dma_wait3A_227 = tpu.memref_squeeze %dma_wait3A_226 : memref<1x64xi32, #tpu.memory_space<vmem>> -> memref<64xi32, #tpu.memory_space<vmem>>
      %dma_wait3A_228 = arith.constant 0 : i32
      %dma_wait3A_229 = arith.constant 0 : i32
      %dma_wait3A_230 = tpu.memref_slice %arg2[%dma_wait3A_228, %dma_wait3A_229] : memref<10240x128xf32, #tpu.memory_space<hbm>> -> memref<10240x128xf32, #tpu.memory_space<hbm>>
      tpu.wait_indirect_dma semaphore(%arg14 : memref<!tpu.dma_semaphore, #tpu.memory_space<semaphore_mem>>) src(%dma_wait3A_230 : memref<10240x128xf32, #tpu.memory_space<hbm>>) dst(%arg9 : memref<64x128xf32, #tpu.memory_space<vmem>>)
      "tpu.region"() ({
        %run_scoped3A = tpu.sem_alloc : memref<!tpu.dma_semaphore, #tpu.memory_space<semaphore_mem>>
        %dma_start3A_272 = arith.constant 0 : i32
        %dma_start3A_273 = tpu.memref_slice %arg7[%add3A_224, %dma_start3A_272] : memref<40x64xi32, #tpu.memory_space<vmem>> -> memref<1x64xi32, #tpu.memory_space<vmem>>
        %dma_start3A_274 = tpu.memref_squeeze %dma_start3A_273 : memref<1x64xi32, #tpu.memory_space<vmem>> -> memref<64xi32, #tpu.memory_space<vmem>>
        %dma_start3A_275 = arith.constant 0 : i32
        %dma_start3A_276 = arith.constant 0 : i32
        %dma_start3A_277 = tpu.memref_slice %arg12[%dma_start3A_275, %dma_start3A_276] : memref<10240x128xf32, #tpu.memory_space<vmem_shared>> -> memref<10240x128xf32, #tpu.memory_space<vmem_shared>>
        tpu.enqueue_indirect_dma source(%arg9 : memref<64x128xf32, #tpu.memory_space<vmem>>) target(%dma_start3A_277 : memref<10240x128xf32, #tpu.memory_space<vmem_shared>>) offsets(%dma_start3A_274 : memref<64xi32, #tpu.memory_space<vmem>>) semaphore(%run_scoped3A : memref<!tpu.dma_semaphore, #tpu.memory_space<semaphore_mem>>) {add = true}
        %dma_wait3A_278 = arith.constant 0 : i32
        %dma_wait3A_279 = tpu.memref_slice %arg7[%add3A_224, %dma_wait3A_278] : memref<40x64xi32, #tpu.memory_space<vmem>> -> memref<1x64xi32, #tpu.memory_space<vmem>>
        %dma_wait3A_280 = tpu.memref_squeeze %dma_wait3A_279 : memref<1x64xi32, #tpu.memory_space<vmem>> -> memref<64xi32, #tpu.memory_space<vmem>>
        %dma_wait3A_281 = arith.constant 0 : i32
        %dma_wait3A_282 = arith.constant 0 : i32
        %dma_wait3A_283 = tpu.memref_slice %arg12[%dma_wait3A_281, %dma_wait3A_282] : memref<10240x128xf32, #tpu.memory_space<vmem_shared>> -> memref<10240x128xf32, #tpu.memory_space<vmem_shared>>
        tpu.wait_indirect_dma semaphore(%run_scoped3A : memref<!tpu.dma_semaphore, #tpu.memory_space<semaphore_mem>>) src(%arg9 : memref<64x128xf32, #tpu.memory_space<vmem>>) dst(%dma_wait3A_283 : memref<10240x128xf32, #tpu.memory_space<vmem_shared>>)
        tpu.yield
      }) : () -> ()
      %add3A_231 = arith.constant 4 : i32
      %add3A_232 = arith.addi %add3A_224, %add3A_231 : i32
      %lt3A_233 = arith.constant 40 : i32
      %lt3A_234 = arith.cmpi slt, %add3A_232, %lt3A_233 : i32
      %convert_element_type3A_235 = arith.extui %lt3A_234 : i1 to i32
      %cond3A_236 = arith.constant 0 : i32
      %cond3A_237 = arith.cmpi ne, %convert_element_type3A_235, %cond3A_236 : i32
      scf.if %cond3A_237 {
        %add3A_272 = arith.constant 4 : i32
        %add3A_273 = arith.addi %add3A_224, %add3A_272 : i32
        %dma_start3A_274 = arith.constant 0 : i32
        %dma_start3A_275 = tpu.memref_slice %arg6[%add3A_273, %dma_start3A_274] : memref<40x64xi32, #tpu.memory_space<vmem>> -> memref<1x64xi32, #tpu.memory_space<vmem>>
        %dma_start3A_276 = tpu.memref_squeeze %dma_start3A_275 : memref<1x64xi32, #tpu.memory_space<vmem>> -> memref<64xi32, #tpu.memory_space<vmem>>
        %dma_start3A_277 = arith.constant 0 : i32
        %dma_start3A_278 = arith.constant 0 : i32
        %dma_start3A_279 = tpu.memref_slice %arg2[%dma_start3A_277, %dma_start3A_278] : memref<10240x128xf32, #tpu.memory_space<hbm>> -> memref<10240x128xf32, #tpu.memory_space<hbm>>
        tpu.enqueue_indirect_dma source(%dma_start3A_279 : memref<10240x128xf32, #tpu.memory_space<hbm>>) target(%arg9 : memref<64x128xf32, #tpu.memory_space<vmem>>) offsets(%dma_start3A_276 : memref<64xi32, #tpu.memory_space<vmem>>) semaphore(%arg14 : memref<!tpu.dma_semaphore, #tpu.memory_space<semaphore_mem>>)
      } else {
      }
      %mul3A_238 = arith.constant 4 : i32
      %mul3A_239 = arith.muli %scan3A_204, %mul3A_238 : i32
      %add3A_240 = arith.constant 2 : i32
      %add3A_241 = arith.addi %mul3A_239, %add3A_240 : i32
      %dma_wait3A_242 = arith.constant 0 : i32
      %dma_wait3A_243 = tpu.memref_slice %arg6[%add3A_241, %dma_wait3A_242] : memref<40x64xi32, #tpu.memory_space<vmem>> -> memref<1x64xi32, #tpu.memory_space<vmem>>
      %dma_wait3A_244 = tpu.memref_squeeze %dma_wait3A_243 : memref<1x64xi32, #tpu.memory_space<vmem>> -> memref<64xi32, #tpu.memory_space<vmem>>
      %dma_wait3A_245 = arith.constant 0 : i32
      %dma_wait3A_246 = arith.constant 0 : i32
      %dma_wait3A_247 = tpu.memref_slice %arg2[%dma_wait3A_245, %dma_wait3A_246] : memref<10240x128xf32, #tpu.memory_space<hbm>> -> memref<10240x128xf32, #tpu.memory_space<hbm>>
      tpu.wait_indirect_dma semaphore(%arg15 : memref<!tpu.dma_semaphore, #tpu.memory_space<semaphore_mem>>) src(%dma_wait3A_247 : memref<10240x128xf32, #tpu.memory_space<hbm>>) dst(%arg10 : memref<64x128xf32, #tpu.memory_space<vmem>>)
      "tpu.region"() ({
        %run_scoped3A = tpu.sem_alloc : memref<!tpu.dma_semaphore, #tpu.memory_space<semaphore_mem>>
        %dma_start3A_272 = arith.constant 0 : i32
        %dma_start3A_273 = tpu.memref_slice %arg7[%add3A_241, %dma_start3A_272] : memref<40x64xi32, #tpu.memory_space<vmem>> -> memref<1x64xi32, #tpu.memory_space<vmem>>
        %dma_start3A_274 = tpu.memref_squeeze %dma_start3A_273 : memref<1x64xi32, #tpu.memory_space<vmem>> -> memref<64xi32, #tpu.memory_space<vmem>>
        %dma_start3A_275 = arith.constant 0 : i32
        %dma_start3A_276 = arith.constant 0 : i32
        %dma_start3A_277 = tpu.memref_slice %arg12[%dma_start3A_275, %dma_start3A_276] : memref<10240x128xf32, #tpu.memory_space<vmem_shared>> -> memref<10240x128xf32, #tpu.memory_space<vmem_shared>>
        tpu.enqueue_indirect_dma source(%arg10 : memref<64x128xf32, #tpu.memory_space<vmem>>) target(%dma_start3A_277 : memref<10240x128xf32, #tpu.memory_space<vmem_shared>>) offsets(%dma_start3A_274 : memref<64xi32, #tpu.memory_space<vmem>>) semaphore(%run_scoped3A : memref<!tpu.dma_semaphore, #tpu.memory_space<semaphore_mem>>) {add = true}
        %dma_wait3A_278 = arith.constant 0 : i32
        %dma_wait3A_279 = tpu.memref_slice %arg7[%add3A_241, %dma_wait3A_278] : memref<40x64xi32, #tpu.memory_space<vmem>> -> memref<1x64xi32, #tpu.memory_space<vmem>>
        %dma_wait3A_280 = tpu.memref_squeeze %dma_wait3A_279 : memref<1x64xi32, #tpu.memory_space<vmem>> -> memref<64xi32, #tpu.memory_space<vmem>>
        %dma_wait3A_281 = arith.constant 0 : i32
        %dma_wait3A_282 = arith.constant 0 : i32
        %dma_wait3A_283 = tpu.memref_slice %arg12[%dma_wait3A_281, %dma_wait3A_282] : memref<10240x128xf32, #tpu.memory_space<vmem_shared>> -> memref<10240x128xf32, #tpu.memory_space<vmem_shared>>
        tpu.wait_indirect_dma semaphore(%run_scoped3A : memref<!tpu.dma_semaphore, #tpu.memory_space<semaphore_mem>>) src(%arg10 : memref<64x128xf32, #tpu.memory_space<vmem>>) dst(%dma_wait3A_283 : memref<10240x128xf32, #tpu.memory_space<vmem_shared>>)
        tpu.yield
      }) : () -> ()
      %add3A_248 = arith.constant 4 : i32
      %add3A_249 = arith.addi %add3A_241, %add3A_248 : i32
      %lt3A_250 = arith.constant 40 : i32
      %lt3A_251 = arith.cmpi slt, %add3A_249, %lt3A_250 : i32
      %convert_element_type3A_252 = arith.extui %lt3A_251 : i1 to i32
      %cond3A_253 = arith.constant 0 : i32
      %cond3A_254 = arith.cmpi ne, %convert_element_type3A_252, %cond3A_253 : i32
      scf.if %cond3A_254 {
        %add3A_272 = arith.constant 4 : i32
        %add3A_273 = arith.addi %add3A_241, %add3A_272 : i32
        %dma_start3A_274 = arith.constant 0 : i32
        %dma_start3A_275 = tpu.memref_slice %arg6[%add3A_273, %dma_start3A_274] : memref<40x64xi32, #tpu.memory_space<vmem>> -> memref<1x64xi32, #tpu.memory_space<vmem>>
        %dma_start3A_276 = tpu.memref_squeeze %dma_start3A_275 : memref<1x64xi32, #tpu.memory_space<vmem>> -> memref<64xi32, #tpu.memory_space<vmem>>
        %dma_start3A_277 = arith.constant 0 : i32
        %dma_start3A_278 = arith.constant 0 : i32
        %dma_start3A_279 = tpu.memref_slice %arg2[%dma_start3A_277, %dma_start3A_278] : memref<10240x128xf32, #tpu.memory_space<hbm>> -> memref<10240x128xf32, #tpu.memory_space<hbm>>
        tpu.enqueue_indirect_dma source(%dma_start3A_279 : memref<10240x128xf32, #tpu.memory_space<hbm>>) target(%arg10 : memref<64x128xf32, #tpu.memory_space<vmem>>) offsets(%dma_start3A_276 : memref<64xi32, #tpu.memory_space<vmem>>) semaphore(%arg15 : memref<!tpu.dma_semaphore, #tpu.memory_space<semaphore_mem>>)
      } else {
      }
      %mul3A_255 = arith.constant 4 : i32
      %mul3A_256 = arith.muli %scan3A_204, %mul3A_255 : i32
      %add3A_257 = arith.constant 3 : i32
      %add3A_258 = arith.addi %mul3A_256, %add3A_257 : i32
      %dma_wait3A_259 = arith.constant 0 : i32
      %dma_wait3A_260 = tpu.memref_slice %arg6[%add3A_258, %dma_wait3A_259] : memref<40x64xi32, #tpu.memory_space<vmem>> -> memref<1x64xi32, #tpu.memory_space<vmem>>
      %dma_wait3A_261 = tpu.memref_squeeze %dma_wait3A_260 : memref<1x64xi32, #tpu.memory_space<vmem>> -> memref<64xi32, #tpu.memory_space<vmem>>
      %dma_wait3A_262 = arith.constant 0 : i32
      %dma_wait3A_263 = arith.constant 0 : i32
      %dma_wait3A_264 = tpu.memref_slice %arg2[%dma_wait3A_262, %dma_wait3A_263] : memref<10240x128xf32, #tpu.memory_space<hbm>> -> memref<10240x128xf32, #tpu.memory_space<hbm>>
      tpu.wait_indirect_dma semaphore(%arg16 : memref<!tpu.dma_semaphore, #tpu.memory_space<semaphore_mem>>) src(%dma_wait3A_264 : memref<10240x128xf32, #tpu.memory_space<hbm>>) dst(%arg11 : memref<64x128xf32, #tpu.memory_space<vmem>>)
      "tpu.region"() ({
        %run_scoped3A = tpu.sem_alloc : memref<!tpu.dma_semaphore, #tpu.memory_space<semaphore_mem>>
        %dma_start3A_272 = arith.constant 0 : i32
        %dma_start3A_273 = tpu.memref_slice %arg7[%add3A_258, %dma_start3A_272] : memref<40x64xi32, #tpu.memory_space<vmem>> -> memref<1x64xi32, #tpu.memory_space<vmem>>
        %dma_start3A_274 = tpu.memref_squeeze %dma_start3A_273 : memref<1x64xi32, #tpu.memory_space<vmem>> -> memref<64xi32, #tpu.memory_space<vmem>>
        %dma_start3A_275 = arith.constant 0 : i32
        %dma_start3A_276 = arith.constant 0 : i32
        %dma_start3A_277 = tpu.memref_slice %arg12[%dma_start3A_275, %dma_start3A_276] : memref<10240x128xf32, #tpu.memory_space<vmem_shared>> -> memref<10240x128xf32, #tpu.memory_space<vmem_shared>>
        tpu.enqueue_indirect_dma source(%arg11 : memref<64x128xf32, #tpu.memory_space<vmem>>) target(%dma_start3A_277 : memref<10240x128xf32, #tpu.memory_space<vmem_shared>>) offsets(%dma_start3A_274 : memref<64xi32, #tpu.memory_space<vmem>>) semaphore(%run_scoped3A : memref<!tpu.dma_semaphore, #tpu.memory_space<semaphore_mem>>) {add = true}
        %dma_wait3A_278 = arith.constant 0 : i32
        %dma_wait3A_279 = tpu.memref_slice %arg7[%add3A_258, %dma_wait3A_278] : memref<40x64xi32, #tpu.memory_space<vmem>> -> memref<1x64xi32, #tpu.memory_space<vmem>>
        %dma_wait3A_280 = tpu.memref_squeeze %dma_wait3A_279 : memref<1x64xi32, #tpu.memory_space<vmem>> -> memref<64xi32, #tpu.memory_space<vmem>>
        %dma_wait3A_281 = arith.constant 0 : i32
        %dma_wait3A_282 = arith.constant 0 : i32
        %dma_wait3A_283 = tpu.memref_slice %arg12[%dma_wait3A_281, %dma_wait3A_282] : memref<10240x128xf32, #tpu.memory_space<vmem_shared>> -> memref<10240x128xf32, #tpu.memory_space<vmem_shared>>
        tpu.wait_indirect_dma semaphore(%run_scoped3A : memref<!tpu.dma_semaphore, #tpu.memory_space<semaphore_mem>>) src(%arg11 : memref<64x128xf32, #tpu.memory_space<vmem>>) dst(%dma_wait3A_283 : memref<10240x128xf32, #tpu.memory_space<vmem_shared>>)
        tpu.yield
      }) : () -> ()
      %add3A_265 = arith.constant 4 : i32
      %add3A_266 = arith.addi %add3A_258, %add3A_265 : i32
      %lt3A_267 = arith.constant 40 : i32
      %lt3A_268 = arith.cmpi slt, %add3A_266, %lt3A_267 : i32
      %convert_element_type3A_269 = arith.extui %lt3A_268 : i1 to i32
      %cond3A_270 = arith.constant 0 : i32
      %cond3A_271 = arith.cmpi ne, %convert_element_type3A_269, %cond3A_270 : i32
      scf.if %cond3A_271 {
        %add3A_272 = arith.constant 4 : i32
        %add3A_273 = arith.addi %add3A_258, %add3A_272 : i32
        %dma_start3A_274 = arith.constant 0 : i32
        %dma_start3A_275 = tpu.memref_slice %arg6[%add3A_273, %dma_start3A_274] : memref<40x64xi32, #tpu.memory_space<vmem>> -> memref<1x64xi32, #tpu.memory_space<vmem>>
        %dma_start3A_276 = tpu.memref_squeeze %dma_start3A_275 : memref<1x64xi32, #tpu.memory_space<vmem>> -> memref<64xi32, #tpu.memory_space<vmem>>
        %dma_start3A_277 = arith.constant 0 : i32
        %dma_start3A_278 = arith.constant 0 : i32
        %dma_start3A_279 = tpu.memref_slice %arg2[%dma_start3A_277, %dma_start3A_278] : memref<10240x128xf32, #tpu.memory_space<hbm>> -> memref<10240x128xf32, #tpu.memory_space<hbm>>
        tpu.enqueue_indirect_dma source(%dma_start3A_279 : memref<10240x128xf32, #tpu.memory_space<hbm>>) target(%arg11 : memref<64x128xf32, #tpu.memory_space<vmem>>) offsets(%dma_start3A_276 : memref<64xi32, #tpu.memory_space<vmem>>) semaphore(%arg16 : memref<!tpu.dma_semaphore, #tpu.memory_space<semaphore_mem>>)
      } else {
      }
    }
    %scan3A_102 = arith.constant 10 : i32
    %mul3A_103 = arith.constant 4 : i32
    %mul3A_104 = arith.muli %add3A, %mul3A_103 : i32
    %add3A_105 = arith.constant 2 : i32
    %add3A_106 = arith.addi %mul3A_104, %add3A_105 : i32
    %lt3A_107 = arith.constant 125 : i32
    %lt3A_108 = arith.cmpi slt, %add3A_106, %lt3A_107 : i32
    %convert_element_type3A_109 = arith.extui %lt3A_108 : i1 to i32
    %cond3A_110 = arith.constant 0 : i32
    %cond3A_111 = arith.cmpi ne, %convert_element_type3A_109, %cond3A_110 : i32
    scf.if %cond3A_111 {
      %mul3A_204 = arith.constant 40 : i32
      %mul3A_205 = arith.muli %add3A_106, %mul3A_204 : i32
      %run_scoped3A = arith.constant 0 : i32
      "tpu.region"() ({
        %run_scoped3A_207 = tpu.sem_alloc : memref<!tpu.dma_semaphore, #tpu.memory_space<semaphore_mem>>
        %dma_start3A_208 = arith.constant 0 : i32
        %dma_start3A_209 = tpu.memref_slice %arg3[%run_scoped3A, %mul3A_205, %dma_start3A_208] : memref<2x5000x64xi32, #tpu.memory_space<hbm>> -> memref<1x40x64xi32, #tpu.memory_space<hbm>>
        %dma_start3A_210 = tpu.memref_squeeze %dma_start3A_209 : memref<1x40x64xi32, #tpu.memory_space<hbm>> -> memref<40x64xi32, #tpu.memory_space<hbm>>
        %dma_start3A_211 = arith.constant 0 : i32
        %dma_start3A_212 = tpu.memref_slice %arg3[%run_scoped3A, %mul3A_205, %dma_start3A_211] : memref<2x5000x64xi32, #tpu.memory_space<hbm>> -> memref<1x40x64xi32, #tpu.memory_space<hbm>>
        %dma_start3A_213 = tpu.memref_squeeze %dma_start3A_212 : memref<1x40x64xi32, #tpu.memory_space<hbm>> -> memref<40x64xi32, #tpu.memory_space<hbm>>
        tpu.enqueue_dma source(%dma_start3A_213 : memref<40x64xi32, #tpu.memory_space<hbm>>) target(%arg6 : memref<40x64xi32, #tpu.memory_space<vmem>>) target_semaphore(%run_scoped3A_207 : memref<!tpu.dma_semaphore, #tpu.memory_space<semaphore_mem>>)
        %dma_wait3A = arith.constant 0 : i32
        %dma_wait3A_214 = tpu.memref_slice %arg3[%run_scoped3A, %mul3A_205, %dma_wait3A] : memref<2x5000x64xi32, #tpu.memory_space<hbm>> -> memref<1x40x64xi32, #tpu.memory_space<hbm>>
        %dma_wait3A_215 = tpu.memref_squeeze %dma_wait3A_214 : memref<1x40x64xi32, #tpu.memory_space<hbm>> -> memref<40x64xi32, #tpu.memory_space<hbm>>
        %dma_wait3A_216 = arith.constant 0 : i32
        %dma_wait3A_217 = tpu.memref_slice %arg3[%run_scoped3A, %mul3A_205, %dma_wait3A_216] : memref<2x5000x64xi32, #tpu.memory_space<hbm>> -> memref<1x40x64xi32, #tpu.memory_space<hbm>>
        %dma_wait3A_218 = tpu.memref_squeeze %dma_wait3A_217 : memref<1x40x64xi32, #tpu.memory_space<hbm>> -> memref<40x64xi32, #tpu.memory_space<hbm>>
        tpu.wait_dma2 semaphore(%run_scoped3A_207 : memref<!tpu.dma_semaphore, #tpu.memory_space<semaphore_mem>>) src(%dma_wait3A_218 : memref<40x64xi32, #tpu.memory_space<hbm>>) dst(%arg6 : memref<40x64xi32, #tpu.memory_space<vmem>>)
        tpu.yield
      }) : () -> ()
      %run_scoped3A_206 = arith.constant 1 : i32
      "tpu.region"() ({
        %run_scoped3A_207 = tpu.sem_alloc : memref<!tpu.dma_semaphore, #tpu.memory_space<semaphore_mem>>
        %dma_start3A_208 = arith.constant 0 : i32
        %dma_start3A_209 = tpu.memref_slice %arg3[%run_scoped3A_206, %mul3A_205, %dma_start3A_208] : memref<2x5000x64xi32, #tpu.memory_space<hbm>> -> memref<1x40x64xi32, #tpu.memory_space<hbm>>
        %dma_start3A_210 = tpu.memref_squeeze %dma_start3A_209 : memref<1x40x64xi32, #tpu.memory_space<hbm>> -> memref<40x64xi32, #tpu.memory_space<hbm>>
        %dma_start3A_211 = arith.constant 0 : i32
        %dma_start3A_212 = tpu.memref_slice %arg3[%run_scoped3A_206, %mul3A_205, %dma_start3A_211] : memref<2x5000x64xi32, #tpu.memory_space<hbm>> -> memref<1x40x64xi32, #tpu.memory_space<hbm>>
        %dma_start3A_213 = tpu.memref_squeeze %dma_start3A_212 : memref<1x40x64xi32, #tpu.memory_space<hbm>> -> memref<40x64xi32, #tpu.memory_space<hbm>>
        tpu.enqueue_dma source(%dma_start3A_213 : memref<40x64xi32, #tpu.memory_space<hbm>>) target(%arg7 : memref<40x64xi32, #tpu.memory_space<vmem>>) target_semaphore(%run_scoped3A_207 : memref<!tpu.dma_semaphore, #tpu.memory_space<semaphore_mem>>)
        %dma_wait3A = arith.constant 0 : i32
        %dma_wait3A_214 = tpu.memref_slice %arg3[%run_scoped3A_206, %mul3A_205, %dma_wait3A] : memref<2x5000x64xi32, #tpu.memory_space<hbm>> -> memref<1x40x64xi32, #tpu.memory_space<hbm>>
        %dma_wait3A_215 = tpu.memref_squeeze %dma_wait3A_214 : memref<1x40x64xi32, #tpu.memory_space<hbm>> -> memref<40x64xi32, #tpu.memory_space<hbm>>
        %dma_wait3A_216 = arith.constant 0 : i32
        %dma_wait3A_217 = tpu.memref_slice %arg3[%run_scoped3A_206, %mul3A_205, %dma_wait3A_216] : memref<2x5000x64xi32, #tpu.memory_space<hbm>> -> memref<1x40x64xi32, #tpu.memory_space<hbm>>
        %dma_wait3A_218 = tpu.memref_squeeze %dma_wait3A_217 : memref<1x40x64xi32, #tpu.memory_space<hbm>> -> memref<40x64xi32, #tpu.memory_space<hbm>>
        tpu.wait_dma2 semaphore(%run_scoped3A_207 : memref<!tpu.dma_semaphore, #tpu.memory_space<semaphore_mem>>) src(%dma_wait3A_218 : memref<40x64xi32, #tpu.memory_space<hbm>>) dst(%arg7 : memref<40x64xi32, #tpu.memory_space<vmem>>)
        tpu.yield
      }) : () -> ()
    } else {
    }
    %ge3A_112 = arith.constant 125 : i32
    %ge3A_113 = arith.cmpi sge, %add3A_106, %ge3A_112 : i32
    %convert_element_type3A_114 = arith.extui %ge3A_113 : i1 to i32
    %cond3A_115 = arith.constant 0 : i32
    %cond3A_116 = arith.cmpi ne, %convert_element_type3A_114, %cond3A_115 : i32
    scf.if %cond3A_116 {
      %sub3A = arith.constant 125 : i32
      %sub3A_204 = arith.subi %add3A_106, %sub3A : i32
      "tpu.region"() ({
        %run_scoped3A = tpu.sem_alloc : memref<!tpu.dma_semaphore, #tpu.memory_space<semaphore_mem>>
        %dma_start3A_207 = arith.constant 0 : i32
        %dma_start3A_208 = arith.constant 0 : i32
        %dma_start3A_209 = tpu.memref_slice %arg4[%sub3A_204, %dma_start3A_207, %dma_start3A_208] : memref<3x40x64xi32, #tpu.memory_space<hbm>> -> memref<1x40x64xi32, #tpu.memory_space<hbm>>
        %dma_start3A_210 = tpu.memref_squeeze %dma_start3A_209 : memref<1x40x64xi32, #tpu.memory_space<hbm>> -> memref<40x64xi32, #tpu.memory_space<hbm>>
        %dma_start3A_211 = arith.constant 0 : i32
        %dma_start3A_212 = arith.constant 0 : i32
        %dma_start3A_213 = tpu.memref_slice %arg4[%sub3A_204, %dma_start3A_211, %dma_start3A_212] : memref<3x40x64xi32, #tpu.memory_space<hbm>> -> memref<1x40x64xi32, #tpu.memory_space<hbm>>
        %dma_start3A_214 = tpu.memref_squeeze %dma_start3A_213 : memref<1x40x64xi32, #tpu.memory_space<hbm>> -> memref<40x64xi32, #tpu.memory_space<hbm>>
        tpu.enqueue_dma source(%dma_start3A_214 : memref<40x64xi32, #tpu.memory_space<hbm>>) target(%arg6 : memref<40x64xi32, #tpu.memory_space<vmem>>) target_semaphore(%run_scoped3A : memref<!tpu.dma_semaphore, #tpu.memory_space<semaphore_mem>>)
        %dma_wait3A = arith.constant 0 : i32
        %dma_wait3A_215 = arith.constant 0 : i32
        %dma_wait3A_216 = tpu.memref_slice %arg4[%sub3A_204, %dma_wait3A, %dma_wait3A_215] : memref<3x40x64xi32, #tpu.memory_space<hbm>> -> memref<1x40x64xi32, #tpu.memory_space<hbm>>
        %dma_wait3A_217 = tpu.memref_squeeze %dma_wait3A_216 : memref<1x40x64xi32, #tpu.memory_space<hbm>> -> memref<40x64xi32, #tpu.memory_space<hbm>>
        %dma_wait3A_218 = arith.constant 0 : i32
        %dma_wait3A_219 = arith.constant 0 : i32
        %dma_wait3A_220 = tpu.memref_slice %arg4[%sub3A_204, %dma_wait3A_218, %dma_wait3A_219] : memref<3x40x64xi32, #tpu.memory_space<hbm>> -> memref<1x40x64xi32, #tpu.memory_space<hbm>>
        %dma_wait3A_221 = tpu.memref_squeeze %dma_wait3A_220 : memref<1x40x64xi32, #tpu.memory_space<hbm>> -> memref<40x64xi32, #tpu.memory_space<hbm>>
        tpu.wait_dma2 semaphore(%run_scoped3A : memref<!tpu.dma_semaphore, #tpu.memory_space<semaphore_mem>>) src(%dma_wait3A_221 : memref<40x64xi32, #tpu.memory_space<hbm>>) dst(%arg6 : memref<40x64xi32, #tpu.memory_space<vmem>>)
        tpu.yield
      }) : () -> ()
      %sub3A_205 = arith.constant 125 : i32
      %sub3A_206 = arith.subi %add3A_106, %sub3A_205 : i32
      "tpu.region"() ({
        %run_scoped3A = tpu.sem_alloc : memref<!tpu.dma_semaphore, #tpu.memory_space<semaphore_mem>>
        %dma_start3A_207 = arith.constant 0 : i32
        %dma_start3A_208 = arith.constant 0 : i32
        %dma_start3A_209 = tpu.memref_slice %arg4[%sub3A_206, %dma_start3A_207, %dma_start3A_208] : memref<3x40x64xi32, #tpu.memory_space<hbm>> -> memref<1x40x64xi32, #tpu.memory_space<hbm>>
        %dma_start3A_210 = tpu.memref_squeeze %dma_start3A_209 : memref<1x40x64xi32, #tpu.memory_space<hbm>> -> memref<40x64xi32, #tpu.memory_space<hbm>>
        %dma_start3A_211 = arith.constant 0 : i32
        %dma_start3A_212 = arith.constant 0 : i32
        %dma_start3A_213 = tpu.memref_slice %arg4[%sub3A_206, %dma_start3A_211, %dma_start3A_212] : memref<3x40x64xi32, #tpu.memory_space<hbm>> -> memref<1x40x64xi32, #tpu.memory_space<hbm>>
        %dma_start3A_214 = tpu.memref_squeeze %dma_start3A_213 : memref<1x40x64xi32, #tpu.memory_space<hbm>> -> memref<40x64xi32, #tpu.memory_space<hbm>>
        tpu.enqueue_dma source(%dma_start3A_214 : memref<40x64xi32, #tpu.memory_space<hbm>>) target(%arg7 : memref<40x64xi32, #tpu.memory_space<vmem>>) target_semaphore(%run_scoped3A : memref<!tpu.dma_semaphore, #tpu.memory_space<semaphore_mem>>)
        %dma_wait3A = arith.constant 0 : i32
        %dma_wait3A_215 = arith.constant 0 : i32
        %dma_wait3A_216 = tpu.memref_slice %arg4[%sub3A_206, %dma_wait3A, %dma_wait3A_215] : memref<3x40x64xi32, #tpu.memory_space<hbm>> -> memref<1x40x64xi32, #tpu.memory_space<hbm>>
        %dma_wait3A_217 = tpu.memref_squeeze %dma_wait3A_216 : memref<1x40x64xi32, #tpu.memory_space<hbm>> -> memref<40x64xi32, #tpu.memory_space<hbm>>
        %dma_wait3A_218 = arith.constant 0 : i32
        %dma_wait3A_219 = arith.constant 0 : i32
        %dma_wait3A_220 = tpu.memref_slice %arg4[%sub3A_206, %dma_wait3A_218, %dma_wait3A_219] : memref<3x40x64xi32, #tpu.memory_space<hbm>> -> memref<1x40x64xi32, #tpu.memory_space<hbm>>
        %dma_wait3A_221 = tpu.memref_squeeze %dma_wait3A_220 : memref<1x40x64xi32, #tpu.memory_space<hbm>> -> memref<40x64xi32, #tpu.memory_space<hbm>>
        tpu.wait_dma2 semaphore(%run_scoped3A : memref<!tpu.dma_semaphore, #tpu.memory_space<semaphore_mem>>) src(%dma_wait3A_221 : memref<40x64xi32, #tpu.memory_space<hbm>>) dst(%arg7 : memref<40x64xi32, #tpu.memory_space<vmem>>)
        tpu.yield
      }) : () -> ()
    } else {
    }
    %dma_start3A_117 = arith.constant 0 : i32
    %dma_start3A_118 = arith.constant 0 : i32
    %dma_start3A_119 = tpu.memref_slice %arg6[%dma_start3A_117, %dma_start3A_118] : memref<40x64xi32, #tpu.memory_space<vmem>> -> memref<1x64xi32, #tpu.memory_space<vmem>>
    %dma_start3A_120 = tpu.memref_squeeze %dma_start3A_119 : memref<1x64xi32, #tpu.memory_space<vmem>> -> memref<64xi32, #tpu.memory_space<vmem>>
    %dma_start3A_121 = arith.constant 0 : i32
    %dma_start3A_122 = arith.constant 0 : i32
    %dma_start3A_123 = tpu.memref_slice %arg2[%dma_start3A_121, %dma_start3A_122] : memref<10240x128xf32, #tpu.memory_space<hbm>> -> memref<10240x128xf32, #tpu.memory_space<hbm>>
    tpu.enqueue_indirect_dma source(%dma_start3A_123 : memref<10240x128xf32, #tpu.memory_space<hbm>>) target(%arg8 : memref<64x128xf32, #tpu.memory_space<vmem>>) offsets(%dma_start3A_120 : memref<64xi32, #tpu.memory_space<vmem>>) semaphore(%arg13 : memref<!tpu.dma_semaphore, #tpu.memory_space<semaphore_mem>>)
    %dma_start3A_124 = arith.constant 1 : i32
    %dma_start3A_125 = arith.constant 0 : i32
    %dma_start3A_126 = tpu.memref_slice %arg6[%dma_start3A_124, %dma_start3A_125] : memref<40x64xi32, #tpu.memory_space<vmem>> -> memref<1x64xi32, #tpu.memory_space<vmem>>
    %dma_start3A_127 = tpu.memref_squeeze %dma_start3A_126 : memref<1x64xi32, #tpu.memory_space<vmem>> -> memref<64xi32, #tpu.memory_space<vmem>>
    %dma_start3A_128 = arith.constant 0 : i32
    %dma_start3A_129 = arith.constant 0 : i32
    %dma_start3A_130 = tpu.memref_slice %arg2[%dma_start3A_128, %dma_start3A_129] : memref<10240x128xf32, #tpu.memory_space<hbm>> -> memref<10240x128xf32, #tpu.memory_space<hbm>>
    tpu.enqueue_indirect_dma source(%dma_start3A_130 : memref<10240x128xf32, #tpu.memory_space<hbm>>) target(%arg9 : memref<64x128xf32, #tpu.memory_space<vmem>>) offsets(%dma_start3A_127 : memref<64xi32, #tpu.memory_space<vmem>>) semaphore(%arg14 : memref<!tpu.dma_semaphore, #tpu.memory_space<semaphore_mem>>)
    %dma_start3A_131 = arith.constant 2 : i32
    %dma_start3A_132 = arith.constant 0 : i32
    %dma_start3A_133 = tpu.memref_slice %arg6[%dma_start3A_131, %dma_start3A_132] : memref<40x64xi32, #tpu.memory_space<vmem>> -> memref<1x64xi32, #tpu.memory_space<vmem>>
    %dma_start3A_134 = tpu.memref_squeeze %dma_start3A_133 : memref<1x64xi32, #tpu.memory_space<vmem>> -> memref<64xi32, #tpu.memory_space<vmem>>
    %dma_start3A_135 = arith.constant 0 : i32
    %dma_start3A_136 = arith.constant 0 : i32
    %dma_start3A_137 = tpu.memref_slice %arg2[%dma_start3A_135, %dma_start3A_136] : memref<10240x128xf32, #tpu.memory_space<hbm>> -> memref<10240x128xf32, #tpu.memory_space<hbm>>
    tpu.enqueue_indirect_dma source(%dma_start3A_137 : memref<10240x128xf32, #tpu.memory_space<hbm>>) target(%arg10 : memref<64x128xf32, #tpu.memory_space<vmem>>) offsets(%dma_start3A_134 : memref<64xi32, #tpu.memory_space<vmem>>) semaphore(%arg15 : memref<!tpu.dma_semaphore, #tpu.memory_space<semaphore_mem>>)
    %dma_start3A_138 = arith.constant 3 : i32
    %dma_start3A_139 = arith.constant 0 : i32
    %dma_start3A_140 = tpu.memref_slice %arg6[%dma_start3A_138, %dma_start3A_139] : memref<40x64xi32, #tpu.memory_space<vmem>> -> memref<1x64xi32, #tpu.memory_space<vmem>>
    %dma_start3A_141 = tpu.memref_squeeze %dma_start3A_140 : memref<1x64xi32, #tpu.memory_space<vmem>> -> memref<64xi32, #tpu.memory_space<vmem>>
    %dma_start3A_142 = arith.constant 0 : i32
    %dma_start3A_143 = arith.constant 0 : i32
    %dma_start3A_144 = tpu.memref_slice %arg2[%dma_start3A_142, %dma_start3A_143] : memref<10240x128xf32, #tpu.memory_space<hbm>> -> memref<10240x128xf32, #tpu.memory_space<hbm>>
    tpu.enqueue_indirect_dma source(%dma_start3A_144 : memref<10240x128xf32, #tpu.memory_space<hbm>>) target(%arg11 : memref<64x128xf32, #tpu.memory_space<vmem>>) offsets(%dma_start3A_141 : memref<64xi32, #tpu.memory_space<vmem>>) semaphore(%arg16 : memref<!tpu.dma_semaphore, #tpu.memory_space<semaphore_mem>>)
    %scan3A_145 = arith.constant 0 : i32
    %scan3A_146 = arith.constant 0 : i32
    %scan3A_147 = arith.constant 10 : i32
    %scan3A_148 = arith.addi %scan3A_146, %scan3A_147 : i32
    %scan3A_149 = arith.constant 1 : i32
    scf.for %scan3A_204 = %scan3A_146 to %scan3A_148 step %scan3A_149  : i32 {
      %mul3A_205 = arith.constant 4 : i32
      %mul3A_206 = arith.muli %scan3A_204, %mul3A_205 : i32
      %add3A_207 = arith.constant 0 : i32
      %add3A_208 = arith.addi %mul3A_206, %add3A_207 : i32
      %dma_wait3A = arith.constant 0 : i32
      %dma_wait3A_209 = tpu.memref_slice %arg6[%add3A_208, %dma_wait3A] : memref<40x64xi32, #tpu.memory_space<vmem>> -> memref<1x64xi32, #tpu.memory_space<vmem>>
      %dma_wait3A_210 = tpu.memref_squeeze %dma_wait3A_209 : memref<1x64xi32, #tpu.memory_space<vmem>> -> memref<64xi32, #tpu.memory_space<vmem>>
      %dma_wait3A_211 = arith.constant 0 : i32
      %dma_wait3A_212 = arith.constant 0 : i32
      %dma_wait3A_213 = tpu.memref_slice %arg2[%dma_wait3A_211, %dma_wait3A_212] : memref<10240x128xf32, #tpu.memory_space<hbm>> -> memref<10240x128xf32, #tpu.memory_space<hbm>>
      tpu.wait_indirect_dma semaphore(%arg13 : memref<!tpu.dma_semaphore, #tpu.memory_space<semaphore_mem>>) src(%dma_wait3A_213 : memref<10240x128xf32, #tpu.memory_space<hbm>>) dst(%arg8 : memref<64x128xf32, #tpu.memory_space<vmem>>)
      "tpu.region"() ({
        %run_scoped3A = tpu.sem_alloc : memref<!tpu.dma_semaphore, #tpu.memory_space<semaphore_mem>>
        %dma_start3A_272 = arith.constant 0 : i32
        %dma_start3A_273 = tpu.memref_slice %arg7[%add3A_208, %dma_start3A_272] : memref<40x64xi32, #tpu.memory_space<vmem>> -> memref<1x64xi32, #tpu.memory_space<vmem>>
        %dma_start3A_274 = tpu.memref_squeeze %dma_start3A_273 : memref<1x64xi32, #tpu.memory_space<vmem>> -> memref<64xi32, #tpu.memory_space<vmem>>
        %dma_start3A_275 = arith.constant 0 : i32
        %dma_start3A_276 = arith.constant 0 : i32
        %dma_start3A_277 = tpu.memref_slice %arg12[%dma_start3A_275, %dma_start3A_276] : memref<10240x128xf32, #tpu.memory_space<vmem_shared>> -> memref<10240x128xf32, #tpu.memory_space<vmem_shared>>
        tpu.enqueue_indirect_dma source(%arg8 : memref<64x128xf32, #tpu.memory_space<vmem>>) target(%dma_start3A_277 : memref<10240x128xf32, #tpu.memory_space<vmem_shared>>) offsets(%dma_start3A_274 : memref<64xi32, #tpu.memory_space<vmem>>) semaphore(%run_scoped3A : memref<!tpu.dma_semaphore, #tpu.memory_space<semaphore_mem>>) {add = true}
        %dma_wait3A_278 = arith.constant 0 : i32
        %dma_wait3A_279 = tpu.memref_slice %arg7[%add3A_208, %dma_wait3A_278] : memref<40x64xi32, #tpu.memory_space<vmem>> -> memref<1x64xi32, #tpu.memory_space<vmem>>
        %dma_wait3A_280 = tpu.memref_squeeze %dma_wait3A_279 : memref<1x64xi32, #tpu.memory_space<vmem>> -> memref<64xi32, #tpu.memory_space<vmem>>
        %dma_wait3A_281 = arith.constant 0 : i32
        %dma_wait3A_282 = arith.constant 0 : i32
        %dma_wait3A_283 = tpu.memref_slice %arg12[%dma_wait3A_281, %dma_wait3A_282] : memref<10240x128xf32, #tpu.memory_space<vmem_shared>> -> memref<10240x128xf32, #tpu.memory_space<vmem_shared>>
        tpu.wait_indirect_dma semaphore(%run_scoped3A : memref<!tpu.dma_semaphore, #tpu.memory_space<semaphore_mem>>) src(%arg8 : memref<64x128xf32, #tpu.memory_space<vmem>>) dst(%dma_wait3A_283 : memref<10240x128xf32, #tpu.memory_space<vmem_shared>>)
        tpu.yield
      }) : () -> ()
      %add3A_214 = arith.constant 4 : i32
      %add3A_215 = arith.addi %add3A_208, %add3A_214 : i32
      %lt3A_216 = arith.constant 40 : i32
      %lt3A_217 = arith.cmpi slt, %add3A_215, %lt3A_216 : i32
      %convert_element_type3A_218 = arith.extui %lt3A_217 : i1 to i32
      %cond3A_219 = arith.constant 0 : i32
      %cond3A_220 = arith.cmpi ne, %convert_element_type3A_218, %cond3A_219 : i32
      scf.if %cond3A_220 {
        %add3A_272 = arith.constant 4 : i32
        %add3A_273 = arith.addi %add3A_208, %add3A_272 : i32
        %dma_start3A_274 = arith.constant 0 : i32
        %dma_start3A_275 = tpu.memref_slice %arg6[%add3A_273, %dma_start3A_274] : memref<40x64xi32, #tpu.memory_space<vmem>> -> memref<1x64xi32, #tpu.memory_space<vmem>>
        %dma_start3A_276 = tpu.memref_squeeze %dma_start3A_275 : memref<1x64xi32, #tpu.memory_space<vmem>> -> memref<64xi32, #tpu.memory_space<vmem>>
        %dma_start3A_277 = arith.constant 0 : i32
        %dma_start3A_278 = arith.constant 0 : i32
        %dma_start3A_279 = tpu.memref_slice %arg2[%dma_start3A_277, %dma_start3A_278] : memref<10240x128xf32, #tpu.memory_space<hbm>> -> memref<10240x128xf32, #tpu.memory_space<hbm>>
        tpu.enqueue_indirect_dma source(%dma_start3A_279 : memref<10240x128xf32, #tpu.memory_space<hbm>>) target(%arg8 : memref<64x128xf32, #tpu.memory_space<vmem>>) offsets(%dma_start3A_276 : memref<64xi32, #tpu.memory_space<vmem>>) semaphore(%arg13 : memref<!tpu.dma_semaphore, #tpu.memory_space<semaphore_mem>>)
      } else {
      }
      %mul3A_221 = arith.constant 4 : i32
      %mul3A_222 = arith.muli %scan3A_204, %mul3A_221 : i32
      %add3A_223 = arith.constant 1 : i32
      %add3A_224 = arith.addi %mul3A_222, %add3A_223 : i32
      %dma_wait3A_225 = arith.constant 0 : i32
      %dma_wait3A_226 = tpu.memref_slice %arg6[%add3A_224, %dma_wait3A_225] : memref<40x64xi32, #tpu.memory_space<vmem>> -> memref<1x64xi32, #tpu.memory_space<vmem>>
      %dma_wait3A_227 = tpu.memref_squeeze %dma_wait3A_226 : memref<1x64xi32, #tpu.memory_space<vmem>> -> memref<64xi32, #tpu.memory_space<vmem>>
      %dma_wait3A_228 = arith.constant 0 : i32
      %dma_wait3A_229 = arith.constant 0 : i32
      %dma_wait3A_230 = tpu.memref_slice %arg2[%dma_wait3A_228, %dma_wait3A_229] : memref<10240x128xf32, #tpu.memory_space<hbm>> -> memref<10240x128xf32, #tpu.memory_space<hbm>>
      tpu.wait_indirect_dma semaphore(%arg14 : memref<!tpu.dma_semaphore, #tpu.memory_space<semaphore_mem>>) src(%dma_wait3A_230 : memref<10240x128xf32, #tpu.memory_space<hbm>>) dst(%arg9 : memref<64x128xf32, #tpu.memory_space<vmem>>)
      "tpu.region"() ({
        %run_scoped3A = tpu.sem_alloc : memref<!tpu.dma_semaphore, #tpu.memory_space<semaphore_mem>>
        %dma_start3A_272 = arith.constant 0 : i32
        %dma_start3A_273 = tpu.memref_slice %arg7[%add3A_224, %dma_start3A_272] : memref<40x64xi32, #tpu.memory_space<vmem>> -> memref<1x64xi32, #tpu.memory_space<vmem>>
        %dma_start3A_274 = tpu.memref_squeeze %dma_start3A_273 : memref<1x64xi32, #tpu.memory_space<vmem>> -> memref<64xi32, #tpu.memory_space<vmem>>
        %dma_start3A_275 = arith.constant 0 : i32
        %dma_start3A_276 = arith.constant 0 : i32
        %dma_start3A_277 = tpu.memref_slice %arg12[%dma_start3A_275, %dma_start3A_276] : memref<10240x128xf32, #tpu.memory_space<vmem_shared>> -> memref<10240x128xf32, #tpu.memory_space<vmem_shared>>
        tpu.enqueue_indirect_dma source(%arg9 : memref<64x128xf32, #tpu.memory_space<vmem>>) target(%dma_start3A_277 : memref<10240x128xf32, #tpu.memory_space<vmem_shared>>) offsets(%dma_start3A_274 : memref<64xi32, #tpu.memory_space<vmem>>) semaphore(%run_scoped3A : memref<!tpu.dma_semaphore, #tpu.memory_space<semaphore_mem>>) {add = true}
        %dma_wait3A_278 = arith.constant 0 : i32
        %dma_wait3A_279 = tpu.memref_slice %arg7[%add3A_224, %dma_wait3A_278] : memref<40x64xi32, #tpu.memory_space<vmem>> -> memref<1x64xi32, #tpu.memory_space<vmem>>
        %dma_wait3A_280 = tpu.memref_squeeze %dma_wait3A_279 : memref<1x64xi32, #tpu.memory_space<vmem>> -> memref<64xi32, #tpu.memory_space<vmem>>
        %dma_wait3A_281 = arith.constant 0 : i32
        %dma_wait3A_282 = arith.constant 0 : i32
        %dma_wait3A_283 = tpu.memref_slice %arg12[%dma_wait3A_281, %dma_wait3A_282] : memref<10240x128xf32, #tpu.memory_space<vmem_shared>> -> memref<10240x128xf32, #tpu.memory_space<vmem_shared>>
        tpu.wait_indirect_dma semaphore(%run_scoped3A : memref<!tpu.dma_semaphore, #tpu.memory_space<semaphore_mem>>) src(%arg9 : memref<64x128xf32, #tpu.memory_space<vmem>>) dst(%dma_wait3A_283 : memref<10240x128xf32, #tpu.memory_space<vmem_shared>>)
        tpu.yield
      }) : () -> ()
      %add3A_231 = arith.constant 4 : i32
      %add3A_232 = arith.addi %add3A_224, %add3A_231 : i32
      %lt3A_233 = arith.constant 40 : i32
      %lt3A_234 = arith.cmpi slt, %add3A_232, %lt3A_233 : i32
      %convert_element_type3A_235 = arith.extui %lt3A_234 : i1 to i32
      %cond3A_236 = arith.constant 0 : i32
      %cond3A_237 = arith.cmpi ne, %convert_element_type3A_235, %cond3A_236 : i32
      scf.if %cond3A_237 {
        %add3A_272 = arith.constant 4 : i32
        %add3A_273 = arith.addi %add3A_224, %add3A_272 : i32
        %dma_start3A_274 = arith.constant 0 : i32
        %dma_start3A_275 = tpu.memref_slice %arg6[%add3A_273, %dma_start3A_274] : memref<40x64xi32, #tpu.memory_space<vmem>> -> memref<1x64xi32, #tpu.memory_space<vmem>>
        %dma_start3A_276 = tpu.memref_squeeze %dma_start3A_275 : memref<1x64xi32, #tpu.memory_space<vmem>> -> memref<64xi32, #tpu.memory_space<vmem>>
        %dma_start3A_277 = arith.constant 0 : i32
        %dma_start3A_278 = arith.constant 0 : i32
        %dma_start3A_279 = tpu.memref_slice %arg2[%dma_start3A_277, %dma_start3A_278] : memref<10240x128xf32, #tpu.memory_space<hbm>> -> memref<10240x128xf32, #tpu.memory_space<hbm>>
        tpu.enqueue_indirect_dma source(%dma_start3A_279 : memref<10240x128xf32, #tpu.memory_space<hbm>>) target(%arg9 : memref<64x128xf32, #tpu.memory_space<vmem>>) offsets(%dma_start3A_276 : memref<64xi32, #tpu.memory_space<vmem>>) semaphore(%arg14 : memref<!tpu.dma_semaphore, #tpu.memory_space<semaphore_mem>>)
      } else {
      }
      %mul3A_238 = arith.constant 4 : i32
      %mul3A_239 = arith.muli %scan3A_204, %mul3A_238 : i32
      %add3A_240 = arith.constant 2 : i32
      %add3A_241 = arith.addi %mul3A_239, %add3A_240 : i32
      %dma_wait3A_242 = arith.constant 0 : i32
      %dma_wait3A_243 = tpu.memref_slice %arg6[%add3A_241, %dma_wait3A_242] : memref<40x64xi32, #tpu.memory_space<vmem>> -> memref<1x64xi32, #tpu.memory_space<vmem>>
      %dma_wait3A_244 = tpu.memref_squeeze %dma_wait3A_243 : memref<1x64xi32, #tpu.memory_space<vmem>> -> memref<64xi32, #tpu.memory_space<vmem>>
      %dma_wait3A_245 = arith.constant 0 : i32
      %dma_wait3A_246 = arith.constant 0 : i32
      %dma_wait3A_247 = tpu.memref_slice %arg2[%dma_wait3A_245, %dma_wait3A_246] : memref<10240x128xf32, #tpu.memory_space<hbm>> -> memref<10240x128xf32, #tpu.memory_space<hbm>>
      tpu.wait_indirect_dma semaphore(%arg15 : memref<!tpu.dma_semaphore, #tpu.memory_space<semaphore_mem>>) src(%dma_wait3A_247 : memref<10240x128xf32, #tpu.memory_space<hbm>>) dst(%arg10 : memref<64x128xf32, #tpu.memory_space<vmem>>)
      "tpu.region"() ({
        %run_scoped3A = tpu.sem_alloc : memref<!tpu.dma_semaphore, #tpu.memory_space<semaphore_mem>>
        %dma_start3A_272 = arith.constant 0 : i32
        %dma_start3A_273 = tpu.memref_slice %arg7[%add3A_241, %dma_start3A_272] : memref<40x64xi32, #tpu.memory_space<vmem>> -> memref<1x64xi32, #tpu.memory_space<vmem>>
        %dma_start3A_274 = tpu.memref_squeeze %dma_start3A_273 : memref<1x64xi32, #tpu.memory_space<vmem>> -> memref<64xi32, #tpu.memory_space<vmem>>
        %dma_start3A_275 = arith.constant 0 : i32
        %dma_start3A_276 = arith.constant 0 : i32
        %dma_start3A_277 = tpu.memref_slice %arg12[%dma_start3A_275, %dma_start3A_276] : memref<10240x128xf32, #tpu.memory_space<vmem_shared>> -> memref<10240x128xf32, #tpu.memory_space<vmem_shared>>
        tpu.enqueue_indirect_dma source(%arg10 : memref<64x128xf32, #tpu.memory_space<vmem>>) target(%dma_start3A_277 : memref<10240x128xf32, #tpu.memory_space<vmem_shared>>) offsets(%dma_start3A_274 : memref<64xi32, #tpu.memory_space<vmem>>) semaphore(%run_scoped3A : memref<!tpu.dma_semaphore, #tpu.memory_space<semaphore_mem>>) {add = true}
        %dma_wait3A_278 = arith.constant 0 : i32
        %dma_wait3A_279 = tpu.memref_slice %arg7[%add3A_241, %dma_wait3A_278] : memref<40x64xi32, #tpu.memory_space<vmem>> -> memref<1x64xi32, #tpu.memory_space<vmem>>
        %dma_wait3A_280 = tpu.memref_squeeze %dma_wait3A_279 : memref<1x64xi32, #tpu.memory_space<vmem>> -> memref<64xi32, #tpu.memory_space<vmem>>
        %dma_wait3A_281 = arith.constant 0 : i32
        %dma_wait3A_282 = arith.constant 0 : i32
        %dma_wait3A_283 = tpu.memref_slice %arg12[%dma_wait3A_281, %dma_wait3A_282] : memref<10240x128xf32, #tpu.memory_space<vmem_shared>> -> memref<10240x128xf32, #tpu.memory_space<vmem_shared>>
        tpu.wait_indirect_dma semaphore(%run_scoped3A : memref<!tpu.dma_semaphore, #tpu.memory_space<semaphore_mem>>) src(%arg10 : memref<64x128xf32, #tpu.memory_space<vmem>>) dst(%dma_wait3A_283 : memref<10240x128xf32, #tpu.memory_space<vmem_shared>>)
        tpu.yield
      }) : () -> ()
      %add3A_248 = arith.constant 4 : i32
      %add3A_249 = arith.addi %add3A_241, %add3A_248 : i32
      %lt3A_250 = arith.constant 40 : i32
      %lt3A_251 = arith.cmpi slt, %add3A_249, %lt3A_250 : i32
      %convert_element_type3A_252 = arith.extui %lt3A_251 : i1 to i32
      %cond3A_253 = arith.constant 0 : i32
      %cond3A_254 = arith.cmpi ne, %convert_element_type3A_252, %cond3A_253 : i32
      scf.if %cond3A_254 {
        %add3A_272 = arith.constant 4 : i32
        %add3A_273 = arith.addi %add3A_241, %add3A_272 : i32
        %dma_start3A_274 = arith.constant 0 : i32
        %dma_start3A_275 = tpu.memref_slice %arg6[%add3A_273, %dma_start3A_274] : memref<40x64xi32, #tpu.memory_space<vmem>> -> memref<1x64xi32, #tpu.memory_space<vmem>>
        %dma_start3A_276 = tpu.memref_squeeze %dma_start3A_275 : memref<1x64xi32, #tpu.memory_space<vmem>> -> memref<64xi32, #tpu.memory_space<vmem>>
        %dma_start3A_277 = arith.constant 0 : i32
        %dma_start3A_278 = arith.constant 0 : i32
        %dma_start3A_279 = tpu.memref_slice %arg2[%dma_start3A_277, %dma_start3A_278] : memref<10240x128xf32, #tpu.memory_space<hbm>> -> memref<10240x128xf32, #tpu.memory_space<hbm>>
        tpu.enqueue_indirect_dma source(%dma_start3A_279 : memref<10240x128xf32, #tpu.memory_space<hbm>>) target(%arg10 : memref<64x128xf32, #tpu.memory_space<vmem>>) offsets(%dma_start3A_276 : memref<64xi32, #tpu.memory_space<vmem>>) semaphore(%arg15 : memref<!tpu.dma_semaphore, #tpu.memory_space<semaphore_mem>>)
      } else {
      }
      %mul3A_255 = arith.constant 4 : i32
      %mul3A_256 = arith.muli %scan3A_204, %mul3A_255 : i32
      %add3A_257 = arith.constant 3 : i32
      %add3A_258 = arith.addi %mul3A_256, %add3A_257 : i32
      %dma_wait3A_259 = arith.constant 0 : i32
      %dma_wait3A_260 = tpu.memref_slice %arg6[%add3A_258, %dma_wait3A_259] : memref<40x64xi32, #tpu.memory_space<vmem>> -> memref<1x64xi32, #tpu.memory_space<vmem>>
      %dma_wait3A_261 = tpu.memref_squeeze %dma_wait3A_260 : memref<1x64xi32, #tpu.memory_space<vmem>> -> memref<64xi32, #tpu.memory_space<vmem>>
      %dma_wait3A_262 = arith.constant 0 : i32
      %dma_wait3A_263 = arith.constant 0 : i32
      %dma_wait3A_264 = tpu.memref_slice %arg2[%dma_wait3A_262, %dma_wait3A_263] : memref<10240x128xf32, #tpu.memory_space<hbm>> -> memref<10240x128xf32, #tpu.memory_space<hbm>>
      tpu.wait_indirect_dma semaphore(%arg16 : memref<!tpu.dma_semaphore, #tpu.memory_space<semaphore_mem>>) src(%dma_wait3A_264 : memref<10240x128xf32, #tpu.memory_space<hbm>>) dst(%arg11 : memref<64x128xf32, #tpu.memory_space<vmem>>)
      "tpu.region"() ({
        %run_scoped3A = tpu.sem_alloc : memref<!tpu.dma_semaphore, #tpu.memory_space<semaphore_mem>>
        %dma_start3A_272 = arith.constant 0 : i32
        %dma_start3A_273 = tpu.memref_slice %arg7[%add3A_258, %dma_start3A_272] : memref<40x64xi32, #tpu.memory_space<vmem>> -> memref<1x64xi32, #tpu.memory_space<vmem>>
        %dma_start3A_274 = tpu.memref_squeeze %dma_start3A_273 : memref<1x64xi32, #tpu.memory_space<vmem>> -> memref<64xi32, #tpu.memory_space<vmem>>
        %dma_start3A_275 = arith.constant 0 : i32
        %dma_start3A_276 = arith.constant 0 : i32
        %dma_start3A_277 = tpu.memref_slice %arg12[%dma_start3A_275, %dma_start3A_276] : memref<10240x128xf32, #tpu.memory_space<vmem_shared>> -> memref<10240x128xf32, #tpu.memory_space<vmem_shared>>
        tpu.enqueue_indirect_dma source(%arg11 : memref<64x128xf32, #tpu.memory_space<vmem>>) target(%dma_start3A_277 : memref<10240x128xf32, #tpu.memory_space<vmem_shared>>) offsets(%dma_start3A_274 : memref<64xi32, #tpu.memory_space<vmem>>) semaphore(%run_scoped3A : memref<!tpu.dma_semaphore, #tpu.memory_space<semaphore_mem>>) {add = true}
        %dma_wait3A_278 = arith.constant 0 : i32
        %dma_wait3A_279 = tpu.memref_slice %arg7[%add3A_258, %dma_wait3A_278] : memref<40x64xi32, #tpu.memory_space<vmem>> -> memref<1x64xi32, #tpu.memory_space<vmem>>
        %dma_wait3A_280 = tpu.memref_squeeze %dma_wait3A_279 : memref<1x64xi32, #tpu.memory_space<vmem>> -> memref<64xi32, #tpu.memory_space<vmem>>
        %dma_wait3A_281 = arith.constant 0 : i32
        %dma_wait3A_282 = arith.constant 0 : i32
        %dma_wait3A_283 = tpu.memref_slice %arg12[%dma_wait3A_281, %dma_wait3A_282] : memref<10240x128xf32, #tpu.memory_space<vmem_shared>> -> memref<10240x128xf32, #tpu.memory_space<vmem_shared>>
        tpu.wait_indirect_dma semaphore(%run_scoped3A : memref<!tpu.dma_semaphore, #tpu.memory_space<semaphore_mem>>) src(%arg11 : memref<64x128xf32, #tpu.memory_space<vmem>>) dst(%dma_wait3A_283 : memref<10240x128xf32, #tpu.memory_space<vmem_shared>>)
        tpu.yield
      }) : () -> ()
      %add3A_265 = arith.constant 4 : i32
      %add3A_266 = arith.addi %add3A_258, %add3A_265 : i32
      %lt3A_267 = arith.constant 40 : i32
      %lt3A_268 = arith.cmpi slt, %add3A_266, %lt3A_267 : i32
      %convert_element_type3A_269 = arith.extui %lt3A_268 : i1 to i32
      %cond3A_270 = arith.constant 0 : i32
      %cond3A_271 = arith.cmpi ne, %convert_element_type3A_269, %cond3A_270 : i32
      scf.if %cond3A_271 {
        %add3A_272 = arith.constant 4 : i32
        %add3A_273 = arith.addi %add3A_258, %add3A_272 : i32
        %dma_start3A_274 = arith.constant 0 : i32
        %dma_start3A_275 = tpu.memref_slice %arg6[%add3A_273, %dma_start3A_274] : memref<40x64xi32, #tpu.memory_space<vmem>> -> memref<1x64xi32, #tpu.memory_space<vmem>>
        %dma_start3A_276 = tpu.memref_squeeze %dma_start3A_275 : memref<1x64xi32, #tpu.memory_space<vmem>> -> memref<64xi32, #tpu.memory_space<vmem>>
        %dma_start3A_277 = arith.constant 0 : i32
        %dma_start3A_278 = arith.constant 0 : i32
        %dma_start3A_279 = tpu.memref_slice %arg2[%dma_start3A_277, %dma_start3A_278] : memref<10240x128xf32, #tpu.memory_space<hbm>> -> memref<10240x128xf32, #tpu.memory_space<hbm>>
        tpu.enqueue_indirect_dma source(%dma_start3A_279 : memref<10240x128xf32, #tpu.memory_space<hbm>>) target(%arg11 : memref<64x128xf32, #tpu.memory_space<vmem>>) offsets(%dma_start3A_276 : memref<64xi32, #tpu.memory_space<vmem>>) semaphore(%arg16 : memref<!tpu.dma_semaphore, #tpu.memory_space<semaphore_mem>>)
      } else {
      }
    }
    %scan3A_150 = arith.constant 10 : i32
    %mul3A_151 = arith.constant 4 : i32
    %mul3A_152 = arith.muli %add3A, %mul3A_151 : i32
    %add3A_153 = arith.constant 3 : i32
    %add3A_154 = arith.addi %mul3A_152, %add3A_153 : i32
    %lt3A_155 = arith.constant 125 : i32
    %lt3A_156 = arith.cmpi slt, %add3A_154, %lt3A_155 : i32
    %convert_element_type3A_157 = arith.extui %lt3A_156 : i1 to i32
    %cond3A_158 = arith.constant 0 : i32
    %cond3A_159 = arith.cmpi ne, %convert_element_type3A_157, %cond3A_158 : i32
    scf.if %cond3A_159 {
      %mul3A_204 = arith.constant 40 : i32
      %mul3A_205 = arith.muli %add3A_154, %mul3A_204 : i32
      %run_scoped3A = arith.constant 0 : i32
      "tpu.region"() ({
        %run_scoped3A_207 = tpu.sem_alloc : memref<!tpu.dma_semaphore, #tpu.memory_space<semaphore_mem>>
        %dma_start3A_208 = arith.constant 0 : i32
        %dma_start3A_209 = tpu.memref_slice %arg3[%run_scoped3A, %mul3A_205, %dma_start3A_208] : memref<2x5000x64xi32, #tpu.memory_space<hbm>> -> memref<1x40x64xi32, #tpu.memory_space<hbm>>
        %dma_start3A_210 = tpu.memref_squeeze %dma_start3A_209 : memref<1x40x64xi32, #tpu.memory_space<hbm>> -> memref<40x64xi32, #tpu.memory_space<hbm>>
        %dma_start3A_211 = arith.constant 0 : i32
        %dma_start3A_212 = tpu.memref_slice %arg3[%run_scoped3A, %mul3A_205, %dma_start3A_211] : memref<2x5000x64xi32, #tpu.memory_space<hbm>> -> memref<1x40x64xi32, #tpu.memory_space<hbm>>
        %dma_start3A_213 = tpu.memref_squeeze %dma_start3A_212 : memref<1x40x64xi32, #tpu.memory_space<hbm>> -> memref<40x64xi32, #tpu.memory_space<hbm>>
        tpu.enqueue_dma source(%dma_start3A_213 : memref<40x64xi32, #tpu.memory_space<hbm>>) target(%arg6 : memref<40x64xi32, #tpu.memory_space<vmem>>) target_semaphore(%run_scoped3A_207 : memref<!tpu.dma_semaphore, #tpu.memory_space<semaphore_mem>>)
        %dma_wait3A = arith.constant 0 : i32
        %dma_wait3A_214 = tpu.memref_slice %arg3[%run_scoped3A, %mul3A_205, %dma_wait3A] : memref<2x5000x64xi32, #tpu.memory_space<hbm>> -> memref<1x40x64xi32, #tpu.memory_space<hbm>>
        %dma_wait3A_215 = tpu.memref_squeeze %dma_wait3A_214 : memref<1x40x64xi32, #tpu.memory_space<hbm>> -> memref<40x64xi32, #tpu.memory_space<hbm>>
        %dma_wait3A_216 = arith.constant 0 : i32
        %dma_wait3A_217 = tpu.memref_slice %arg3[%run_scoped3A, %mul3A_205, %dma_wait3A_216] : memref<2x5000x64xi32, #tpu.memory_space<hbm>> -> memref<1x40x64xi32, #tpu.memory_space<hbm>>
        %dma_wait3A_218 = tpu.memref_squeeze %dma_wait3A_217 : memref<1x40x64xi32, #tpu.memory_space<hbm>> -> memref<40x64xi32, #tpu.memory_space<hbm>>
        tpu.wait_dma2 semaphore(%run_scoped3A_207 : memref<!tpu.dma_semaphore, #tpu.memory_space<semaphore_mem>>) src(%dma_wait3A_218 : memref<40x64xi32, #tpu.memory_space<hbm>>) dst(%arg6 : memref<40x64xi32, #tpu.memory_space<vmem>>)
        tpu.yield
      }) : () -> ()
      %run_scoped3A_206 = arith.constant 1 : i32
      "tpu.region"() ({
        %run_scoped3A_207 = tpu.sem_alloc : memref<!tpu.dma_semaphore, #tpu.memory_space<semaphore_mem>>
        %dma_start3A_208 = arith.constant 0 : i32
        %dma_start3A_209 = tpu.memref_slice %arg3[%run_scoped3A_206, %mul3A_205, %dma_start3A_208] : memref<2x5000x64xi32, #tpu.memory_space<hbm>> -> memref<1x40x64xi32, #tpu.memory_space<hbm>>
        %dma_start3A_210 = tpu.memref_squeeze %dma_start3A_209 : memref<1x40x64xi32, #tpu.memory_space<hbm>> -> memref<40x64xi32, #tpu.memory_space<hbm>>
        %dma_start3A_211 = arith.constant 0 : i32
        %dma_start3A_212 = tpu.memref_slice %arg3[%run_scoped3A_206, %mul3A_205, %dma_start3A_211] : memref<2x5000x64xi32, #tpu.memory_space<hbm>> -> memref<1x40x64xi32, #tpu.memory_space<hbm>>
        %dma_start3A_213 = tpu.memref_squeeze %dma_start3A_212 : memref<1x40x64xi32, #tpu.memory_space<hbm>> -> memref<40x64xi32, #tpu.memory_space<hbm>>
        tpu.enqueue_dma source(%dma_start3A_213 : memref<40x64xi32, #tpu.memory_space<hbm>>) target(%arg7 : memref<40x64xi32, #tpu.memory_space<vmem>>) target_semaphore(%run_scoped3A_207 : memref<!tpu.dma_semaphore, #tpu.memory_space<semaphore_mem>>)
        %dma_wait3A = arith.constant 0 : i32
        %dma_wait3A_214 = tpu.memref_slice %arg3[%run_scoped3A_206, %mul3A_205, %dma_wait3A] : memref<2x5000x64xi32, #tpu.memory_space<hbm>> -> memref<1x40x64xi32, #tpu.memory_space<hbm>>
        %dma_wait3A_215 = tpu.memref_squeeze %dma_wait3A_214 : memref<1x40x64xi32, #tpu.memory_space<hbm>> -> memref<40x64xi32, #tpu.memory_space<hbm>>
        %dma_wait3A_216 = arith.constant 0 : i32
        %dma_wait3A_217 = tpu.memref_slice %arg3[%run_scoped3A_206, %mul3A_205, %dma_wait3A_216] : memref<2x5000x64xi32, #tpu.memory_space<hbm>> -> memref<1x40x64xi32, #tpu.memory_space<hbm>>
        %dma_wait3A_218 = tpu.memref_squeeze %dma_wait3A_217 : memref<1x40x64xi32, #tpu.memory_space<hbm>> -> memref<40x64xi32, #tpu.memory_space<hbm>>
        tpu.wait_dma2 semaphore(%run_scoped3A_207 : memref<!tpu.dma_semaphore, #tpu.memory_space<semaphore_mem>>) src(%dma_wait3A_218 : memref<40x64xi32, #tpu.memory_space<hbm>>) dst(%arg7 : memref<40x64xi32, #tpu.memory_space<vmem>>)
        tpu.yield
      }) : () -> ()
    } else {
    }
    %ge3A_160 = arith.constant 125 : i32
    %ge3A_161 = arith.cmpi sge, %add3A_154, %ge3A_160 : i32
    %convert_element_type3A_162 = arith.extui %ge3A_161 : i1 to i32
    %cond3A_163 = arith.constant 0 : i32
    %cond3A_164 = arith.cmpi ne, %convert_element_type3A_162, %cond3A_163 : i32
    scf.if %cond3A_164 {
      %sub3A = arith.constant 125 : i32
      %sub3A_204 = arith.subi %add3A_154, %sub3A : i32
      "tpu.region"() ({
        %run_scoped3A = tpu.sem_alloc : memref<!tpu.dma_semaphore, #tpu.memory_space<semaphore_mem>>
        %dma_start3A_207 = arith.constant 0 : i32
        %dma_start3A_208 = arith.constant 0 : i32
        %dma_start3A_209 = tpu.memref_slice %arg4[%sub3A_204, %dma_start3A_207, %dma_start3A_208] : memref<3x40x64xi32, #tpu.memory_space<hbm>> -> memref<1x40x64xi32, #tpu.memory_space<hbm>>
        %dma_start3A_210 = tpu.memref_squeeze %dma_start3A_209 : memref<1x40x64xi32, #tpu.memory_space<hbm>> -> memref<40x64xi32, #tpu.memory_space<hbm>>
        %dma_start3A_211 = arith.constant 0 : i32
        %dma_start3A_212 = arith.constant 0 : i32
        %dma_start3A_213 = tpu.memref_slice %arg4[%sub3A_204, %dma_start3A_211, %dma_start3A_212] : memref<3x40x64xi32, #tpu.memory_space<hbm>> -> memref<1x40x64xi32, #tpu.memory_space<hbm>>
        %dma_start3A_214 = tpu.memref_squeeze %dma_start3A_213 : memref<1x40x64xi32, #tpu.memory_space<hbm>> -> memref<40x64xi32, #tpu.memory_space<hbm>>
        tpu.enqueue_dma source(%dma_start3A_214 : memref<40x64xi32, #tpu.memory_space<hbm>>) target(%arg6 : memref<40x64xi32, #tpu.memory_space<vmem>>) target_semaphore(%run_scoped3A : memref<!tpu.dma_semaphore, #tpu.memory_space<semaphore_mem>>)
        %dma_wait3A = arith.constant 0 : i32
        %dma_wait3A_215 = arith.constant 0 : i32
        %dma_wait3A_216 = tpu.memref_slice %arg4[%sub3A_204, %dma_wait3A, %dma_wait3A_215] : memref<3x40x64xi32, #tpu.memory_space<hbm>> -> memref<1x40x64xi32, #tpu.memory_space<hbm>>
        %dma_wait3A_217 = tpu.memref_squeeze %dma_wait3A_216 : memref<1x40x64xi32, #tpu.memory_space<hbm>> -> memref<40x64xi32, #tpu.memory_space<hbm>>
        %dma_wait3A_218 = arith.constant 0 : i32
        %dma_wait3A_219 = arith.constant 0 : i32
        %dma_wait3A_220 = tpu.memref_slice %arg4[%sub3A_204, %dma_wait3A_218, %dma_wait3A_219] : memref<3x40x64xi32, #tpu.memory_space<hbm>> -> memref<1x40x64xi32, #tpu.memory_space<hbm>>
        %dma_wait3A_221 = tpu.memref_squeeze %dma_wait3A_220 : memref<1x40x64xi32, #tpu.memory_space<hbm>> -> memref<40x64xi32, #tpu.memory_space<hbm>>
        tpu.wait_dma2 semaphore(%run_scoped3A : memref<!tpu.dma_semaphore, #tpu.memory_space<semaphore_mem>>) src(%dma_wait3A_221 : memref<40x64xi32, #tpu.memory_space<hbm>>) dst(%arg6 : memref<40x64xi32, #tpu.memory_space<vmem>>)
        tpu.yield
      }) : () -> ()
      %sub3A_205 = arith.constant 125 : i32
      %sub3A_206 = arith.subi %add3A_154, %sub3A_205 : i32
      "tpu.region"() ({
        %run_scoped3A = tpu.sem_alloc : memref<!tpu.dma_semaphore, #tpu.memory_space<semaphore_mem>>
        %dma_start3A_207 = arith.constant 0 : i32
        %dma_start3A_208 = arith.constant 0 : i32
        %dma_start3A_209 = tpu.memref_slice %arg4[%sub3A_206, %dma_start3A_207, %dma_start3A_208] : memref<3x40x64xi32, #tpu.memory_space<hbm>> -> memref<1x40x64xi32, #tpu.memory_space<hbm>>
        %dma_start3A_210 = tpu.memref_squeeze %dma_start3A_209 : memref<1x40x64xi32, #tpu.memory_space<hbm>> -> memref<40x64xi32, #tpu.memory_space<hbm>>
        %dma_start3A_211 = arith.constant 0 : i32
        %dma_start3A_212 = arith.constant 0 : i32
        %dma_start3A_213 = tpu.memref_slice %arg4[%sub3A_206, %dma_start3A_211, %dma_start3A_212] : memref<3x40x64xi32, #tpu.memory_space<hbm>> -> memref<1x40x64xi32, #tpu.memory_space<hbm>>
        %dma_start3A_214 = tpu.memref_squeeze %dma_start3A_213 : memref<1x40x64xi32, #tpu.memory_space<hbm>> -> memref<40x64xi32, #tpu.memory_space<hbm>>
        tpu.enqueue_dma source(%dma_start3A_214 : memref<40x64xi32, #tpu.memory_space<hbm>>) target(%arg7 : memref<40x64xi32, #tpu.memory_space<vmem>>) target_semaphore(%run_scoped3A : memref<!tpu.dma_semaphore, #tpu.memory_space<semaphore_mem>>)
        %dma_wait3A = arith.constant 0 : i32
        %dma_wait3A_215 = arith.constant 0 : i32
        %dma_wait3A_216 = tpu.memref_slice %arg4[%sub3A_206, %dma_wait3A, %dma_wait3A_215] : memref<3x40x64xi32, #tpu.memory_space<hbm>> -> memref<1x40x64xi32, #tpu.memory_space<hbm>>
        %dma_wait3A_217 = tpu.memref_squeeze %dma_wait3A_216 : memref<1x40x64xi32, #tpu.memory_space<hbm>> -> memref<40x64xi32, #tpu.memory_space<hbm>>
        %dma_wait3A_218 = arith.constant 0 : i32
        %dma_wait3A_219 = arith.constant 0 : i32
        %dma_wait3A_220 = tpu.memref_slice %arg4[%sub3A_206, %dma_wait3A_218, %dma_wait3A_219] : memref<3x40x64xi32, #tpu.memory_space<hbm>> -> memref<1x40x64xi32, #tpu.memory_space<hbm>>
        %dma_wait3A_221 = tpu.memref_squeeze %dma_wait3A_220 : memref<1x40x64xi32, #tpu.memory_space<hbm>> -> memref<40x64xi32, #tpu.memory_space<hbm>>
        tpu.wait_dma2 semaphore(%run_scoped3A : memref<!tpu.dma_semaphore, #tpu.memory_space<semaphore_mem>>) src(%dma_wait3A_221 : memref<40x64xi32, #tpu.memory_space<hbm>>) dst(%arg7 : memref<40x64xi32, #tpu.memory_space<vmem>>)
        tpu.yield
      }) : () -> ()
    } else {
    }
    %dma_start3A_165 = arith.constant 0 : i32
    %dma_start3A_166 = arith.constant 0 : i32
    %dma_start3A_167 = tpu.memref_slice %arg6[%dma_start3A_165, %dma_start3A_166] : memref<40x64xi32, #tpu.memory_space<vmem>> -> memref<1x64xi32, #tpu.memory_space<vmem>>
    %dma_start3A_168 = tpu.memref_squeeze %dma_start3A_167 : memref<1x64xi32, #tpu.memory_space<vmem>> -> memref<64xi32, #tpu.memory_space<vmem>>
    %dma_start3A_169 = arith.constant 0 : i32
    %dma_start3A_170 = arith.constant 0 : i32
    %dma_start3A_171 = tpu.memref_slice %arg2[%dma_start3A_169, %dma_start3A_170] : memref<10240x128xf32, #tpu.memory_space<hbm>> -> memref<10240x128xf32, #tpu.memory_space<hbm>>
    tpu.enqueue_indirect_dma source(%dma_start3A_171 : memref<10240x128xf32, #tpu.memory_space<hbm>>) target(%arg8 : memref<64x128xf32, #tpu.memory_space<vmem>>) offsets(%dma_start3A_168 : memref<64xi32, #tpu.memory_space<vmem>>) semaphore(%arg13 : memref<!tpu.dma_semaphore, #tpu.memory_space<semaphore_mem>>)
    %dma_start3A_172 = arith.constant 1 : i32
    %dma_start3A_173 = arith.constant 0 : i32
    %dma_start3A_174 = tpu.memref_slice %arg6[%dma_start3A_172, %dma_start3A_173] : memref<40x64xi32, #tpu.memory_space<vmem>> -> memref<1x64xi32, #tpu.memory_space<vmem>>
    %dma_start3A_175 = tpu.memref_squeeze %dma_start3A_174 : memref<1x64xi32, #tpu.memory_space<vmem>> -> memref<64xi32, #tpu.memory_space<vmem>>
    %dma_start3A_176 = arith.constant 0 : i32
    %dma_start3A_177 = arith.constant 0 : i32
    %dma_start3A_178 = tpu.memref_slice %arg2[%dma_start3A_176, %dma_start3A_177] : memref<10240x128xf32, #tpu.memory_space<hbm>> -> memref<10240x128xf32, #tpu.memory_space<hbm>>
    tpu.enqueue_indirect_dma source(%dma_start3A_178 : memref<10240x128xf32, #tpu.memory_space<hbm>>) target(%arg9 : memref<64x128xf32, #tpu.memory_space<vmem>>) offsets(%dma_start3A_175 : memref<64xi32, #tpu.memory_space<vmem>>) semaphore(%arg14 : memref<!tpu.dma_semaphore, #tpu.memory_space<semaphore_mem>>)
    %dma_start3A_179 = arith.constant 2 : i32
    %dma_start3A_180 = arith.constant 0 : i32
    %dma_start3A_181 = tpu.memref_slice %arg6[%dma_start3A_179, %dma_start3A_180] : memref<40x64xi32, #tpu.memory_space<vmem>> -> memref<1x64xi32, #tpu.memory_space<vmem>>
    %dma_start3A_182 = tpu.memref_squeeze %dma_start3A_181 : memref<1x64xi32, #tpu.memory_space<vmem>> -> memref<64xi32, #tpu.memory_space<vmem>>
    %dma_start3A_183 = arith.constant 0 : i32
    %dma_start3A_184 = arith.constant 0 : i32
    %dma_start3A_185 = tpu.memref_slice %arg2[%dma_start3A_183, %dma_start3A_184] : memref<10240x128xf32, #tpu.memory_space<hbm>> -> memref<10240x128xf32, #tpu.memory_space<hbm>>
    tpu.enqueue_indirect_dma source(%dma_start3A_185 : memref<10240x128xf32, #tpu.memory_space<hbm>>) target(%arg10 : memref<64x128xf32, #tpu.memory_space<vmem>>) offsets(%dma_start3A_182 : memref<64xi32, #tpu.memory_space<vmem>>) semaphore(%arg15 : memref<!tpu.dma_semaphore, #tpu.memory_space<semaphore_mem>>)
    %dma_start3A_186 = arith.constant 3 : i32
    %dma_start3A_187 = arith.constant 0 : i32
    %dma_start3A_188 = tpu.memref_slice %arg6[%dma_start3A_186, %dma_start3A_187] : memref<40x64xi32, #tpu.memory_space<vmem>> -> memref<1x64xi32, #tpu.memory_space<vmem>>
    %dma_start3A_189 = tpu.memref_squeeze %dma_start3A_188 : memref<1x64xi32, #tpu.memory_space<vmem>> -> memref<64xi32, #tpu.memory_space<vmem>>
    %dma_start3A_190 = arith.constant 0 : i32
    %dma_start3A_191 = arith.constant 0 : i32
    %dma_start3A_192 = tpu.memref_slice %arg2[%dma_start3A_190, %dma_start3A_191] : memref<10240x128xf32, #tpu.memory_space<hbm>> -> memref<10240x128xf32, #tpu.memory_space<hbm>>
    tpu.enqueue_indirect_dma source(%dma_start3A_192 : memref<10240x128xf32, #tpu.memory_space<hbm>>) target(%arg11 : memref<64x128xf32, #tpu.memory_space<vmem>>) offsets(%dma_start3A_189 : memref<64xi32, #tpu.memory_space<vmem>>) semaphore(%arg16 : memref<!tpu.dma_semaphore, #tpu.memory_space<semaphore_mem>>)
    %scan3A_193 = arith.constant 0 : i32
    %scan3A_194 = arith.constant 0 : i32
    %scan3A_195 = arith.constant 10 : i32
    %scan3A_196 = arith.addi %scan3A_194, %scan3A_195 : i32
    %scan3A_197 = arith.constant 1 : i32
    scf.for %scan3A_204 = %scan3A_194 to %scan3A_196 step %scan3A_197  : i32 {
      %mul3A_205 = arith.constant 4 : i32
      %mul3A_206 = arith.muli %scan3A_204, %mul3A_205 : i32
      %add3A_207 = arith.constant 0 : i32
      %add3A_208 = arith.addi %mul3A_206, %add3A_207 : i32
      %dma_wait3A = arith.constant 0 : i32
      %dma_wait3A_209 = tpu.memref_slice %arg6[%add3A_208, %dma_wait3A] : memref<40x64xi32, #tpu.memory_space<vmem>> -> memref<1x64xi32, #tpu.memory_space<vmem>>
      %dma_wait3A_210 = tpu.memref_squeeze %dma_wait3A_209 : memref<1x64xi32, #tpu.memory_space<vmem>> -> memref<64xi32, #tpu.memory_space<vmem>>
      %dma_wait3A_211 = arith.constant 0 : i32
      %dma_wait3A_212 = arith.constant 0 : i32
      %dma_wait3A_213 = tpu.memref_slice %arg2[%dma_wait3A_211, %dma_wait3A_212] : memref<10240x128xf32, #tpu.memory_space<hbm>> -> memref<10240x128xf32, #tpu.memory_space<hbm>>
      tpu.wait_indirect_dma semaphore(%arg13 : memref<!tpu.dma_semaphore, #tpu.memory_space<semaphore_mem>>) src(%dma_wait3A_213 : memref<10240x128xf32, #tpu.memory_space<hbm>>) dst(%arg8 : memref<64x128xf32, #tpu.memory_space<vmem>>)
      "tpu.region"() ({
        %run_scoped3A = tpu.sem_alloc : memref<!tpu.dma_semaphore, #tpu.memory_space<semaphore_mem>>
        %dma_start3A_272 = arith.constant 0 : i32
        %dma_start3A_273 = tpu.memref_slice %arg7[%add3A_208, %dma_start3A_272] : memref<40x64xi32, #tpu.memory_space<vmem>> -> memref<1x64xi32, #tpu.memory_space<vmem>>
        %dma_start3A_274 = tpu.memref_squeeze %dma_start3A_273 : memref<1x64xi32, #tpu.memory_space<vmem>> -> memref<64xi32, #tpu.memory_space<vmem>>
        %dma_start3A_275 = arith.constant 0 : i32
        %dma_start3A_276 = arith.constant 0 : i32
        %dma_start3A_277 = tpu.memref_slice %arg12[%dma_start3A_275, %dma_start3A_276] : memref<10240x128xf32, #tpu.memory_space<vmem_shared>> -> memref<10240x128xf32, #tpu.memory_space<vmem_shared>>
        tpu.enqueue_indirect_dma source(%arg8 : memref<64x128xf32, #tpu.memory_space<vmem>>) target(%dma_start3A_277 : memref<10240x128xf32, #tpu.memory_space<vmem_shared>>) offsets(%dma_start3A_274 : memref<64xi32, #tpu.memory_space<vmem>>) semaphore(%run_scoped3A : memref<!tpu.dma_semaphore, #tpu.memory_space<semaphore_mem>>) {add = true}
        %dma_wait3A_278 = arith.constant 0 : i32
        %dma_wait3A_279 = tpu.memref_slice %arg7[%add3A_208, %dma_wait3A_278] : memref<40x64xi32, #tpu.memory_space<vmem>> -> memref<1x64xi32, #tpu.memory_space<vmem>>
        %dma_wait3A_280 = tpu.memref_squeeze %dma_wait3A_279 : memref<1x64xi32, #tpu.memory_space<vmem>> -> memref<64xi32, #tpu.memory_space<vmem>>
        %dma_wait3A_281 = arith.constant 0 : i32
        %dma_wait3A_282 = arith.constant 0 : i32
        %dma_wait3A_283 = tpu.memref_slice %arg12[%dma_wait3A_281, %dma_wait3A_282] : memref<10240x128xf32, #tpu.memory_space<vmem_shared>> -> memref<10240x128xf32, #tpu.memory_space<vmem_shared>>
        tpu.wait_indirect_dma semaphore(%run_scoped3A : memref<!tpu.dma_semaphore, #tpu.memory_space<semaphore_mem>>) src(%arg8 : memref<64x128xf32, #tpu.memory_space<vmem>>) dst(%dma_wait3A_283 : memref<10240x128xf32, #tpu.memory_space<vmem_shared>>)
        tpu.yield
      }) : () -> ()
      %add3A_214 = arith.constant 4 : i32
      %add3A_215 = arith.addi %add3A_208, %add3A_214 : i32
      %lt3A_216 = arith.constant 40 : i32
      %lt3A_217 = arith.cmpi slt, %add3A_215, %lt3A_216 : i32
      %convert_element_type3A_218 = arith.extui %lt3A_217 : i1 to i32
      %cond3A_219 = arith.constant 0 : i32
      %cond3A_220 = arith.cmpi ne, %convert_element_type3A_218, %cond3A_219 : i32
      scf.if %cond3A_220 {
        %add3A_272 = arith.constant 4 : i32
        %add3A_273 = arith.addi %add3A_208, %add3A_272 : i32
        %dma_start3A_274 = arith.constant 0 : i32
        %dma_start3A_275 = tpu.memref_slice %arg6[%add3A_273, %dma_start3A_274] : memref<40x64xi32, #tpu.memory_space<vmem>> -> memref<1x64xi32, #tpu.memory_space<vmem>>
        %dma_start3A_276 = tpu.memref_squeeze %dma_start3A_275 : memref<1x64xi32, #tpu.memory_space<vmem>> -> memref<64xi32, #tpu.memory_space<vmem>>
        %dma_start3A_277 = arith.constant 0 : i32
        %dma_start3A_278 = arith.constant 0 : i32
        %dma_start3A_279 = tpu.memref_slice %arg2[%dma_start3A_277, %dma_start3A_278] : memref<10240x128xf32, #tpu.memory_space<hbm>> -> memref<10240x128xf32, #tpu.memory_space<hbm>>
        tpu.enqueue_indirect_dma source(%dma_start3A_279 : memref<10240x128xf32, #tpu.memory_space<hbm>>) target(%arg8 : memref<64x128xf32, #tpu.memory_space<vmem>>) offsets(%dma_start3A_276 : memref<64xi32, #tpu.memory_space<vmem>>) semaphore(%arg13 : memref<!tpu.dma_semaphore, #tpu.memory_space<semaphore_mem>>)
      } else {
      }
      %mul3A_221 = arith.constant 4 : i32
      %mul3A_222 = arith.muli %scan3A_204, %mul3A_221 : i32
      %add3A_223 = arith.constant 1 : i32
      %add3A_224 = arith.addi %mul3A_222, %add3A_223 : i32
      %dma_wait3A_225 = arith.constant 0 : i32
      %dma_wait3A_226 = tpu.memref_slice %arg6[%add3A_224, %dma_wait3A_225] : memref<40x64xi32, #tpu.memory_space<vmem>> -> memref<1x64xi32, #tpu.memory_space<vmem>>
      %dma_wait3A_227 = tpu.memref_squeeze %dma_wait3A_226 : memref<1x64xi32, #tpu.memory_space<vmem>> -> memref<64xi32, #tpu.memory_space<vmem>>
      %dma_wait3A_228 = arith.constant 0 : i32
      %dma_wait3A_229 = arith.constant 0 : i32
      %dma_wait3A_230 = tpu.memref_slice %arg2[%dma_wait3A_228, %dma_wait3A_229] : memref<10240x128xf32, #tpu.memory_space<hbm>> -> memref<10240x128xf32, #tpu.memory_space<hbm>>
      tpu.wait_indirect_dma semaphore(%arg14 : memref<!tpu.dma_semaphore, #tpu.memory_space<semaphore_mem>>) src(%dma_wait3A_230 : memref<10240x128xf32, #tpu.memory_space<hbm>>) dst(%arg9 : memref<64x128xf32, #tpu.memory_space<vmem>>)
      "tpu.region"() ({
        %run_scoped3A = tpu.sem_alloc : memref<!tpu.dma_semaphore, #tpu.memory_space<semaphore_mem>>
        %dma_start3A_272 = arith.constant 0 : i32
        %dma_start3A_273 = tpu.memref_slice %arg7[%add3A_224, %dma_start3A_272] : memref<40x64xi32, #tpu.memory_space<vmem>> -> memref<1x64xi32, #tpu.memory_space<vmem>>
        %dma_start3A_274 = tpu.memref_squeeze %dma_start3A_273 : memref<1x64xi32, #tpu.memory_space<vmem>> -> memref<64xi32, #tpu.memory_space<vmem>>
        %dma_start3A_275 = arith.constant 0 : i32
        %dma_start3A_276 = arith.constant 0 : i32
        %dma_start3A_277 = tpu.memref_slice %arg12[%dma_start3A_275, %dma_start3A_276] : memref<10240x128xf32, #tpu.memory_space<vmem_shared>> -> memref<10240x128xf32, #tpu.memory_space<vmem_shared>>
        tpu.enqueue_indirect_dma source(%arg9 : memref<64x128xf32, #tpu.memory_space<vmem>>) target(%dma_start3A_277 : memref<10240x128xf32, #tpu.memory_space<vmem_shared>>) offsets(%dma_start3A_274 : memref<64xi32, #tpu.memory_space<vmem>>) semaphore(%run_scoped3A : memref<!tpu.dma_semaphore, #tpu.memory_space<semaphore_mem>>) {add = true}
        %dma_wait3A_278 = arith.constant 0 : i32
        %dma_wait3A_279 = tpu.memref_slice %arg7[%add3A_224, %dma_wait3A_278] : memref<40x64xi32, #tpu.memory_space<vmem>> -> memref<1x64xi32, #tpu.memory_space<vmem>>
        %dma_wait3A_280 = tpu.memref_squeeze %dma_wait3A_279 : memref<1x64xi32, #tpu.memory_space<vmem>> -> memref<64xi32, #tpu.memory_space<vmem>>
        %dma_wait3A_281 = arith.constant 0 : i32
        %dma_wait3A_282 = arith.constant 0 : i32
        %dma_wait3A_283 = tpu.memref_slice %arg12[%dma_wait3A_281, %dma_wait3A_282] : memref<10240x128xf32, #tpu.memory_space<vmem_shared>> -> memref<10240x128xf32, #tpu.memory_space<vmem_shared>>
        tpu.wait_indirect_dma semaphore(%run_scoped3A : memref<!tpu.dma_semaphore, #tpu.memory_space<semaphore_mem>>) src(%arg9 : memref<64x128xf32, #tpu.memory_space<vmem>>) dst(%dma_wait3A_283 : memref<10240x128xf32, #tpu.memory_space<vmem_shared>>)
        tpu.yield
      }) : () -> ()
      %add3A_231 = arith.constant 4 : i32
      %add3A_232 = arith.addi %add3A_224, %add3A_231 : i32
      %lt3A_233 = arith.constant 40 : i32
      %lt3A_234 = arith.cmpi slt, %add3A_232, %lt3A_233 : i32
      %convert_element_type3A_235 = arith.extui %lt3A_234 : i1 to i32
      %cond3A_236 = arith.constant 0 : i32
      %cond3A_237 = arith.cmpi ne, %convert_element_type3A_235, %cond3A_236 : i32
      scf.if %cond3A_237 {
        %add3A_272 = arith.constant 4 : i32
        %add3A_273 = arith.addi %add3A_224, %add3A_272 : i32
        %dma_start3A_274 = arith.constant 0 : i32
        %dma_start3A_275 = tpu.memref_slice %arg6[%add3A_273, %dma_start3A_274] : memref<40x64xi32, #tpu.memory_space<vmem>> -> memref<1x64xi32, #tpu.memory_space<vmem>>
        %dma_start3A_276 = tpu.memref_squeeze %dma_start3A_275 : memref<1x64xi32, #tpu.memory_space<vmem>> -> memref<64xi32, #tpu.memory_space<vmem>>
        %dma_start3A_277 = arith.constant 0 : i32
        %dma_start3A_278 = arith.constant 0 : i32
        %dma_start3A_279 = tpu.memref_slice %arg2[%dma_start3A_277, %dma_start3A_278] : memref<10240x128xf32, #tpu.memory_space<hbm>> -> memref<10240x128xf32, #tpu.memory_space<hbm>>
        tpu.enqueue_indirect_dma source(%dma_start3A_279 : memref<10240x128xf32, #tpu.memory_space<hbm>>) target(%arg9 : memref<64x128xf32, #tpu.memory_space<vmem>>) offsets(%dma_start3A_276 : memref<64xi32, #tpu.memory_space<vmem>>) semaphore(%arg14 : memref<!tpu.dma_semaphore, #tpu.memory_space<semaphore_mem>>)
      } else {
      }
      %mul3A_238 = arith.constant 4 : i32
      %mul3A_239 = arith.muli %scan3A_204, %mul3A_238 : i32
      %add3A_240 = arith.constant 2 : i32
      %add3A_241 = arith.addi %mul3A_239, %add3A_240 : i32
      %dma_wait3A_242 = arith.constant 0 : i32
      %dma_wait3A_243 = tpu.memref_slice %arg6[%add3A_241, %dma_wait3A_242] : memref<40x64xi32, #tpu.memory_space<vmem>> -> memref<1x64xi32, #tpu.memory_space<vmem>>
      %dma_wait3A_244 = tpu.memref_squeeze %dma_wait3A_243 : memref<1x64xi32, #tpu.memory_space<vmem>> -> memref<64xi32, #tpu.memory_space<vmem>>
      %dma_wait3A_245 = arith.constant 0 : i32
      %dma_wait3A_246 = arith.constant 0 : i32
      %dma_wait3A_247 = tpu.memref_slice %arg2[%dma_wait3A_245, %dma_wait3A_246] : memref<10240x128xf32, #tpu.memory_space<hbm>> -> memref<10240x128xf32, #tpu.memory_space<hbm>>
      tpu.wait_indirect_dma semaphore(%arg15 : memref<!tpu.dma_semaphore, #tpu.memory_space<semaphore_mem>>) src(%dma_wait3A_247 : memref<10240x128xf32, #tpu.memory_space<hbm>>) dst(%arg10 : memref<64x128xf32, #tpu.memory_space<vmem>>)
      "tpu.region"() ({
        %run_scoped3A = tpu.sem_alloc : memref<!tpu.dma_semaphore, #tpu.memory_space<semaphore_mem>>
        %dma_start3A_272 = arith.constant 0 : i32
        %dma_start3A_273 = tpu.memref_slice %arg7[%add3A_241, %dma_start3A_272] : memref<40x64xi32, #tpu.memory_space<vmem>> -> memref<1x64xi32, #tpu.memory_space<vmem>>
        %dma_start3A_274 = tpu.memref_squeeze %dma_start3A_273 : memref<1x64xi32, #tpu.memory_space<vmem>> -> memref<64xi32, #tpu.memory_space<vmem>>
        %dma_start3A_275 = arith.constant 0 : i32
        %dma_start3A_276 = arith.constant 0 : i32
        %dma_start3A_277 = tpu.memref_slice %arg12[%dma_start3A_275, %dma_start3A_276] : memref<10240x128xf32, #tpu.memory_space<vmem_shared>> -> memref<10240x128xf32, #tpu.memory_space<vmem_shared>>
        tpu.enqueue_indirect_dma source(%arg10 : memref<64x128xf32, #tpu.memory_space<vmem>>) target(%dma_start3A_277 : memref<10240x128xf32, #tpu.memory_space<vmem_shared>>) offsets(%dma_start3A_274 : memref<64xi32, #tpu.memory_space<vmem>>) semaphore(%run_scoped3A : memref<!tpu.dma_semaphore, #tpu.memory_space<semaphore_mem>>) {add = true}
        %dma_wait3A_278 = arith.constant 0 : i32
        %dma_wait3A_279 = tpu.memref_slice %arg7[%add3A_241, %dma_wait3A_278] : memref<40x64xi32, #tpu.memory_space<vmem>> -> memref<1x64xi32, #tpu.memory_space<vmem>>
        %dma_wait3A_280 = tpu.memref_squeeze %dma_wait3A_279 : memref<1x64xi32, #tpu.memory_space<vmem>> -> memref<64xi32, #tpu.memory_space<vmem>>
        %dma_wait3A_281 = arith.constant 0 : i32
        %dma_wait3A_282 = arith.constant 0 : i32
        %dma_wait3A_283 = tpu.memref_slice %arg12[%dma_wait3A_281, %dma_wait3A_282] : memref<10240x128xf32, #tpu.memory_space<vmem_shared>> -> memref<10240x128xf32, #tpu.memory_space<vmem_shared>>
        tpu.wait_indirect_dma semaphore(%run_scoped3A : memref<!tpu.dma_semaphore, #tpu.memory_space<semaphore_mem>>) src(%arg10 : memref<64x128xf32, #tpu.memory_space<vmem>>) dst(%dma_wait3A_283 : memref<10240x128xf32, #tpu.memory_space<vmem_shared>>)
        tpu.yield
      }) : () -> ()
      %add3A_248 = arith.constant 4 : i32
      %add3A_249 = arith.addi %add3A_241, %add3A_248 : i32
      %lt3A_250 = arith.constant 40 : i32
      %lt3A_251 = arith.cmpi slt, %add3A_249, %lt3A_250 : i32
      %convert_element_type3A_252 = arith.extui %lt3A_251 : i1 to i32
      %cond3A_253 = arith.constant 0 : i32
      %cond3A_254 = arith.cmpi ne, %convert_element_type3A_252, %cond3A_253 : i32
      scf.if %cond3A_254 {
        %add3A_272 = arith.constant 4 : i32
        %add3A_273 = arith.addi %add3A_241, %add3A_272 : i32
        %dma_start3A_274 = arith.constant 0 : i32
        %dma_start3A_275 = tpu.memref_slice %arg6[%add3A_273, %dma_start3A_274] : memref<40x64xi32, #tpu.memory_space<vmem>> -> memref<1x64xi32, #tpu.memory_space<vmem>>
        %dma_start3A_276 = tpu.memref_squeeze %dma_start3A_275 : memref<1x64xi32, #tpu.memory_space<vmem>> -> memref<64xi32, #tpu.memory_space<vmem>>
        %dma_start3A_277 = arith.constant 0 : i32
        %dma_start3A_278 = arith.constant 0 : i32
        %dma_start3A_279 = tpu.memref_slice %arg2[%dma_start3A_277, %dma_start3A_278] : memref<10240x128xf32, #tpu.memory_space<hbm>> -> memref<10240x128xf32, #tpu.memory_space<hbm>>
        tpu.enqueue_indirect_dma source(%dma_start3A_279 : memref<10240x128xf32, #tpu.memory_space<hbm>>) target(%arg10 : memref<64x128xf32, #tpu.memory_space<vmem>>) offsets(%dma_start3A_276 : memref<64xi32, #tpu.memory_space<vmem>>) semaphore(%arg15 : memref<!tpu.dma_semaphore, #tpu.memory_space<semaphore_mem>>)
      } else {
      }
      %mul3A_255 = arith.constant 4 : i32
      %mul3A_256 = arith.muli %scan3A_204, %mul3A_255 : i32
      %add3A_257 = arith.constant 3 : i32
      %add3A_258 = arith.addi %mul3A_256, %add3A_257 : i32
      %dma_wait3A_259 = arith.constant 0 : i32
      %dma_wait3A_260 = tpu.memref_slice %arg6[%add3A_258, %dma_wait3A_259] : memref<40x64xi32, #tpu.memory_space<vmem>> -> memref<1x64xi32, #tpu.memory_space<vmem>>
      %dma_wait3A_261 = tpu.memref_squeeze %dma_wait3A_260 : memref<1x64xi32, #tpu.memory_space<vmem>> -> memref<64xi32, #tpu.memory_space<vmem>>
      %dma_wait3A_262 = arith.constant 0 : i32
      %dma_wait3A_263 = arith.constant 0 : i32
      %dma_wait3A_264 = tpu.memref_slice %arg2[%dma_wait3A_262, %dma_wait3A_263] : memref<10240x128xf32, #tpu.memory_space<hbm>> -> memref<10240x128xf32, #tpu.memory_space<hbm>>
      tpu.wait_indirect_dma semaphore(%arg16 : memref<!tpu.dma_semaphore, #tpu.memory_space<semaphore_mem>>) src(%dma_wait3A_264 : memref<10240x128xf32, #tpu.memory_space<hbm>>) dst(%arg11 : memref<64x128xf32, #tpu.memory_space<vmem>>)
      "tpu.region"() ({
        %run_scoped3A = tpu.sem_alloc : memref<!tpu.dma_semaphore, #tpu.memory_space<semaphore_mem>>
        %dma_start3A_272 = arith.constant 0 : i32
        %dma_start3A_273 = tpu.memref_slice %arg7[%add3A_258, %dma_start3A_272] : memref<40x64xi32, #tpu.memory_space<vmem>> -> memref<1x64xi32, #tpu.memory_space<vmem>>
        %dma_start3A_274 = tpu.memref_squeeze %dma_start3A_273 : memref<1x64xi32, #tpu.memory_space<vmem>> -> memref<64xi32, #tpu.memory_space<vmem>>
        %dma_start3A_275 = arith.constant 0 : i32
        %dma_start3A_276 = arith.constant 0 : i32
        %dma_start3A_277 = tpu.memref_slice %arg12[%dma_start3A_275, %dma_start3A_276] : memref<10240x128xf32, #tpu.memory_space<vmem_shared>> -> memref<10240x128xf32, #tpu.memory_space<vmem_shared>>
        tpu.enqueue_indirect_dma source(%arg11 : memref<64x128xf32, #tpu.memory_space<vmem>>) target(%dma_start3A_277 : memref<10240x128xf32, #tpu.memory_space<vmem_shared>>) offsets(%dma_start3A_274 : memref<64xi32, #tpu.memory_space<vmem>>) semaphore(%run_scoped3A : memref<!tpu.dma_semaphore, #tpu.memory_space<semaphore_mem>>) {add = true}
        %dma_wait3A_278 = arith.constant 0 : i32
        %dma_wait3A_279 = tpu.memref_slice %arg7[%add3A_258, %dma_wait3A_278] : memref<40x64xi32, #tpu.memory_space<vmem>> -> memref<1x64xi32, #tpu.memory_space<vmem>>
        %dma_wait3A_280 = tpu.memref_squeeze %dma_wait3A_279 : memref<1x64xi32, #tpu.memory_space<vmem>> -> memref<64xi32, #tpu.memory_space<vmem>>
        %dma_wait3A_281 = arith.constant 0 : i32
        %dma_wait3A_282 = arith.constant 0 : i32
        %dma_wait3A_283 = tpu.memref_slice %arg12[%dma_wait3A_281, %dma_wait3A_282] : memref<10240x128xf32, #tpu.memory_space<vmem_shared>> -> memref<10240x128xf32, #tpu.memory_space<vmem_shared>>
        tpu.wait_indirect_dma semaphore(%run_scoped3A : memref<!tpu.dma_semaphore, #tpu.memory_space<semaphore_mem>>) src(%arg11 : memref<64x128xf32, #tpu.memory_space<vmem>>) dst(%dma_wait3A_283 : memref<10240x128xf32, #tpu.memory_space<vmem_shared>>)
        tpu.yield
      }) : () -> ()
      %add3A_265 = arith.constant 4 : i32
      %add3A_266 = arith.addi %add3A_258, %add3A_265 : i32
      %lt3A_267 = arith.constant 40 : i32
      %lt3A_268 = arith.cmpi slt, %add3A_266, %lt3A_267 : i32
      %convert_element_type3A_269 = arith.extui %lt3A_268 : i1 to i32
      %cond3A_270 = arith.constant 0 : i32
      %cond3A_271 = arith.cmpi ne, %convert_element_type3A_269, %cond3A_270 : i32
      scf.if %cond3A_271 {
        %add3A_272 = arith.constant 4 : i32
        %add3A_273 = arith.addi %add3A_258, %add3A_272 : i32
        %dma_start3A_274 = arith.constant 0 : i32
        %dma_start3A_275 = tpu.memref_slice %arg6[%add3A_273, %dma_start3A_274] : memref<40x64xi32, #tpu.memory_space<vmem>> -> memref<1x64xi32, #tpu.memory_space<vmem>>
        %dma_start3A_276 = tpu.memref_squeeze %dma_start3A_275 : memref<1x64xi32, #tpu.memory_space<vmem>> -> memref<64xi32, #tpu.memory_space<vmem>>
        %dma_start3A_277 = arith.constant 0 : i32
        %dma_start3A_278 = arith.constant 0 : i32
        %dma_start3A_279 = tpu.memref_slice %arg2[%dma_start3A_277, %dma_start3A_278] : memref<10240x128xf32, #tpu.memory_space<hbm>> -> memref<10240x128xf32, #tpu.memory_space<hbm>>
        tpu.enqueue_indirect_dma source(%dma_start3A_279 : memref<10240x128xf32, #tpu.memory_space<hbm>>) target(%arg11 : memref<64x128xf32, #tpu.memory_space<vmem>>) offsets(%dma_start3A_276 : memref<64xi32, #tpu.memory_space<vmem>>) semaphore(%arg16 : memref<!tpu.dma_semaphore, #tpu.memory_space<semaphore_mem>>)
      } else {
      }
    }
    %scan3A_198 = arith.constant 10 : i32
    %barrier3A_199 = arith.constant 0 : index
    tpu.barrier barrier_id(%barrier3A_199)
    %mul3A_200 = arith.constant 640 : i32
    %mul3A_201 = arith.muli %arg1, %mul3A_200 : i32
    %mul3A_202 = arith.constant 640 : i32
    %mul3A_203 = arith.muli %arg1, %mul3A_202 : i32
    "tpu.region"() ({
      %run_scoped3A = tpu.sem_alloc : memref<!tpu.dma_semaphore, #tpu.memory_space<semaphore_mem>>
      %dma_start3A_204 = arith.constant 0 : i32
      %dma_start3A_205 = tpu.memref_slice %arg5[%arg0, %mul3A_203, %dma_start3A_204] : memref<2x10240x128xf32, #tpu.memory_space<hbm>> -> memref<1x640x128xf32, #tpu.memory_space<hbm>>
      %dma_start3A_206 = tpu.memref_squeeze %dma_start3A_205 : memref<1x640x128xf32, #tpu.memory_space<hbm>> -> memref<640x128xf32, #tpu.memory_space<hbm>>
      %dma_start3A_207 = arith.constant 0 : i32
      %dma_start3A_208 = tpu.memref_slice %arg12[%mul3A_201, %dma_start3A_207] : memref<10240x128xf32, #tpu.memory_space<vmem_shared>> -> memref<640x128xf32, #tpu.memory_space<vmem_shared>>
      tpu.enqueue_dma source(%dma_start3A_208 : memref<640x128xf32, #tpu.memory_space<vmem_shared>>) target(%dma_start3A_206 : memref<640x128xf32, #tpu.memory_space<hbm>>) target_semaphore(%run_scoped3A : memref<!tpu.dma_semaphore, #tpu.memory_space<semaphore_mem>>)
      %dma_wait3A = arith.constant 0 : i32
      %dma_wait3A_209 = tpu.memref_slice %arg5[%arg0, %mul3A_203, %dma_wait3A] : memref<2x10240x128xf32, #tpu.memory_space<hbm>> -> memref<1x640x128xf32, #tpu.memory_space<hbm>>
      %dma_wait3A_210 = tpu.memref_squeeze %dma_wait3A_209 : memref<1x640x128xf32, #tpu.memory_space<hbm>> -> memref<640x128xf32, #tpu.memory_space<hbm>>
      %dma_wait3A_211 = arith.constant 0 : i32
      %dma_wait3A_212 = tpu.memref_slice %arg12[%mul3A_201, %dma_wait3A_211] : memref<10240x128xf32, #tpu.memory_space<vmem_shared>> -> memref<640x128xf32, #tpu.memory_space<vmem_shared>>
      tpu.wait_dma2 semaphore(%run_scoped3A : memref<!tpu.dma_semaphore, #tpu.memory_space<semaphore_mem>>) src(%dma_wait3A_212 : memref<640x128xf32, #tpu.memory_space<vmem_shared>>) dst(%dma_wait3A_210 : memref<640x128xf32, #tpu.memory_space<hbm>>)
      tpu.yield
    }) : () -> ()
    return
  }
}

#map = affine_map<(d0, d1) -> (0, 0)>
#map1 = affine_map<(d0, d1) -> (0, 0, 0)>
module attributes {stable_mosaic.version = 14 : i64} {
  func.func @agg_kernel(%arg0: i32, %arg1: i32, %arg2: memref<10240x128xf32, #tpu.memory_space<hbm>>, %arg3: memref<2x5000x64xi32, #tpu.memory_space<hbm>>, %arg4: memref<3x40x64xi32, #tpu.memory_space<hbm>>, %arg5: memref<2x10240x128xf32, #tpu.memory_space<hbm>>, %arg6: memref<40x64xi32, #tpu.memory_space<vmem>>, %arg7: memref<40x64xi32, #tpu.memory_space<vmem>>, %arg8: memref<64x128xf32, #tpu.memory_space<vmem>>, %arg9: memref<64x128xf32, #tpu.memory_space<vmem>>, %arg10: memref<64x128xf32, #tpu.memory_space<vmem>>, %arg11: memref<64x128xf32, #tpu.memory_space<vmem>>, %arg12: memref<10240x128xf32, #tpu.memory_space<vmem_shared>>, %arg13: memref<!tpu.dma_semaphore, #tpu.memory_space<semaphore_mem>>, %arg14: memref<!tpu.dma_semaphore, #tpu.memory_space<semaphore_mem>>, %arg15: memref<!tpu.dma_semaphore, #tpu.memory_space<semaphore_mem>>, %arg16: memref<!tpu.dma_semaphore, #tpu.memory_space<semaphore_mem>>) attributes {dimension_semantics = [#tpu.dimension_semantics<core_parallel>, #tpu.dimension_semantics<subcore_parallel>], iteration_bounds = array<i64: 2, 16>, scalar_prefetch = 0 : i64, scratch_operands = 11 : i64, tpu.core_type = #tpu.core_type<sc_vector_subcore>, window_params = [{transform_indices = #map}, {transform_indices = #map1}, {transform_indices = #map1}, {transform_indices = #map1}]} {
    %mul3A = arith.constant 16 : i32
    %mul3A_0 = arith.muli %arg0, %mul3A : i32
    %add3A = arith.addi %mul3A_0, %arg1 : i32
    %scan3A = arith.constant 0 : i32
    %scan3A_1 = arith.constant 0 : i32
    %scan3A_2 = arith.constant 512 : i32
    %scan3A_3 = arith.addi %scan3A_1, %scan3A_2 : i32
    %scan3A_4 = arith.constant 1 : i32
    scf.for %scan3A_204 = %scan3A_1 to %scan3A_3 step %scan3A_4  : i32 {
      %broadcast_in_dim3A = arith.constant 0.000000e+00 : f32
      %broadcast_in_dim3A_205 = vector.broadcast %broadcast_in_dim3A : f32 to vector<16xf32>
      %jit3A = arith.constant 8 : i32
      %div3A = arith.divsi %scan3A_204, %jit3A : i32
      %sign3A = arith.constant 0 : i32
      %sign3A_206 = arith.cmpi sgt, %scan3A_204, %sign3A : i32
      %sign3A_207 = arith.extui %sign3A_206 : i1 to i32
      %sign3A_208 = arith.constant 0 : i32
      %sign3A_209 = arith.cmpi slt, %scan3A_204, %sign3A_208 : i32
      %sign3A_210 = arith.extui %sign3A_209 : i1 to i32
      %sign3A_211 = arith.subi %sign3A_207, %sign3A_210 : i32
      %sign3A_212 = arith.constant 0 : i32
      %sign3A_213 = arith.cmpi sgt, %jit3A, %sign3A_212 : i32
      %sign3A_214 = arith.extui %sign3A_213 : i1 to i32
      %sign3A_215 = arith.constant 0 : i32
      %sign3A_216 = arith.cmpi slt, %jit3A, %sign3A_215 : i32
      %sign3A_217 = arith.extui %sign3A_216 : i1 to i32
      %sign3A_218 = arith.subi %sign3A_214, %sign3A_217 : i32
      %ne3A = arith.cmpi ne, %sign3A_211, %sign3A_218 : i32
      %rem3A = arith.remsi %scan3A_204, %jit3A : i32
      %ne3A_219 = arith.constant 0 : i32
      %ne3A_220 = arith.cmpi ne, %rem3A, %ne3A_219 : i32
      %and3A = arith.andi %ne3A, %ne3A_220 : i1
      %sub3A = arith.constant 1 : i32
      %sub3A_221 = arith.subi %div3A, %sub3A : i32
      %select_n3A = arith.select %and3A, %sub3A_221, %div3A : i32
      %jit3A_222 = arith.constant 8 : i32
      %eq3A = arith.constant 0 : i32
      %eq3A_223 = arith.cmpi eq, %jit3A_222, %eq3A : i32
      %jit3A_224 = arith.constant 1 : i32
      %select_n3A_225 = arith.select %eq3A_223, %jit3A_224, %jit3A_222 : i32
      %rem3A_226 = arith.remsi %scan3A_204, %select_n3A_225 : i32
      %ne3A_227 = arith.constant 0 : i32
      %ne3A_228 = arith.cmpi ne, %rem3A_226, %ne3A_227 : i32
      %lt3A_229 = arith.constant 0 : i32
      %lt3A_230 = arith.cmpi slt, %rem3A_226, %lt3A_229 : i32
      %lt3A_231 = arith.constant 0 : i32
      %lt3A_232 = arith.cmpi slt, %select_n3A_225, %lt3A_231 : i32
      %ne3A_233 = arith.xori %lt3A_230, %lt3A_232 : i1
      %and3A_234 = arith.andi %ne3A_233, %ne3A_228 : i1
      %add3A_235 = arith.addi %rem3A_226, %select_n3A_225 : i32
      %select_n3A_236 = arith.select %and3A_234, %add3A_235, %rem3A_226 : i32
      %mul3A_237 = arith.constant 16 : i32
      %mul3A_238 = arith.muli %select_n3A_236, %mul3A_237 : i32
      %swap3A = arith.index_cast %select_n3A : i32 to index
      %swap3A_239 = arith.index_cast %mul3A_238 : i32 to index
      %swap3A_240 = tpu.vector_load %arg8[%swap3A, %swap3A_239] {strides = array<i32>} : memref<64x128xf32, #tpu.memory_space<vmem>>, vector<16xf32>,
      tpu.vector_store %arg8[%swap3A, %swap3A_239], %broadcast_in_dim3A_205 {strides = array<i32>} : memref<64x128xf32, #tpu.memory_space<vmem>>, vector<16xf32>,
    }
    %scan3A_5 = arith.constant 512 : i32
    %scan3A_6 = arith.constant 0 : i32
    %scan3A_7 = arith.constant 0 : i32
    %scan3A_8 = arith.constant 10 : i32
    %scan3A_9 = arith.addi %scan3A_7, %scan3A_8 : i32
    %scan3A_10 = arith.constant 1 : i32
    scf.for %scan3A_204 = %scan3A_7 to %scan3A_9 step %scan3A_10  : i32 {
      %mul3A_205 = arith.constant 640 : i32
      %mul3A_206 = arith.muli %arg1, %mul3A_205 : i32
      %mul3A_207 = arith.constant 64 : i32
      %mul3A_208 = arith.muli %scan3A_204, %mul3A_207 : i32
      %add3A_209 = arith.addi %mul3A_206, %mul3A_208 : i32
      "tpu.region"() ({
        %run_scoped3A = tpu.sem_alloc : memref<!tpu.dma_semaphore, #tpu.memory_space<semaphore_mem>>
        %dma_start3A_210 = arith.constant 0 : i32
        %dma_start3A_211 = tpu.memref_slice %arg12[%add3A_209, %dma_start3A_210] : memref<10240x128xf32, #tpu.memory_space<vmem_shared>> -> memref<64x128xf32, #tpu.memory_space<vmem_shared>>
        %dma_start3A_212 = arith.constant 0 : i32
        %dma_start3A_213 = tpu.memref_slice %arg12[%add3A_209, %dma_start3A_212] : memref<10240x128xf32, #tpu.memory_space<vmem_shared>> -> memref<64x128xf32, #tpu.memory_space<vmem_shared>>
        tpu.enqueue_dma source(%arg8 : memref<64x128xf32, #tpu.memory_space<vmem>>) target(%dma_start3A_213 : memref<64x128xf32, #tpu.memory_space<vmem_shared>>) target_semaphore(%run_scoped3A : memref<!tpu.dma_semaphore, #tpu.memory_space<semaphore_mem>>)
        %dma_wait3A = arith.constant 0 : i32
        %dma_wait3A_214 = tpu.memref_slice %arg12[%add3A_209, %dma_wait3A] : memref<10240x128xf32, #tpu.memory_space<vmem_shared>> -> memref<64x128xf32, #tpu.memory_space<vmem_shared>>
        %dma_wait3A_215 = arith.constant 0 : i32
        %dma_wait3A_216 = tpu.memref_slice %arg12[%add3A_209, %dma_wait3A_215] : memref<10240x128xf32, #tpu.memory_space<vmem_shared>> -> memref<64x128xf32, #tpu.memory_space<vmem_shared>>
        tpu.wait_dma2 semaphore(%run_scoped3A : memref<!tpu.dma_semaphore, #tpu.memory_space<semaphore_mem>>) src(%arg8 : memref<64x128xf32, #tpu.memory_space<vmem>>) dst(%dma_wait3A_216 : memref<64x128xf32, #tpu.memory_space<vmem_shared>>)
        tpu.yield
      }) : () -> ()
    }
    %scan3A_11 = arith.constant 10 : i32
    %barrier3A = arith.constant 0 : index
    tpu.barrier barrier_id(%barrier3A)
    %mul3A_12 = arith.constant 4 : i32
    %mul3A_13 = arith.muli %add3A, %mul3A_12 : i32
    %add3A_14 = arith.constant 0 : i32
    %add3A_15 = arith.addi %mul3A_13, %add3A_14 : i32
    %lt3A = arith.constant 125 : i32
    %lt3A_16 = arith.cmpi slt, %add3A_15, %lt3A : i32
    %convert_element_type3A = arith.extui %lt3A_16 : i1 to i32
    %cond3A = arith.constant 0 : i32
    %cond3A_17 = arith.cmpi ne, %convert_element_type3A, %cond3A : i32
    scf.if %cond3A_17 {
      %mul3A_204 = arith.constant 40 : i32
      %mul3A_205 = arith.muli %add3A_15, %mul3A_204 : i32
      %run_scoped3A = arith.constant 0 : i32
      "tpu.region"() ({
        %run_scoped3A_207 = tpu.sem_alloc : memref<!tpu.dma_semaphore, #tpu.memory_space<semaphore_mem>>
        %dma_start3A_208 = arith.constant 0 : i32
        %dma_start3A_209 = tpu.memref_slice %arg3[%run_scoped3A, %mul3A_205, %dma_start3A_208] : memref<2x5000x64xi32, #tpu.memory_space<hbm>> -> memref<1x40x64xi32, #tpu.memory_space<hbm>>
        %dma_start3A_210 = tpu.memref_squeeze %dma_start3A_209 : memref<1x40x64xi32, #tpu.memory_space<hbm>> -> memref<40x64xi32, #tpu.memory_space<hbm>>
        %dma_start3A_211 = arith.constant 0 : i32
        %dma_start3A_212 = tpu.memref_slice %arg3[%run_scoped3A, %mul3A_205, %dma_start3A_211] : memref<2x5000x64xi32, #tpu.memory_space<hbm>> -> memref<1x40x64xi32, #tpu.memory_space<hbm>>
        %dma_start3A_213 = tpu.memref_squeeze %dma_start3A_212 : memref<1x40x64xi32, #tpu.memory_space<hbm>> -> memref<40x64xi32, #tpu.memory_space<hbm>>
        tpu.enqueue_dma source(%dma_start3A_213 : memref<40x64xi32, #tpu.memory_space<hbm>>) target(%arg6 : memref<40x64xi32, #tpu.memory_space<vmem>>) target_semaphore(%run_scoped3A_207 : memref<!tpu.dma_semaphore, #tpu.memory_space<semaphore_mem>>)
        %dma_wait3A = arith.constant 0 : i32
        %dma_wait3A_214 = tpu.memref_slice %arg3[%run_scoped3A, %mul3A_205, %dma_wait3A] : memref<2x5000x64xi32, #tpu.memory_space<hbm>> -> memref<1x40x64xi32, #tpu.memory_space<hbm>>
        %dma_wait3A_215 = tpu.memref_squeeze %dma_wait3A_214 : memref<1x40x64xi32, #tpu.memory_space<hbm>> -> memref<40x64xi32, #tpu.memory_space<hbm>>
        %dma_wait3A_216 = arith.constant 0 : i32
        %dma_wait3A_217 = tpu.memref_slice %arg3[%run_scoped3A, %mul3A_205, %dma_wait3A_216] : memref<2x5000x64xi32, #tpu.memory_space<hbm>> -> memref<1x40x64xi32, #tpu.memory_space<hbm>>
        %dma_wait3A_218 = tpu.memref_squeeze %dma_wait3A_217 : memref<1x40x64xi32, #tpu.memory_space<hbm>> -> memref<40x64xi32, #tpu.memory_space<hbm>>
        tpu.wait_dma2 semaphore(%run_scoped3A_207 : memref<!tpu.dma_semaphore, #tpu.memory_space<semaphore_mem>>) src(%dma_wait3A_218 : memref<40x64xi32, #tpu.memory_space<hbm>>) dst(%arg6 : memref<40x64xi32, #tpu.memory_space<vmem>>)
        tpu.yield
      }) : () -> ()
      %run_scoped3A_206 = arith.constant 1 : i32
      "tpu.region"() ({
        %run_scoped3A_207 = tpu.sem_alloc : memref<!tpu.dma_semaphore, #tpu.memory_space<semaphore_mem>>
        %dma_start3A_208 = arith.constant 0 : i32
        %dma_start3A_209 = tpu.memref_slice %arg3[%run_scoped3A_206, %mul3A_205, %dma_start3A_208] : memref<2x5000x64xi32, #tpu.memory_space<hbm>> -> memref<1x40x64xi32, #tpu.memory_space<hbm>>
        %dma_start3A_210 = tpu.memref_squeeze %dma_start3A_209 : memref<1x40x64xi32, #tpu.memory_space<hbm>> -> memref<40x64xi32, #tpu.memory_space<hbm>>
        %dma_start3A_211 = arith.constant 0 : i32
        %dma_start3A_212 = tpu.memref_slice %arg3[%run_scoped3A_206, %mul3A_205, %dma_start3A_211] : memref<2x5000x64xi32, #tpu.memory_space<hbm>> -> memref<1x40x64xi32, #tpu.memory_space<hbm>>
        %dma_start3A_213 = tpu.memref_squeeze %dma_start3A_212 : memref<1x40x64xi32, #tpu.memory_space<hbm>> -> memref<40x64xi32, #tpu.memory_space<hbm>>
        tpu.enqueue_dma source(%dma_start3A_213 : memref<40x64xi32, #tpu.memory_space<hbm>>) target(%arg7 : memref<40x64xi32, #tpu.memory_space<vmem>>) target_semaphore(%run_scoped3A_207 : memref<!tpu.dma_semaphore, #tpu.memory_space<semaphore_mem>>)
        %dma_wait3A = arith.constant 0 : i32
        %dma_wait3A_214 = tpu.memref_slice %arg3[%run_scoped3A_206, %mul3A_205, %dma_wait3A] : memref<2x5000x64xi32, #tpu.memory_space<hbm>> -> memref<1x40x64xi32, #tpu.memory_space<hbm>>
        %dma_wait3A_215 = tpu.memref_squeeze %dma_wait3A_214 : memref<1x40x64xi32, #tpu.memory_space<hbm>> -> memref<40x64xi32, #tpu.memory_space<hbm>>
        %dma_wait3A_216 = arith.constant 0 : i32
        %dma_wait3A_217 = tpu.memref_slice %arg3[%run_scoped3A_206, %mul3A_205, %dma_wait3A_216] : memref<2x5000x64xi32, #tpu.memory_space<hbm>> -> memref<1x40x64xi32, #tpu.memory_space<hbm>>
        %dma_wait3A_218 = tpu.memref_squeeze %dma_wait3A_217 : memref<1x40x64xi32, #tpu.memory_space<hbm>> -> memref<40x64xi32, #tpu.memory_space<hbm>>
        tpu.wait_dma2 semaphore(%run_scoped3A_207 : memref<!tpu.dma_semaphore, #tpu.memory_space<semaphore_mem>>) src(%dma_wait3A_218 : memref<40x64xi32, #tpu.memory_space<hbm>>) dst(%arg7 : memref<40x64xi32, #tpu.memory_space<vmem>>)
        tpu.yield
      }) : () -> ()
    } else {
    }
    %ge3A = arith.constant 125 : i32
    %ge3A_18 = arith.cmpi sge, %add3A_15, %ge3A : i32
    %convert_element_type3A_19 = arith.extui %ge3A_18 : i1 to i32
    %cond3A_20 = arith.constant 0 : i32
    %cond3A_21 = arith.cmpi ne, %convert_element_type3A_19, %cond3A_20 : i32
    scf.if %cond3A_21 {
      %sub3A = arith.constant 125 : i32
      %sub3A_204 = arith.subi %add3A_15, %sub3A : i32
      "tpu.region"() ({
        %run_scoped3A = tpu.sem_alloc : memref<!tpu.dma_semaphore, #tpu.memory_space<semaphore_mem>>
        %dma_start3A_207 = arith.constant 0 : i32
        %dma_start3A_208 = arith.constant 0 : i32
        %dma_start3A_209 = tpu.memref_slice %arg4[%sub3A_204, %dma_start3A_207, %dma_start3A_208] : memref<3x40x64xi32, #tpu.memory_space<hbm>> -> memref<1x40x64xi32, #tpu.memory_space<hbm>>
        %dma_start3A_210 = tpu.memref_squeeze %dma_start3A_209 : memref<1x40x64xi32, #tpu.memory_space<hbm>> -> memref<40x64xi32, #tpu.memory_space<hbm>>
        %dma_start3A_211 = arith.constant 0 : i32
        %dma_start3A_212 = arith.constant 0 : i32
        %dma_start3A_213 = tpu.memref_slice %arg4[%sub3A_204, %dma_start3A_211, %dma_start3A_212] : memref<3x40x64xi32, #tpu.memory_space<hbm>> -> memref<1x40x64xi32, #tpu.memory_space<hbm>>
        %dma_start3A_214 = tpu.memref_squeeze %dma_start3A_213 : memref<1x40x64xi32, #tpu.memory_space<hbm>> -> memref<40x64xi32, #tpu.memory_space<hbm>>
        tpu.enqueue_dma source(%dma_start3A_214 : memref<40x64xi32, #tpu.memory_space<hbm>>) target(%arg6 : memref<40x64xi32, #tpu.memory_space<vmem>>) target_semaphore(%run_scoped3A : memref<!tpu.dma_semaphore, #tpu.memory_space<semaphore_mem>>)
        %dma_wait3A = arith.constant 0 : i32
        %dma_wait3A_215 = arith.constant 0 : i32
        %dma_wait3A_216 = tpu.memref_slice %arg4[%sub3A_204, %dma_wait3A, %dma_wait3A_215] : memref<3x40x64xi32, #tpu.memory_space<hbm>> -> memref<1x40x64xi32, #tpu.memory_space<hbm>>
        %dma_wait3A_217 = tpu.memref_squeeze %dma_wait3A_216 : memref<1x40x64xi32, #tpu.memory_space<hbm>> -> memref<40x64xi32, #tpu.memory_space<hbm>>
        %dma_wait3A_218 = arith.constant 0 : i32
        %dma_wait3A_219 = arith.constant 0 : i32
        %dma_wait3A_220 = tpu.memref_slice %arg4[%sub3A_204, %dma_wait3A_218, %dma_wait3A_219] : memref<3x40x64xi32, #tpu.memory_space<hbm>> -> memref<1x40x64xi32, #tpu.memory_space<hbm>>
        %dma_wait3A_221 = tpu.memref_squeeze %dma_wait3A_220 : memref<1x40x64xi32, #tpu.memory_space<hbm>> -> memref<40x64xi32, #tpu.memory_space<hbm>>
        tpu.wait_dma2 semaphore(%run_scoped3A : memref<!tpu.dma_semaphore, #tpu.memory_space<semaphore_mem>>) src(%dma_wait3A_221 : memref<40x64xi32, #tpu.memory_space<hbm>>) dst(%arg6 : memref<40x64xi32, #tpu.memory_space<vmem>>)
        tpu.yield
      }) : () -> ()
      %sub3A_205 = arith.constant 125 : i32
      %sub3A_206 = arith.subi %add3A_15, %sub3A_205 : i32
      "tpu.region"() ({
        %run_scoped3A = tpu.sem_alloc : memref<!tpu.dma_semaphore, #tpu.memory_space<semaphore_mem>>
        %dma_start3A_207 = arith.constant 0 : i32
        %dma_start3A_208 = arith.constant 0 : i32
        %dma_start3A_209 = tpu.memref_slice %arg4[%sub3A_206, %dma_start3A_207, %dma_start3A_208] : memref<3x40x64xi32, #tpu.memory_space<hbm>> -> memref<1x40x64xi32, #tpu.memory_space<hbm>>
        %dma_start3A_210 = tpu.memref_squeeze %dma_start3A_209 : memref<1x40x64xi32, #tpu.memory_space<hbm>> -> memref<40x64xi32, #tpu.memory_space<hbm>>
        %dma_start3A_211 = arith.constant 0 : i32
        %dma_start3A_212 = arith.constant 0 : i32
        %dma_start3A_213 = tpu.memref_slice %arg4[%sub3A_206, %dma_start3A_211, %dma_start3A_212] : memref<3x40x64xi32, #tpu.memory_space<hbm>> -> memref<1x40x64xi32, #tpu.memory_space<hbm>>
        %dma_start3A_214 = tpu.memref_squeeze %dma_start3A_213 : memref<1x40x64xi32, #tpu.memory_space<hbm>> -> memref<40x64xi32, #tpu.memory_space<hbm>>
        tpu.enqueue_dma source(%dma_start3A_214 : memref<40x64xi32, #tpu.memory_space<hbm>>) target(%arg7 : memref<40x64xi32, #tpu.memory_space<vmem>>) target_semaphore(%run_scoped3A : memref<!tpu.dma_semaphore, #tpu.memory_space<semaphore_mem>>)
        %dma_wait3A = arith.constant 0 : i32
        %dma_wait3A_215 = arith.constant 0 : i32
        %dma_wait3A_216 = tpu.memref_slice %arg4[%sub3A_206, %dma_wait3A, %dma_wait3A_215] : memref<3x40x64xi32, #tpu.memory_space<hbm>> -> memref<1x40x64xi32, #tpu.memory_space<hbm>>
        %dma_wait3A_217 = tpu.memref_squeeze %dma_wait3A_216 : memref<1x40x64xi32, #tpu.memory_space<hbm>> -> memref<40x64xi32, #tpu.memory_space<hbm>>
        %dma_wait3A_218 = arith.constant 0 : i32
        %dma_wait3A_219 = arith.constant 0 : i32
        %dma_wait3A_220 = tpu.memref_slice %arg4[%sub3A_206, %dma_wait3A_218, %dma_wait3A_219] : memref<3x40x64xi32, #tpu.memory_space<hbm>> -> memref<1x40x64xi32, #tpu.memory_space<hbm>>
        %dma_wait3A_221 = tpu.memref_squeeze %dma_wait3A_220 : memref<1x40x64xi32, #tpu.memory_space<hbm>> -> memref<40x64xi32, #tpu.memory_space<hbm>>
        tpu.wait_dma2 semaphore(%run_scoped3A : memref<!tpu.dma_semaphore, #tpu.memory_space<semaphore_mem>>) src(%dma_wait3A_221 : memref<40x64xi32, #tpu.memory_space<hbm>>) dst(%arg7 : memref<40x64xi32, #tpu.memory_space<vmem>>)
        tpu.yield
      }) : () -> ()
    } else {
    }
    %dma_start3A = arith.constant 0 : i32
    %dma_start3A_22 = arith.constant 0 : i32
    %dma_start3A_23 = tpu.memref_slice %arg6[%dma_start3A, %dma_start3A_22] : memref<40x64xi32, #tpu.memory_space<vmem>> -> memref<1x64xi32, #tpu.memory_space<vmem>>
    %dma_start3A_24 = tpu.memref_squeeze %dma_start3A_23 : memref<1x64xi32, #tpu.memory_space<vmem>> -> memref<64xi32, #tpu.memory_space<vmem>>
    %dma_start3A_25 = arith.constant 0 : i32
    %dma_start3A_26 = arith.constant 0 : i32
    %dma_start3A_27 = tpu.memref_slice %arg2[%dma_start3A_25, %dma_start3A_26] : memref<10240x128xf32, #tpu.memory_space<hbm>> -> memref<10240x128xf32, #tpu.memory_space<hbm>>
    tpu.enqueue_indirect_dma source(%dma_start3A_27 : memref<10240x128xf32, #tpu.memory_space<hbm>>) target(%arg8 : memref<64x128xf32, #tpu.memory_space<vmem>>) offsets(%dma_start3A_24 : memref<64xi32, #tpu.memory_space<vmem>>) semaphore(%arg13 : memref<!tpu.dma_semaphore, #tpu.memory_space<semaphore_mem>>)
    %dma_start3A_28 = arith.constant 1 : i32
    %dma_start3A_29 = arith.constant 0 : i32
    %dma_start3A_30 = tpu.memref_slice %arg6[%dma_start3A_28, %dma_start3A_29] : memref<40x64xi32, #tpu.memory_space<vmem>> -> memref<1x64xi32, #tpu.memory_space<vmem>>
    %dma_start3A_31 = tpu.memref_squeeze %dma_start3A_30 : memref<1x64xi32, #tpu.memory_space<vmem>> -> memref<64xi32, #tpu.memory_space<vmem>>
    %dma_start3A_32 = arith.constant 0 : i32
    %dma_start3A_33 = arith.constant 0 : i32
    %dma_start3A_34 = tpu.memref_slice %arg2[%dma_start3A_32, %dma_start3A_33] : memref<10240x128xf32, #tpu.memory_space<hbm>> -> memref<10240x128xf32, #tpu.memory_space<hbm>>
    tpu.enqueue_indirect_dma source(%dma_start3A_34 : memref<10240x128xf32, #tpu.memory_space<hbm>>) target(%arg9 : memref<64x128xf32, #tpu.memory_space<vmem>>) offsets(%dma_start3A_31 : memref<64xi32, #tpu.memory_space<vmem>>) semaphore(%arg14 : memref<!tpu.dma_semaphore, #tpu.memory_space<semaphore_mem>>)
    %dma_start3A_35 = arith.constant 2 : i32
    %dma_start3A_36 = arith.constant 0 : i32
    %dma_start3A_37 = tpu.memref_slice %arg6[%dma_start3A_35, %dma_start3A_36] : memref<40x64xi32, #tpu.memory_space<vmem>> -> memref<1x64xi32, #tpu.memory_space<vmem>>
    %dma_start3A_38 = tpu.memref_squeeze %dma_start3A_37 : memref<1x64xi32, #tpu.memory_space<vmem>> -> memref<64xi32, #tpu.memory_space<vmem>>
    %dma_start3A_39 = arith.constant 0 : i32
    %dma_start3A_40 = arith.constant 0 : i32
    %dma_start3A_41 = tpu.memref_slice %arg2[%dma_start3A_39, %dma_start3A_40] : memref<10240x128xf32, #tpu.memory_space<hbm>> -> memref<10240x128xf32, #tpu.memory_space<hbm>>
    tpu.enqueue_indirect_dma source(%dma_start3A_41 : memref<10240x128xf32, #tpu.memory_space<hbm>>) target(%arg10 : memref<64x128xf32, #tpu.memory_space<vmem>>) offsets(%dma_start3A_38 : memref<64xi32, #tpu.memory_space<vmem>>) semaphore(%arg15 : memref<!tpu.dma_semaphore, #tpu.memory_space<semaphore_mem>>)
    %dma_start3A_42 = arith.constant 3 : i32
    %dma_start3A_43 = arith.constant 0 : i32
    %dma_start3A_44 = tpu.memref_slice %arg6[%dma_start3A_42, %dma_start3A_43] : memref<40x64xi32, #tpu.memory_space<vmem>> -> memref<1x64xi32, #tpu.memory_space<vmem>>
    %dma_start3A_45 = tpu.memref_squeeze %dma_start3A_44 : memref<1x64xi32, #tpu.memory_space<vmem>> -> memref<64xi32, #tpu.memory_space<vmem>>
    %dma_start3A_46 = arith.constant 0 : i32
    %dma_start3A_47 = arith.constant 0 : i32
    %dma_start3A_48 = tpu.memref_slice %arg2[%dma_start3A_46, %dma_start3A_47] : memref<10240x128xf32, #tpu.memory_space<hbm>> -> memref<10240x128xf32, #tpu.memory_space<hbm>>
    tpu.enqueue_indirect_dma source(%dma_start3A_48 : memref<10240x128xf32, #tpu.memory_space<hbm>>) target(%arg11 : memref<64x128xf32, #tpu.memory_space<vmem>>) offsets(%dma_start3A_45 : memref<64xi32, #tpu.memory_space<vmem>>) semaphore(%arg16 : memref<!tpu.dma_semaphore, #tpu.memory_space<semaphore_mem>>)
    %scan3A_49 = arith.constant 0 : i32
    %scan3A_50 = arith.constant 0 : i32
    %scan3A_51 = arith.constant 10 : i32
    %scan3A_52 = arith.addi %scan3A_50, %scan3A_51 : i32
    %scan3A_53 = arith.constant 1 : i32
    scf.for %scan3A_204 = %scan3A_50 to %scan3A_52 step %scan3A_53  : i32 {
      %mul3A_205 = arith.constant 4 : i32
      %mul3A_206 = arith.muli %scan3A_204, %mul3A_205 : i32
      %add3A_207 = arith.constant 0 : i32
      %add3A_208 = arith.addi %mul3A_206, %add3A_207 : i32
      %dma_wait3A = arith.constant 0 : i32
      %dma_wait3A_209 = tpu.memref_slice %arg6[%add3A_208, %dma_wait3A] : memref<40x64xi32, #tpu.memory_space<vmem>> -> memref<1x64xi32, #tpu.memory_space<vmem>>
      %dma_wait3A_210 = tpu.memref_squeeze %dma_wait3A_209 : memref<1x64xi32, #tpu.memory_space<vmem>> -> memref<64xi32, #tpu.memory_space<vmem>>
      %dma_wait3A_211 = arith.constant 0 : i32
      %dma_wait3A_212 = arith.constant 0 : i32
      %dma_wait3A_213 = tpu.memref_slice %arg2[%dma_wait3A_211, %dma_wait3A_212] : memref<10240x128xf32, #tpu.memory_space<hbm>> -> memref<10240x128xf32, #tpu.memory_space<hbm>>
      tpu.wait_indirect_dma semaphore(%arg13 : memref<!tpu.dma_semaphore, #tpu.memory_space<semaphore_mem>>) src(%dma_wait3A_213 : memref<10240x128xf32, #tpu.memory_space<hbm>>) dst(%arg8 : memref<64x128xf32, #tpu.memory_space<vmem>>)
      "tpu.region"() ({
        %run_scoped3A = tpu.sem_alloc : memref<!tpu.dma_semaphore, #tpu.memory_space<semaphore_mem>>
        %dma_start3A_272 = arith.constant 0 : i32
        %dma_start3A_273 = tpu.memref_slice %arg7[%add3A_208, %dma_start3A_272] : memref<40x64xi32, #tpu.memory_space<vmem>> -> memref<1x64xi32, #tpu.memory_space<vmem>>
        %dma_start3A_274 = tpu.memref_squeeze %dma_start3A_273 : memref<1x64xi32, #tpu.memory_space<vmem>> -> memref<64xi32, #tpu.memory_space<vmem>>
        %dma_start3A_275 = arith.constant 0 : i32
        %dma_start3A_276 = arith.constant 0 : i32
        %dma_start3A_277 = tpu.memref_slice %arg12[%dma_start3A_275, %dma_start3A_276] : memref<10240x128xf32, #tpu.memory_space<vmem_shared>> -> memref<10240x128xf32, #tpu.memory_space<vmem_shared>>
        tpu.enqueue_indirect_dma source(%arg8 : memref<64x128xf32, #tpu.memory_space<vmem>>) target(%dma_start3A_277 : memref<10240x128xf32, #tpu.memory_space<vmem_shared>>) offsets(%dma_start3A_274 : memref<64xi32, #tpu.memory_space<vmem>>) semaphore(%run_scoped3A : memref<!tpu.dma_semaphore, #tpu.memory_space<semaphore_mem>>) {add = true}
        %dma_wait3A_278 = arith.constant 0 : i32
        %dma_wait3A_279 = tpu.memref_slice %arg7[%add3A_208, %dma_wait3A_278] : memref<40x64xi32, #tpu.memory_space<vmem>> -> memref<1x64xi32, #tpu.memory_space<vmem>>
        %dma_wait3A_280 = tpu.memref_squeeze %dma_wait3A_279 : memref<1x64xi32, #tpu.memory_space<vmem>> -> memref<64xi32, #tpu.memory_space<vmem>>
        %dma_wait3A_281 = arith.constant 0 : i32
        %dma_wait3A_282 = arith.constant 0 : i32
        %dma_wait3A_283 = tpu.memref_slice %arg12[%dma_wait3A_281, %dma_wait3A_282] : memref<10240x128xf32, #tpu.memory_space<vmem_shared>> -> memref<10240x128xf32, #tpu.memory_space<vmem_shared>>
        tpu.wait_indirect_dma semaphore(%run_scoped3A : memref<!tpu.dma_semaphore, #tpu.memory_space<semaphore_mem>>) src(%arg8 : memref<64x128xf32, #tpu.memory_space<vmem>>) dst(%dma_wait3A_283 : memref<10240x128xf32, #tpu.memory_space<vmem_shared>>)
        tpu.yield
      }) : () -> ()
      %add3A_214 = arith.constant 4 : i32
      %add3A_215 = arith.addi %add3A_208, %add3A_214 : i32
      %lt3A_216 = arith.constant 40 : i32
      %lt3A_217 = arith.cmpi slt, %add3A_215, %lt3A_216 : i32
      %convert_element_type3A_218 = arith.extui %lt3A_217 : i1 to i32
      %cond3A_219 = arith.constant 0 : i32
      %cond3A_220 = arith.cmpi ne, %convert_element_type3A_218, %cond3A_219 : i32
      scf.if %cond3A_220 {
        %add3A_272 = arith.constant 4 : i32
        %add3A_273 = arith.addi %add3A_208, %add3A_272 : i32
        %dma_start3A_274 = arith.constant 0 : i32
        %dma_start3A_275 = tpu.memref_slice %arg6[%add3A_273, %dma_start3A_274] : memref<40x64xi32, #tpu.memory_space<vmem>> -> memref<1x64xi32, #tpu.memory_space<vmem>>
        %dma_start3A_276 = tpu.memref_squeeze %dma_start3A_275 : memref<1x64xi32, #tpu.memory_space<vmem>> -> memref<64xi32, #tpu.memory_space<vmem>>
        %dma_start3A_277 = arith.constant 0 : i32
        %dma_start3A_278 = arith.constant 0 : i32
        %dma_start3A_279 = tpu.memref_slice %arg2[%dma_start3A_277, %dma_start3A_278] : memref<10240x128xf32, #tpu.memory_space<hbm>> -> memref<10240x128xf32, #tpu.memory_space<hbm>>
        tpu.enqueue_indirect_dma source(%dma_start3A_279 : memref<10240x128xf32, #tpu.memory_space<hbm>>) target(%arg8 : memref<64x128xf32, #tpu.memory_space<vmem>>) offsets(%dma_start3A_276 : memref<64xi32, #tpu.memory_space<vmem>>) semaphore(%arg13 : memref<!tpu.dma_semaphore, #tpu.memory_space<semaphore_mem>>)
      } else {
      }
      %mul3A_221 = arith.constant 4 : i32
      %mul3A_222 = arith.muli %scan3A_204, %mul3A_221 : i32
      %add3A_223 = arith.constant 1 : i32
      %add3A_224 = arith.addi %mul3A_222, %add3A_223 : i32
      %dma_wait3A_225 = arith.constant 0 : i32
      %dma_wait3A_226 = tpu.memref_slice %arg6[%add3A_224, %dma_wait3A_225] : memref<40x64xi32, #tpu.memory_space<vmem>> -> memref<1x64xi32, #tpu.memory_space<vmem>>
      %dma_wait3A_227 = tpu.memref_squeeze %dma_wait3A_226 : memref<1x64xi32, #tpu.memory_space<vmem>> -> memref<64xi32, #tpu.memory_space<vmem>>
      %dma_wait3A_228 = arith.constant 0 : i32
      %dma_wait3A_229 = arith.constant 0 : i32
      %dma_wait3A_230 = tpu.memref_slice %arg2[%dma_wait3A_228, %dma_wait3A_229] : memref<10240x128xf32, #tpu.memory_space<hbm>> -> memref<10240x128xf32, #tpu.memory_space<hbm>>
      tpu.wait_indirect_dma semaphore(%arg14 : memref<!tpu.dma_semaphore, #tpu.memory_space<semaphore_mem>>) src(%dma_wait3A_230 : memref<10240x128xf32, #tpu.memory_space<hbm>>) dst(%arg9 : memref<64x128xf32, #tpu.memory_space<vmem>>)
      "tpu.region"() ({
        %run_scoped3A = tpu.sem_alloc : memref<!tpu.dma_semaphore, #tpu.memory_space<semaphore_mem>>
        %dma_start3A_272 = arith.constant 0 : i32
        %dma_start3A_273 = tpu.memref_slice %arg7[%add3A_224, %dma_start3A_272] : memref<40x64xi32, #tpu.memory_space<vmem>> -> memref<1x64xi32, #tpu.memory_space<vmem>>
        %dma_start3A_274 = tpu.memref_squeeze %dma_start3A_273 : memref<1x64xi32, #tpu.memory_space<vmem>> -> memref<64xi32, #tpu.memory_space<vmem>>
        %dma_start3A_275 = arith.constant 0 : i32
        %dma_start3A_276 = arith.constant 0 : i32
        %dma_start3A_277 = tpu.memref_slice %arg12[%dma_start3A_275, %dma_start3A_276] : memref<10240x128xf32, #tpu.memory_space<vmem_shared>> -> memref<10240x128xf32, #tpu.memory_space<vmem_shared>>
        tpu.enqueue_indirect_dma source(%arg9 : memref<64x128xf32, #tpu.memory_space<vmem>>) target(%dma_start3A_277 : memref<10240x128xf32, #tpu.memory_space<vmem_shared>>) offsets(%dma_start3A_274 : memref<64xi32, #tpu.memory_space<vmem>>) semaphore(%run_scoped3A : memref<!tpu.dma_semaphore, #tpu.memory_space<semaphore_mem>>) {add = true}
        %dma_wait3A_278 = arith.constant 0 : i32
        %dma_wait3A_279 = tpu.memref_slice %arg7[%add3A_224, %dma_wait3A_278] : memref<40x64xi32, #tpu.memory_space<vmem>> -> memref<1x64xi32, #tpu.memory_space<vmem>>
        %dma_wait3A_280 = tpu.memref_squeeze %dma_wait3A_279 : memref<1x64xi32, #tpu.memory_space<vmem>> -> memref<64xi32, #tpu.memory_space<vmem>>
        %dma_wait3A_281 = arith.constant 0 : i32
        %dma_wait3A_282 = arith.constant 0 : i32
        %dma_wait3A_283 = tpu.memref_slice %arg12[%dma_wait3A_281, %dma_wait3A_282] : memref<10240x128xf32, #tpu.memory_space<vmem_shared>> -> memref<10240x128xf32, #tpu.memory_space<vmem_shared>>
        tpu.wait_indirect_dma semaphore(%run_scoped3A : memref<!tpu.dma_semaphore, #tpu.memory_space<semaphore_mem>>) src(%arg9 : memref<64x128xf32, #tpu.memory_space<vmem>>) dst(%dma_wait3A_283 : memref<10240x128xf32, #tpu.memory_space<vmem_shared>>)
        tpu.yield
      }) : () -> ()
      %add3A_231 = arith.constant 4 : i32
      %add3A_232 = arith.addi %add3A_224, %add3A_231 : i32
      %lt3A_233 = arith.constant 40 : i32
      %lt3A_234 = arith.cmpi slt, %add3A_232, %lt3A_233 : i32
      %convert_element_type3A_235 = arith.extui %lt3A_234 : i1 to i32
      %cond3A_236 = arith.constant 0 : i32
      %cond3A_237 = arith.cmpi ne, %convert_element_type3A_235, %cond3A_236 : i32
      scf.if %cond3A_237 {
        %add3A_272 = arith.constant 4 : i32
        %add3A_273 = arith.addi %add3A_224, %add3A_272 : i32
        %dma_start3A_274 = arith.constant 0 : i32
        %dma_start3A_275 = tpu.memref_slice %arg6[%add3A_273, %dma_start3A_274] : memref<40x64xi32, #tpu.memory_space<vmem>> -> memref<1x64xi32, #tpu.memory_space<vmem>>
        %dma_start3A_276 = tpu.memref_squeeze %dma_start3A_275 : memref<1x64xi32, #tpu.memory_space<vmem>> -> memref<64xi32, #tpu.memory_space<vmem>>
        %dma_start3A_277 = arith.constant 0 : i32
        %dma_start3A_278 = arith.constant 0 : i32
        %dma_start3A_279 = tpu.memref_slice %arg2[%dma_start3A_277, %dma_start3A_278] : memref<10240x128xf32, #tpu.memory_space<hbm>> -> memref<10240x128xf32, #tpu.memory_space<hbm>>
        tpu.enqueue_indirect_dma source(%dma_start3A_279 : memref<10240x128xf32, #tpu.memory_space<hbm>>) target(%arg9 : memref<64x128xf32, #tpu.memory_space<vmem>>) offsets(%dma_start3A_276 : memref<64xi32, #tpu.memory_space<vmem>>) semaphore(%arg14 : memref<!tpu.dma_semaphore, #tpu.memory_space<semaphore_mem>>)
      } else {
      }
      %mul3A_238 = arith.constant 4 : i32
      %mul3A_239 = arith.muli %scan3A_204, %mul3A_238 : i32
      %add3A_240 = arith.constant 2 : i32
      %add3A_241 = arith.addi %mul3A_239, %add3A_240 : i32
      %dma_wait3A_242 = arith.constant 0 : i32
      %dma_wait3A_243 = tpu.memref_slice %arg6[%add3A_241, %dma_wait3A_242] : memref<40x64xi32, #tpu.memory_space<vmem>> -> memref<1x64xi32, #tpu.memory_space<vmem>>
      %dma_wait3A_244 = tpu.memref_squeeze %dma_wait3A_243 : memref<1x64xi32, #tpu.memory_space<vmem>> -> memref<64xi32, #tpu.memory_space<vmem>>
      %dma_wait3A_245 = arith.constant 0 : i32
      %dma_wait3A_246 = arith.constant 0 : i32
      %dma_wait3A_247 = tpu.memref_slice %arg2[%dma_wait3A_245, %dma_wait3A_246] : memref<10240x128xf32, #tpu.memory_space<hbm>> -> memref<10240x128xf32, #tpu.memory_space<hbm>>
      tpu.wait_indirect_dma semaphore(%arg15 : memref<!tpu.dma_semaphore, #tpu.memory_space<semaphore_mem>>) src(%dma_wait3A_247 : memref<10240x128xf32, #tpu.memory_space<hbm>>) dst(%arg10 : memref<64x128xf32, #tpu.memory_space<vmem>>)
      "tpu.region"() ({
        %run_scoped3A = tpu.sem_alloc : memref<!tpu.dma_semaphore, #tpu.memory_space<semaphore_mem>>
        %dma_start3A_272 = arith.constant 0 : i32
        %dma_start3A_273 = tpu.memref_slice %arg7[%add3A_241, %dma_start3A_272] : memref<40x64xi32, #tpu.memory_space<vmem>> -> memref<1x64xi32, #tpu.memory_space<vmem>>
        %dma_start3A_274 = tpu.memref_squeeze %dma_start3A_273 : memref<1x64xi32, #tpu.memory_space<vmem>> -> memref<64xi32, #tpu.memory_space<vmem>>
        %dma_start3A_275 = arith.constant 0 : i32
        %dma_start3A_276 = arith.constant 0 : i32
        %dma_start3A_277 = tpu.memref_slice %arg12[%dma_start3A_275, %dma_start3A_276] : memref<10240x128xf32, #tpu.memory_space<vmem_shared>> -> memref<10240x128xf32, #tpu.memory_space<vmem_shared>>
        tpu.enqueue_indirect_dma source(%arg10 : memref<64x128xf32, #tpu.memory_space<vmem>>) target(%dma_start3A_277 : memref<10240x128xf32, #tpu.memory_space<vmem_shared>>) offsets(%dma_start3A_274 : memref<64xi32, #tpu.memory_space<vmem>>) semaphore(%run_scoped3A : memref<!tpu.dma_semaphore, #tpu.memory_space<semaphore_mem>>) {add = true}
        %dma_wait3A_278 = arith.constant 0 : i32
        %dma_wait3A_279 = tpu.memref_slice %arg7[%add3A_241, %dma_wait3A_278] : memref<40x64xi32, #tpu.memory_space<vmem>> -> memref<1x64xi32, #tpu.memory_space<vmem>>
        %dma_wait3A_280 = tpu.memref_squeeze %dma_wait3A_279 : memref<1x64xi32, #tpu.memory_space<vmem>> -> memref<64xi32, #tpu.memory_space<vmem>>
        %dma_wait3A_281 = arith.constant 0 : i32
        %dma_wait3A_282 = arith.constant 0 : i32
        %dma_wait3A_283 = tpu.memref_slice %arg12[%dma_wait3A_281, %dma_wait3A_282] : memref<10240x128xf32, #tpu.memory_space<vmem_shared>> -> memref<10240x128xf32, #tpu.memory_space<vmem_shared>>
        tpu.wait_indirect_dma semaphore(%run_scoped3A : memref<!tpu.dma_semaphore, #tpu.memory_space<semaphore_mem>>) src(%arg10 : memref<64x128xf32, #tpu.memory_space<vmem>>) dst(%dma_wait3A_283 : memref<10240x128xf32, #tpu.memory_space<vmem_shared>>)
        tpu.yield
      }) : () -> ()
      %add3A_248 = arith.constant 4 : i32
      %add3A_249 = arith.addi %add3A_241, %add3A_248 : i32
      %lt3A_250 = arith.constant 40 : i32
      %lt3A_251 = arith.cmpi slt, %add3A_249, %lt3A_250 : i32
      %convert_element_type3A_252 = arith.extui %lt3A_251 : i1 to i32
      %cond3A_253 = arith.constant 0 : i32
      %cond3A_254 = arith.cmpi ne, %convert_element_type3A_252, %cond3A_253 : i32
      scf.if %cond3A_254 {
        %add3A_272 = arith.constant 4 : i32
        %add3A_273 = arith.addi %add3A_241, %add3A_272 : i32
        %dma_start3A_274 = arith.constant 0 : i32
        %dma_start3A_275 = tpu.memref_slice %arg6[%add3A_273, %dma_start3A_274] : memref<40x64xi32, #tpu.memory_space<vmem>> -> memref<1x64xi32, #tpu.memory_space<vmem>>
        %dma_start3A_276 = tpu.memref_squeeze %dma_start3A_275 : memref<1x64xi32, #tpu.memory_space<vmem>> -> memref<64xi32, #tpu.memory_space<vmem>>
        %dma_start3A_277 = arith.constant 0 : i32
        %dma_start3A_278 = arith.constant 0 : i32
        %dma_start3A_279 = tpu.memref_slice %arg2[%dma_start3A_277, %dma_start3A_278] : memref<10240x128xf32, #tpu.memory_space<hbm>> -> memref<10240x128xf32, #tpu.memory_space<hbm>>
        tpu.enqueue_indirect_dma source(%dma_start3A_279 : memref<10240x128xf32, #tpu.memory_space<hbm>>) target(%arg10 : memref<64x128xf32, #tpu.memory_space<vmem>>) offsets(%dma_start3A_276 : memref<64xi32, #tpu.memory_space<vmem>>) semaphore(%arg15 : memref<!tpu.dma_semaphore, #tpu.memory_space<semaphore_mem>>)
      } else {
      }
      %mul3A_255 = arith.constant 4 : i32
      %mul3A_256 = arith.muli %scan3A_204, %mul3A_255 : i32
      %add3A_257 = arith.constant 3 : i32
      %add3A_258 = arith.addi %mul3A_256, %add3A_257 : i32
      %dma_wait3A_259 = arith.constant 0 : i32
      %dma_wait3A_260 = tpu.memref_slice %arg6[%add3A_258, %dma_wait3A_259] : memref<40x64xi32, #tpu.memory_space<vmem>> -> memref<1x64xi32, #tpu.memory_space<vmem>>
      %dma_wait3A_261 = tpu.memref_squeeze %dma_wait3A_260 : memref<1x64xi32, #tpu.memory_space<vmem>> -> memref<64xi32, #tpu.memory_space<vmem>>
      %dma_wait3A_262 = arith.constant 0 : i32
      %dma_wait3A_263 = arith.constant 0 : i32
      %dma_wait3A_264 = tpu.memref_slice %arg2[%dma_wait3A_262, %dma_wait3A_263] : memref<10240x128xf32, #tpu.memory_space<hbm>> -> memref<10240x128xf32, #tpu.memory_space<hbm>>
      tpu.wait_indirect_dma semaphore(%arg16 : memref<!tpu.dma_semaphore, #tpu.memory_space<semaphore_mem>>) src(%dma_wait3A_264 : memref<10240x128xf32, #tpu.memory_space<hbm>>) dst(%arg11 : memref<64x128xf32, #tpu.memory_space<vmem>>)
      "tpu.region"() ({
        %run_scoped3A = tpu.sem_alloc : memref<!tpu.dma_semaphore, #tpu.memory_space<semaphore_mem>>
        %dma_start3A_272 = arith.constant 0 : i32
        %dma_start3A_273 = tpu.memref_slice %arg7[%add3A_258, %dma_start3A_272] : memref<40x64xi32, #tpu.memory_space<vmem>> -> memref<1x64xi32, #tpu.memory_space<vmem>>
        %dma_start3A_274 = tpu.memref_squeeze %dma_start3A_273 : memref<1x64xi32, #tpu.memory_space<vmem>> -> memref<64xi32, #tpu.memory_space<vmem>>
        %dma_start3A_275 = arith.constant 0 : i32
        %dma_start3A_276 = arith.constant 0 : i32
        %dma_start3A_277 = tpu.memref_slice %arg12[%dma_start3A_275, %dma_start3A_276] : memref<10240x128xf32, #tpu.memory_space<vmem_shared>> -> memref<10240x128xf32, #tpu.memory_space<vmem_shared>>
        tpu.enqueue_indirect_dma source(%arg11 : memref<64x128xf32, #tpu.memory_space<vmem>>) target(%dma_start3A_277 : memref<10240x128xf32, #tpu.memory_space<vmem_shared>>) offsets(%dma_start3A_274 : memref<64xi32, #tpu.memory_space<vmem>>) semaphore(%run_scoped3A : memref<!tpu.dma_semaphore, #tpu.memory_space<semaphore_mem>>) {add = true}
        %dma_wait3A_278 = arith.constant 0 : i32
        %dma_wait3A_279 = tpu.memref_slice %arg7[%add3A_258, %dma_wait3A_278] : memref<40x64xi32, #tpu.memory_space<vmem>> -> memref<1x64xi32, #tpu.memory_space<vmem>>
        %dma_wait3A_280 = tpu.memref_squeeze %dma_wait3A_279 : memref<1x64xi32, #tpu.memory_space<vmem>> -> memref<64xi32, #tpu.memory_space<vmem>>
        %dma_wait3A_281 = arith.constant 0 : i32
        %dma_wait3A_282 = arith.constant 0 : i32
        %dma_wait3A_283 = tpu.memref_slice %arg12[%dma_wait3A_281, %dma_wait3A_282] : memref<10240x128xf32, #tpu.memory_space<vmem_shared>> -> memref<10240x128xf32, #tpu.memory_space<vmem_shared>>
        tpu.wait_indirect_dma semaphore(%run_scoped3A : memref<!tpu.dma_semaphore, #tpu.memory_space<semaphore_mem>>) src(%arg11 : memref<64x128xf32, #tpu.memory_space<vmem>>) dst(%dma_wait3A_283 : memref<10240x128xf32, #tpu.memory_space<vmem_shared>>)
        tpu.yield
      }) : () -> ()
      %add3A_265 = arith.constant 4 : i32
      %add3A_266 = arith.addi %add3A_258, %add3A_265 : i32
      %lt3A_267 = arith.constant 40 : i32
      %lt3A_268 = arith.cmpi slt, %add3A_266, %lt3A_267 : i32
      %convert_element_type3A_269 = arith.extui %lt3A_268 : i1 to i32
      %cond3A_270 = arith.constant 0 : i32
      %cond3A_271 = arith.cmpi ne, %convert_element_type3A_269, %cond3A_270 : i32
      scf.if %cond3A_271 {
        %add3A_272 = arith.constant 4 : i32
        %add3A_273 = arith.addi %add3A_258, %add3A_272 : i32
        %dma_start3A_274 = arith.constant 0 : i32
        %dma_start3A_275 = tpu.memref_slice %arg6[%add3A_273, %dma_start3A_274] : memref<40x64xi32, #tpu.memory_space<vmem>> -> memref<1x64xi32, #tpu.memory_space<vmem>>
        %dma_start3A_276 = tpu.memref_squeeze %dma_start3A_275 : memref<1x64xi32, #tpu.memory_space<vmem>> -> memref<64xi32, #tpu.memory_space<vmem>>
        %dma_start3A_277 = arith.constant 0 : i32
        %dma_start3A_278 = arith.constant 0 : i32
        %dma_start3A_279 = tpu.memref_slice %arg2[%dma_start3A_277, %dma_start3A_278] : memref<10240x128xf32, #tpu.memory_space<hbm>> -> memref<10240x128xf32, #tpu.memory_space<hbm>>
        tpu.enqueue_indirect_dma source(%dma_start3A_279 : memref<10240x128xf32, #tpu.memory_space<hbm>>) target(%arg11 : memref<64x128xf32, #tpu.memory_space<vmem>>) offsets(%dma_start3A_276 : memref<64xi32, #tpu.memory_space<vmem>>) semaphore(%arg16 : memref<!tpu.dma_semaphore, #tpu.memory_space<semaphore_mem>>)
      } else {
      }
    }
    %scan3A_54 = arith.constant 10 : i32
    %mul3A_55 = arith.constant 4 : i32
    %mul3A_56 = arith.muli %add3A, %mul3A_55 : i32
    %add3A_57 = arith.constant 1 : i32
    %add3A_58 = arith.addi %mul3A_56, %add3A_57 : i32
    %lt3A_59 = arith.constant 125 : i32
    %lt3A_60 = arith.cmpi slt, %add3A_58, %lt3A_59 : i32
    %convert_element_type3A_61 = arith.extui %lt3A_60 : i1 to i32
    %cond3A_62 = arith.constant 0 : i32
    %cond3A_63 = arith.cmpi ne, %convert_element_type3A_61, %cond3A_62 : i32
    scf.if %cond3A_63 {
      %mul3A_204 = arith.constant 40 : i32
      %mul3A_205 = arith.muli %add3A_58, %mul3A_204 : i32
      %run_scoped3A = arith.constant 0 : i32
      "tpu.region"() ({
        %run_scoped3A_207 = tpu.sem_alloc : memref<!tpu.dma_semaphore, #tpu.memory_space<semaphore_mem>>
        %dma_start3A_208 = arith.constant 0 : i32
        %dma_start3A_209 = tpu.memref_slice %arg3[%run_scoped3A, %mul3A_205, %dma_start3A_208] : memref<2x5000x64xi32, #tpu.memory_space<hbm>> -> memref<1x40x64xi32, #tpu.memory_space<hbm>>
        %dma_start3A_210 = tpu.memref_squeeze %dma_start3A_209 : memref<1x40x64xi32, #tpu.memory_space<hbm>> -> memref<40x64xi32, #tpu.memory_space<hbm>>
        %dma_start3A_211 = arith.constant 0 : i32
        %dma_start3A_212 = tpu.memref_slice %arg3[%run_scoped3A, %mul3A_205, %dma_start3A_211] : memref<2x5000x64xi32, #tpu.memory_space<hbm>> -> memref<1x40x64xi32, #tpu.memory_space<hbm>>
        %dma_start3A_213 = tpu.memref_squeeze %dma_start3A_212 : memref<1x40x64xi32, #tpu.memory_space<hbm>> -> memref<40x64xi32, #tpu.memory_space<hbm>>
        tpu.enqueue_dma source(%dma_start3A_213 : memref<40x64xi32, #tpu.memory_space<hbm>>) target(%arg6 : memref<40x64xi32, #tpu.memory_space<vmem>>) target_semaphore(%run_scoped3A_207 : memref<!tpu.dma_semaphore, #tpu.memory_space<semaphore_mem>>)
        %dma_wait3A = arith.constant 0 : i32
        %dma_wait3A_214 = tpu.memref_slice %arg3[%run_scoped3A, %mul3A_205, %dma_wait3A] : memref<2x5000x64xi32, #tpu.memory_space<hbm>> -> memref<1x40x64xi32, #tpu.memory_space<hbm>>
        %dma_wait3A_215 = tpu.memref_squeeze %dma_wait3A_214 : memref<1x40x64xi32, #tpu.memory_space<hbm>> -> memref<40x64xi32, #tpu.memory_space<hbm>>
        %dma_wait3A_216 = arith.constant 0 : i32
        %dma_wait3A_217 = tpu.memref_slice %arg3[%run_scoped3A, %mul3A_205, %dma_wait3A_216] : memref<2x5000x64xi32, #tpu.memory_space<hbm>> -> memref<1x40x64xi32, #tpu.memory_space<hbm>>
        %dma_wait3A_218 = tpu.memref_squeeze %dma_wait3A_217 : memref<1x40x64xi32, #tpu.memory_space<hbm>> -> memref<40x64xi32, #tpu.memory_space<hbm>>
        tpu.wait_dma2 semaphore(%run_scoped3A_207 : memref<!tpu.dma_semaphore, #tpu.memory_space<semaphore_mem>>) src(%dma_wait3A_218 : memref<40x64xi32, #tpu.memory_space<hbm>>) dst(%arg6 : memref<40x64xi32, #tpu.memory_space<vmem>>)
        tpu.yield
      }) : () -> ()
      %run_scoped3A_206 = arith.constant 1 : i32
      "tpu.region"() ({
        %run_scoped3A_207 = tpu.sem_alloc : memref<!tpu.dma_semaphore, #tpu.memory_space<semaphore_mem>>
        %dma_start3A_208 = arith.constant 0 : i32
        %dma_start3A_209 = tpu.memref_slice %arg3[%run_scoped3A_206, %mul3A_205, %dma_start3A_208] : memref<2x5000x64xi32, #tpu.memory_space<hbm>> -> memref<1x40x64xi32, #tpu.memory_space<hbm>>
        %dma_start3A_210 = tpu.memref_squeeze %dma_start3A_209 : memref<1x40x64xi32, #tpu.memory_space<hbm>> -> memref<40x64xi32, #tpu.memory_space<hbm>>
        %dma_start3A_211 = arith.constant 0 : i32
        %dma_start3A_212 = tpu.memref_slice %arg3[%run_scoped3A_206, %mul3A_205, %dma_start3A_211] : memref<2x5000x64xi32, #tpu.memory_space<hbm>> -> memref<1x40x64xi32, #tpu.memory_space<hbm>>
        %dma_start3A_213 = tpu.memref_squeeze %dma_start3A_212 : memref<1x40x64xi32, #tpu.memory_space<hbm>> -> memref<40x64xi32, #tpu.memory_space<hbm>>
        tpu.enqueue_dma source(%dma_start3A_213 : memref<40x64xi32, #tpu.memory_space<hbm>>) target(%arg7 : memref<40x64xi32, #tpu.memory_space<vmem>>) target_semaphore(%run_scoped3A_207 : memref<!tpu.dma_semaphore, #tpu.memory_space<semaphore_mem>>)
        %dma_wait3A = arith.constant 0 : i32
        %dma_wait3A_214 = tpu.memref_slice %arg3[%run_scoped3A_206, %mul3A_205, %dma_wait3A] : memref<2x5000x64xi32, #tpu.memory_space<hbm>> -> memref<1x40x64xi32, #tpu.memory_space<hbm>>
        %dma_wait3A_215 = tpu.memref_squeeze %dma_wait3A_214 : memref<1x40x64xi32, #tpu.memory_space<hbm>> -> memref<40x64xi32, #tpu.memory_space<hbm>>
        %dma_wait3A_216 = arith.constant 0 : i32
        %dma_wait3A_217 = tpu.memref_slice %arg3[%run_scoped3A_206, %mul3A_205, %dma_wait3A_216] : memref<2x5000x64xi32, #tpu.memory_space<hbm>> -> memref<1x40x64xi32, #tpu.memory_space<hbm>>
        %dma_wait3A_218 = tpu.memref_squeeze %dma_wait3A_217 : memref<1x40x64xi32, #tpu.memory_space<hbm>> -> memref<40x64xi32, #tpu.memory_space<hbm>>
        tpu.wait_dma2 semaphore(%run_scoped3A_207 : memref<!tpu.dma_semaphore, #tpu.memory_space<semaphore_mem>>) src(%dma_wait3A_218 : memref<40x64xi32, #tpu.memory_space<hbm>>) dst(%arg7 : memref<40x64xi32, #tpu.memory_space<vmem>>)
        tpu.yield
      }) : () -> ()
    } else {
    }
    %ge3A_64 = arith.constant 125 : i32
    %ge3A_65 = arith.cmpi sge, %add3A_58, %ge3A_64 : i32
    %convert_element_type3A_66 = arith.extui %ge3A_65 : i1 to i32
    %cond3A_67 = arith.constant 0 : i32
    %cond3A_68 = arith.cmpi ne, %convert_element_type3A_66, %cond3A_67 : i32
    scf.if %cond3A_68 {
      %sub3A = arith.constant 125 : i32
      %sub3A_204 = arith.subi %add3A_58, %sub3A : i32
      "tpu.region"() ({
        %run_scoped3A = tpu.sem_alloc : memref<!tpu.dma_semaphore, #tpu.memory_space<semaphore_mem>>
        %dma_start3A_207 = arith.constant 0 : i32
        %dma_start3A_208 = arith.constant 0 : i32
        %dma_start3A_209 = tpu.memref_slice %arg4[%sub3A_204, %dma_start3A_207, %dma_start3A_208] : memref<3x40x64xi32, #tpu.memory_space<hbm>> -> memref<1x40x64xi32, #tpu.memory_space<hbm>>
        %dma_start3A_210 = tpu.memref_squeeze %dma_start3A_209 : memref<1x40x64xi32, #tpu.memory_space<hbm>> -> memref<40x64xi32, #tpu.memory_space<hbm>>
        %dma_start3A_211 = arith.constant 0 : i32
        %dma_start3A_212 = arith.constant 0 : i32
        %dma_start3A_213 = tpu.memref_slice %arg4[%sub3A_204, %dma_start3A_211, %dma_start3A_212] : memref<3x40x64xi32, #tpu.memory_space<hbm>> -> memref<1x40x64xi32, #tpu.memory_space<hbm>>
        %dma_start3A_214 = tpu.memref_squeeze %dma_start3A_213 : memref<1x40x64xi32, #tpu.memory_space<hbm>> -> memref<40x64xi32, #tpu.memory_space<hbm>>
        tpu.enqueue_dma source(%dma_start3A_214 : memref<40x64xi32, #tpu.memory_space<hbm>>) target(%arg6 : memref<40x64xi32, #tpu.memory_space<vmem>>) target_semaphore(%run_scoped3A : memref<!tpu.dma_semaphore, #tpu.memory_space<semaphore_mem>>)
        %dma_wait3A = arith.constant 0 : i32
        %dma_wait3A_215 = arith.constant 0 : i32
        %dma_wait3A_216 = tpu.memref_slice %arg4[%sub3A_204, %dma_wait3A, %dma_wait3A_215] : memref<3x40x64xi32, #tpu.memory_space<hbm>> -> memref<1x40x64xi32, #tpu.memory_space<hbm>>
        %dma_wait3A_217 = tpu.memref_squeeze %dma_wait3A_216 : memref<1x40x64xi32, #tpu.memory_space<hbm>> -> memref<40x64xi32, #tpu.memory_space<hbm>>
        %dma_wait3A_218 = arith.constant 0 : i32
        %dma_wait3A_219 = arith.constant 0 : i32
        %dma_wait3A_220 = tpu.memref_slice %arg4[%sub3A_204, %dma_wait3A_218, %dma_wait3A_219] : memref<3x40x64xi32, #tpu.memory_space<hbm>> -> memref<1x40x64xi32, #tpu.memory_space<hbm>>
        %dma_wait3A_221 = tpu.memref_squeeze %dma_wait3A_220 : memref<1x40x64xi32, #tpu.memory_space<hbm>> -> memref<40x64xi32, #tpu.memory_space<hbm>>
        tpu.wait_dma2 semaphore(%run_scoped3A : memref<!tpu.dma_semaphore, #tpu.memory_space<semaphore_mem>>) src(%dma_wait3A_221 : memref<40x64xi32, #tpu.memory_space<hbm>>) dst(%arg6 : memref<40x64xi32, #tpu.memory_space<vmem>>)
        tpu.yield
      }) : () -> ()
      %sub3A_205 = arith.constant 125 : i32
      %sub3A_206 = arith.subi %add3A_58, %sub3A_205 : i32
      "tpu.region"() ({
        %run_scoped3A = tpu.sem_alloc : memref<!tpu.dma_semaphore, #tpu.memory_space<semaphore_mem>>
        %dma_start3A_207 = arith.constant 0 : i32
        %dma_start3A_208 = arith.constant 0 : i32
        %dma_start3A_209 = tpu.memref_slice %arg4[%sub3A_206, %dma_start3A_207, %dma_start3A_208] : memref<3x40x64xi32, #tpu.memory_space<hbm>> -> memref<1x40x64xi32, #tpu.memory_space<hbm>>
        %dma_start3A_210 = tpu.memref_squeeze %dma_start3A_209 : memref<1x40x64xi32, #tpu.memory_space<hbm>> -> memref<40x64xi32, #tpu.memory_space<hbm>>
        %dma_start3A_211 = arith.constant 0 : i32
        %dma_start3A_212 = arith.constant 0 : i32
        %dma_start3A_213 = tpu.memref_slice %arg4[%sub3A_206, %dma_start3A_211, %dma_start3A_212] : memref<3x40x64xi32, #tpu.memory_space<hbm>> -> memref<1x40x64xi32, #tpu.memory_space<hbm>>
        %dma_start3A_214 = tpu.memref_squeeze %dma_start3A_213 : memref<1x40x64xi32, #tpu.memory_space<hbm>> -> memref<40x64xi32, #tpu.memory_space<hbm>>
        tpu.enqueue_dma source(%dma_start3A_214 : memref<40x64xi32, #tpu.memory_space<hbm>>) target(%arg7 : memref<40x64xi32, #tpu.memory_space<vmem>>) target_semaphore(%run_scoped3A : memref<!tpu.dma_semaphore, #tpu.memory_space<semaphore_mem>>)
        %dma_wait3A = arith.constant 0 : i32
        %dma_wait3A_215 = arith.constant 0 : i32
        %dma_wait3A_216 = tpu.memref_slice %arg4[%sub3A_206, %dma_wait3A, %dma_wait3A_215] : memref<3x40x64xi32, #tpu.memory_space<hbm>> -> memref<1x40x64xi32, #tpu.memory_space<hbm>>
        %dma_wait3A_217 = tpu.memref_squeeze %dma_wait3A_216 : memref<1x40x64xi32, #tpu.memory_space<hbm>> -> memref<40x64xi32, #tpu.memory_space<hbm>>
        %dma_wait3A_218 = arith.constant 0 : i32
        %dma_wait3A_219 = arith.constant 0 : i32
        %dma_wait3A_220 = tpu.memref_slice %arg4[%sub3A_206, %dma_wait3A_218, %dma_wait3A_219] : memref<3x40x64xi32, #tpu.memory_space<hbm>> -> memref<1x40x64xi32, #tpu.memory_space<hbm>>
        %dma_wait3A_221 = tpu.memref_squeeze %dma_wait3A_220 : memref<1x40x64xi32, #tpu.memory_space<hbm>> -> memref<40x64xi32, #tpu.memory_space<hbm>>
        tpu.wait_dma2 semaphore(%run_scoped3A : memref<!tpu.dma_semaphore, #tpu.memory_space<semaphore_mem>>) src(%dma_wait3A_221 : memref<40x64xi32, #tpu.memory_space<hbm>>) dst(%arg7 : memref<40x64xi32, #tpu.memory_space<vmem>>)
        tpu.yield
      }) : () -> ()
    } else {
    }
    %dma_start3A_69 = arith.constant 0 : i32
    %dma_start3A_70 = arith.constant 0 : i32
    %dma_start3A_71 = tpu.memref_slice %arg6[%dma_start3A_69, %dma_start3A_70] : memref<40x64xi32, #tpu.memory_space<vmem>> -> memref<1x64xi32, #tpu.memory_space<vmem>>
    %dma_start3A_72 = tpu.memref_squeeze %dma_start3A_71 : memref<1x64xi32, #tpu.memory_space<vmem>> -> memref<64xi32, #tpu.memory_space<vmem>>
    %dma_start3A_73 = arith.constant 0 : i32
    %dma_start3A_74 = arith.constant 0 : i32
    %dma_start3A_75 = tpu.memref_slice %arg2[%dma_start3A_73, %dma_start3A_74] : memref<10240x128xf32, #tpu.memory_space<hbm>> -> memref<10240x128xf32, #tpu.memory_space<hbm>>
    tpu.enqueue_indirect_dma source(%dma_start3A_75 : memref<10240x128xf32, #tpu.memory_space<hbm>>) target(%arg8 : memref<64x128xf32, #tpu.memory_space<vmem>>) offsets(%dma_start3A_72 : memref<64xi32, #tpu.memory_space<vmem>>) semaphore(%arg13 : memref<!tpu.dma_semaphore, #tpu.memory_space<semaphore_mem>>)
    %dma_start3A_76 = arith.constant 1 : i32
    %dma_start3A_77 = arith.constant 0 : i32
    %dma_start3A_78 = tpu.memref_slice %arg6[%dma_start3A_76, %dma_start3A_77] : memref<40x64xi32, #tpu.memory_space<vmem>> -> memref<1x64xi32, #tpu.memory_space<vmem>>
    %dma_start3A_79 = tpu.memref_squeeze %dma_start3A_78 : memref<1x64xi32, #tpu.memory_space<vmem>> -> memref<64xi32, #tpu.memory_space<vmem>>
    %dma_start3A_80 = arith.constant 0 : i32
    %dma_start3A_81 = arith.constant 0 : i32
    %dma_start3A_82 = tpu.memref_slice %arg2[%dma_start3A_80, %dma_start3A_81] : memref<10240x128xf32, #tpu.memory_space<hbm>> -> memref<10240x128xf32, #tpu.memory_space<hbm>>
    tpu.enqueue_indirect_dma source(%dma_start3A_82 : memref<10240x128xf32, #tpu.memory_space<hbm>>) target(%arg9 : memref<64x128xf32, #tpu.memory_space<vmem>>) offsets(%dma_start3A_79 : memref<64xi32, #tpu.memory_space<vmem>>) semaphore(%arg14 : memref<!tpu.dma_semaphore, #tpu.memory_space<semaphore_mem>>)
    %dma_start3A_83 = arith.constant 2 : i32
    %dma_start3A_84 = arith.constant 0 : i32
    %dma_start3A_85 = tpu.memref_slice %arg6[%dma_start3A_83, %dma_start3A_84] : memref<40x64xi32, #tpu.memory_space<vmem>> -> memref<1x64xi32, #tpu.memory_space<vmem>>
    %dma_start3A_86 = tpu.memref_squeeze %dma_start3A_85 : memref<1x64xi32, #tpu.memory_space<vmem>> -> memref<64xi32, #tpu.memory_space<vmem>>
    %dma_start3A_87 = arith.constant 0 : i32
    %dma_start3A_88 = arith.constant 0 : i32
    %dma_start3A_89 = tpu.memref_slice %arg2[%dma_start3A_87, %dma_start3A_88] : memref<10240x128xf32, #tpu.memory_space<hbm>> -> memref<10240x128xf32, #tpu.memory_space<hbm>>
    tpu.enqueue_indirect_dma source(%dma_start3A_89 : memref<10240x128xf32, #tpu.memory_space<hbm>>) target(%arg10 : memref<64x128xf32, #tpu.memory_space<vmem>>) offsets(%dma_start3A_86 : memref<64xi32, #tpu.memory_space<vmem>>) semaphore(%arg15 : memref<!tpu.dma_semaphore, #tpu.memory_space<semaphore_mem>>)
    %dma_start3A_90 = arith.constant 3 : i32
    %dma_start3A_91 = arith.constant 0 : i32
    %dma_start3A_92 = tpu.memref_slice %arg6[%dma_start3A_90, %dma_start3A_91] : memref<40x64xi32, #tpu.memory_space<vmem>> -> memref<1x64xi32, #tpu.memory_space<vmem>>
    %dma_start3A_93 = tpu.memref_squeeze %dma_start3A_92 : memref<1x64xi32, #tpu.memory_space<vmem>> -> memref<64xi32, #tpu.memory_space<vmem>>
    %dma_start3A_94 = arith.constant 0 : i32
    %dma_start3A_95 = arith.constant 0 : i32
    %dma_start3A_96 = tpu.memref_slice %arg2[%dma_start3A_94, %dma_start3A_95] : memref<10240x128xf32, #tpu.memory_space<hbm>> -> memref<10240x128xf32, #tpu.memory_space<hbm>>
    tpu.enqueue_indirect_dma source(%dma_start3A_96 : memref<10240x128xf32, #tpu.memory_space<hbm>>) target(%arg11 : memref<64x128xf32, #tpu.memory_space<vmem>>) offsets(%dma_start3A_93 : memref<64xi32, #tpu.memory_space<vmem>>) semaphore(%arg16 : memref<!tpu.dma_semaphore, #tpu.memory_space<semaphore_mem>>)
    %scan3A_97 = arith.constant 0 : i32
    %scan3A_98 = arith.constant 0 : i32
    %scan3A_99 = arith.constant 10 : i32
    %scan3A_100 = arith.addi %scan3A_98, %scan3A_99 : i32
    %scan3A_101 = arith.constant 1 : i32
    scf.for %scan3A_204 = %scan3A_98 to %scan3A_100 step %scan3A_101  : i32 {
      %mul3A_205 = arith.constant 4 : i32
      %mul3A_206 = arith.muli %scan3A_204, %mul3A_205 : i32
      %add3A_207 = arith.constant 0 : i32
      %add3A_208 = arith.addi %mul3A_206, %add3A_207 : i32
      %dma_wait3A = arith.constant 0 : i32
      %dma_wait3A_209 = tpu.memref_slice %arg6[%add3A_208, %dma_wait3A] : memref<40x64xi32, #tpu.memory_space<vmem>> -> memref<1x64xi32, #tpu.memory_space<vmem>>
      %dma_wait3A_210 = tpu.memref_squeeze %dma_wait3A_209 : memref<1x64xi32, #tpu.memory_space<vmem>> -> memref<64xi32, #tpu.memory_space<vmem>>
      %dma_wait3A_211 = arith.constant 0 : i32
      %dma_wait3A_212 = arith.constant 0 : i32
      %dma_wait3A_213 = tpu.memref_slice %arg2[%dma_wait3A_211, %dma_wait3A_212] : memref<10240x128xf32, #tpu.memory_space<hbm>> -> memref<10240x128xf32, #tpu.memory_space<hbm>>
      tpu.wait_indirect_dma semaphore(%arg13 : memref<!tpu.dma_semaphore, #tpu.memory_space<semaphore_mem>>) src(%dma_wait3A_213 : memref<10240x128xf32, #tpu.memory_space<hbm>>) dst(%arg8 : memref<64x128xf32, #tpu.memory_space<vmem>>)
      "tpu.region"() ({
        %run_scoped3A = tpu.sem_alloc : memref<!tpu.dma_semaphore, #tpu.memory_space<semaphore_mem>>
        %dma_start3A_272 = arith.constant 0 : i32
        %dma_start3A_273 = tpu.memref_slice %arg7[%add3A_208, %dma_start3A_272] : memref<40x64xi32, #tpu.memory_space<vmem>> -> memref<1x64xi32, #tpu.memory_space<vmem>>
        %dma_start3A_274 = tpu.memref_squeeze %dma_start3A_273 : memref<1x64xi32, #tpu.memory_space<vmem>> -> memref<64xi32, #tpu.memory_space<vmem>>
        %dma_start3A_275 = arith.constant 0 : i32
        %dma_start3A_276 = arith.constant 0 : i32
        %dma_start3A_277 = tpu.memref_slice %arg12[%dma_start3A_275, %dma_start3A_276] : memref<10240x128xf32, #tpu.memory_space<vmem_shared>> -> memref<10240x128xf32, #tpu.memory_space<vmem_shared>>
        tpu.enqueue_indirect_dma source(%arg8 : memref<64x128xf32, #tpu.memory_space<vmem>>) target(%dma_start3A_277 : memref<10240x128xf32, #tpu.memory_space<vmem_shared>>) offsets(%dma_start3A_274 : memref<64xi32, #tpu.memory_space<vmem>>) semaphore(%run_scoped3A : memref<!tpu.dma_semaphore, #tpu.memory_space<semaphore_mem>>) {add = true}
        %dma_wait3A_278 = arith.constant 0 : i32
        %dma_wait3A_279 = tpu.memref_slice %arg7[%add3A_208, %dma_wait3A_278] : memref<40x64xi32, #tpu.memory_space<vmem>> -> memref<1x64xi32, #tpu.memory_space<vmem>>
        %dma_wait3A_280 = tpu.memref_squeeze %dma_wait3A_279 : memref<1x64xi32, #tpu.memory_space<vmem>> -> memref<64xi32, #tpu.memory_space<vmem>>
        %dma_wait3A_281 = arith.constant 0 : i32
        %dma_wait3A_282 = arith.constant 0 : i32
        %dma_wait3A_283 = tpu.memref_slice %arg12[%dma_wait3A_281, %dma_wait3A_282] : memref<10240x128xf32, #tpu.memory_space<vmem_shared>> -> memref<10240x128xf32, #tpu.memory_space<vmem_shared>>
        tpu.wait_indirect_dma semaphore(%run_scoped3A : memref<!tpu.dma_semaphore, #tpu.memory_space<semaphore_mem>>) src(%arg8 : memref<64x128xf32, #tpu.memory_space<vmem>>) dst(%dma_wait3A_283 : memref<10240x128xf32, #tpu.memory_space<vmem_shared>>)
        tpu.yield
      }) : () -> ()
      %add3A_214 = arith.constant 4 : i32
      %add3A_215 = arith.addi %add3A_208, %add3A_214 : i32
      %lt3A_216 = arith.constant 40 : i32
      %lt3A_217 = arith.cmpi slt, %add3A_215, %lt3A_216 : i32
      %convert_element_type3A_218 = arith.extui %lt3A_217 : i1 to i32
      %cond3A_219 = arith.constant 0 : i32
      %cond3A_220 = arith.cmpi ne, %convert_element_type3A_218, %cond3A_219 : i32
      scf.if %cond3A_220 {
        %add3A_272 = arith.constant 4 : i32
        %add3A_273 = arith.addi %add3A_208, %add3A_272 : i32
        %dma_start3A_274 = arith.constant 0 : i32
        %dma_start3A_275 = tpu.memref_slice %arg6[%add3A_273, %dma_start3A_274] : memref<40x64xi32, #tpu.memory_space<vmem>> -> memref<1x64xi32, #tpu.memory_space<vmem>>
        %dma_start3A_276 = tpu.memref_squeeze %dma_start3A_275 : memref<1x64xi32, #tpu.memory_space<vmem>> -> memref<64xi32, #tpu.memory_space<vmem>>
        %dma_start3A_277 = arith.constant 0 : i32
        %dma_start3A_278 = arith.constant 0 : i32
        %dma_start3A_279 = tpu.memref_slice %arg2[%dma_start3A_277, %dma_start3A_278] : memref<10240x128xf32, #tpu.memory_space<hbm>> -> memref<10240x128xf32, #tpu.memory_space<hbm>>
        tpu.enqueue_indirect_dma source(%dma_start3A_279 : memref<10240x128xf32, #tpu.memory_space<hbm>>) target(%arg8 : memref<64x128xf32, #tpu.memory_space<vmem>>) offsets(%dma_start3A_276 : memref<64xi32, #tpu.memory_space<vmem>>) semaphore(%arg13 : memref<!tpu.dma_semaphore, #tpu.memory_space<semaphore_mem>>)
      } else {
      }
      %mul3A_221 = arith.constant 4 : i32
      %mul3A_222 = arith.muli %scan3A_204, %mul3A_221 : i32
      %add3A_223 = arith.constant 1 : i32
      %add3A_224 = arith.addi %mul3A_222, %add3A_223 : i32
      %dma_wait3A_225 = arith.constant 0 : i32
      %dma_wait3A_226 = tpu.memref_slice %arg6[%add3A_224, %dma_wait3A_225] : memref<40x64xi32, #tpu.memory_space<vmem>> -> memref<1x64xi32, #tpu.memory_space<vmem>>
      %dma_wait3A_227 = tpu.memref_squeeze %dma_wait3A_226 : memref<1x64xi32, #tpu.memory_space<vmem>> -> memref<64xi32, #tpu.memory_space<vmem>>
      %dma_wait3A_228 = arith.constant 0 : i32
      %dma_wait3A_229 = arith.constant 0 : i32
      %dma_wait3A_230 = tpu.memref_slice %arg2[%dma_wait3A_228, %dma_wait3A_229] : memref<10240x128xf32, #tpu.memory_space<hbm>> -> memref<10240x128xf32, #tpu.memory_space<hbm>>
      tpu.wait_indirect_dma semaphore(%arg14 : memref<!tpu.dma_semaphore, #tpu.memory_space<semaphore_mem>>) src(%dma_wait3A_230 : memref<10240x128xf32, #tpu.memory_space<hbm>>) dst(%arg9 : memref<64x128xf32, #tpu.memory_space<vmem>>)
      "tpu.region"() ({
        %run_scoped3A = tpu.sem_alloc : memref<!tpu.dma_semaphore, #tpu.memory_space<semaphore_mem>>
        %dma_start3A_272 = arith.constant 0 : i32
        %dma_start3A_273 = tpu.memref_slice %arg7[%add3A_224, %dma_start3A_272] : memref<40x64xi32, #tpu.memory_space<vmem>> -> memref<1x64xi32, #tpu.memory_space<vmem>>
        %dma_start3A_274 = tpu.memref_squeeze %dma_start3A_273 : memref<1x64xi32, #tpu.memory_space<vmem>> -> memref<64xi32, #tpu.memory_space<vmem>>
        %dma_start3A_275 = arith.constant 0 : i32
        %dma_start3A_276 = arith.constant 0 : i32
        %dma_start3A_277 = tpu.memref_slice %arg12[%dma_start3A_275, %dma_start3A_276] : memref<10240x128xf32, #tpu.memory_space<vmem_shared>> -> memref<10240x128xf32, #tpu.memory_space<vmem_shared>>
        tpu.enqueue_indirect_dma source(%arg9 : memref<64x128xf32, #tpu.memory_space<vmem>>) target(%dma_start3A_277 : memref<10240x128xf32, #tpu.memory_space<vmem_shared>>) offsets(%dma_start3A_274 : memref<64xi32, #tpu.memory_space<vmem>>) semaphore(%run_scoped3A : memref<!tpu.dma_semaphore, #tpu.memory_space<semaphore_mem>>) {add = true}
        %dma_wait3A_278 = arith.constant 0 : i32
        %dma_wait3A_279 = tpu.memref_slice %arg7[%add3A_224, %dma_wait3A_278] : memref<40x64xi32, #tpu.memory_space<vmem>> -> memref<1x64xi32, #tpu.memory_space<vmem>>
        %dma_wait3A_280 = tpu.memref_squeeze %dma_wait3A_279 : memref<1x64xi32, #tpu.memory_space<vmem>> -> memref<64xi32, #tpu.memory_space<vmem>>
        %dma_wait3A_281 = arith.constant 0 : i32
        %dma_wait3A_282 = arith.constant 0 : i32
        %dma_wait3A_283 = tpu.memref_slice %arg12[%dma_wait3A_281, %dma_wait3A_282] : memref<10240x128xf32, #tpu.memory_space<vmem_shared>> -> memref<10240x128xf32, #tpu.memory_space<vmem_shared>>
        tpu.wait_indirect_dma semaphore(%run_scoped3A : memref<!tpu.dma_semaphore, #tpu.memory_space<semaphore_mem>>) src(%arg9 : memref<64x128xf32, #tpu.memory_space<vmem>>) dst(%dma_wait3A_283 : memref<10240x128xf32, #tpu.memory_space<vmem_shared>>)
        tpu.yield
      }) : () -> ()
      %add3A_231 = arith.constant 4 : i32
      %add3A_232 = arith.addi %add3A_224, %add3A_231 : i32
      %lt3A_233 = arith.constant 40 : i32
      %lt3A_234 = arith.cmpi slt, %add3A_232, %lt3A_233 : i32
      %convert_element_type3A_235 = arith.extui %lt3A_234 : i1 to i32
      %cond3A_236 = arith.constant 0 : i32
      %cond3A_237 = arith.cmpi ne, %convert_element_type3A_235, %cond3A_236 : i32
      scf.if %cond3A_237 {
        %add3A_272 = arith.constant 4 : i32
        %add3A_273 = arith.addi %add3A_224, %add3A_272 : i32
        %dma_start3A_274 = arith.constant 0 : i32
        %dma_start3A_275 = tpu.memref_slice %arg6[%add3A_273, %dma_start3A_274] : memref<40x64xi32, #tpu.memory_space<vmem>> -> memref<1x64xi32, #tpu.memory_space<vmem>>
        %dma_start3A_276 = tpu.memref_squeeze %dma_start3A_275 : memref<1x64xi32, #tpu.memory_space<vmem>> -> memref<64xi32, #tpu.memory_space<vmem>>
        %dma_start3A_277 = arith.constant 0 : i32
        %dma_start3A_278 = arith.constant 0 : i32
        %dma_start3A_279 = tpu.memref_slice %arg2[%dma_start3A_277, %dma_start3A_278] : memref<10240x128xf32, #tpu.memory_space<hbm>> -> memref<10240x128xf32, #tpu.memory_space<hbm>>
        tpu.enqueue_indirect_dma source(%dma_start3A_279 : memref<10240x128xf32, #tpu.memory_space<hbm>>) target(%arg9 : memref<64x128xf32, #tpu.memory_space<vmem>>) offsets(%dma_start3A_276 : memref<64xi32, #tpu.memory_space<vmem>>) semaphore(%arg14 : memref<!tpu.dma_semaphore, #tpu.memory_space<semaphore_mem>>)
      } else {
      }
      %mul3A_238 = arith.constant 4 : i32
      %mul3A_239 = arith.muli %scan3A_204, %mul3A_238 : i32
      %add3A_240 = arith.constant 2 : i32
      %add3A_241 = arith.addi %mul3A_239, %add3A_240 : i32
      %dma_wait3A_242 = arith.constant 0 : i32
      %dma_wait3A_243 = tpu.memref_slice %arg6[%add3A_241, %dma_wait3A_242] : memref<40x64xi32, #tpu.memory_space<vmem>> -> memref<1x64xi32, #tpu.memory_space<vmem>>
      %dma_wait3A_244 = tpu.memref_squeeze %dma_wait3A_243 : memref<1x64xi32, #tpu.memory_space<vmem>> -> memref<64xi32, #tpu.memory_space<vmem>>
      %dma_wait3A_245 = arith.constant 0 : i32
      %dma_wait3A_246 = arith.constant 0 : i32
      %dma_wait3A_247 = tpu.memref_slice %arg2[%dma_wait3A_245, %dma_wait3A_246] : memref<10240x128xf32, #tpu.memory_space<hbm>> -> memref<10240x128xf32, #tpu.memory_space<hbm>>
      tpu.wait_indirect_dma semaphore(%arg15 : memref<!tpu.dma_semaphore, #tpu.memory_space<semaphore_mem>>) src(%dma_wait3A_247 : memref<10240x128xf32, #tpu.memory_space<hbm>>) dst(%arg10 : memref<64x128xf32, #tpu.memory_space<vmem>>)
      "tpu.region"() ({
        %run_scoped3A = tpu.sem_alloc : memref<!tpu.dma_semaphore, #tpu.memory_space<semaphore_mem>>
        %dma_start3A_272 = arith.constant 0 : i32
        %dma_start3A_273 = tpu.memref_slice %arg7[%add3A_241, %dma_start3A_272] : memref<40x64xi32, #tpu.memory_space<vmem>> -> memref<1x64xi32, #tpu.memory_space<vmem>>
        %dma_start3A_274 = tpu.memref_squeeze %dma_start3A_273 : memref<1x64xi32, #tpu.memory_space<vmem>> -> memref<64xi32, #tpu.memory_space<vmem>>
        %dma_start3A_275 = arith.constant 0 : i32
        %dma_start3A_276 = arith.constant 0 : i32
        %dma_start3A_277 = tpu.memref_slice %arg12[%dma_start3A_275, %dma_start3A_276] : memref<10240x128xf32, #tpu.memory_space<vmem_shared>> -> memref<10240x128xf32, #tpu.memory_space<vmem_shared>>
        tpu.enqueue_indirect_dma source(%arg10 : memref<64x128xf32, #tpu.memory_space<vmem>>) target(%dma_start3A_277 : memref<10240x128xf32, #tpu.memory_space<vmem_shared>>) offsets(%dma_start3A_274 : memref<64xi32, #tpu.memory_space<vmem>>) semaphore(%run_scoped3A : memref<!tpu.dma_semaphore, #tpu.memory_space<semaphore_mem>>) {add = true}
        %dma_wait3A_278 = arith.constant 0 : i32
        %dma_wait3A_279 = tpu.memref_slice %arg7[%add3A_241, %dma_wait3A_278] : memref<40x64xi32, #tpu.memory_space<vmem>> -> memref<1x64xi32, #tpu.memory_space<vmem>>
        %dma_wait3A_280 = tpu.memref_squeeze %dma_wait3A_279 : memref<1x64xi32, #tpu.memory_space<vmem>> -> memref<64xi32, #tpu.memory_space<vmem>>
        %dma_wait3A_281 = arith.constant 0 : i32
        %dma_wait3A_282 = arith.constant 0 : i32
        %dma_wait3A_283 = tpu.memref_slice %arg12[%dma_wait3A_281, %dma_wait3A_282] : memref<10240x128xf32, #tpu.memory_space<vmem_shared>> -> memref<10240x128xf32, #tpu.memory_space<vmem_shared>>
        tpu.wait_indirect_dma semaphore(%run_scoped3A : memref<!tpu.dma_semaphore, #tpu.memory_space<semaphore_mem>>) src(%arg10 : memref<64x128xf32, #tpu.memory_space<vmem>>) dst(%dma_wait3A_283 : memref<10240x128xf32, #tpu.memory_space<vmem_shared>>)
        tpu.yield
      }) : () -> ()
      %add3A_248 = arith.constant 4 : i32
      %add3A_249 = arith.addi %add3A_241, %add3A_248 : i32
      %lt3A_250 = arith.constant 40 : i32
      %lt3A_251 = arith.cmpi slt, %add3A_249, %lt3A_250 : i32
      %convert_element_type3A_252 = arith.extui %lt3A_251 : i1 to i32
      %cond3A_253 = arith.constant 0 : i32
      %cond3A_254 = arith.cmpi ne, %convert_element_type3A_252, %cond3A_253 : i32
      scf.if %cond3A_254 {
        %add3A_272 = arith.constant 4 : i32
        %add3A_273 = arith.addi %add3A_241, %add3A_272 : i32
        %dma_start3A_274 = arith.constant 0 : i32
        %dma_start3A_275 = tpu.memref_slice %arg6[%add3A_273, %dma_start3A_274] : memref<40x64xi32, #tpu.memory_space<vmem>> -> memref<1x64xi32, #tpu.memory_space<vmem>>
        %dma_start3A_276 = tpu.memref_squeeze %dma_start3A_275 : memref<1x64xi32, #tpu.memory_space<vmem>> -> memref<64xi32, #tpu.memory_space<vmem>>
        %dma_start3A_277 = arith.constant 0 : i32
        %dma_start3A_278 = arith.constant 0 : i32
        %dma_start3A_279 = tpu.memref_slice %arg2[%dma_start3A_277, %dma_start3A_278] : memref<10240x128xf32, #tpu.memory_space<hbm>> -> memref<10240x128xf32, #tpu.memory_space<hbm>>
        tpu.enqueue_indirect_dma source(%dma_start3A_279 : memref<10240x128xf32, #tpu.memory_space<hbm>>) target(%arg10 : memref<64x128xf32, #tpu.memory_space<vmem>>) offsets(%dma_start3A_276 : memref<64xi32, #tpu.memory_space<vmem>>) semaphore(%arg15 : memref<!tpu.dma_semaphore, #tpu.memory_space<semaphore_mem>>)
      } else {
      }
      %mul3A_255 = arith.constant 4 : i32
      %mul3A_256 = arith.muli %scan3A_204, %mul3A_255 : i32
      %add3A_257 = arith.constant 3 : i32
      %add3A_258 = arith.addi %mul3A_256, %add3A_257 : i32
      %dma_wait3A_259 = arith.constant 0 : i32
      %dma_wait3A_260 = tpu.memref_slice %arg6[%add3A_258, %dma_wait3A_259] : memref<40x64xi32, #tpu.memory_space<vmem>> -> memref<1x64xi32, #tpu.memory_space<vmem>>
      %dma_wait3A_261 = tpu.memref_squeeze %dma_wait3A_260 : memref<1x64xi32, #tpu.memory_space<vmem>> -> memref<64xi32, #tpu.memory_space<vmem>>
      %dma_wait3A_262 = arith.constant 0 : i32
      %dma_wait3A_263 = arith.constant 0 : i32
      %dma_wait3A_264 = tpu.memref_slice %arg2[%dma_wait3A_262, %dma_wait3A_263] : memref<10240x128xf32, #tpu.memory_space<hbm>> -> memref<10240x128xf32, #tpu.memory_space<hbm>>
      tpu.wait_indirect_dma semaphore(%arg16 : memref<!tpu.dma_semaphore, #tpu.memory_space<semaphore_mem>>) src(%dma_wait3A_264 : memref<10240x128xf32, #tpu.memory_space<hbm>>) dst(%arg11 : memref<64x128xf32, #tpu.memory_space<vmem>>)
      "tpu.region"() ({
        %run_scoped3A = tpu.sem_alloc : memref<!tpu.dma_semaphore, #tpu.memory_space<semaphore_mem>>
        %dma_start3A_272 = arith.constant 0 : i32
        %dma_start3A_273 = tpu.memref_slice %arg7[%add3A_258, %dma_start3A_272] : memref<40x64xi32, #tpu.memory_space<vmem>> -> memref<1x64xi32, #tpu.memory_space<vmem>>
        %dma_start3A_274 = tpu.memref_squeeze %dma_start3A_273 : memref<1x64xi32, #tpu.memory_space<vmem>> -> memref<64xi32, #tpu.memory_space<vmem>>
        %dma_start3A_275 = arith.constant 0 : i32
        %dma_start3A_276 = arith.constant 0 : i32
        %dma_start3A_277 = tpu.memref_slice %arg12[%dma_start3A_275, %dma_start3A_276] : memref<10240x128xf32, #tpu.memory_space<vmem_shared>> -> memref<10240x128xf32, #tpu.memory_space<vmem_shared>>
        tpu.enqueue_indirect_dma source(%arg11 : memref<64x128xf32, #tpu.memory_space<vmem>>) target(%dma_start3A_277 : memref<10240x128xf32, #tpu.memory_space<vmem_shared>>) offsets(%dma_start3A_274 : memref<64xi32, #tpu.memory_space<vmem>>) semaphore(%run_scoped3A : memref<!tpu.dma_semaphore, #tpu.memory_space<semaphore_mem>>) {add = true}
        %dma_wait3A_278 = arith.constant 0 : i32
        %dma_wait3A_279 = tpu.memref_slice %arg7[%add3A_258, %dma_wait3A_278] : memref<40x64xi32, #tpu.memory_space<vmem>> -> memref<1x64xi32, #tpu.memory_space<vmem>>
        %dma_wait3A_280 = tpu.memref_squeeze %dma_wait3A_279 : memref<1x64xi32, #tpu.memory_space<vmem>> -> memref<64xi32, #tpu.memory_space<vmem>>
        %dma_wait3A_281 = arith.constant 0 : i32
        %dma_wait3A_282 = arith.constant 0 : i32
        %dma_wait3A_283 = tpu.memref_slice %arg12[%dma_wait3A_281, %dma_wait3A_282] : memref<10240x128xf32, #tpu.memory_space<vmem_shared>> -> memref<10240x128xf32, #tpu.memory_space<vmem_shared>>
        tpu.wait_indirect_dma semaphore(%run_scoped3A : memref<!tpu.dma_semaphore, #tpu.memory_space<semaphore_mem>>) src(%arg11 : memref<64x128xf32, #tpu.memory_space<vmem>>) dst(%dma_wait3A_283 : memref<10240x128xf32, #tpu.memory_space<vmem_shared>>)
        tpu.yield
      }) : () -> ()
      %add3A_265 = arith.constant 4 : i32
      %add3A_266 = arith.addi %add3A_258, %add3A_265 : i32
      %lt3A_267 = arith.constant 40 : i32
      %lt3A_268 = arith.cmpi slt, %add3A_266, %lt3A_267 : i32
      %convert_element_type3A_269 = arith.extui %lt3A_268 : i1 to i32
      %cond3A_270 = arith.constant 0 : i32
      %cond3A_271 = arith.cmpi ne, %convert_element_type3A_269, %cond3A_270 : i32
      scf.if %cond3A_271 {
        %add3A_272 = arith.constant 4 : i32
        %add3A_273 = arith.addi %add3A_258, %add3A_272 : i32
        %dma_start3A_274 = arith.constant 0 : i32
        %dma_start3A_275 = tpu.memref_slice %arg6[%add3A_273, %dma_start3A_274] : memref<40x64xi32, #tpu.memory_space<vmem>> -> memref<1x64xi32, #tpu.memory_space<vmem>>
        %dma_start3A_276 = tpu.memref_squeeze %dma_start3A_275 : memref<1x64xi32, #tpu.memory_space<vmem>> -> memref<64xi32, #tpu.memory_space<vmem>>
        %dma_start3A_277 = arith.constant 0 : i32
        %dma_start3A_278 = arith.constant 0 : i32
        %dma_start3A_279 = tpu.memref_slice %arg2[%dma_start3A_277, %dma_start3A_278] : memref<10240x128xf32, #tpu.memory_space<hbm>> -> memref<10240x128xf32, #tpu.memory_space<hbm>>
        tpu.enqueue_indirect_dma source(%dma_start3A_279 : memref<10240x128xf32, #tpu.memory_space<hbm>>) target(%arg11 : memref<64x128xf32, #tpu.memory_space<vmem>>) offsets(%dma_start3A_276 : memref<64xi32, #tpu.memory_space<vmem>>) semaphore(%arg16 : memref<!tpu.dma_semaphore, #tpu.memory_space<semaphore_mem>>)
      } else {
      }
    }
    %scan3A_102 = arith.constant 10 : i32
    %mul3A_103 = arith.constant 4 : i32
    %mul3A_104 = arith.muli %add3A, %mul3A_103 : i32
    %add3A_105 = arith.constant 2 : i32
    %add3A_106 = arith.addi %mul3A_104, %add3A_105 : i32
    %lt3A_107 = arith.constant 125 : i32
    %lt3A_108 = arith.cmpi slt, %add3A_106, %lt3A_107 : i32
    %convert_element_type3A_109 = arith.extui %lt3A_108 : i1 to i32
    %cond3A_110 = arith.constant 0 : i32
    %cond3A_111 = arith.cmpi ne, %convert_element_type3A_109, %cond3A_110 : i32
    scf.if %cond3A_111 {
      %mul3A_204 = arith.constant 40 : i32
      %mul3A_205 = arith.muli %add3A_106, %mul3A_204 : i32
      %run_scoped3A = arith.constant 0 : i32
      "tpu.region"() ({
        %run_scoped3A_207 = tpu.sem_alloc : memref<!tpu.dma_semaphore, #tpu.memory_space<semaphore_mem>>
        %dma_start3A_208 = arith.constant 0 : i32
        %dma_start3A_209 = tpu.memref_slice %arg3[%run_scoped3A, %mul3A_205, %dma_start3A_208] : memref<2x5000x64xi32, #tpu.memory_space<hbm>> -> memref<1x40x64xi32, #tpu.memory_space<hbm>>
        %dma_start3A_210 = tpu.memref_squeeze %dma_start3A_209 : memref<1x40x64xi32, #tpu.memory_space<hbm>> -> memref<40x64xi32, #tpu.memory_space<hbm>>
        %dma_start3A_211 = arith.constant 0 : i32
        %dma_start3A_212 = tpu.memref_slice %arg3[%run_scoped3A, %mul3A_205, %dma_start3A_211] : memref<2x5000x64xi32, #tpu.memory_space<hbm>> -> memref<1x40x64xi32, #tpu.memory_space<hbm>>
        %dma_start3A_213 = tpu.memref_squeeze %dma_start3A_212 : memref<1x40x64xi32, #tpu.memory_space<hbm>> -> memref<40x64xi32, #tpu.memory_space<hbm>>
        tpu.enqueue_dma source(%dma_start3A_213 : memref<40x64xi32, #tpu.memory_space<hbm>>) target(%arg6 : memref<40x64xi32, #tpu.memory_space<vmem>>) target_semaphore(%run_scoped3A_207 : memref<!tpu.dma_semaphore, #tpu.memory_space<semaphore_mem>>)
        %dma_wait3A = arith.constant 0 : i32
        %dma_wait3A_214 = tpu.memref_slice %arg3[%run_scoped3A, %mul3A_205, %dma_wait3A] : memref<2x5000x64xi32, #tpu.memory_space<hbm>> -> memref<1x40x64xi32, #tpu.memory_space<hbm>>
        %dma_wait3A_215 = tpu.memref_squeeze %dma_wait3A_214 : memref<1x40x64xi32, #tpu.memory_space<hbm>> -> memref<40x64xi32, #tpu.memory_space<hbm>>
        %dma_wait3A_216 = arith.constant 0 : i32
        %dma_wait3A_217 = tpu.memref_slice %arg3[%run_scoped3A, %mul3A_205, %dma_wait3A_216] : memref<2x5000x64xi32, #tpu.memory_space<hbm>> -> memref<1x40x64xi32, #tpu.memory_space<hbm>>
        %dma_wait3A_218 = tpu.memref_squeeze %dma_wait3A_217 : memref<1x40x64xi32, #tpu.memory_space<hbm>> -> memref<40x64xi32, #tpu.memory_space<hbm>>
        tpu.wait_dma2 semaphore(%run_scoped3A_207 : memref<!tpu.dma_semaphore, #tpu.memory_space<semaphore_mem>>) src(%dma_wait3A_218 : memref<40x64xi32, #tpu.memory_space<hbm>>) dst(%arg6 : memref<40x64xi32, #tpu.memory_space<vmem>>)
        tpu.yield
      }) : () -> ()
      %run_scoped3A_206 = arith.constant 1 : i32
      "tpu.region"() ({
        %run_scoped3A_207 = tpu.sem_alloc : memref<!tpu.dma_semaphore, #tpu.memory_space<semaphore_mem>>
        %dma_start3A_208 = arith.constant 0 : i32
        %dma_start3A_209 = tpu.memref_slice %arg3[%run_scoped3A_206, %mul3A_205, %dma_start3A_208] : memref<2x5000x64xi32, #tpu.memory_space<hbm>> -> memref<1x40x64xi32, #tpu.memory_space<hbm>>
        %dma_start3A_210 = tpu.memref_squeeze %dma_start3A_209 : memref<1x40x64xi32, #tpu.memory_space<hbm>> -> memref<40x64xi32, #tpu.memory_space<hbm>>
        %dma_start3A_211 = arith.constant 0 : i32
        %dma_start3A_212 = tpu.memref_slice %arg3[%run_scoped3A_206, %mul3A_205, %dma_start3A_211] : memref<2x5000x64xi32, #tpu.memory_space<hbm>> -> memref<1x40x64xi32, #tpu.memory_space<hbm>>
        %dma_start3A_213 = tpu.memref_squeeze %dma_start3A_212 : memref<1x40x64xi32, #tpu.memory_space<hbm>> -> memref<40x64xi32, #tpu.memory_space<hbm>>
        tpu.enqueue_dma source(%dma_start3A_213 : memref<40x64xi32, #tpu.memory_space<hbm>>) target(%arg7 : memref<40x64xi32, #tpu.memory_space<vmem>>) target_semaphore(%run_scoped3A_207 : memref<!tpu.dma_semaphore, #tpu.memory_space<semaphore_mem>>)
        %dma_wait3A = arith.constant 0 : i32
        %dma_wait3A_214 = tpu.memref_slice %arg3[%run_scoped3A_206, %mul3A_205, %dma_wait3A] : memref<2x5000x64xi32, #tpu.memory_space<hbm>> -> memref<1x40x64xi32, #tpu.memory_space<hbm>>
        %dma_wait3A_215 = tpu.memref_squeeze %dma_wait3A_214 : memref<1x40x64xi32, #tpu.memory_space<hbm>> -> memref<40x64xi32, #tpu.memory_space<hbm>>
        %dma_wait3A_216 = arith.constant 0 : i32
        %dma_wait3A_217 = tpu.memref_slice %arg3[%run_scoped3A_206, %mul3A_205, %dma_wait3A_216] : memref<2x5000x64xi32, #tpu.memory_space<hbm>> -> memref<1x40x64xi32, #tpu.memory_space<hbm>>
        %dma_wait3A_218 = tpu.memref_squeeze %dma_wait3A_217 : memref<1x40x64xi32, #tpu.memory_space<hbm>> -> memref<40x64xi32, #tpu.memory_space<hbm>>
        tpu.wait_dma2 semaphore(%run_scoped3A_207 : memref<!tpu.dma_semaphore, #tpu.memory_space<semaphore_mem>>) src(%dma_wait3A_218 : memref<40x64xi32, #tpu.memory_space<hbm>>) dst(%arg7 : memref<40x64xi32, #tpu.memory_space<vmem>>)
        tpu.yield
      }) : () -> ()
    } else {
    }
    %ge3A_112 = arith.constant 125 : i32
    %ge3A_113 = arith.cmpi sge, %add3A_106, %ge3A_112 : i32
    %convert_element_type3A_114 = arith.extui %ge3A_113 : i1 to i32
    %cond3A_115 = arith.constant 0 : i32
    %cond3A_116 = arith.cmpi ne, %convert_element_type3A_114, %cond3A_115 : i32
    scf.if %cond3A_116 {
      %sub3A = arith.constant 125 : i32
      %sub3A_204 = arith.subi %add3A_106, %sub3A : i32
      "tpu.region"() ({
        %run_scoped3A = tpu.sem_alloc : memref<!tpu.dma_semaphore, #tpu.memory_space<semaphore_mem>>
        %dma_start3A_207 = arith.constant 0 : i32
        %dma_start3A_208 = arith.constant 0 : i32
        %dma_start3A_209 = tpu.memref_slice %arg4[%sub3A_204, %dma_start3A_207, %dma_start3A_208] : memref<3x40x64xi32, #tpu.memory_space<hbm>> -> memref<1x40x64xi32, #tpu.memory_space<hbm>>
        %dma_start3A_210 = tpu.memref_squeeze %dma_start3A_209 : memref<1x40x64xi32, #tpu.memory_space<hbm>> -> memref<40x64xi32, #tpu.memory_space<hbm>>
        %dma_start3A_211 = arith.constant 0 : i32
        %dma_start3A_212 = arith.constant 0 : i32
        %dma_start3A_213 = tpu.memref_slice %arg4[%sub3A_204, %dma_start3A_211, %dma_start3A_212] : memref<3x40x64xi32, #tpu.memory_space<hbm>> -> memref<1x40x64xi32, #tpu.memory_space<hbm>>
        %dma_start3A_214 = tpu.memref_squeeze %dma_start3A_213 : memref<1x40x64xi32, #tpu.memory_space<hbm>> -> memref<40x64xi32, #tpu.memory_space<hbm>>
        tpu.enqueue_dma source(%dma_start3A_214 : memref<40x64xi32, #tpu.memory_space<hbm>>) target(%arg6 : memref<40x64xi32, #tpu.memory_space<vmem>>) target_semaphore(%run_scoped3A : memref<!tpu.dma_semaphore, #tpu.memory_space<semaphore_mem>>)
        %dma_wait3A = arith.constant 0 : i32
        %dma_wait3A_215 = arith.constant 0 : i32
        %dma_wait3A_216 = tpu.memref_slice %arg4[%sub3A_204, %dma_wait3A, %dma_wait3A_215] : memref<3x40x64xi32, #tpu.memory_space<hbm>> -> memref<1x40x64xi32, #tpu.memory_space<hbm>>
        %dma_wait3A_217 = tpu.memref_squeeze %dma_wait3A_216 : memref<1x40x64xi32, #tpu.memory_space<hbm>> -> memref<40x64xi32, #tpu.memory_space<hbm>>
        %dma_wait3A_218 = arith.constant 0 : i32
        %dma_wait3A_219 = arith.constant 0 : i32
        %dma_wait3A_220 = tpu.memref_slice %arg4[%sub3A_204, %dma_wait3A_218, %dma_wait3A_219] : memref<3x40x64xi32, #tpu.memory_space<hbm>> -> memref<1x40x64xi32, #tpu.memory_space<hbm>>
        %dma_wait3A_221 = tpu.memref_squeeze %dma_wait3A_220 : memref<1x40x64xi32, #tpu.memory_space<hbm>> -> memref<40x64xi32, #tpu.memory_space<hbm>>
        tpu.wait_dma2 semaphore(%run_scoped3A : memref<!tpu.dma_semaphore, #tpu.memory_space<semaphore_mem>>) src(%dma_wait3A_221 : memref<40x64xi32, #tpu.memory_space<hbm>>) dst(%arg6 : memref<40x64xi32, #tpu.memory_space<vmem>>)
        tpu.yield
      }) : () -> ()
      %sub3A_205 = arith.constant 125 : i32
      %sub3A_206 = arith.subi %add3A_106, %sub3A_205 : i32
      "tpu.region"() ({
        %run_scoped3A = tpu.sem_alloc : memref<!tpu.dma_semaphore, #tpu.memory_space<semaphore_mem>>
        %dma_start3A_207 = arith.constant 0 : i32
        %dma_start3A_208 = arith.constant 0 : i32
        %dma_start3A_209 = tpu.memref_slice %arg4[%sub3A_206, %dma_start3A_207, %dma_start3A_208] : memref<3x40x64xi32, #tpu.memory_space<hbm>> -> memref<1x40x64xi32, #tpu.memory_space<hbm>>
        %dma_start3A_210 = tpu.memref_squeeze %dma_start3A_209 : memref<1x40x64xi32, #tpu.memory_space<hbm>> -> memref<40x64xi32, #tpu.memory_space<hbm>>
        %dma_start3A_211 = arith.constant 0 : i32
        %dma_start3A_212 = arith.constant 0 : i32
        %dma_start3A_213 = tpu.memref_slice %arg4[%sub3A_206, %dma_start3A_211, %dma_start3A_212] : memref<3x40x64xi32, #tpu.memory_space<hbm>> -> memref<1x40x64xi32, #tpu.memory_space<hbm>>
        %dma_start3A_214 = tpu.memref_squeeze %dma_start3A_213 : memref<1x40x64xi32, #tpu.memory_space<hbm>> -> memref<40x64xi32, #tpu.memory_space<hbm>>
        tpu.enqueue_dma source(%dma_start3A_214 : memref<40x64xi32, #tpu.memory_space<hbm>>) target(%arg7 : memref<40x64xi32, #tpu.memory_space<vmem>>) target_semaphore(%run_scoped3A : memref<!tpu.dma_semaphore, #tpu.memory_space<semaphore_mem>>)
        %dma_wait3A = arith.constant 0 : i32
        %dma_wait3A_215 = arith.constant 0 : i32
        %dma_wait3A_216 = tpu.memref_slice %arg4[%sub3A_206, %dma_wait3A, %dma_wait3A_215] : memref<3x40x64xi32, #tpu.memory_space<hbm>> -> memref<1x40x64xi32, #tpu.memory_space<hbm>>
        %dma_wait3A_217 = tpu.memref_squeeze %dma_wait3A_216 : memref<1x40x64xi32, #tpu.memory_space<hbm>> -> memref<40x64xi32, #tpu.memory_space<hbm>>
        %dma_wait3A_218 = arith.constant 0 : i32
        %dma_wait3A_219 = arith.constant 0 : i32
        %dma_wait3A_220 = tpu.memref_slice %arg4[%sub3A_206, %dma_wait3A_218, %dma_wait3A_219] : memref<3x40x64xi32, #tpu.memory_space<hbm>> -> memref<1x40x64xi32, #tpu.memory_space<hbm>>
        %dma_wait3A_221 = tpu.memref_squeeze %dma_wait3A_220 : memref<1x40x64xi32, #tpu.memory_space<hbm>> -> memref<40x64xi32, #tpu.memory_space<hbm>>
        tpu.wait_dma2 semaphore(%run_scoped3A : memref<!tpu.dma_semaphore, #tpu.memory_space<semaphore_mem>>) src(%dma_wait3A_221 : memref<40x64xi32, #tpu.memory_space<hbm>>) dst(%arg7 : memref<40x64xi32, #tpu.memory_space<vmem>>)
        tpu.yield
      }) : () -> ()
    } else {
    }
    %dma_start3A_117 = arith.constant 0 : i32
    %dma_start3A_118 = arith.constant 0 : i32
    %dma_start3A_119 = tpu.memref_slice %arg6[%dma_start3A_117, %dma_start3A_118] : memref<40x64xi32, #tpu.memory_space<vmem>> -> memref<1x64xi32, #tpu.memory_space<vmem>>
    %dma_start3A_120 = tpu.memref_squeeze %dma_start3A_119 : memref<1x64xi32, #tpu.memory_space<vmem>> -> memref<64xi32, #tpu.memory_space<vmem>>
    %dma_start3A_121 = arith.constant 0 : i32
    %dma_start3A_122 = arith.constant 0 : i32
    %dma_start3A_123 = tpu.memref_slice %arg2[%dma_start3A_121, %dma_start3A_122] : memref<10240x128xf32, #tpu.memory_space<hbm>> -> memref<10240x128xf32, #tpu.memory_space<hbm>>
    tpu.enqueue_indirect_dma source(%dma_start3A_123 : memref<10240x128xf32, #tpu.memory_space<hbm>>) target(%arg8 : memref<64x128xf32, #tpu.memory_space<vmem>>) offsets(%dma_start3A_120 : memref<64xi32, #tpu.memory_space<vmem>>) semaphore(%arg13 : memref<!tpu.dma_semaphore, #tpu.memory_space<semaphore_mem>>)
    %dma_start3A_124 = arith.constant 1 : i32
    %dma_start3A_125 = arith.constant 0 : i32
    %dma_start3A_126 = tpu.memref_slice %arg6[%dma_start3A_124, %dma_start3A_125] : memref<40x64xi32, #tpu.memory_space<vmem>> -> memref<1x64xi32, #tpu.memory_space<vmem>>
    %dma_start3A_127 = tpu.memref_squeeze %dma_start3A_126 : memref<1x64xi32, #tpu.memory_space<vmem>> -> memref<64xi32, #tpu.memory_space<vmem>>
    %dma_start3A_128 = arith.constant 0 : i32
    %dma_start3A_129 = arith.constant 0 : i32
    %dma_start3A_130 = tpu.memref_slice %arg2[%dma_start3A_128, %dma_start3A_129] : memref<10240x128xf32, #tpu.memory_space<hbm>> -> memref<10240x128xf32, #tpu.memory_space<hbm>>
    tpu.enqueue_indirect_dma source(%dma_start3A_130 : memref<10240x128xf32, #tpu.memory_space<hbm>>) target(%arg9 : memref<64x128xf32, #tpu.memory_space<vmem>>) offsets(%dma_start3A_127 : memref<64xi32, #tpu.memory_space<vmem>>) semaphore(%arg14 : memref<!tpu.dma_semaphore, #tpu.memory_space<semaphore_mem>>)
    %dma_start3A_131 = arith.constant 2 : i32
    %dma_start3A_132 = arith.constant 0 : i32
    %dma_start3A_133 = tpu.memref_slice %arg6[%dma_start3A_131, %dma_start3A_132] : memref<40x64xi32, #tpu.memory_space<vmem>> -> memref<1x64xi32, #tpu.memory_space<vmem>>
    %dma_start3A_134 = tpu.memref_squeeze %dma_start3A_133 : memref<1x64xi32, #tpu.memory_space<vmem>> -> memref<64xi32, #tpu.memory_space<vmem>>
    %dma_start3A_135 = arith.constant 0 : i32
    %dma_start3A_136 = arith.constant 0 : i32
    %dma_start3A_137 = tpu.memref_slice %arg2[%dma_start3A_135, %dma_start3A_136] : memref<10240x128xf32, #tpu.memory_space<hbm>> -> memref<10240x128xf32, #tpu.memory_space<hbm>>
    tpu.enqueue_indirect_dma source(%dma_start3A_137 : memref<10240x128xf32, #tpu.memory_space<hbm>>) target(%arg10 : memref<64x128xf32, #tpu.memory_space<vmem>>) offsets(%dma_start3A_134 : memref<64xi32, #tpu.memory_space<vmem>>) semaphore(%arg15 : memref<!tpu.dma_semaphore, #tpu.memory_space<semaphore_mem>>)
    %dma_start3A_138 = arith.constant 3 : i32
    %dma_start3A_139 = arith.constant 0 : i32
    %dma_start3A_140 = tpu.memref_slice %arg6[%dma_start3A_138, %dma_start3A_139] : memref<40x64xi32, #tpu.memory_space<vmem>> -> memref<1x64xi32, #tpu.memory_space<vmem>>
    %dma_start3A_141 = tpu.memref_squeeze %dma_start3A_140 : memref<1x64xi32, #tpu.memory_space<vmem>> -> memref<64xi32, #tpu.memory_space<vmem>>
    %dma_start3A_142 = arith.constant 0 : i32
    %dma_start3A_143 = arith.constant 0 : i32
    %dma_start3A_144 = tpu.memref_slice %arg2[%dma_start3A_142, %dma_start3A_143] : memref<10240x128xf32, #tpu.memory_space<hbm>> -> memref<10240x128xf32, #tpu.memory_space<hbm>>
    tpu.enqueue_indirect_dma source(%dma_start3A_144 : memref<10240x128xf32, #tpu.memory_space<hbm>>) target(%arg11 : memref<64x128xf32, #tpu.memory_space<vmem>>) offsets(%dma_start3A_141 : memref<64xi32, #tpu.memory_space<vmem>>) semaphore(%arg16 : memref<!tpu.dma_semaphore, #tpu.memory_space<semaphore_mem>>)
    %scan3A_145 = arith.constant 0 : i32
    %scan3A_146 = arith.constant 0 : i32
    %scan3A_147 = arith.constant 10 : i32
    %scan3A_148 = arith.addi %scan3A_146, %scan3A_147 : i32
    %scan3A_149 = arith.constant 1 : i32
    scf.for %scan3A_204 = %scan3A_146 to %scan3A_148 step %scan3A_149  : i32 {
      %mul3A_205 = arith.constant 4 : i32
      %mul3A_206 = arith.muli %scan3A_204, %mul3A_205 : i32
      %add3A_207 = arith.constant 0 : i32
      %add3A_208 = arith.addi %mul3A_206, %add3A_207 : i32
      %dma_wait3A = arith.constant 0 : i32
      %dma_wait3A_209 = tpu.memref_slice %arg6[%add3A_208, %dma_wait3A] : memref<40x64xi32, #tpu.memory_space<vmem>> -> memref<1x64xi32, #tpu.memory_space<vmem>>
      %dma_wait3A_210 = tpu.memref_squeeze %dma_wait3A_209 : memref<1x64xi32, #tpu.memory_space<vmem>> -> memref<64xi32, #tpu.memory_space<vmem>>
      %dma_wait3A_211 = arith.constant 0 : i32
      %dma_wait3A_212 = arith.constant 0 : i32
      %dma_wait3A_213 = tpu.memref_slice %arg2[%dma_wait3A_211, %dma_wait3A_212] : memref<10240x128xf32, #tpu.memory_space<hbm>> -> memref<10240x128xf32, #tpu.memory_space<hbm>>
      tpu.wait_indirect_dma semaphore(%arg13 : memref<!tpu.dma_semaphore, #tpu.memory_space<semaphore_mem>>) src(%dma_wait3A_213 : memref<10240x128xf32, #tpu.memory_space<hbm>>) dst(%arg8 : memref<64x128xf32, #tpu.memory_space<vmem>>)
      "tpu.region"() ({
        %run_scoped3A = tpu.sem_alloc : memref<!tpu.dma_semaphore, #tpu.memory_space<semaphore_mem>>
        %dma_start3A_272 = arith.constant 0 : i32
        %dma_start3A_273 = tpu.memref_slice %arg7[%add3A_208, %dma_start3A_272] : memref<40x64xi32, #tpu.memory_space<vmem>> -> memref<1x64xi32, #tpu.memory_space<vmem>>
        %dma_start3A_274 = tpu.memref_squeeze %dma_start3A_273 : memref<1x64xi32, #tpu.memory_space<vmem>> -> memref<64xi32, #tpu.memory_space<vmem>>
        %dma_start3A_275 = arith.constant 0 : i32
        %dma_start3A_276 = arith.constant 0 : i32
        %dma_start3A_277 = tpu.memref_slice %arg12[%dma_start3A_275, %dma_start3A_276] : memref<10240x128xf32, #tpu.memory_space<vmem_shared>> -> memref<10240x128xf32, #tpu.memory_space<vmem_shared>>
        tpu.enqueue_indirect_dma source(%arg8 : memref<64x128xf32, #tpu.memory_space<vmem>>) target(%dma_start3A_277 : memref<10240x128xf32, #tpu.memory_space<vmem_shared>>) offsets(%dma_start3A_274 : memref<64xi32, #tpu.memory_space<vmem>>) semaphore(%run_scoped3A : memref<!tpu.dma_semaphore, #tpu.memory_space<semaphore_mem>>) {add = true}
        %dma_wait3A_278 = arith.constant 0 : i32
        %dma_wait3A_279 = tpu.memref_slice %arg7[%add3A_208, %dma_wait3A_278] : memref<40x64xi32, #tpu.memory_space<vmem>> -> memref<1x64xi32, #tpu.memory_space<vmem>>
        %dma_wait3A_280 = tpu.memref_squeeze %dma_wait3A_279 : memref<1x64xi32, #tpu.memory_space<vmem>> -> memref<64xi32, #tpu.memory_space<vmem>>
        %dma_wait3A_281 = arith.constant 0 : i32
        %dma_wait3A_282 = arith.constant 0 : i32
        %dma_wait3A_283 = tpu.memref_slice %arg12[%dma_wait3A_281, %dma_wait3A_282] : memref<10240x128xf32, #tpu.memory_space<vmem_shared>> -> memref<10240x128xf32, #tpu.memory_space<vmem_shared>>
        tpu.wait_indirect_dma semaphore(%run_scoped3A : memref<!tpu.dma_semaphore, #tpu.memory_space<semaphore_mem>>) src(%arg8 : memref<64x128xf32, #tpu.memory_space<vmem>>) dst(%dma_wait3A_283 : memref<10240x128xf32, #tpu.memory_space<vmem_shared>>)
        tpu.yield
      }) : () -> ()
      %add3A_214 = arith.constant 4 : i32
      %add3A_215 = arith.addi %add3A_208, %add3A_214 : i32
      %lt3A_216 = arith.constant 40 : i32
      %lt3A_217 = arith.cmpi slt, %add3A_215, %lt3A_216 : i32
      %convert_element_type3A_218 = arith.extui %lt3A_217 : i1 to i32
      %cond3A_219 = arith.constant 0 : i32
      %cond3A_220 = arith.cmpi ne, %convert_element_type3A_218, %cond3A_219 : i32
      scf.if %cond3A_220 {
        %add3A_272 = arith.constant 4 : i32
        %add3A_273 = arith.addi %add3A_208, %add3A_272 : i32
        %dma_start3A_274 = arith.constant 0 : i32
        %dma_start3A_275 = tpu.memref_slice %arg6[%add3A_273, %dma_start3A_274] : memref<40x64xi32, #tpu.memory_space<vmem>> -> memref<1x64xi32, #tpu.memory_space<vmem>>
        %dma_start3A_276 = tpu.memref_squeeze %dma_start3A_275 : memref<1x64xi32, #tpu.memory_space<vmem>> -> memref<64xi32, #tpu.memory_space<vmem>>
        %dma_start3A_277 = arith.constant 0 : i32
        %dma_start3A_278 = arith.constant 0 : i32
        %dma_start3A_279 = tpu.memref_slice %arg2[%dma_start3A_277, %dma_start3A_278] : memref<10240x128xf32, #tpu.memory_space<hbm>> -> memref<10240x128xf32, #tpu.memory_space<hbm>>
        tpu.enqueue_indirect_dma source(%dma_start3A_279 : memref<10240x128xf32, #tpu.memory_space<hbm>>) target(%arg8 : memref<64x128xf32, #tpu.memory_space<vmem>>) offsets(%dma_start3A_276 : memref<64xi32, #tpu.memory_space<vmem>>) semaphore(%arg13 : memref<!tpu.dma_semaphore, #tpu.memory_space<semaphore_mem>>)
      } else {
      }
      %mul3A_221 = arith.constant 4 : i32
      %mul3A_222 = arith.muli %scan3A_204, %mul3A_221 : i32
      %add3A_223 = arith.constant 1 : i32
      %add3A_224 = arith.addi %mul3A_222, %add3A_223 : i32
      %dma_wait3A_225 = arith.constant 0 : i32
      %dma_wait3A_226 = tpu.memref_slice %arg6[%add3A_224, %dma_wait3A_225] : memref<40x64xi32, #tpu.memory_space<vmem>> -> memref<1x64xi32, #tpu.memory_space<vmem>>
      %dma_wait3A_227 = tpu.memref_squeeze %dma_wait3A_226 : memref<1x64xi32, #tpu.memory_space<vmem>> -> memref<64xi32, #tpu.memory_space<vmem>>
      %dma_wait3A_228 = arith.constant 0 : i32
      %dma_wait3A_229 = arith.constant 0 : i32
      %dma_wait3A_230 = tpu.memref_slice %arg2[%dma_wait3A_228, %dma_wait3A_229] : memref<10240x128xf32, #tpu.memory_space<hbm>> -> memref<10240x128xf32, #tpu.memory_space<hbm>>
      tpu.wait_indirect_dma semaphore(%arg14 : memref<!tpu.dma_semaphore, #tpu.memory_space<semaphore_mem>>) src(%dma_wait3A_230 : memref<10240x128xf32, #tpu.memory_space<hbm>>) dst(%arg9 : memref<64x128xf32, #tpu.memory_space<vmem>>)
      "tpu.region"() ({
        %run_scoped3A = tpu.sem_alloc : memref<!tpu.dma_semaphore, #tpu.memory_space<semaphore_mem>>
        %dma_start3A_272 = arith.constant 0 : i32
        %dma_start3A_273 = tpu.memref_slice %arg7[%add3A_224, %dma_start3A_272] : memref<40x64xi32, #tpu.memory_space<vmem>> -> memref<1x64xi32, #tpu.memory_space<vmem>>
        %dma_start3A_274 = tpu.memref_squeeze %dma_start3A_273 : memref<1x64xi32, #tpu.memory_space<vmem>> -> memref<64xi32, #tpu.memory_space<vmem>>
        %dma_start3A_275 = arith.constant 0 : i32
        %dma_start3A_276 = arith.constant 0 : i32
        %dma_start3A_277 = tpu.memref_slice %arg12[%dma_start3A_275, %dma_start3A_276] : memref<10240x128xf32, #tpu.memory_space<vmem_shared>> -> memref<10240x128xf32, #tpu.memory_space<vmem_shared>>
        tpu.enqueue_indirect_dma source(%arg9 : memref<64x128xf32, #tpu.memory_space<vmem>>) target(%dma_start3A_277 : memref<10240x128xf32, #tpu.memory_space<vmem_shared>>) offsets(%dma_start3A_274 : memref<64xi32, #tpu.memory_space<vmem>>) semaphore(%run_scoped3A : memref<!tpu.dma_semaphore, #tpu.memory_space<semaphore_mem>>) {add = true}
        %dma_wait3A_278 = arith.constant 0 : i32
        %dma_wait3A_279 = tpu.memref_slice %arg7[%add3A_224, %dma_wait3A_278] : memref<40x64xi32, #tpu.memory_space<vmem>> -> memref<1x64xi32, #tpu.memory_space<vmem>>
        %dma_wait3A_280 = tpu.memref_squeeze %dma_wait3A_279 : memref<1x64xi32, #tpu.memory_space<vmem>> -> memref<64xi32, #tpu.memory_space<vmem>>
        %dma_wait3A_281 = arith.constant 0 : i32
        %dma_wait3A_282 = arith.constant 0 : i32
        %dma_wait3A_283 = tpu.memref_slice %arg12[%dma_wait3A_281, %dma_wait3A_282] : memref<10240x128xf32, #tpu.memory_space<vmem_shared>> -> memref<10240x128xf32, #tpu.memory_space<vmem_shared>>
        tpu.wait_indirect_dma semaphore(%run_scoped3A : memref<!tpu.dma_semaphore, #tpu.memory_space<semaphore_mem>>) src(%arg9 : memref<64x128xf32, #tpu.memory_space<vmem>>) dst(%dma_wait3A_283 : memref<10240x128xf32, #tpu.memory_space<vmem_shared>>)
        tpu.yield
      }) : () -> ()
      %add3A_231 = arith.constant 4 : i32
      %add3A_232 = arith.addi %add3A_224, %add3A_231 : i32
      %lt3A_233 = arith.constant 40 : i32
      %lt3A_234 = arith.cmpi slt, %add3A_232, %lt3A_233 : i32
      %convert_element_type3A_235 = arith.extui %lt3A_234 : i1 to i32
      %cond3A_236 = arith.constant 0 : i32
      %cond3A_237 = arith.cmpi ne, %convert_element_type3A_235, %cond3A_236 : i32
      scf.if %cond3A_237 {
        %add3A_272 = arith.constant 4 : i32
        %add3A_273 = arith.addi %add3A_224, %add3A_272 : i32
        %dma_start3A_274 = arith.constant 0 : i32
        %dma_start3A_275 = tpu.memref_slice %arg6[%add3A_273, %dma_start3A_274] : memref<40x64xi32, #tpu.memory_space<vmem>> -> memref<1x64xi32, #tpu.memory_space<vmem>>
        %dma_start3A_276 = tpu.memref_squeeze %dma_start3A_275 : memref<1x64xi32, #tpu.memory_space<vmem>> -> memref<64xi32, #tpu.memory_space<vmem>>
        %dma_start3A_277 = arith.constant 0 : i32
        %dma_start3A_278 = arith.constant 0 : i32
        %dma_start3A_279 = tpu.memref_slice %arg2[%dma_start3A_277, %dma_start3A_278] : memref<10240x128xf32, #tpu.memory_space<hbm>> -> memref<10240x128xf32, #tpu.memory_space<hbm>>
        tpu.enqueue_indirect_dma source(%dma_start3A_279 : memref<10240x128xf32, #tpu.memory_space<hbm>>) target(%arg9 : memref<64x128xf32, #tpu.memory_space<vmem>>) offsets(%dma_start3A_276 : memref<64xi32, #tpu.memory_space<vmem>>) semaphore(%arg14 : memref<!tpu.dma_semaphore, #tpu.memory_space<semaphore_mem>>)
      } else {
      }
      %mul3A_238 = arith.constant 4 : i32
      %mul3A_239 = arith.muli %scan3A_204, %mul3A_238 : i32
      %add3A_240 = arith.constant 2 : i32
      %add3A_241 = arith.addi %mul3A_239, %add3A_240 : i32
      %dma_wait3A_242 = arith.constant 0 : i32
      %dma_wait3A_243 = tpu.memref_slice %arg6[%add3A_241, %dma_wait3A_242] : memref<40x64xi32, #tpu.memory_space<vmem>> -> memref<1x64xi32, #tpu.memory_space<vmem>>
      %dma_wait3A_244 = tpu.memref_squeeze %dma_wait3A_243 : memref<1x64xi32, #tpu.memory_space<vmem>> -> memref<64xi32, #tpu.memory_space<vmem>>
      %dma_wait3A_245 = arith.constant 0 : i32
      %dma_wait3A_246 = arith.constant 0 : i32
      %dma_wait3A_247 = tpu.memref_slice %arg2[%dma_wait3A_245, %dma_wait3A_246] : memref<10240x128xf32, #tpu.memory_space<hbm>> -> memref<10240x128xf32, #tpu.memory_space<hbm>>
      tpu.wait_indirect_dma semaphore(%arg15 : memref<!tpu.dma_semaphore, #tpu.memory_space<semaphore_mem>>) src(%dma_wait3A_247 : memref<10240x128xf32, #tpu.memory_space<hbm>>) dst(%arg10 : memref<64x128xf32, #tpu.memory_space<vmem>>)
      "tpu.region"() ({
        %run_scoped3A = tpu.sem_alloc : memref<!tpu.dma_semaphore, #tpu.memory_space<semaphore_mem>>
        %dma_start3A_272 = arith.constant 0 : i32
        %dma_start3A_273 = tpu.memref_slice %arg7[%add3A_241, %dma_start3A_272] : memref<40x64xi32, #tpu.memory_space<vmem>> -> memref<1x64xi32, #tpu.memory_space<vmem>>
        %dma_start3A_274 = tpu.memref_squeeze %dma_start3A_273 : memref<1x64xi32, #tpu.memory_space<vmem>> -> memref<64xi32, #tpu.memory_space<vmem>>
        %dma_start3A_275 = arith.constant 0 : i32
        %dma_start3A_276 = arith.constant 0 : i32
        %dma_start3A_277 = tpu.memref_slice %arg12[%dma_start3A_275, %dma_start3A_276] : memref<10240x128xf32, #tpu.memory_space<vmem_shared>> -> memref<10240x128xf32, #tpu.memory_space<vmem_shared>>
        tpu.enqueue_indirect_dma source(%arg10 : memref<64x128xf32, #tpu.memory_space<vmem>>) target(%dma_start3A_277 : memref<10240x128xf32, #tpu.memory_space<vmem_shared>>) offsets(%dma_start3A_274 : memref<64xi32, #tpu.memory_space<vmem>>) semaphore(%run_scoped3A : memref<!tpu.dma_semaphore, #tpu.memory_space<semaphore_mem>>) {add = true}
        %dma_wait3A_278 = arith.constant 0 : i32
        %dma_wait3A_279 = tpu.memref_slice %arg7[%add3A_241, %dma_wait3A_278] : memref<40x64xi32, #tpu.memory_space<vmem>> -> memref<1x64xi32, #tpu.memory_space<vmem>>
        %dma_wait3A_280 = tpu.memref_squeeze %dma_wait3A_279 : memref<1x64xi32, #tpu.memory_space<vmem>> -> memref<64xi32, #tpu.memory_space<vmem>>
        %dma_wait3A_281 = arith.constant 0 : i32
        %dma_wait3A_282 = arith.constant 0 : i32
        %dma_wait3A_283 = tpu.memref_slice %arg12[%dma_wait3A_281, %dma_wait3A_282] : memref<10240x128xf32, #tpu.memory_space<vmem_shared>> -> memref<10240x128xf32, #tpu.memory_space<vmem_shared>>
        tpu.wait_indirect_dma semaphore(%run_scoped3A : memref<!tpu.dma_semaphore, #tpu.memory_space<semaphore_mem>>) src(%arg10 : memref<64x128xf32, #tpu.memory_space<vmem>>) dst(%dma_wait3A_283 : memref<10240x128xf32, #tpu.memory_space<vmem_shared>>)
        tpu.yield
      }) : () -> ()
      %add3A_248 = arith.constant 4 : i32
      %add3A_249 = arith.addi %add3A_241, %add3A_248 : i32
      %lt3A_250 = arith.constant 40 : i32
      %lt3A_251 = arith.cmpi slt, %add3A_249, %lt3A_250 : i32
      %convert_element_type3A_252 = arith.extui %lt3A_251 : i1 to i32
      %cond3A_253 = arith.constant 0 : i32
      %cond3A_254 = arith.cmpi ne, %convert_element_type3A_252, %cond3A_253 : i32
      scf.if %cond3A_254 {
        %add3A_272 = arith.constant 4 : i32
        %add3A_273 = arith.addi %add3A_241, %add3A_272 : i32
        %dma_start3A_274 = arith.constant 0 : i32
        %dma_start3A_275 = tpu.memref_slice %arg6[%add3A_273, %dma_start3A_274] : memref<40x64xi32, #tpu.memory_space<vmem>> -> memref<1x64xi32, #tpu.memory_space<vmem>>
        %dma_start3A_276 = tpu.memref_squeeze %dma_start3A_275 : memref<1x64xi32, #tpu.memory_space<vmem>> -> memref<64xi32, #tpu.memory_space<vmem>>
        %dma_start3A_277 = arith.constant 0 : i32
        %dma_start3A_278 = arith.constant 0 : i32
        %dma_start3A_279 = tpu.memref_slice %arg2[%dma_start3A_277, %dma_start3A_278] : memref<10240x128xf32, #tpu.memory_space<hbm>> -> memref<10240x128xf32, #tpu.memory_space<hbm>>
        tpu.enqueue_indirect_dma source(%dma_start3A_279 : memref<10240x128xf32, #tpu.memory_space<hbm>>) target(%arg10 : memref<64x128xf32, #tpu.memory_space<vmem>>) offsets(%dma_start3A_276 : memref<64xi32, #tpu.memory_space<vmem>>) semaphore(%arg15 : memref<!tpu.dma_semaphore, #tpu.memory_space<semaphore_mem>>)
      } else {
      }
      %mul3A_255 = arith.constant 4 : i32
      %mul3A_256 = arith.muli %scan3A_204, %mul3A_255 : i32
      %add3A_257 = arith.constant 3 : i32
      %add3A_258 = arith.addi %mul3A_256, %add3A_257 : i32
      %dma_wait3A_259 = arith.constant 0 : i32
      %dma_wait3A_260 = tpu.memref_slice %arg6[%add3A_258, %dma_wait3A_259] : memref<40x64xi32, #tpu.memory_space<vmem>> -> memref<1x64xi32, #tpu.memory_space<vmem>>
      %dma_wait3A_261 = tpu.memref_squeeze %dma_wait3A_260 : memref<1x64xi32, #tpu.memory_space<vmem>> -> memref<64xi32, #tpu.memory_space<vmem>>
      %dma_wait3A_262 = arith.constant 0 : i32
      %dma_wait3A_263 = arith.constant 0 : i32
      %dma_wait3A_264 = tpu.memref_slice %arg2[%dma_wait3A_262, %dma_wait3A_263] : memref<10240x128xf32, #tpu.memory_space<hbm>> -> memref<10240x128xf32, #tpu.memory_space<hbm>>
      tpu.wait_indirect_dma semaphore(%arg16 : memref<!tpu.dma_semaphore, #tpu.memory_space<semaphore_mem>>) src(%dma_wait3A_264 : memref<10240x128xf32, #tpu.memory_space<hbm>>) dst(%arg11 : memref<64x128xf32, #tpu.memory_space<vmem>>)
      "tpu.region"() ({
        %run_scoped3A = tpu.sem_alloc : memref<!tpu.dma_semaphore, #tpu.memory_space<semaphore_mem>>
        %dma_start3A_272 = arith.constant 0 : i32
        %dma_start3A_273 = tpu.memref_slice %arg7[%add3A_258, %dma_start3A_272] : memref<40x64xi32, #tpu.memory_space<vmem>> -> memref<1x64xi32, #tpu.memory_space<vmem>>
        %dma_start3A_274 = tpu.memref_squeeze %dma_start3A_273 : memref<1x64xi32, #tpu.memory_space<vmem>> -> memref<64xi32, #tpu.memory_space<vmem>>
        %dma_start3A_275 = arith.constant 0 : i32
        %dma_start3A_276 = arith.constant 0 : i32
        %dma_start3A_277 = tpu.memref_slice %arg12[%dma_start3A_275, %dma_start3A_276] : memref<10240x128xf32, #tpu.memory_space<vmem_shared>> -> memref<10240x128xf32, #tpu.memory_space<vmem_shared>>
        tpu.enqueue_indirect_dma source(%arg11 : memref<64x128xf32, #tpu.memory_space<vmem>>) target(%dma_start3A_277 : memref<10240x128xf32, #tpu.memory_space<vmem_shared>>) offsets(%dma_start3A_274 : memref<64xi32, #tpu.memory_space<vmem>>) semaphore(%run_scoped3A : memref<!tpu.dma_semaphore, #tpu.memory_space<semaphore_mem>>) {add = true}
        %dma_wait3A_278 = arith.constant 0 : i32
        %dma_wait3A_279 = tpu.memref_slice %arg7[%add3A_258, %dma_wait3A_278] : memref<40x64xi32, #tpu.memory_space<vmem>> -> memref<1x64xi32, #tpu.memory_space<vmem>>
        %dma_wait3A_280 = tpu.memref_squeeze %dma_wait3A_279 : memref<1x64xi32, #tpu.memory_space<vmem>> -> memref<64xi32, #tpu.memory_space<vmem>>
        %dma_wait3A_281 = arith.constant 0 : i32
        %dma_wait3A_282 = arith.constant 0 : i32
        %dma_wait3A_283 = tpu.memref_slice %arg12[%dma_wait3A_281, %dma_wait3A_282] : memref<10240x128xf32, #tpu.memory_space<vmem_shared>> -> memref<10240x128xf32, #tpu.memory_space<vmem_shared>>
        tpu.wait_indirect_dma semaphore(%run_scoped3A : memref<!tpu.dma_semaphore, #tpu.memory_space<semaphore_mem>>) src(%arg11 : memref<64x128xf32, #tpu.memory_space<vmem>>) dst(%dma_wait3A_283 : memref<10240x128xf32, #tpu.memory_space<vmem_shared>>)
        tpu.yield
      }) : () -> ()
      %add3A_265 = arith.constant 4 : i32
      %add3A_266 = arith.addi %add3A_258, %add3A_265 : i32
      %lt3A_267 = arith.constant 40 : i32
      %lt3A_268 = arith.cmpi slt, %add3A_266, %lt3A_267 : i32
      %convert_element_type3A_269 = arith.extui %lt3A_268 : i1 to i32
      %cond3A_270 = arith.constant 0 : i32
      %cond3A_271 = arith.cmpi ne, %convert_element_type3A_269, %cond3A_270 : i32
      scf.if %cond3A_271 {
        %add3A_272 = arith.constant 4 : i32
        %add3A_273 = arith.addi %add3A_258, %add3A_272 : i32
        %dma_start3A_274 = arith.constant 0 : i32
        %dma_start3A_275 = tpu.memref_slice %arg6[%add3A_273, %dma_start3A_274] : memref<40x64xi32, #tpu.memory_space<vmem>> -> memref<1x64xi32, #tpu.memory_space<vmem>>
        %dma_start3A_276 = tpu.memref_squeeze %dma_start3A_275 : memref<1x64xi32, #tpu.memory_space<vmem>> -> memref<64xi32, #tpu.memory_space<vmem>>
        %dma_start3A_277 = arith.constant 0 : i32
        %dma_start3A_278 = arith.constant 0 : i32
        %dma_start3A_279 = tpu.memref_slice %arg2[%dma_start3A_277, %dma_start3A_278] : memref<10240x128xf32, #tpu.memory_space<hbm>> -> memref<10240x128xf32, #tpu.memory_space<hbm>>
        tpu.enqueue_indirect_dma source(%dma_start3A_279 : memref<10240x128xf32, #tpu.memory_space<hbm>>) target(%arg11 : memref<64x128xf32, #tpu.memory_space<vmem>>) offsets(%dma_start3A_276 : memref<64xi32, #tpu.memory_space<vmem>>) semaphore(%arg16 : memref<!tpu.dma_semaphore, #tpu.memory_space<semaphore_mem>>)
      } else {
      }
    }
    %scan3A_150 = arith.constant 10 : i32
    %mul3A_151 = arith.constant 4 : i32
    %mul3A_152 = arith.muli %add3A, %mul3A_151 : i32
    %add3A_153 = arith.constant 3 : i32
    %add3A_154 = arith.addi %mul3A_152, %add3A_153 : i32
    %lt3A_155 = arith.constant 125 : i32
    %lt3A_156 = arith.cmpi slt, %add3A_154, %lt3A_155 : i32
    %convert_element_type3A_157 = arith.extui %lt3A_156 : i1 to i32
    %cond3A_158 = arith.constant 0 : i32
    %cond3A_159 = arith.cmpi ne, %convert_element_type3A_157, %cond3A_158 : i32
    scf.if %cond3A_159 {
      %mul3A_204 = arith.constant 40 : i32
      %mul3A_205 = arith.muli %add3A_154, %mul3A_204 : i32
      %run_scoped3A = arith.constant 0 : i32
      "tpu.region"() ({
        %run_scoped3A_207 = tpu.sem_alloc : memref<!tpu.dma_semaphore, #tpu.memory_space<semaphore_mem>>
        %dma_start3A_208 = arith.constant 0 : i32
        %dma_start3A_209 = tpu.memref_slice %arg3[%run_scoped3A, %mul3A_205, %dma_start3A_208] : memref<2x5000x64xi32, #tpu.memory_space<hbm>> -> memref<1x40x64xi32, #tpu.memory_space<hbm>>
        %dma_start3A_210 = tpu.memref_squeeze %dma_start3A_209 : memref<1x40x64xi32, #tpu.memory_space<hbm>> -> memref<40x64xi32, #tpu.memory_space<hbm>>
        %dma_start3A_211 = arith.constant 0 : i32
        %dma_start3A_212 = tpu.memref_slice %arg3[%run_scoped3A, %mul3A_205, %dma_start3A_211] : memref<2x5000x64xi32, #tpu.memory_space<hbm>> -> memref<1x40x64xi32, #tpu.memory_space<hbm>>
        %dma_start3A_213 = tpu.memref_squeeze %dma_start3A_212 : memref<1x40x64xi32, #tpu.memory_space<hbm>> -> memref<40x64xi32, #tpu.memory_space<hbm>>
        tpu.enqueue_dma source(%dma_start3A_213 : memref<40x64xi32, #tpu.memory_space<hbm>>) target(%arg6 : memref<40x64xi32, #tpu.memory_space<vmem>>) target_semaphore(%run_scoped3A_207 : memref<!tpu.dma_semaphore, #tpu.memory_space<semaphore_mem>>)
        %dma_wait3A = arith.constant 0 : i32
        %dma_wait3A_214 = tpu.memref_slice %arg3[%run_scoped3A, %mul3A_205, %dma_wait3A] : memref<2x5000x64xi32, #tpu.memory_space<hbm>> -> memref<1x40x64xi32, #tpu.memory_space<hbm>>
        %dma_wait3A_215 = tpu.memref_squeeze %dma_wait3A_214 : memref<1x40x64xi32, #tpu.memory_space<hbm>> -> memref<40x64xi32, #tpu.memory_space<hbm>>
        %dma_wait3A_216 = arith.constant 0 : i32
        %dma_wait3A_217 = tpu.memref_slice %arg3[%run_scoped3A, %mul3A_205, %dma_wait3A_216] : memref<2x5000x64xi32, #tpu.memory_space<hbm>> -> memref<1x40x64xi32, #tpu.memory_space<hbm>>
        %dma_wait3A_218 = tpu.memref_squeeze %dma_wait3A_217 : memref<1x40x64xi32, #tpu.memory_space<hbm>> -> memref<40x64xi32, #tpu.memory_space<hbm>>
        tpu.wait_dma2 semaphore(%run_scoped3A_207 : memref<!tpu.dma_semaphore, #tpu.memory_space<semaphore_mem>>) src(%dma_wait3A_218 : memref<40x64xi32, #tpu.memory_space<hbm>>) dst(%arg6 : memref<40x64xi32, #tpu.memory_space<vmem>>)
        tpu.yield
      }) : () -> ()
      %run_scoped3A_206 = arith.constant 1 : i32
      "tpu.region"() ({
        %run_scoped3A_207 = tpu.sem_alloc : memref<!tpu.dma_semaphore, #tpu.memory_space<semaphore_mem>>
        %dma_start3A_208 = arith.constant 0 : i32
        %dma_start3A_209 = tpu.memref_slice %arg3[%run_scoped3A_206, %mul3A_205, %dma_start3A_208] : memref<2x5000x64xi32, #tpu.memory_space<hbm>> -> memref<1x40x64xi32, #tpu.memory_space<hbm>>
        %dma_start3A_210 = tpu.memref_squeeze %dma_start3A_209 : memref<1x40x64xi32, #tpu.memory_space<hbm>> -> memref<40x64xi32, #tpu.memory_space<hbm>>
        %dma_start3A_211 = arith.constant 0 : i32
        %dma_start3A_212 = tpu.memref_slice %arg3[%run_scoped3A_206, %mul3A_205, %dma_start3A_211] : memref<2x5000x64xi32, #tpu.memory_space<hbm>> -> memref<1x40x64xi32, #tpu.memory_space<hbm>>
        %dma_start3A_213 = tpu.memref_squeeze %dma_start3A_212 : memref<1x40x64xi32, #tpu.memory_space<hbm>> -> memref<40x64xi32, #tpu.memory_space<hbm>>
        tpu.enqueue_dma source(%dma_start3A_213 : memref<40x64xi32, #tpu.memory_space<hbm>>) target(%arg7 : memref<40x64xi32, #tpu.memory_space<vmem>>) target_semaphore(%run_scoped3A_207 : memref<!tpu.dma_semaphore, #tpu.memory_space<semaphore_mem>>)
        %dma_wait3A = arith.constant 0 : i32
        %dma_wait3A_214 = tpu.memref_slice %arg3[%run_scoped3A_206, %mul3A_205, %dma_wait3A] : memref<2x5000x64xi32, #tpu.memory_space<hbm>> -> memref<1x40x64xi32, #tpu.memory_space<hbm>>
        %dma_wait3A_215 = tpu.memref_squeeze %dma_wait3A_214 : memref<1x40x64xi32, #tpu.memory_space<hbm>> -> memref<40x64xi32, #tpu.memory_space<hbm>>
        %dma_wait3A_216 = arith.constant 0 : i32
        %dma_wait3A_217 = tpu.memref_slice %arg3[%run_scoped3A_206, %mul3A_205, %dma_wait3A_216] : memref<2x5000x64xi32, #tpu.memory_space<hbm>> -> memref<1x40x64xi32, #tpu.memory_space<hbm>>
        %dma_wait3A_218 = tpu.memref_squeeze %dma_wait3A_217 : memref<1x40x64xi32, #tpu.memory_space<hbm>> -> memref<40x64xi32, #tpu.memory_space<hbm>>
        tpu.wait_dma2 semaphore(%run_scoped3A_207 : memref<!tpu.dma_semaphore, #tpu.memory_space<semaphore_mem>>) src(%dma_wait3A_218 : memref<40x64xi32, #tpu.memory_space<hbm>>) dst(%arg7 : memref<40x64xi32, #tpu.memory_space<vmem>>)
        tpu.yield
      }) : () -> ()
    } else {
    }
    %ge3A_160 = arith.constant 125 : i32
    %ge3A_161 = arith.cmpi sge, %add3A_154, %ge3A_160 : i32
    %convert_element_type3A_162 = arith.extui %ge3A_161 : i1 to i32
    %cond3A_163 = arith.constant 0 : i32
    %cond3A_164 = arith.cmpi ne, %convert_element_type3A_162, %cond3A_163 : i32
    scf.if %cond3A_164 {
      %sub3A = arith.constant 125 : i32
      %sub3A_204 = arith.subi %add3A_154, %sub3A : i32
      "tpu.region"() ({
        %run_scoped3A = tpu.sem_alloc : memref<!tpu.dma_semaphore, #tpu.memory_space<semaphore_mem>>
        %dma_start3A_207 = arith.constant 0 : i32
        %dma_start3A_208 = arith.constant 0 : i32
        %dma_start3A_209 = tpu.memref_slice %arg4[%sub3A_204, %dma_start3A_207, %dma_start3A_208] : memref<3x40x64xi32, #tpu.memory_space<hbm>> -> memref<1x40x64xi32, #tpu.memory_space<hbm>>
        %dma_start3A_210 = tpu.memref_squeeze %dma_start3A_209 : memref<1x40x64xi32, #tpu.memory_space<hbm>> -> memref<40x64xi32, #tpu.memory_space<hbm>>
        %dma_start3A_211 = arith.constant 0 : i32
        %dma_start3A_212 = arith.constant 0 : i32
        %dma_start3A_213 = tpu.memref_slice %arg4[%sub3A_204, %dma_start3A_211, %dma_start3A_212] : memref<3x40x64xi32, #tpu.memory_space<hbm>> -> memref<1x40x64xi32, #tpu.memory_space<hbm>>
        %dma_start3A_214 = tpu.memref_squeeze %dma_start3A_213 : memref<1x40x64xi32, #tpu.memory_space<hbm>> -> memref<40x64xi32, #tpu.memory_space<hbm>>
        tpu.enqueue_dma source(%dma_start3A_214 : memref<40x64xi32, #tpu.memory_space<hbm>>) target(%arg6 : memref<40x64xi32, #tpu.memory_space<vmem>>) target_semaphore(%run_scoped3A : memref<!tpu.dma_semaphore, #tpu.memory_space<semaphore_mem>>)
        %dma_wait3A = arith.constant 0 : i32
        %dma_wait3A_215 = arith.constant 0 : i32
        %dma_wait3A_216 = tpu.memref_slice %arg4[%sub3A_204, %dma_wait3A, %dma_wait3A_215] : memref<3x40x64xi32, #tpu.memory_space<hbm>> -> memref<1x40x64xi32, #tpu.memory_space<hbm>>
        %dma_wait3A_217 = tpu.memref_squeeze %dma_wait3A_216 : memref<1x40x64xi32, #tpu.memory_space<hbm>> -> memref<40x64xi32, #tpu.memory_space<hbm>>
        %dma_wait3A_218 = arith.constant 0 : i32
        %dma_wait3A_219 = arith.constant 0 : i32
        %dma_wait3A_220 = tpu.memref_slice %arg4[%sub3A_204, %dma_wait3A_218, %dma_wait3A_219] : memref<3x40x64xi32, #tpu.memory_space<hbm>> -> memref<1x40x64xi32, #tpu.memory_space<hbm>>
        %dma_wait3A_221 = tpu.memref_squeeze %dma_wait3A_220 : memref<1x40x64xi32, #tpu.memory_space<hbm>> -> memref<40x64xi32, #tpu.memory_space<hbm>>
        tpu.wait_dma2 semaphore(%run_scoped3A : memref<!tpu.dma_semaphore, #tpu.memory_space<semaphore_mem>>) src(%dma_wait3A_221 : memref<40x64xi32, #tpu.memory_space<hbm>>) dst(%arg6 : memref<40x64xi32, #tpu.memory_space<vmem>>)
        tpu.yield
      }) : () -> ()
      %sub3A_205 = arith.constant 125 : i32
      %sub3A_206 = arith.subi %add3A_154, %sub3A_205 : i32
      "tpu.region"() ({
        %run_scoped3A = tpu.sem_alloc : memref<!tpu.dma_semaphore, #tpu.memory_space<semaphore_mem>>
        %dma_start3A_207 = arith.constant 0 : i32
        %dma_start3A_208 = arith.constant 0 : i32
        %dma_start3A_209 = tpu.memref_slice %arg4[%sub3A_206, %dma_start3A_207, %dma_start3A_208] : memref<3x40x64xi32, #tpu.memory_space<hbm>> -> memref<1x40x64xi32, #tpu.memory_space<hbm>>
        %dma_start3A_210 = tpu.memref_squeeze %dma_start3A_209 : memref<1x40x64xi32, #tpu.memory_space<hbm>> -> memref<40x64xi32, #tpu.memory_space<hbm>>
        %dma_start3A_211 = arith.constant 0 : i32
        %dma_start3A_212 = arith.constant 0 : i32
        %dma_start3A_213 = tpu.memref_slice %arg4[%sub3A_206, %dma_start3A_211, %dma_start3A_212] : memref<3x40x64xi32, #tpu.memory_space<hbm>> -> memref<1x40x64xi32, #tpu.memory_space<hbm>>
        %dma_start3A_214 = tpu.memref_squeeze %dma_start3A_213 : memref<1x40x64xi32, #tpu.memory_space<hbm>> -> memref<40x64xi32, #tpu.memory_space<hbm>>
        tpu.enqueue_dma source(%dma_start3A_214 : memref<40x64xi32, #tpu.memory_space<hbm>>) target(%arg7 : memref<40x64xi32, #tpu.memory_space<vmem>>) target_semaphore(%run_scoped3A : memref<!tpu.dma_semaphore, #tpu.memory_space<semaphore_mem>>)
        %dma_wait3A = arith.constant 0 : i32
        %dma_wait3A_215 = arith.constant 0 : i32
        %dma_wait3A_216 = tpu.memref_slice %arg4[%sub3A_206, %dma_wait3A, %dma_wait3A_215] : memref<3x40x64xi32, #tpu.memory_space<hbm>> -> memref<1x40x64xi32, #tpu.memory_space<hbm>>
        %dma_wait3A_217 = tpu.memref_squeeze %dma_wait3A_216 : memref<1x40x64xi32, #tpu.memory_space<hbm>> -> memref<40x64xi32, #tpu.memory_space<hbm>>
        %dma_wait3A_218 = arith.constant 0 : i32
        %dma_wait3A_219 = arith.constant 0 : i32
        %dma_wait3A_220 = tpu.memref_slice %arg4[%sub3A_206, %dma_wait3A_218, %dma_wait3A_219] : memref<3x40x64xi32, #tpu.memory_space<hbm>> -> memref<1x40x64xi32, #tpu.memory_space<hbm>>
        %dma_wait3A_221 = tpu.memref_squeeze %dma_wait3A_220 : memref<1x40x64xi32, #tpu.memory_space<hbm>> -> memref<40x64xi32, #tpu.memory_space<hbm>>
        tpu.wait_dma2 semaphore(%run_scoped3A : memref<!tpu.dma_semaphore, #tpu.memory_space<semaphore_mem>>) src(%dma_wait3A_221 : memref<40x64xi32, #tpu.memory_space<hbm>>) dst(%arg7 : memref<40x64xi32, #tpu.memory_space<vmem>>)
        tpu.yield
      }) : () -> ()
    } else {
    }
    %dma_start3A_165 = arith.constant 0 : i32
    %dma_start3A_166 = arith.constant 0 : i32
    %dma_start3A_167 = tpu.memref_slice %arg6[%dma_start3A_165, %dma_start3A_166] : memref<40x64xi32, #tpu.memory_space<vmem>> -> memref<1x64xi32, #tpu.memory_space<vmem>>
    %dma_start3A_168 = tpu.memref_squeeze %dma_start3A_167 : memref<1x64xi32, #tpu.memory_space<vmem>> -> memref<64xi32, #tpu.memory_space<vmem>>
    %dma_start3A_169 = arith.constant 0 : i32
    %dma_start3A_170 = arith.constant 0 : i32
    %dma_start3A_171 = tpu.memref_slice %arg2[%dma_start3A_169, %dma_start3A_170] : memref<10240x128xf32, #tpu.memory_space<hbm>> -> memref<10240x128xf32, #tpu.memory_space<hbm>>
    tpu.enqueue_indirect_dma source(%dma_start3A_171 : memref<10240x128xf32, #tpu.memory_space<hbm>>) target(%arg8 : memref<64x128xf32, #tpu.memory_space<vmem>>) offsets(%dma_start3A_168 : memref<64xi32, #tpu.memory_space<vmem>>) semaphore(%arg13 : memref<!tpu.dma_semaphore, #tpu.memory_space<semaphore_mem>>)
    %dma_start3A_172 = arith.constant 1 : i32
    %dma_start3A_173 = arith.constant 0 : i32
    %dma_start3A_174 = tpu.memref_slice %arg6[%dma_start3A_172, %dma_start3A_173] : memref<40x64xi32, #tpu.memory_space<vmem>> -> memref<1x64xi32, #tpu.memory_space<vmem>>
    %dma_start3A_175 = tpu.memref_squeeze %dma_start3A_174 : memref<1x64xi32, #tpu.memory_space<vmem>> -> memref<64xi32, #tpu.memory_space<vmem>>
    %dma_start3A_176 = arith.constant 0 : i32
    %dma_start3A_177 = arith.constant 0 : i32
    %dma_start3A_178 = tpu.memref_slice %arg2[%dma_start3A_176, %dma_start3A_177] : memref<10240x128xf32, #tpu.memory_space<hbm>> -> memref<10240x128xf32, #tpu.memory_space<hbm>>
    tpu.enqueue_indirect_dma source(%dma_start3A_178 : memref<10240x128xf32, #tpu.memory_space<hbm>>) target(%arg9 : memref<64x128xf32, #tpu.memory_space<vmem>>) offsets(%dma_start3A_175 : memref<64xi32, #tpu.memory_space<vmem>>) semaphore(%arg14 : memref<!tpu.dma_semaphore, #tpu.memory_space<semaphore_mem>>)
    %dma_start3A_179 = arith.constant 2 : i32
    %dma_start3A_180 = arith.constant 0 : i32
    %dma_start3A_181 = tpu.memref_slice %arg6[%dma_start3A_179, %dma_start3A_180] : memref<40x64xi32, #tpu.memory_space<vmem>> -> memref<1x64xi32, #tpu.memory_space<vmem>>
    %dma_start3A_182 = tpu.memref_squeeze %dma_start3A_181 : memref<1x64xi32, #tpu.memory_space<vmem>> -> memref<64xi32, #tpu.memory_space<vmem>>
    %dma_start3A_183 = arith.constant 0 : i32
    %dma_start3A_184 = arith.constant 0 : i32
    %dma_start3A_185 = tpu.memref_slice %arg2[%dma_start3A_183, %dma_start3A_184] : memref<10240x128xf32, #tpu.memory_space<hbm>> -> memref<10240x128xf32, #tpu.memory_space<hbm>>
    tpu.enqueue_indirect_dma source(%dma_start3A_185 : memref<10240x128xf32, #tpu.memory_space<hbm>>) target(%arg10 : memref<64x128xf32, #tpu.memory_space<vmem>>) offsets(%dma_start3A_182 : memref<64xi32, #tpu.memory_space<vmem>>) semaphore(%arg15 : memref<!tpu.dma_semaphore, #tpu.memory_space<semaphore_mem>>)
    %dma_start3A_186 = arith.constant 3 : i32
    %dma_start3A_187 = arith.constant 0 : i32
    %dma_start3A_188 = tpu.memref_slice %arg6[%dma_start3A_186, %dma_start3A_187] : memref<40x64xi32, #tpu.memory_space<vmem>> -> memref<1x64xi32, #tpu.memory_space<vmem>>
    %dma_start3A_189 = tpu.memref_squeeze %dma_start3A_188 : memref<1x64xi32, #tpu.memory_space<vmem>> -> memref<64xi32, #tpu.memory_space<vmem>>
    %dma_start3A_190 = arith.constant 0 : i32
    %dma_start3A_191 = arith.constant 0 : i32
    %dma_start3A_192 = tpu.memref_slice %arg2[%dma_start3A_190, %dma_start3A_191] : memref<10240x128xf32, #tpu.memory_space<hbm>> -> memref<10240x128xf32, #tpu.memory_space<hbm>>
    tpu.enqueue_indirect_dma source(%dma_start3A_192 : memref<10240x128xf32, #tpu.memory_space<hbm>>) target(%arg11 : memref<64x128xf32, #tpu.memory_space<vmem>>) offsets(%dma_start3A_189 : memref<64xi32, #tpu.memory_space<vmem>>) semaphore(%arg16 : memref<!tpu.dma_semaphore, #tpu.memory_space<semaphore_mem>>)
    %scan3A_193 = arith.constant 0 : i32
    %scan3A_194 = arith.constant 0 : i32
    %scan3A_195 = arith.constant 10 : i32
    %scan3A_196 = arith.addi %scan3A_194, %scan3A_195 : i32
    %scan3A_197 = arith.constant 1 : i32
    scf.for %scan3A_204 = %scan3A_194 to %scan3A_196 step %scan3A_197  : i32 {
      %mul3A_205 = arith.constant 4 : i32
      %mul3A_206 = arith.muli %scan3A_204, %mul3A_205 : i32
      %add3A_207 = arith.constant 0 : i32
      %add3A_208 = arith.addi %mul3A_206, %add3A_207 : i32
      %dma_wait3A = arith.constant 0 : i32
      %dma_wait3A_209 = tpu.memref_slice %arg6[%add3A_208, %dma_wait3A] : memref<40x64xi32, #tpu.memory_space<vmem>> -> memref<1x64xi32, #tpu.memory_space<vmem>>
      %dma_wait3A_210 = tpu.memref_squeeze %dma_wait3A_209 : memref<1x64xi32, #tpu.memory_space<vmem>> -> memref<64xi32, #tpu.memory_space<vmem>>
      %dma_wait3A_211 = arith.constant 0 : i32
      %dma_wait3A_212 = arith.constant 0 : i32
      %dma_wait3A_213 = tpu.memref_slice %arg2[%dma_wait3A_211, %dma_wait3A_212] : memref<10240x128xf32, #tpu.memory_space<hbm>> -> memref<10240x128xf32, #tpu.memory_space<hbm>>
      tpu.wait_indirect_dma semaphore(%arg13 : memref<!tpu.dma_semaphore, #tpu.memory_space<semaphore_mem>>) src(%dma_wait3A_213 : memref<10240x128xf32, #tpu.memory_space<hbm>>) dst(%arg8 : memref<64x128xf32, #tpu.memory_space<vmem>>)
      "tpu.region"() ({
        %run_scoped3A = tpu.sem_alloc : memref<!tpu.dma_semaphore, #tpu.memory_space<semaphore_mem>>
        %dma_start3A_272 = arith.constant 0 : i32
        %dma_start3A_273 = tpu.memref_slice %arg7[%add3A_208, %dma_start3A_272] : memref<40x64xi32, #tpu.memory_space<vmem>> -> memref<1x64xi32, #tpu.memory_space<vmem>>
        %dma_start3A_274 = tpu.memref_squeeze %dma_start3A_273 : memref<1x64xi32, #tpu.memory_space<vmem>> -> memref<64xi32, #tpu.memory_space<vmem>>
        %dma_start3A_275 = arith.constant 0 : i32
        %dma_start3A_276 = arith.constant 0 : i32
        %dma_start3A_277 = tpu.memref_slice %arg12[%dma_start3A_275, %dma_start3A_276] : memref<10240x128xf32, #tpu.memory_space<vmem_shared>> -> memref<10240x128xf32, #tpu.memory_space<vmem_shared>>
        tpu.enqueue_indirect_dma source(%arg8 : memref<64x128xf32, #tpu.memory_space<vmem>>) target(%dma_start3A_277 : memref<10240x128xf32, #tpu.memory_space<vmem_shared>>) offsets(%dma_start3A_274 : memref<64xi32, #tpu.memory_space<vmem>>) semaphore(%run_scoped3A : memref<!tpu.dma_semaphore, #tpu.memory_space<semaphore_mem>>) {add = true}
        %dma_wait3A_278 = arith.constant 0 : i32
        %dma_wait3A_279 = tpu.memref_slice %arg7[%add3A_208, %dma_wait3A_278] : memref<40x64xi32, #tpu.memory_space<vmem>> -> memref<1x64xi32, #tpu.memory_space<vmem>>
        %dma_wait3A_280 = tpu.memref_squeeze %dma_wait3A_279 : memref<1x64xi32, #tpu.memory_space<vmem>> -> memref<64xi32, #tpu.memory_space<vmem>>
        %dma_wait3A_281 = arith.constant 0 : i32
        %dma_wait3A_282 = arith.constant 0 : i32
        %dma_wait3A_283 = tpu.memref_slice %arg12[%dma_wait3A_281, %dma_wait3A_282] : memref<10240x128xf32, #tpu.memory_space<vmem_shared>> -> memref<10240x128xf32, #tpu.memory_space<vmem_shared>>
        tpu.wait_indirect_dma semaphore(%run_scoped3A : memref<!tpu.dma_semaphore, #tpu.memory_space<semaphore_mem>>) src(%arg8 : memref<64x128xf32, #tpu.memory_space<vmem>>) dst(%dma_wait3A_283 : memref<10240x128xf32, #tpu.memory_space<vmem_shared>>)
        tpu.yield
      }) : () -> ()
      %add3A_214 = arith.constant 4 : i32
      %add3A_215 = arith.addi %add3A_208, %add3A_214 : i32
      %lt3A_216 = arith.constant 40 : i32
      %lt3A_217 = arith.cmpi slt, %add3A_215, %lt3A_216 : i32
      %convert_element_type3A_218 = arith.extui %lt3A_217 : i1 to i32
      %cond3A_219 = arith.constant 0 : i32
      %cond3A_220 = arith.cmpi ne, %convert_element_type3A_218, %cond3A_219 : i32
      scf.if %cond3A_220 {
        %add3A_272 = arith.constant 4 : i32
        %add3A_273 = arith.addi %add3A_208, %add3A_272 : i32
        %dma_start3A_274 = arith.constant 0 : i32
        %dma_start3A_275 = tpu.memref_slice %arg6[%add3A_273, %dma_start3A_274] : memref<40x64xi32, #tpu.memory_space<vmem>> -> memref<1x64xi32, #tpu.memory_space<vmem>>
        %dma_start3A_276 = tpu.memref_squeeze %dma_start3A_275 : memref<1x64xi32, #tpu.memory_space<vmem>> -> memref<64xi32, #tpu.memory_space<vmem>>
        %dma_start3A_277 = arith.constant 0 : i32
        %dma_start3A_278 = arith.constant 0 : i32
        %dma_start3A_279 = tpu.memref_slice %arg2[%dma_start3A_277, %dma_start3A_278] : memref<10240x128xf32, #tpu.memory_space<hbm>> -> memref<10240x128xf32, #tpu.memory_space<hbm>>
        tpu.enqueue_indirect_dma source(%dma_start3A_279 : memref<10240x128xf32, #tpu.memory_space<hbm>>) target(%arg8 : memref<64x128xf32, #tpu.memory_space<vmem>>) offsets(%dma_start3A_276 : memref<64xi32, #tpu.memory_space<vmem>>) semaphore(%arg13 : memref<!tpu.dma_semaphore, #tpu.memory_space<semaphore_mem>>)
      } else {
      }
      %mul3A_221 = arith.constant 4 : i32
      %mul3A_222 = arith.muli %scan3A_204, %mul3A_221 : i32
      %add3A_223 = arith.constant 1 : i32
      %add3A_224 = arith.addi %mul3A_222, %add3A_223 : i32
      %dma_wait3A_225 = arith.constant 0 : i32
      %dma_wait3A_226 = tpu.memref_slice %arg6[%add3A_224, %dma_wait3A_225] : memref<40x64xi32, #tpu.memory_space<vmem>> -> memref<1x64xi32, #tpu.memory_space<vmem>>
      %dma_wait3A_227 = tpu.memref_squeeze %dma_wait3A_226 : memref<1x64xi32, #tpu.memory_space<vmem>> -> memref<64xi32, #tpu.memory_space<vmem>>
      %dma_wait3A_228 = arith.constant 0 : i32
      %dma_wait3A_229 = arith.constant 0 : i32
      %dma_wait3A_230 = tpu.memref_slice %arg2[%dma_wait3A_228, %dma_wait3A_229] : memref<10240x128xf32, #tpu.memory_space<hbm>> -> memref<10240x128xf32, #tpu.memory_space<hbm>>
      tpu.wait_indirect_dma semaphore(%arg14 : memref<!tpu.dma_semaphore, #tpu.memory_space<semaphore_mem>>) src(%dma_wait3A_230 : memref<10240x128xf32, #tpu.memory_space<hbm>>) dst(%arg9 : memref<64x128xf32, #tpu.memory_space<vmem>>)
      "tpu.region"() ({
        %run_scoped3A = tpu.sem_alloc : memref<!tpu.dma_semaphore, #tpu.memory_space<semaphore_mem>>
        %dma_start3A_272 = arith.constant 0 : i32
        %dma_start3A_273 = tpu.memref_slice %arg7[%add3A_224, %dma_start3A_272] : memref<40x64xi32, #tpu.memory_space<vmem>> -> memref<1x64xi32, #tpu.memory_space<vmem>>
        %dma_start3A_274 = tpu.memref_squeeze %dma_start3A_273 : memref<1x64xi32, #tpu.memory_space<vmem>> -> memref<64xi32, #tpu.memory_space<vmem>>
        %dma_start3A_275 = arith.constant 0 : i32
        %dma_start3A_276 = arith.constant 0 : i32
        %dma_start3A_277 = tpu.memref_slice %arg12[%dma_start3A_275, %dma_start3A_276] : memref<10240x128xf32, #tpu.memory_space<vmem_shared>> -> memref<10240x128xf32, #tpu.memory_space<vmem_shared>>
        tpu.enqueue_indirect_dma source(%arg9 : memref<64x128xf32, #tpu.memory_space<vmem>>) target(%dma_start3A_277 : memref<10240x128xf32, #tpu.memory_space<vmem_shared>>) offsets(%dma_start3A_274 : memref<64xi32, #tpu.memory_space<vmem>>) semaphore(%run_scoped3A : memref<!tpu.dma_semaphore, #tpu.memory_space<semaphore_mem>>) {add = true}
        %dma_wait3A_278 = arith.constant 0 : i32
        %dma_wait3A_279 = tpu.memref_slice %arg7[%add3A_224, %dma_wait3A_278] : memref<40x64xi32, #tpu.memory_space<vmem>> -> memref<1x64xi32, #tpu.memory_space<vmem>>
        %dma_wait3A_280 = tpu.memref_squeeze %dma_wait3A_279 : memref<1x64xi32, #tpu.memory_space<vmem>> -> memref<64xi32, #tpu.memory_space<vmem>>
        %dma_wait3A_281 = arith.constant 0 : i32
        %dma_wait3A_282 = arith.constant 0 : i32
        %dma_wait3A_283 = tpu.memref_slice %arg12[%dma_wait3A_281, %dma_wait3A_282] : memref<10240x128xf32, #tpu.memory_space<vmem_shared>> -> memref<10240x128xf32, #tpu.memory_space<vmem_shared>>
        tpu.wait_indirect_dma semaphore(%run_scoped3A : memref<!tpu.dma_semaphore, #tpu.memory_space<semaphore_mem>>) src(%arg9 : memref<64x128xf32, #tpu.memory_space<vmem>>) dst(%dma_wait3A_283 : memref<10240x128xf32, #tpu.memory_space<vmem_shared>>)
        tpu.yield
      }) : () -> ()
      %add3A_231 = arith.constant 4 : i32
      %add3A_232 = arith.addi %add3A_224, %add3A_231 : i32
      %lt3A_233 = arith.constant 40 : i32
      %lt3A_234 = arith.cmpi slt, %add3A_232, %lt3A_233 : i32
      %convert_element_type3A_235 = arith.extui %lt3A_234 : i1 to i32
      %cond3A_236 = arith.constant 0 : i32
      %cond3A_237 = arith.cmpi ne, %convert_element_type3A_235, %cond3A_236 : i32
      scf.if %cond3A_237 {
        %add3A_272 = arith.constant 4 : i32
        %add3A_273 = arith.addi %add3A_224, %add3A_272 : i32
        %dma_start3A_274 = arith.constant 0 : i32
        %dma_start3A_275 = tpu.memref_slice %arg6[%add3A_273, %dma_start3A_274] : memref<40x64xi32, #tpu.memory_space<vmem>> -> memref<1x64xi32, #tpu.memory_space<vmem>>
        %dma_start3A_276 = tpu.memref_squeeze %dma_start3A_275 : memref<1x64xi32, #tpu.memory_space<vmem>> -> memref<64xi32, #tpu.memory_space<vmem>>
        %dma_start3A_277 = arith.constant 0 : i32
        %dma_start3A_278 = arith.constant 0 : i32
        %dma_start3A_279 = tpu.memref_slice %arg2[%dma_start3A_277, %dma_start3A_278] : memref<10240x128xf32, #tpu.memory_space<hbm>> -> memref<10240x128xf32, #tpu.memory_space<hbm>>
        tpu.enqueue_indirect_dma source(%dma_start3A_279 : memref<10240x128xf32, #tpu.memory_space<hbm>>) target(%arg9 : memref<64x128xf32, #tpu.memory_space<vmem>>) offsets(%dma_start3A_276 : memref<64xi32, #tpu.memory_space<vmem>>) semaphore(%arg14 : memref<!tpu.dma_semaphore, #tpu.memory_space<semaphore_mem>>)
      } else {
      }
      %mul3A_238 = arith.constant 4 : i32
      %mul3A_239 = arith.muli %scan3A_204, %mul3A_238 : i32
      %add3A_240 = arith.constant 2 : i32
      %add3A_241 = arith.addi %mul3A_239, %add3A_240 : i32
      %dma_wait3A_242 = arith.constant 0 : i32
      %dma_wait3A_243 = tpu.memref_slice %arg6[%add3A_241, %dma_wait3A_242] : memref<40x64xi32, #tpu.memory_space<vmem>> -> memref<1x64xi32, #tpu.memory_space<vmem>>
      %dma_wait3A_244 = tpu.memref_squeeze %dma_wait3A_243 : memref<1x64xi32, #tpu.memory_space<vmem>> -> memref<64xi32, #tpu.memory_space<vmem>>
      %dma_wait3A_245 = arith.constant 0 : i32
      %dma_wait3A_246 = arith.constant 0 : i32
      %dma_wait3A_247 = tpu.memref_slice %arg2[%dma_wait3A_245, %dma_wait3A_246] : memref<10240x128xf32, #tpu.memory_space<hbm>> -> memref<10240x128xf32, #tpu.memory_space<hbm>>
      tpu.wait_indirect_dma semaphore(%arg15 : memref<!tpu.dma_semaphore, #tpu.memory_space<semaphore_mem>>) src(%dma_wait3A_247 : memref<10240x128xf32, #tpu.memory_space<hbm>>) dst(%arg10 : memref<64x128xf32, #tpu.memory_space<vmem>>)
      "tpu.region"() ({
        %run_scoped3A = tpu.sem_alloc : memref<!tpu.dma_semaphore, #tpu.memory_space<semaphore_mem>>
        %dma_start3A_272 = arith.constant 0 : i32
        %dma_start3A_273 = tpu.memref_slice %arg7[%add3A_241, %dma_start3A_272] : memref<40x64xi32, #tpu.memory_space<vmem>> -> memref<1x64xi32, #tpu.memory_space<vmem>>
        %dma_start3A_274 = tpu.memref_squeeze %dma_start3A_273 : memref<1x64xi32, #tpu.memory_space<vmem>> -> memref<64xi32, #tpu.memory_space<vmem>>
        %dma_start3A_275 = arith.constant 0 : i32
        %dma_start3A_276 = arith.constant 0 : i32
        %dma_start3A_277 = tpu.memref_slice %arg12[%dma_start3A_275, %dma_start3A_276] : memref<10240x128xf32, #tpu.memory_space<vmem_shared>> -> memref<10240x128xf32, #tpu.memory_space<vmem_shared>>
        tpu.enqueue_indirect_dma source(%arg10 : memref<64x128xf32, #tpu.memory_space<vmem>>) target(%dma_start3A_277 : memref<10240x128xf32, #tpu.memory_space<vmem_shared>>) offsets(%dma_start3A_274 : memref<64xi32, #tpu.memory_space<vmem>>) semaphore(%run_scoped3A : memref<!tpu.dma_semaphore, #tpu.memory_space<semaphore_mem>>) {add = true}
        %dma_wait3A_278 = arith.constant 0 : i32
        %dma_wait3A_279 = tpu.memref_slice %arg7[%add3A_241, %dma_wait3A_278] : memref<40x64xi32, #tpu.memory_space<vmem>> -> memref<1x64xi32, #tpu.memory_space<vmem>>
        %dma_wait3A_280 = tpu.memref_squeeze %dma_wait3A_279 : memref<1x64xi32, #tpu.memory_space<vmem>> -> memref<64xi32, #tpu.memory_space<vmem>>
        %dma_wait3A_281 = arith.constant 0 : i32
        %dma_wait3A_282 = arith.constant 0 : i32
        %dma_wait3A_283 = tpu.memref_slice %arg12[%dma_wait3A_281, %dma_wait3A_282] : memref<10240x128xf32, #tpu.memory_space<vmem_shared>> -> memref<10240x128xf32, #tpu.memory_space<vmem_shared>>
        tpu.wait_indirect_dma semaphore(%run_scoped3A : memref<!tpu.dma_semaphore, #tpu.memory_space<semaphore_mem>>) src(%arg10 : memref<64x128xf32, #tpu.memory_space<vmem>>) dst(%dma_wait3A_283 : memref<10240x128xf32, #tpu.memory_space<vmem_shared>>)
        tpu.yield
      }) : () -> ()
      %add3A_248 = arith.constant 4 : i32
      %add3A_249 = arith.addi %add3A_241, %add3A_248 : i32
      %lt3A_250 = arith.constant 40 : i32
      %lt3A_251 = arith.cmpi slt, %add3A_249, %lt3A_250 : i32
      %convert_element_type3A_252 = arith.extui %lt3A_251 : i1 to i32
      %cond3A_253 = arith.constant 0 : i32
      %cond3A_254 = arith.cmpi ne, %convert_element_type3A_252, %cond3A_253 : i32
      scf.if %cond3A_254 {
        %add3A_272 = arith.constant 4 : i32
        %add3A_273 = arith.addi %add3A_241, %add3A_272 : i32
        %dma_start3A_274 = arith.constant 0 : i32
        %dma_start3A_275 = tpu.memref_slice %arg6[%add3A_273, %dma_start3A_274] : memref<40x64xi32, #tpu.memory_space<vmem>> -> memref<1x64xi32, #tpu.memory_space<vmem>>
        %dma_start3A_276 = tpu.memref_squeeze %dma_start3A_275 : memref<1x64xi32, #tpu.memory_space<vmem>> -> memref<64xi32, #tpu.memory_space<vmem>>
        %dma_start3A_277 = arith.constant 0 : i32
        %dma_start3A_278 = arith.constant 0 : i32
        %dma_start3A_279 = tpu.memref_slice %arg2[%dma_start3A_277, %dma_start3A_278] : memref<10240x128xf32, #tpu.memory_space<hbm>> -> memref<10240x128xf32, #tpu.memory_space<hbm>>
        tpu.enqueue_indirect_dma source(%dma_start3A_279 : memref<10240x128xf32, #tpu.memory_space<hbm>>) target(%arg10 : memref<64x128xf32, #tpu.memory_space<vmem>>) offsets(%dma_start3A_276 : memref<64xi32, #tpu.memory_space<vmem>>) semaphore(%arg15 : memref<!tpu.dma_semaphore, #tpu.memory_space<semaphore_mem>>)
      } else {
      }
      %mul3A_255 = arith.constant 4 : i32
      %mul3A_256 = arith.muli %scan3A_204, %mul3A_255 : i32
      %add3A_257 = arith.constant 3 : i32
      %add3A_258 = arith.addi %mul3A_256, %add3A_257 : i32
      %dma_wait3A_259 = arith.constant 0 : i32
      %dma_wait3A_260 = tpu.memref_slice %arg6[%add3A_258, %dma_wait3A_259] : memref<40x64xi32, #tpu.memory_space<vmem>> -> memref<1x64xi32, #tpu.memory_space<vmem>>
      %dma_wait3A_261 = tpu.memref_squeeze %dma_wait3A_260 : memref<1x64xi32, #tpu.memory_space<vmem>> -> memref<64xi32, #tpu.memory_space<vmem>>
      %dma_wait3A_262 = arith.constant 0 : i32
      %dma_wait3A_263 = arith.constant 0 : i32
      %dma_wait3A_264 = tpu.memref_slice %arg2[%dma_wait3A_262, %dma_wait3A_263] : memref<10240x128xf32, #tpu.memory_space<hbm>> -> memref<10240x128xf32, #tpu.memory_space<hbm>>
      tpu.wait_indirect_dma semaphore(%arg16 : memref<!tpu.dma_semaphore, #tpu.memory_space<semaphore_mem>>) src(%dma_wait3A_264 : memref<10240x128xf32, #tpu.memory_space<hbm>>) dst(%arg11 : memref<64x128xf32, #tpu.memory_space<vmem>>)
      "tpu.region"() ({
        %run_scoped3A = tpu.sem_alloc : memref<!tpu.dma_semaphore, #tpu.memory_space<semaphore_mem>>
        %dma_start3A_272 = arith.constant 0 : i32
        %dma_start3A_273 = tpu.memref_slice %arg7[%add3A_258, %dma_start3A_272] : memref<40x64xi32, #tpu.memory_space<vmem>> -> memref<1x64xi32, #tpu.memory_space<vmem>>
        %dma_start3A_274 = tpu.memref_squeeze %dma_start3A_273 : memref<1x64xi32, #tpu.memory_space<vmem>> -> memref<64xi32, #tpu.memory_space<vmem>>
        %dma_start3A_275 = arith.constant 0 : i32
        %dma_start3A_276 = arith.constant 0 : i32
        %dma_start3A_277 = tpu.memref_slice %arg12[%dma_start3A_275, %dma_start3A_276] : memref<10240x128xf32, #tpu.memory_space<vmem_shared>> -> memref<10240x128xf32, #tpu.memory_space<vmem_shared>>
        tpu.enqueue_indirect_dma source(%arg11 : memref<64x128xf32, #tpu.memory_space<vmem>>) target(%dma_start3A_277 : memref<10240x128xf32, #tpu.memory_space<vmem_shared>>) offsets(%dma_start3A_274 : memref<64xi32, #tpu.memory_space<vmem>>) semaphore(%run_scoped3A : memref<!tpu.dma_semaphore, #tpu.memory_space<semaphore_mem>>) {add = true}
        %dma_wait3A_278 = arith.constant 0 : i32
        %dma_wait3A_279 = tpu.memref_slice %arg7[%add3A_258, %dma_wait3A_278] : memref<40x64xi32, #tpu.memory_space<vmem>> -> memref<1x64xi32, #tpu.memory_space<vmem>>
        %dma_wait3A_280 = tpu.memref_squeeze %dma_wait3A_279 : memref<1x64xi32, #tpu.memory_space<vmem>> -> memref<64xi32, #tpu.memory_space<vmem>>
        %dma_wait3A_281 = arith.constant 0 : i32
        %dma_wait3A_282 = arith.constant 0 : i32
        %dma_wait3A_283 = tpu.memref_slice %arg12[%dma_wait3A_281, %dma_wait3A_282] : memref<10240x128xf32, #tpu.memory_space<vmem_shared>> -> memref<10240x128xf32, #tpu.memory_space<vmem_shared>>
        tpu.wait_indirect_dma semaphore(%run_scoped3A : memref<!tpu.dma_semaphore, #tpu.memory_space<semaphore_mem>>) src(%arg11 : memref<64x128xf32, #tpu.memory_space<vmem>>) dst(%dma_wait3A_283 : memref<10240x128xf32, #tpu.memory_space<vmem_shared>>)
        tpu.yield
      }) : () -> ()
      %add3A_265 = arith.constant 4 : i32
      %add3A_266 = arith.addi %add3A_258, %add3A_265 : i32
      %lt3A_267 = arith.constant 40 : i32
      %lt3A_268 = arith.cmpi slt, %add3A_266, %lt3A_267 : i32
      %convert_element_type3A_269 = arith.extui %lt3A_268 : i1 to i32
      %cond3A_270 = arith.constant 0 : i32
      %cond3A_271 = arith.cmpi ne, %convert_element_type3A_269, %cond3A_270 : i32
      scf.if %cond3A_271 {
        %add3A_272 = arith.constant 4 : i32
        %add3A_273 = arith.addi %add3A_258, %add3A_272 : i32
        %dma_start3A_274 = arith.constant 0 : i32
        %dma_start3A_275 = tpu.memref_slice %arg6[%add3A_273, %dma_start3A_274] : memref<40x64xi32, #tpu.memory_space<vmem>> -> memref<1x64xi32, #tpu.memory_space<vmem>>
        %dma_start3A_276 = tpu.memref_squeeze %dma_start3A_275 : memref<1x64xi32, #tpu.memory_space<vmem>> -> memref<64xi32, #tpu.memory_space<vmem>>
        %dma_start3A_277 = arith.constant 0 : i32
        %dma_start3A_278 = arith.constant 0 : i32
        %dma_start3A_279 = tpu.memref_slice %arg2[%dma_start3A_277, %dma_start3A_278] : memref<10240x128xf32, #tpu.memory_space<hbm>> -> memref<10240x128xf32, #tpu.memory_space<hbm>>
        tpu.enqueue_indirect_dma source(%dma_start3A_279 : memref<10240x128xf32, #tpu.memory_space<hbm>>) target(%arg11 : memref<64x128xf32, #tpu.memory_space<vmem>>) offsets(%dma_start3A_276 : memref<64xi32, #tpu.memory_space<vmem>>) semaphore(%arg16 : memref<!tpu.dma_semaphore, #tpu.memory_space<semaphore_mem>>)
      } else {
      }
    }
    %scan3A_198 = arith.constant 10 : i32
    %barrier3A_199 = arith.constant 0 : index
    tpu.barrier barrier_id(%barrier3A_199)
    %mul3A_200 = arith.constant 640 : i32
    %mul3A_201 = arith.muli %arg1, %mul3A_200 : i32
    %mul3A_202 = arith.constant 640 : i32
    %mul3A_203 = arith.muli %arg1, %mul3A_202 : i32
    "tpu.region"() ({
      %run_scoped3A = tpu.sem_alloc : memref<!tpu.dma_semaphore, #tpu.memory_space<semaphore_mem>>
      %dma_start3A_204 = arith.constant 0 : i32
      %dma_start3A_205 = tpu.memref_slice %arg5[%arg0, %mul3A_203, %dma_start3A_204] : memref<2x10240x128xf32, #tpu.memory_space<hbm>> -> memref<1x640x128xf32, #tpu.memory_space<hbm>>
      %dma_start3A_206 = tpu.memref_squeeze %dma_start3A_205 : memref<1x640x128xf32, #tpu.memory_space<hbm>> -> memref<640x128xf32, #tpu.memory_space<hbm>>
      %dma_start3A_207 = arith.constant 0 : i32
      %dma_start3A_208 = tpu.memref_slice %arg12[%mul3A_201, %dma_start3A_207] : memref<10240x128xf32, #tpu.memory_space<vmem_shared>> -> memref<640x128xf32, #tpu.memory_space<vmem_shared>>
      tpu.enqueue_dma source(%dma_start3A_208 : memref<640x128xf32, #tpu.memory_space<vmem_shared>>) target(%dma_start3A_206 : memref<640x128xf32, #tpu.memory_space<hbm>>) target_semaphore(%run_scoped3A : memref<!tpu.dma_semaphore, #tpu.memory_space<semaphore_mem>>)
      %dma_wait3A = arith.constant 0 : i32
      %dma_wait3A_209 = tpu.memref_slice %arg5[%arg0, %mul3A_203, %dma_wait3A] : memref<2x10240x128xf32, #tpu.memory_space<hbm>> -> memref<1x640x128xf32, #tpu.memory_space<hbm>>
      %dma_wait3A_210 = tpu.memref_squeeze %dma_wait3A_209 : memref<1x640x128xf32, #tpu.memory_space<hbm>> -> memref<640x128xf32, #tpu.memory_space<hbm>>
      %dma_wait3A_211 = arith.constant 0 : i32
      %dma_wait3A_212 = tpu.memref_slice %arg12[%mul3A_201, %dma_wait3A_211] : memref<10240x128xf32, #tpu.memory_space<vmem_shared>> -> memref<640x128xf32, #tpu.memory_space<vmem_shared>>
      tpu.wait_dma2 semaphore(%run_scoped3A : memref<!tpu.dma_semaphore, #tpu.memory_space<semaphore_mem>>) src(%dma_wait3A_212 : memref<640x128xf32, #tpu.memory_space<vmem_shared>>) dst(%dma_wait3A_210 : memref<640x128xf32, #tpu.memory_space<hbm>>)
      tpu.yield
    }) : () -> ()
    return
  }
}

module attributes {stable_mosaic.version = 14 : i64} {
  func.func @_tc_first(%arg0: i32, %arg1: memref<32x1024xf32, #tpu.memory_space<vmem>>, %arg2: memref<1024x128xf32, #tpu.memory_space<vmem>>, %arg3: memref<128x128xf32, #tpu.memory_space<vmem>>, %arg4: memref<1024x128xf32, #tpu.memory_space<vmem>>) attributes {dimension_semantics = [#tpu.dimension_semantics<arbitrary>], iteration_bounds = array<i64: 10>, scalar_prefetch = 0 : i64, scratch_operands = 0 : i64, tpu.core_type = #tpu.core_type<tc>, window_params = [{transform_indices = @transform_0, window_bounds = array<i64: 32, 1024>}, {transform_indices = @transform_1, window_bounds = array<i64: 1024, 128>}, {pipeline_mode = #tpu.pipeline_mode<synchronous>, transform_indices = @transform_2, window_bounds = array<i64: 128, 128>}, {transform_indices = @transform_3, window_bounds = array<i64: 1024, 128>}]} {
    %get3A = arith.constant 0 : index
    %get3A_0 = arith.constant 0 : index
    %get3A_1 = vector.load %arg1[%get3A, %get3A_0] : memref<32x1024xf32, #tpu.memory_space<vmem>>, vector<32x1024xf32>
    %reduce_sum3A = arith.constant dense<0.000000e+00> : vector<1024xf32>
    %reduce_sum3A_2 = vector.multi_reduction <add>, %get3A_1, %reduce_sum3A [0] : vector<32x1024xf32> to vector<1024xf32>
    %add3A = arith.constant 1.000000e+00 : f32
    %add3A_3 = vector.broadcast %add3A : f32 to vector<1024xf32>
    %add3A_4 = arith.addf %reduce_sum3A_2, %add3A_3 : vector<1024xf32>
    %rsqrt3A = math.rsqrt %add3A_4 : vector<1024xf32>
    %get3A_5 = arith.constant 0 : index
    %get3A_6 = arith.constant 0 : index
    %get3A_7 = vector.load %arg2[%get3A_5, %get3A_6] : memref<1024x128xf32, #tpu.memory_space<vmem>>, vector<1024x128xf32>
    %get3A_8 = arith.constant 0 : index
    %get3A_9 = arith.constant 0 : index
    %get3A_10 = vector.load %arg3[%get3A_8, %get3A_9] : memref<128x128xf32, #tpu.memory_space<vmem>>, vector<128x128xf32>
    %dot_general3A = arith.constant dense<0.000000e+00> : vector<1024x128xf32>
    %dot_general3A_11 = tpu.matmul %get3A_7, %get3A_10, %dot_general3A {dimension_numbers = #tpu.dot_dimension_numbers<[1], [0], [0], [1], [0, 0, 1, 1], [], []>, transpose_lhs_hint = false} : vector<1024x128xf32>, vector<128x128xf32>, vector<1024x128xf32> -> vector<1024x128xf32>
    %mul3A = arith.constant 1024 : i32
    %mul3A_12 = arith.muli %arg0, %mul3A : i32
    %iota3A = tpu.iota {dimensions = array<i32: 0>} : vector<1024x1xi32>
    %add3A_13 = vector.broadcast %mul3A_12 : i32 to vector<1024x1xi32>
    %add3A_14 = arith.addi %add3A_13, %iota3A : vector<1024x1xi32>
    %lt3A = arith.constant 10000 : i32
    %lt3A_15 = vector.broadcast %lt3A : i32 to vector<1024x1xi32>
    %lt3A_16 = arith.cmpi slt, %add3A_14, %lt3A_15 : vector<1024x1xi32>
    %broadcast_in_dim3A = vector.shape_cast %rsqrt3A : vector<1024xf32> to vector<1024x1xf32>
    %mul3A_17 = vector.broadcast %broadcast_in_dim3A : vector<1024x1xf32> to vector<1024x128xf32>
    %mul3A_18 = arith.mulf %dot_general3A_11, %mul3A_17 : vector<1024x128xf32>
    %jit3A = arith.constant 0.000000e+00 : f32
    %broadcast_in_dim3A_19 = vector.shape_cast %lt3A_16 : vector<1024x1xi1> to vector<1024x1xi1>
    %broadcast_in_dim3A_20 = vector.broadcast %broadcast_in_dim3A_19 : vector<1024x1xi1> to vector<1024x128xi1>
    %broadcast_in_dim3A_21 = vector.broadcast %jit3A : f32 to vector<1024x128xf32>
    %select_n3A = arith.select %broadcast_in_dim3A_20, %mul3A_18, %broadcast_in_dim3A_21 : vector<1024x128xi1>, vector<1024x128xf32>
    %swap3A = arith.constant 0 : index
    %swap3A_22 = arith.constant 0 : index
    %swap3A_23 = vector.load %arg4[%swap3A, %swap3A_22] : memref<1024x128xf32, #tpu.memory_space<vmem>>, vector<1024x128xf32>
    tpu.vector_store %arg4[%swap3A, %swap3A_22], %select_n3A {strides = array<i32>} : memref<1024x128xf32, #tpu.memory_space<vmem>>, vector<1024x128xf32>,
    return
  }
  func.func @transform_0(%arg0: i32) -> (i32, i32) {
    %c0_i32 = arith.constant 0 : i32
    %c0_i32_0 = arith.constant 0 : i32
    return %c0_i32, %arg0 : i32, i32
  }
  func.func @transform_1(%arg0: i32) -> (i32, i32) {
    %c0_i32 = arith.constant 0 : i32
    %c0_i32_0 = arith.constant 0 : i32
    return %arg0, %c0_i32 : i32, i32
  }
  func.func @transform_2(%arg0: i32) -> (i32, i32) {
    %c0_i32 = arith.constant 0 : i32
    %c0_i32_0 = arith.constant 0 : i32
    %c0_i32_1 = arith.constant 0 : i32
    return %c0_i32, %c0_i32_0 : i32, i32
  }
  func.func @transform_3(%arg0: i32) -> (i32, i32) {
    %c0_i32 = arith.constant 0 : i32
    %c0_i32_0 = arith.constant 0 : i32
    return %arg0, %c0_i32 : i32, i32
  }
}

module attributes {stable_mosaic.version = 14 : i64} {
  func.func @_tc_mid(%arg0: i32, %arg1: memref<32x1024xf32, #tpu.memory_space<vmem>>, %arg2: memref<2x1024x128xf32, #tpu.memory_space<vmem>>, %arg3: memref<1024x128xf32, #tpu.memory_space<vmem>>, %arg4: memref<1x128xf32, #tpu.memory_space<vmem>>, %arg5: memref<128x128xf32, #tpu.memory_space<vmem>>, %arg6: memref<1024x128xf32, #tpu.memory_space<vmem>>) attributes {dimension_semantics = [#tpu.dimension_semantics<arbitrary>], iteration_bounds = array<i64: 10>, scalar_prefetch = 0 : i64, scratch_operands = 0 : i64, tpu.core_type = #tpu.core_type<tc>, window_params = [{transform_indices = @transform_0, window_bounds = array<i64: 32, 1024>}, {transform_indices = @transform_1, window_bounds = array<i64: 2, 1024, 128>}, {transform_indices = @transform_2, window_bounds = array<i64: 1024, 128>}, {pipeline_mode = #tpu.pipeline_mode<synchronous>, transform_indices = @transform_3, window_bounds = array<i64: 1, 128>}, {pipeline_mode = #tpu.pipeline_mode<synchronous>, transform_indices = @transform_4, window_bounds = array<i64: 128, 128>}, {transform_indices = @transform_5, window_bounds = array<i64: 1024, 128>}]} {
    %get3A = arith.constant 0 : index
    %get3A_0 = arith.constant 0 : index
    %get3A_1 = vector.load %arg1[%get3A, %get3A_0] : memref<32x1024xf32, #tpu.memory_space<vmem>>, vector<32x1024xf32>
    %reduce_sum3A = arith.constant dense<0.000000e+00> : vector<1024xf32>
    %reduce_sum3A_2 = vector.multi_reduction <add>, %get3A_1, %reduce_sum3A [0] : vector<32x1024xf32> to vector<1024xf32>
    %add3A = arith.constant 1.000000e+00 : f32
    %add3A_3 = vector.broadcast %add3A : f32 to vector<1024xf32>
    %add3A_4 = arith.addf %reduce_sum3A_2, %add3A_3 : vector<1024xf32>
    %rsqrt3A = math.rsqrt %add3A_4 : vector<1024xf32>
    %get3A_5 = arith.constant 0 : index
    %get3A_6 = arith.constant 0 : index
    %get3A_7 = arith.constant 0 : index
    %get3A_8 = vector.load %arg2[%get3A_5, %get3A_6, %get3A_7] : memref<2x1024x128xf32, #tpu.memory_space<vmem>>, vector<1x1024x128xf32>
    %get3A_9 = vector.shape_cast %get3A_8 : vector<1x1024x128xf32> to vector<1024x128xf32>
    %get3A_10 = arith.constant 1 : index
    %get3A_11 = arith.constant 0 : index
    %get3A_12 = arith.constant 0 : index
    %get3A_13 = vector.load %arg2[%get3A_10, %get3A_11, %get3A_12] : memref<2x1024x128xf32, #tpu.memory_space<vmem>>, vector<1x1024x128xf32>
    %get3A_14 = vector.shape_cast %get3A_13 : vector<1x1024x128xf32> to vector<1024x128xf32>
    %add3A_15 = arith.addf %get3A_9, %get3A_14 : vector<1024x128xf32>
    %get3A_16 = arith.constant 0 : index
    %get3A_17 = arith.constant 0 : index
    %get3A_18 = vector.load %arg3[%get3A_16, %get3A_17] : memref<1024x128xf32, #tpu.memory_space<vmem>>, vector<1024x128xf32>
    %add3A_19 = arith.addf %add3A_15, %get3A_18 : vector<1024x128xf32>
    %broadcast_in_dim3A = vector.shape_cast %rsqrt3A : vector<1024xf32> to vector<1024x1xf32>
    %mul3A = vector.broadcast %broadcast_in_dim3A : vector<1024x1xf32> to vector<1024x128xf32>
    %mul3A_20 = arith.mulf %add3A_19, %mul3A : vector<1024x128xf32>
    %get3A_21 = arith.constant 0 : index
    %get3A_22 = arith.constant 0 : index
    %get3A_23 = vector.load %arg4[%get3A_21, %get3A_22] : memref<1x128xf32, #tpu.memory_space<vmem>>, vector<1x128xf32>
    %add3A_24 = vector.broadcast %get3A_23 : vector<1x128xf32> to vector<1024x128xf32>
    %add3A_25 = arith.addf %mul3A_20, %add3A_24 : vector<1024x128xf32>
    %max3A = arith.constant 0.000000e+00 : f32
    %max3A_26 = vector.broadcast %max3A : f32 to vector<1024x128xf32>
    %max3A_27 = arith.maximumf %add3A_25, %max3A_26 : vector<1024x128xf32>
    %get3A_28 = arith.constant 0 : index
    %get3A_29 = arith.constant 0 : index
    %get3A_30 = vector.load %arg5[%get3A_28, %get3A_29] : memref<128x128xf32, #tpu.memory_space<vmem>>, vector<128x128xf32>
    %dot_general3A = arith.constant dense<0.000000e+00> : vector<1024x128xf32>
    %dot_general3A_31 = tpu.matmul %max3A_27, %get3A_30, %dot_general3A {dimension_numbers = #tpu.dot_dimension_numbers<[1], [0], [0], [1], [0, 0, 1, 1], [], []>, transpose_lhs_hint = false} : vector<1024x128xf32>, vector<128x128xf32>, vector<1024x128xf32> -> vector<1024x128xf32>
    %broadcast_in_dim3A_32 = vector.shape_cast %rsqrt3A : vector<1024xf32> to vector<1024x1xf32>
    %mul3A_33 = vector.broadcast %broadcast_in_dim3A_32 : vector<1024x1xf32> to vector<1024x128xf32>
    %mul3A_34 = arith.mulf %dot_general3A_31, %mul3A_33 : vector<1024x128xf32>
    %swap3A = arith.constant 0 : index
    %swap3A_35 = arith.constant 0 : index
    %swap3A_36 = vector.load %arg6[%swap3A, %swap3A_35] : memref<1024x128xf32, #tpu.memory_space<vmem>>, vector<1024x128xf32>
    tpu.vector_store %arg6[%swap3A, %swap3A_35], %mul3A_34 {strides = array<i32>} : memref<1024x128xf32, #tpu.memory_space<vmem>>, vector<1024x128xf32>,
    return
  }
  func.func @transform_0(%arg0: i32) -> (i32, i32) {
    %c0_i32 = arith.constant 0 : i32
    %c0_i32_0 = arith.constant 0 : i32
    return %c0_i32, %arg0 : i32, i32
  }
  func.func @transform_1(%arg0: i32) -> (i32, i32, i32) {
    %c0_i32 = arith.constant 0 : i32
    %c0_i32_0 = arith.constant 0 : i32
    %c0_i32_1 = arith.constant 0 : i32
    return %c0_i32, %arg0, %c0_i32_0 : i32, i32, i32
  }
  func.func @transform_2(%arg0: i32) -> (i32, i32) {
    %c0_i32 = arith.constant 0 : i32
    %c0_i32_0 = arith.constant 0 : i32
    return %arg0, %c0_i32 : i32, i32
  }
  func.func @transform_3(%arg0: i32) -> (i32, i32) {
    %c0_i32 = arith.constant 0 : i32
    %c0_i32_0 = arith.constant 0 : i32
    %c0_i32_1 = arith.constant 0 : i32
    return %c0_i32, %c0_i32_0 : i32, i32
  }
  func.func @transform_4(%arg0: i32) -> (i32, i32) {
    %c0_i32 = arith.constant 0 : i32
    %c0_i32_0 = arith.constant 0 : i32
    %c0_i32_1 = arith.constant 0 : i32
    return %c0_i32, %c0_i32_0 : i32, i32
  }
  func.func @transform_5(%arg0: i32) -> (i32, i32) {
    %c0_i32 = arith.constant 0 : i32
    %c0_i32_0 = arith.constant 0 : i32
    return %arg0, %c0_i32 : i32, i32
  }
}

module attributes {stable_mosaic.version = 14 : i64} {
  func.func @_tc_last(%arg0: i32, %arg1: memref<32x1024xf32, #tpu.memory_space<vmem>>, %arg2: memref<2x1024x128xf32, #tpu.memory_space<vmem>>, %arg3: memref<1024x128xf32, #tpu.memory_space<vmem>>, %arg4: memref<1x128xf32, #tpu.memory_space<vmem>>, %arg5: memref<1024x128xf32, #tpu.memory_space<vmem>>) attributes {dimension_semantics = [#tpu.dimension_semantics<arbitrary>], iteration_bounds = array<i64: 10>, scalar_prefetch = 0 : i64, scratch_operands = 0 : i64, tpu.core_type = #tpu.core_type<tc>, window_params = [{transform_indices = @transform_0, window_bounds = array<i64: 32, 1024>}, {transform_indices = @transform_1, window_bounds = array<i64: 2, 1024, 128>}, {transform_indices = @transform_2, window_bounds = array<i64: 1024, 128>}, {pipeline_mode = #tpu.pipeline_mode<synchronous>, transform_indices = @transform_3, window_bounds = array<i64: 1, 128>}, {transform_indices = @transform_4, window_bounds = array<i64: 1024, 128>}]} {
    %get3A = arith.constant 0 : index
    %get3A_0 = arith.constant 0 : index
    %get3A_1 = vector.load %arg1[%get3A, %get3A_0] : memref<32x1024xf32, #tpu.memory_space<vmem>>, vector<32x1024xf32>
    %reduce_sum3A = arith.constant dense<0.000000e+00> : vector<1024xf32>
    %reduce_sum3A_2 = vector.multi_reduction <add>, %get3A_1, %reduce_sum3A [0] : vector<32x1024xf32> to vector<1024xf32>
    %add3A = arith.constant 1.000000e+00 : f32
    %add3A_3 = vector.broadcast %add3A : f32 to vector<1024xf32>
    %add3A_4 = arith.addf %reduce_sum3A_2, %add3A_3 : vector<1024xf32>
    %rsqrt3A = math.rsqrt %add3A_4 : vector<1024xf32>
    %get3A_5 = arith.constant 0 : index
    %get3A_6 = arith.constant 0 : index
    %get3A_7 = arith.constant 0 : index
    %get3A_8 = vector.load %arg2[%get3A_5, %get3A_6, %get3A_7] : memref<2x1024x128xf32, #tpu.memory_space<vmem>>, vector<1x1024x128xf32>
    %get3A_9 = vector.shape_cast %get3A_8 : vector<1x1024x128xf32> to vector<1024x128xf32>
    %get3A_10 = arith.constant 1 : index
    %get3A_11 = arith.constant 0 : index
    %get3A_12 = arith.constant 0 : index
    %get3A_13 = vector.load %arg2[%get3A_10, %get3A_11, %get3A_12] : memref<2x1024x128xf32, #tpu.memory_space<vmem>>, vector<1x1024x128xf32>
    %get3A_14 = vector.shape_cast %get3A_13 : vector<1x1024x128xf32> to vector<1024x128xf32>
    %add3A_15 = arith.addf %get3A_9, %get3A_14 : vector<1024x128xf32>
    %get3A_16 = arith.constant 0 : index
    %get3A_17 = arith.constant 0 : index
    %get3A_18 = vector.load %arg3[%get3A_16, %get3A_17] : memref<1024x128xf32, #tpu.memory_space<vmem>>, vector<1024x128xf32>
    %add3A_19 = arith.addf %add3A_15, %get3A_18 : vector<1024x128xf32>
    %broadcast_in_dim3A = vector.shape_cast %rsqrt3A : vector<1024xf32> to vector<1024x1xf32>
    %mul3A = vector.broadcast %broadcast_in_dim3A : vector<1024x1xf32> to vector<1024x128xf32>
    %mul3A_20 = arith.mulf %add3A_19, %mul3A : vector<1024x128xf32>
    %get3A_21 = arith.constant 0 : index
    %get3A_22 = arith.constant 0 : index
    %get3A_23 = vector.load %arg4[%get3A_21, %get3A_22] : memref<1x128xf32, #tpu.memory_space<vmem>>, vector<1x128xf32>
    %add3A_24 = vector.broadcast %get3A_23 : vector<1x128xf32> to vector<1024x128xf32>
    %add3A_25 = arith.addf %mul3A_20, %add3A_24 : vector<1024x128xf32>
    %swap3A = arith.constant 0 : index
    %swap3A_26 = arith.constant 0 : index
    %swap3A_27 = vector.load %arg5[%swap3A, %swap3A_26] : memref<1024x128xf32, #tpu.memory_space<vmem>>, vector<1024x128xf32>
    tpu.vector_store %arg5[%swap3A, %swap3A_26], %add3A_25 {strides = array<i32>} : memref<1024x128xf32, #tpu.memory_space<vmem>>, vector<1024x128xf32>,
    return
  }
  func.func @transform_0(%arg0: i32) -> (i32, i32) {
    %c0_i32 = arith.constant 0 : i32
    %c0_i32_0 = arith.constant 0 : i32
    return %c0_i32, %arg0 : i32, i32
  }
  func.func @transform_1(%arg0: i32) -> (i32, i32, i32) {
    %c0_i32 = arith.constant 0 : i32
    %c0_i32_0 = arith.constant 0 : i32
    %c0_i32_1 = arith.constant 0 : i32
    return %c0_i32, %arg0, %c0_i32_0 : i32, i32, i32
  }
  func.func @transform_2(%arg0: i32) -> (i32, i32) {
    %c0_i32 = arith.constant 0 : i32
    %c0_i32_0 = arith.constant 0 : i32
    return %arg0, %c0_i32 : i32, i32
  }
  func.func @transform_3(%arg0: i32) -> (i32, i32) {
    %c0_i32 = arith.constant 0 : i32
    %c0_i32_0 = arith.constant 0 : i32
    %c0_i32_1 = arith.constant 0 : i32
    return %c0_i32, %c0_i32_0 : i32, i32
  }
  func.func @transform_4(%arg0: i32) -> (i32, i32) {
    %c0_i32 = arith.constant 0 : i32
    %c0_i32_0 = arith.constant 0 : i32
    return %arg0, %c0_i32 : i32, i32
  }
}

</mosaic_0001>

<sc_bundles>
// kernel: kernel.11.cloned.1.call-start
scs
__scs_entry_jumppad:
0x0: {  	(pc) =	sbr.rel $0x88, $3  }
0x1: {  	(tag) =	ssettag $0x0;
	lr =	simm.s32 $0x1  }
0x2: {  	[smem:$0x3F9B] =	sst lr;
	_ =	strace $0xD0000000  }
0x3: {  	_ = 	snop  }
0x4: {  	_ = 	snop  }
0x5: {  	_ = 	snop  }
0x6: {  	_ = 	snop  }
0x7: {  	_ = 	snop  }
__scs_overlays_trampoline_lowered:
0x8: {  	[smem:$0x3FAA] =	sst s0  }
0x9: {  	[smem:$0x3FAB] =	sst s1  }
0xa: {  	[smem:$0x3FAC] =	sst s2  }
0xb: {  	[smem:$0x3FAD] =	sst s3  }
0xc: {  	[smem:$0x3FAE] =	sst s4  }
0xd: {  	[smem:$0x3FAF] =	sst s5  }
0xe: {  	[smem:$0x3FB0] =	sst s6  }
0xf: {  	[smem:$0x3FB1] =	sst s7  }
0x10: {  	[smem:$0x3FB2] =	sst s8  }
0x11: {  	[smem:$0x3FB3] =	sst s9;
	s0 =	simm.s32 @!p0 $0x0  }
0x12: {  	s1 =	sld [smem:$0x3F99];
	s0 =	simm.s32 @p0 $0x1  }
0x13: {  	[smem:$0x3FB4] =	sst s0;
	s0 =	simm.s32 @!p1 $0x0  }
0x14: {  	s2 =	sld [smem:$0x3F98];
	s0 =	simm.s32 @p1 $0x1  }
0x15: {  	[smem:$0x3FB5] =	sst s0;
	s0 =	simm.s32 @!p2 $0x0  }
0x16: {  	s3 =	sld [smem:$0x3FDB];
	s0 =	simm.s32 @p2 $0x1  }
0x17: {  	s4 =	simm.s32 $0x1BF5;
	[smem:$0x3FB7] =	sst s0  }
0x18: {  	s0 =	sld [smem:$0x3F9A];
	_ =	swait.ge [sflag:s4], $0x0  }
0x19: {  	s7 =	sld [smem:$0x3F9B]  }
0x1a: {  	s8 =	sadd.s32 $0xFFFFE003, lr  }
0x1b: {  	s9 =	sadd.s32 $0xFFFFFEF7, lr;
	s5 =	simm.s32 $0xFFFFFFFF;
	p2 =	slt.u32 s8, $0xFFFFF086  }
0x1c: {  	p1 =	slt.u32 s9, $0xF7A;
	s5 =	simm.s32 @!p2 $0x0  }
0x1d: {  	s5 =	simm.s32 @p1 $0x1;
	p0 =	seq.s32 s7, s2  }
0x1e: {  	s7 =	smul.u32 @!p0 $0xF7A, s2;
	p2 =	seq.s32 @!p0 s5, $0x0  }
0x1f: {  	s9 =	smul.u32 $0xF7A, s1;
	s8 =	simm.s32 @!p0 $0x1BF5;
	p2 =	por !p2, p0  }
0x20: {  	[sflag:s8] =	ssyncset.s32 @!p0 $0xFFFFF086;
	s6 =	sadd.s32 @!p0 s3, s7;
	s7 =	simm.s32 @!p0 $0x108  }
0x21: {  	s3 =	sadd.s32 s3, s9;
	s6 =	sadd.s32 @!p0 $0x88, s6;
	s7 =	simm.s32 @p2 $0x1082  }
0x22: {  	[simem:s7], [sflag:s8] =	dma.local @!p0 [hbm:s6], $0xF7A  }
0x23: {  	s9 =	sor.u32 $0xD0000000, s2;
	s6 =	simm.s32 $0x108;
	_ =	swait.ge @!p0 [sflag:s8], $0x0  }
0x24: {  	s3 =	sadd.s32 $0x88, s3;
	s6 =	simm.s32 @!p1 $0x1082;
	[sflag:s4] =	ssyncset.s32 $0xFFFFF086  }
0x25: {  	[simem:s6], [sflag:s4] =	dma.local [hbm:s3], $0xF7A  }
0x26: {  	[smem:$0x3F9B] =	sst s1;
	(tag) =	ssettag s2;
	_ =	strace s9  }
0x27: {  	s1 =	sld [smem:$0x3FAB]  }
0x28: {  	s2 =	sld [smem:$0x3FAC]  }
0x29: {  	s4 =	sld [smem:$0x3FAE]  }
0x2a: {  	p0 =	seq.s32 s5, $0x0;
	s5 =	sld [smem:$0x3FAF]  }
0x2b: {  	s6 =	sld [smem:$0x3FB0]  }
0x2c: {  	s7 =	sld [smem:$0x3FB1]  }
0x2d: {  	s3 =	simm.s32 $0x108;
	s8 =	sld [smem:$0x3FB2]  }
0x2e: {  	s3 =	simm.s32 @!p0 $0x1082;
	s9 =	sld [smem:$0x3FB3]  }
0x2f: {  	lr =	sadd.s32 s0, s3;
	s0 =	sld [smem:$0x3FAA]  }
0x30: {  	s3 =	sld [smem:$0x3FAD]  }
0x31: {  	[smem:$0x3FB6] =	sst s10  }
0x32: {  	s10 =	sld [smem:$0x3FB4];
	_ =	sdelay $0x3  }
0x33: {  	p0 =	seq.s32 s10, $0x1;
	s10 =	sld [smem:$0x3FB6];
	_ =	sdelay $0x3  }
0x34: {  	[smem:$0x3FB6] =	sst s10  }
0x35: {  	s10 =	sld [smem:$0x3FB5];
	_ =	sdelay $0x3  }
0x36: {  	p1 =	seq.s32 s10, $0x1;
	s10 =	sld [smem:$0x3FB6];
	_ =	sdelay $0x3  }
0x37: {  	[smem:$0x3FB6] =	sst s10  }
0x38: {  	s10 =	sld [smem:$0x3FB7]  }
0x39: {  	_ = 	snop;
	(pc) =	sbr.ind lr, $3  }
0x3a: {  	_ = 	snop  }
0x3b: {  	_ = 	snop  }
0x3c: {  	p2 =	seq.s32 s10, $0x1;
	s10 =	sld [smem:$0x3FB6]  }
0x3d: {  	_ =	shalt  }
0x3e: {  	_ =	shalt  }
0x3f: {  	_ =	shalt  }
0x40: {  	_ =	shalt  }
0x41: {  	_ =	shalt  }
0x42: {  	_ =	shalt  }
0x43: {  	_ =	shalt  }
0x44: {  	_ =	shalt  }
0x45: {  	_ =	shalt  }
0x46: {  	_ =	shalt  }
0x47: {  	_ =	shalt  }
0x48: {  	_ =	shalt  }
0x49: {  	_ =	shalt  }
0x4a: {  	_ =	shalt  }
0x4b: {  	_ =	shalt  }
0x4c: {  	_ =	shalt  }
0x4d: {  	_ =	shalt  }
0x4e: {  	_ =	shalt  }
0x4f: {  	_ =	shalt  }
0x50: {  	_ =	shalt  }
0x51: {  	_ =	shalt  }
0x52: {  	_ =	shalt  }
0x53: {  	_ =	shalt  }
0x54: {  	_ =	shalt  }
0x55: {  	_ =	shalt  }
0x56: {  	_ =	shalt  }
0x57: {  	_ =	shalt  }
0x58: {  	_ =	shalt  }
0x59: {  	_ =	shalt  }
0x5a: {  	_ =	shalt  }
0x5b: {  	_ =	shalt  }
0x5c: {  	_ =	shalt  }
0x5d: {  	_ =	shalt  }
0x5e: {  	_ =	shalt  }
0x5f: {  	_ =	shalt  }
0x60: {  	_ =	shalt  }
0x61: {  	_ =	shalt  }
0x62: {  	_ =	shalt  }
0x63: {  	_ =	shalt  }
0x64: {  	_ =	shalt  }
0x65: {  	_ =	shalt  }
0x66: {  	_ =	shalt  }
0x67: {  	_ =	shalt  }
0x68: {  	_ =	shalt  }
0x69: {  	_ =	shalt  }
0x6a: {  	_ =	shalt  }
0x6b: {  	_ =	shalt  }
0x6c: {  	_ =	shalt  }
0x6d: {  	_ =	shalt  }
0x6e: {  	_ =	shalt  }
0x6f: {  	_ =	shalt  }
0x70: {  	_ =	shalt  }
0x71: {  	_ =	shalt  }
0x72: {  	_ =	shalt  }
0x73: {  	_ =	shalt  }
0x74: {  	_ =	shalt  }
0x75: {  	_ =	shalt  }
0x76: {  	_ =	shalt  }
0x77: {  	_ =	shalt  }
0x78: {  	_ =	shalt  }
0x79: {  	_ =	shalt  }
0x7a: {  	_ =	shalt  }
0x7b: {  	_ =	shalt  }
0x7c: {  	_ =	shalt  }
0x7d: {  	_ =	shalt  }
0x7e: {  	_ =	shalt  }
0x7f: {  	_ =	shalt  }
0x80: {  	_ =	shalt  }
0x81: {  	_ =	shalt  }
0x82: {  	_ =	shalt  }
0x83: {  	_ =	shalt  }
0x84: {  	_ =	shalt  }
0x85: {  	_ =	shalt  }
0x86: {  	_ =	shalt  }
0x87: {  	_ =	shalt  }
.Lfunc_end0:
.L_simem_size_0:
called_computation.1_lowered:
.L_overlay_start_0:
0x88: {  	s2 =	sld [smem:$0x3FD9]  }
0x89: {  	s3 =	sld [smem:$0x3FFE];
	_ =	sdelay $0x1  }
0x8a: {  	s1 =	srdreg.scid  }
0x8b: {  	s0 =	sand.u32 $0x1, s1  }
0x8c: {  	s17 =	sshll.u32 s0, $0xA;
	s2 =	sadd.s32 s3, s2  }
0x8d: {  	s2 =	sadd.s32 s2, s17  }
0x8e: {  	[smem:$0x3FC2] =	sst s2  }
0x8f: {  	_ = 	snop  }
0x90: {  	s2 =	sld [smem:$0x3FD0];
	(tm) =	ssettm $0x1  }
0x91: {  	s18 =	sld [smem:$0x3FFB];
	_ =	sdelay $0x3  }
0x92: {  	_ =	strace s18  }
0x93: {  	s3 =	sld [smem:$0x3FFC];
	_ =	sdelay $0x3  }
0x94: {  	_ =	strace s3  }
0x95: {  	s3 =	sld [smem:$0x3FFD];
	_ =	sdelay $0x3  }
0x96: {  	_ =	strace s3  }
0x97: {  	_ =	strace $0x8FFFFFFF  }
0x98: {  	s19 =	sld [smem:$0x3FDB];
	_ =	sdelay $0x1  }
0x99: {  	s4 =	simm.s32 $_scs_section_size  }
0x9a: {  	s5 =	simm.s32 $_size__tile_overlayer_lowered;
	s6 =	simm.s32 $_tile_overlayer_lowered  }
0x9b: {  	s22 =	simm.s32 $0x1BFF;
	s21 =	sshll.u32 s6, $0x1;
	s3 =	sadd.s32 s4, s19  }
0x9c: {  	s7 =	simm.s32 $0x0;
	s20 =	sshll.u32 s5, $0x1;
	s5 =	sadd.s32 s21, s3  }
0x9d: {  	[timem:s7], [sflag:s22] =	dma.local [hbm:s5], s20  }
0x9e: {  	_ =	swait.ge [sflag:s22], s20  }
0x9f: {  	s4 =	ssub.s32 $0x0, s20;
	[sflag:s22] =	ssyncset.done $0x0  }
0xa0: {  	[sflag:s22] =	ssyncadd.s32 s4;
	_ =	sdelay $0x1  }
0xa1: {  	s23 =	simm.s32 $0x1B8B  }
0xa2: {  	_ =	swait.ge [sflag:s23], $0x1  }
0xa3: {  	[sflag:s23] =	ssyncset.done $0x0  }
0xa4: {  	s25 =	simm.s32 $0x1B8E;
	s24 =	sld [smem:$0x3FFE];
	[sflag:s23] =	ssyncadd.s32 $0xFFFFFFFF  }
0xa5: {  	s26 =	simm.s32 $execute0_lowered;
	[smem:$0x3FD2] =	sst s25  }
0xa6: {  	s5 =	sshll.u32 s26, $0x1;
	_ =	strace $0x80000049;
	[dreg:$0x1] =	wrdreg $0xFFFFFFFF  }
0xa7: {  	s28 =	simm.s32 $_size_execute0_lowered;
	s3 =	sadd.s32 s3, s5;
	[dreg:$0x0] =	wrdreg $0x0  }
0xa8: {  	s5 =	sshll.u32 s28, $0x1;
	[dreg:$0x2] =	wrdreg s3  }
0xa9: {  	[dreg:$0x3] =	wrdreg s5  }
0xaa: {  	[dreg:$0x4] =	wrdreg $0xC0  }
0xab: {  	_ =	task [dreg:s7], $0x5FFFF  }
0xac: {  	[dreg:$0x1] =	wrdreg $0xFFFFFFFF  }
0xad: {  	[dreg:$0x0] =	wrdreg $0x60  }
0xae: {  	[dreg:$0x2] =	wrdreg s24  }
0xaf: {  	[dreg:$0x3] =	wrdreg s2  }
0xb0: {  	[dreg:$0x4] =	wrdreg $0xA8000  }
0xb1: {  	[dreg:$0x5] =	wrdreg $0x9  }
0xb2: {  	_ =	task.clear_ibuf [dreg:s7], $0x6FFFF;
	_ =	strace $0x90000049  }
0xb3: {  	s29 =	simm.s32 $0x9;
	_ =	strace $0x8000004B  }
0xb4: {  	_ =	swait.ge [sflag:s29], $0x1  }
0xb5: {  	[sflag:s29] =	ssyncadd.s32 $0xFFFFFFFF  }
0xb6: {  	_ =	strace $0x9000004B  }
0xb7: {  	_ =	sfence  }
0xb8: {  	s30 =	sld [smem:$0x0];
	_ =	sdelay $0x2  }
0xb9: {  	s31 =	sshll.u32 s1, $0xD;
	s1 =	sshrl.u32 s1, $0x2  }
0xba: {  	s3 =	sand.u32 $0x4000, s31;
	s1 =	sadd.s32 s1, s30  }
0xbb: {  	s0 =	sor.u32 s3, s0;
	s1 =	sshll.u32 s1, $0x11  }
0xbc: {  	s0 =	sor.u32 s1, s0  }
0xbd: {  	s0 =	sadd.s32 $0x8F2B, s0  }
0xbe: {  	[sflag:s0] =	ssyncadd.remote.s32 $0x1  }
0xbf: {  	_ =	sfence.sel $0xFFFF  }
0xc0: {  	[dreg:$0x0] =	wrdreg $0xFFFFFFFF;
	(pc) =	sbr.abs _section_cstart, $3  }
0xc1: {  	[dreg:$0x1] =	wrdreg $0xFFFFFFFF  }
0xc2: {  	_ =	task.clear_ibuf [dreg:s7], $0x2FFFF;
	_ =	strace $0x9FFFFFFF  }
0xc3: {  	(tm) =	ssettm $0x7FFFFFFF  }
tec
execute0_lowered:
.L_overlay_start_1:
0x0: {  	(tag) =	ssettag $0x1  }
0x1: {  	s0 =	rddreg [dreg:$0x0]  }
0x2: {  	s2 =	rddreg [dreg:$0x1]  }
0x3: {  	s1 =	rddreg [dreg:$0x2];
	s3 =	srdreg.scid;
	s4 =	simm.s32 $0x0  }
0x4: {  	s7 =	stileid.u32;
	s29 =	simm.s32 $0x2800;
	s30 =	simm.s32 $0x5  }
0x5: {  	s31 =	simm.s32 $0x1400;
	s3 =	sand.u32 $0x1, s3;
	s6 =	smul.u32 $0x14000, s7  }
0x6: {  	[smem:$0x7FF] =	sst s4;
	s4 =	sadd.s32 $0xD200, s0;
	s20 =	smul.u32 $0x50000, s7  }
0x7: {  	s18 =	sadd.s32 $0xCA00, s0;
	s5 =	smul.u32 $0x140000, s3;
	_ =	strace $0x8000004A  }
0x8: {  	s19 =	sshll.u32 s3, $0x4;
	s3 =	ssub.s32 $0x2, s3;
	[dreg:$0x4] =	wrdreg s18  }
0x9: {  	s8 =	sor.u32 s7, s19;
	s21 =	sshrl.u32 s3, $0x1;
	s10 =	sshrl.u32 s20, $0x2  }
0xa: {  	s5 =	sadd.s32 s6, s5;
	s9 =	smul.u32 $0x5000, s8;
	s3 =	ssub.s32 s3, s21  }
0xb: {  	s22 =	sshll.u32 s8, $0x2;
	s17 =	sshllo.u32 s8, $0x2;
	s7 =	sadd.s32 s10, s1  }
0xc: {  	p1 =	seq.s32 s8, $0x1F;
	p2 =	sne.s32 s8, $0x1F;
	s8 =	simm.s32 $0x100  }
0xd: {  	s5 =	sshrl.u32 s5, $0x3;
	s11 =	sor.u32 $0x2, s22;
	s13 =	smul.u32 $0x1400, s17  }
0xe: {  	s19 =	sadd.s32 $0x2000, s7;
	s20 =	sadd.s32 $0x4000, s7;
	s21 =	sadd.s32 $0x6000, s7  }
0xf: {  	s22 =	sadd.s32 $0x8000, s7;
	p3 =	sgt.u32 s17, $0x7C;
	[dreg:$0xc] =	wrdreg s19  }
0x10: {  	s17 =	simm.s32 $0x8800;
	s5 =	sadd.s32 s5, s0;
	[dreg:$0xd] =	wrdreg s20  }
0x11: {  	s23 =	sshrl.u32 s9, $0x3;
	s12 =	smul.u32 $0x1400, s11;
	[dreg:$0xe] =	wrdreg s21  }
0x12: {  	s9 =	sadd.s32 $0xFFF67800, s9;
	[dreg:$0xf] =	wrdreg s22;
	p0 =	sgt.u32 s11, $0x7C  }
0x13: {  	s19 =	simm.s32 $0x2;
	s20 =	simm.s32 $0x3;
	s21 =	simm.s32 $0x4  }
0x14: {  	s22 =	simm.s32 $0x2600;
	s6 =	sadd.s32 s2, s23;
	s26 =	sshrl.u32 s13, $0x3  }
0x15: {  	s9 =	sshrl.u32 s9, $0x3;
	s13 =	smax.u32 s3, $0x1;
	s23 =	sadd.s32 $0xA000, s7  }
0x16: {  	s3 =	simm.s32 $0x4800;
	s24 =	sadd.s32 $0x13880, s6;
	[dreg:$0xb] =	wrdreg s13  }
0x17: {  	s25 =	sadd.s32 $0x280, s6;
	s10 =	sadd.s32 $0x13B00, s6;
	[dreg:$0x10] =	wrdreg s23  }
0x18: {  	s12 =	sshrl.u32 s12, $0x3;
	s15 =	sadd.s32 s18, s9;
	[dreg:$0x5] =	wrdreg s24  }
0x19: {  	s9 =	simm.s32 $0x6800;
	[dreg:$0x6] =	wrdreg s25;
	s14 =	sadd.s32 s2, s12  }
0x1a: {  	s23 =	simm.s32 $0x2680;
	s2 =	sadd.s32 s2, s26;
	[dreg:$0x7] =	wrdreg s14  }
0x1b: {  	s12 =	sadd.s32 $0x35200, s5;
	s24 =	sadd.s32 $0xC000, s7;
	[dreg:$0x9] =	wrdreg s2  }
0x1c: {  	s25 =	sadd.s32 $0xE000, s7;
	s10 =	smov.u32 @p1 s18;
	[dreg:$0xa] =	wrdreg s12  }
0x1d: {  	s26 =	sadd.s32 $0x10000, s7;
	s18 =	simm.s32 $0x1;
	[dreg:$0x11] =	wrdreg s24  }
0x1e: {  	s28 =	sadd.s32 $0x13880, s14;
	s14 =	sadd.s32 $0xCC80, s0;
	[dreg:$0x12] =	wrdreg s25  }
0x1f: {  	s16 =	sadd.s32 $0x13880, s2;
	[dreg:$0x13] =	wrdreg s26;
	s0 =	simm.s32 $0x40  }
0x20: {  	s2 =	simm.s32 $0x80;
	s12 =	simm.s32 $0x180;
	s24 =	simm.s32 $0x2700  }
0x21: {  	s25 =	simm.s32 $0x2780;
	[dreg:$0x8] =	wrdreg s28;
	s28 =	sadd.s32 $0x12000, s7  }
0x22: {  	v0 =	vimm.f32 $0.0e+00;
	s26 =	simm.s32 $0x0;
	s16 =	smov.u32 @p3 s15;
	[dreg:$0x14] =	wrdreg s28  }
.LBB2_1:
0x23: {  	s11 =	simm.s32 $0x0  }
0x24: {  	s5 =	sand.u32 $0x7E00, s11  }
0x25: {  	s11 =	sand.u32 $0x70, s11;
	s28 =	sshrl.u32 s5, $0x2  }
0x26: {  	s5 =	simm.s32 $0x40;
	s28 =	sor.u32 s11, s28;
	s11 =	simm.s32 $0x0  }
.LBB2_2:
0x27: {  	p4 =	sne.s32 s5, $0x7FC0  }
0x28: {  	[tilespmem:s28+$0x2800] =	vst v0;
	s11 =	sadd.s32 $0x10, s11;
	s28 =	smov.u32 s5;
	s5 =	sadd.s32 $0x40, s5  }
.Ltmp0:
0x29: {  	(pc) =	sbr.rel @p4 .LBB2_2-.Ltmp0, $4  }
0x2a: {  	_ = 	snop  }
0x2b: {  	s28 =	sand.u32 $0x7E00, s28  }
0x2c: {  	s13 =	sand.u32 $0x70, s11;
	s28 =	sshrl.u32 s28, $0x2  }
0x2d: {  	s28 =	sor.u32 s13, s28  }
0x2e: {  	[tilespmem:s28+$0x2800] =	vst v0  }
0x2f: {  	[spmem:s7] =	stream.linear.scatter [tilespmem:s29], [sflag:$0x5], $0x2000, $0x38;
	[tilespmem:$0x1E800] =	vst v63  }
0x30: {  	_ =	swait.ge [sflag:s30], $0x2000  }
0x31: {  	[sflag:s30] =	ssyncset.done $0x0  }
0x32: {  	s5 =	rddreg [dreg:$0xc];
	[sflag:s30] =	ssyncadd.s32 $0xFFFFE000  }
0x33: {  	[spmem:s5] =	stream.linear.scatter [tilespmem:s29], [sflag:$0x5], $0x2000, $0x38;
	[tilespmem:$0x1E800] =	vst v63  }
0x34: {  	_ =	swait.ge [sflag:s30], $0x2000  }
0x35: {  	[sflag:s30] =	ssyncset.done $0x0  }
0x36: {  	s28 =	rddreg [dreg:$0xd];
	[sflag:s30] =	ssyncadd.s32 $0xFFFFE000  }
0x37: {  	[spmem:s28] =	stream.linear.scatter [tilespmem:s29], [sflag:$0x5], $0x2000, $0x38;
	[tilespmem:$0x1E800] =	vst v63  }
0x38: {  	_ =	swait.ge [sflag:s30], $0x2000  }
0x39: {  	[sflag:s30] =	ssyncset.done $0x0  }
0x3a: {  	s11 =	rddreg [dreg:$0xe];
	[sflag:s30] =	ssyncadd.s32 $0xFFFFE000  }
0x3b: {  	[spmem:s11] =	stream.linear.scatter [tilespmem:s29], [sflag:$0x5], $0x2000, $0x38;
	[tilespmem:$0x1E800] =	vst v63  }
0x3c: {  	_ =	swait.ge [sflag:s30], $0x2000  }
0x3d: {  	[sflag:s30] =	ssyncset.done $0x0  }
0x3e: {  	s13 =	rddreg [dreg:$0xf];
	[sflag:s30] =	ssyncadd.s32 $0xFFFFE000  }
0x3f: {  	[spmem:s13] =	stream.linear.scatter [tilespmem:s29], [sflag:$0x5], $0x2000, $0x38;
	[tilespmem:$0x1E800] =	vst v63  }
0x40: {  	_ =	swait.ge [sflag:s30], $0x2000  }
0x41: {  	[sflag:s30] =	ssyncset.done $0x0  }
0x42: {  	s28 =	rddreg [dreg:$0x10];
	[sflag:s30] =	ssyncadd.s32 $0xFFFFE000  }
0x43: {  	[spmem:s28] =	stream.linear.scatter [tilespmem:s29], [sflag:$0x5], $0x2000, $0x38;
	[tilespmem:$0x1E800] =	vst v63  }
0x44: {  	_ =	swait.ge [sflag:s30], $0x2000  }
0x45: {  	[sflag:s30] =	ssyncset.done $0x0  }
0x46: {  	s11 =	rddreg [dreg:$0x11];
	[sflag:s30] =	ssyncadd.s32 $0xFFFFE000  }
0x47: {  	[spmem:s11] =	stream.linear.scatter [tilespmem:s29], [sflag:$0x5], $0x2000, $0x38;
	[tilespmem:$0x1E800] =	vst v63  }
0x48: {  	_ =	swait.ge [sflag:s30], $0x2000  }
0x49: {  	[sflag:s30] =	ssyncset.done $0x0  }
0x4a: {  	s13 =	rddreg [dreg:$0x12];
	[sflag:s30] =	ssyncadd.s32 $0xFFFFE000  }
0x4b: {  	[spmem:s13] =	stream.linear.scatter [tilespmem:s29], [sflag:$0x5], $0x2000, $0x38;
	[tilespmem:$0x1E800] =	vst v63  }
0x4c: {  	_ =	swait.ge [sflag:s30], $0x2000  }
0x4d: {  	[sflag:s30] =	ssyncset.done $0x0  }
0x4e: {  	s28 =	rddreg [dreg:$0x13];
	[sflag:s30] =	ssyncadd.s32 $0xFFFFE000  }
0x4f: {  	[spmem:s28] =	stream.linear.scatter [tilespmem:s29], [sflag:$0x5], $0x2000, $0x38;
	[tilespmem:$0x1E800] =	vst v63  }
0x50: {  	_ =	swait.ge [sflag:s30], $0x2000  }
0x51: {  	[sflag:s30] =	ssyncset.done $0x0  }
0x52: {  	s11 =	rddreg [dreg:$0x14];
	[sflag:s30] =	ssyncadd.s32 $0xFFFFE000  }
0x53: {  	[spmem:s11] =	stream.linear.scatter [tilespmem:s29], [sflag:$0x5], $0x2000, $0x38;
	[tilespmem:$0x1E800] =	vst v63  }
0x54: {  	_ =	swait.ge [sflag:s30], $0x2000  }
0x55: {  	[sflag:s30] =	ssyncset.done $0x0  }
0x56: {  	[sflag:s30] =	ssyncadd.s32 $0xFFFFE000  }
0x57: {  	s13 =	simm.s32 $0x0;
	[bflag:$0x0] =	sbarrier.arrive $0xFFFF  }
0x58: {  	[tilespmem:s13], [sflag:$0x5] =	stream.linear.gather [hbm4b:s6+s13], $0x1400, $0x38;
	[tilespmem:$0x1E800] =	vst v63  }
0x59: {  	_ =	swait.ge [sflag:s30], $0x1400  }
0x5a: {  	[sflag:s30] =	ssyncset.done $0x0  }
0x5b: {  	s11 =	rddreg [dreg:$0x5];
	[sflag:s30] =	ssyncadd.s32 $0xFFFFEC00  }
0x5c: {  	[tilespmem:s31], [sflag:$0x5] =	stream.linear.gather [hbm4b:s11+s13], $0x1400, $0x38;
	[tilespmem:$0x1E800] =	vst v63  }
0x5d: {  	_ =	swait.ge [sflag:s30], $0x1400  }
0x5e: {  	[sflag:s30] =	ssyncset.done $0x0  }
0x5f: {  	[sflag:s30] =	ssyncadd.s32 $0xFFFFEC00  }
0x60: {  	[tilespmem:s29], [sflag:$0x1] =	stream.indirect.gather [hbm4b:s4+s0], $0x80, s13, s0, $0xb8;
	[tilespmem:$0x1E800] =	vst v63  }
0x61: {  	_ = 	snop  }
0x62: {  	[tilespmem:s3], [sflag:$0x2] =	stream.indirect.gather [hbm4b:s4+s0], $0x80, s2, s0, $0xb8;
	[tilespmem:$0x1E800] =	vst v63  }
0x63: {  	_ = 	snop  }
0x64: {  	[tilespmem:s9], [sflag:$0x3] =	stream.indirect.gather [hbm4b:s4+s0], $0x80, s8, s0, $0xb8;
	[tilespmem:$0x1E800] =	vst v63  }
0x65: {  	_ = 	snop  }
0x66: {  	[tilespmem:s17], [sflag:$0x4] =	stream.indirect.gather [hbm4b:s4+s0], $0x80, s12, s0, $0xb8;
	[tilespmem:$0x1E800] =	vst v63  }
0x67: {  	_ =	swait.ge [sflag:s18], $0x2000  }
0x68: {  	[sflag:s18] =	ssyncset.done $0x0  }
0x69: {  	s28 =	simm.s32 $0x1400;
	[sflag:s18] =	ssyncadd.s32 $0xFFFFE000  }
0x6a: {  	[spmem:s1] =	stream.indirect.scatter.add.f32 [tilespmem:s29], [sflag:$0x5], $0x80, s28, s0, $0xb8;
	[tilespmem:$0x1E800] =	vst v63  }
0x6b: {  	_ =	swait.ge [sflag:s30], $0x2000  }
0x6c: {  	[sflag:s30] =	ssyncset.done $0x0  }
0x6d: {  	s11 =	simm.s32 $0x200;
	[sflag:s30] =	ssyncadd.s32 $0xFFFFE000  }
0x6e: {  	[tilespmem:s29], [sflag:$0x1] =	stream.indirect.gather [hbm4b:s4+s0], $0x80, s11, s0, $0xb8;
	[tilespmem:$0x1E800] =	vst v63  }
0x6f: {  	_ =	swait.ge [sflag:s19], $0x2000  }
0x70: {  	[sflag:s19] =	ssyncset.done $0x0  }
0x71: {  	s13 =	simm.s32 $0x1480;
	[sflag:s19] =	ssyncadd.s32 $0xFFFFE000  }
0x72: {  	[spmem:s1] =	stream.indirect.scatter.add.f32 [tilespmem:s3], [sflag:$0x5], $0x80, s13, s0, $0xb8;
	[tilespmem:$0x1E800] =	vst v63  }
0x73: {  	_ =	swait.ge [sflag:s30], $0x2000  }
0x74: {  	[sflag:s30] =	ssyncset.done $0x0  }
0x75: {  	s28 =	simm.s32 $0x280;
	[sflag:s30] =	ssyncadd.s32 $0xFFFFE000  }
0x76: {  	[tilespmem:s3], [sflag:$0x2] =	stream.indirect.gather [hbm4b:s4+s0], $0x80, s28, s0, $0xb8;
	[tilespmem:$0x1E800] =	vst v63  }
0x77: {  	_ =	swait.ge [sflag:s20], $0x2000  }
0x78: {  	[sflag:s20] =	ssyncset.done $0x0  }
0x79: {  	s11 =	simm.s32 $0x1500;
	[sflag:s20] =	ssyncadd.s32 $0xFFFFE000  }
0x7a: {  	[spmem:s1] =	stream.indirect.scatter.add.f32 [tilespmem:s9], [sflag:$0x5], $0x80, s11, s0, $0xb8;
	[tilespmem:$0x1E800] =	vst v63  }
0x7b: {  	_ =	swait.ge [sflag:s30], $0x2000  }
0x7c: {  	[sflag:s30] =	ssyncset.done $0x0  }
0x7d: {  	s13 =	simm.s32 $0x300;
	[sflag:s30] =	ssyncadd.s32 $0xFFFFE000  }
0x7e: {  	[tilespmem:s9], [sflag:$0x3] =	stream.indirect.gather [hbm4b:s4+s0], $0x80, s13, s0, $0xb8;
	[tilespmem:$0x1E800] =	vst v63  }
0x7f: {  	_ =	swait.ge [sflag:s21], $0x2000  }
0x80: {  	[sflag:s21] =	ssyncset.done $0x0  }
0x81: {  	s28 =	simm.s32 $0x1580;
	[sflag:s21] =	ssyncadd.s32 $0xFFFFE000  }
0x82: {  	[spmem:s1] =	stream.indirect.scatter.add.f32 [tilespmem:s17], [sflag:$0x5], $0x80, s28, s0, $0xb8;
	[tilespmem:$0x1E800] =	vst v63  }
0x83: {  	_ =	swait.ge [sflag:s30], $0x2000  }
0x84: {  	[sflag:s30] =	ssyncset.done $0x0  }
0x85: {  	s5 =	simm.s32 $0x380;
	s11 =	simm.s32 $0x800;
	[sflag:s30] =	ssyncadd.s32 $0xFFFFE000  }
.LBB2_4:
0x86: {  	[tilespmem:s17], [sflag:$0x4] =	stream.indirect.gather [hbm4b:s4+s0], $0x80, s5, s0, $0xb8;
	[tilespmem:$0x1E800] =	vst v63  }
0x87: {  	s5 =	smov.u32 s11  }
0x88: {  	p4 =	sne.s32 s11, $0x4000;
	s11 =	sadd.s32 $0x800, s11;
	_ =	swait.ge [sflag:s18], $0x2000  }
0x89: {  	s5 =	sshra.s32 s5, $0x2;
	[sflag:s18] =	ssyncset.done $0x0  }
0x8a: {  	s13 =	sadd.s32 $0x1400, s5;
	[sflag:s18] =	ssyncadd.s32 $0xFFFFE000  }
0x8b: {  	[spmem:s1] =	stream.indirect.scatter.add.f32 [tilespmem:s29], [sflag:$0x5], $0x80, s13, s0, $0xb8;
	[tilespmem:$0x1E800] =	vst v63  }
0x8c: {  	_ =	swait.ge [sflag:s30], $0x2000  }
0x8d: {  	[sflag:s30] =	ssyncset.done $0x0  }
0x8e: {  	s13 =	sadd.s32 $0x200, s5;
	[sflag:s30] =	ssyncadd.s32 $0xFFFFE000  }
0x8f: {  	[tilespmem:s29], [sflag:$0x1] =	stream.indirect.gather [hbm4b:s4+s0], $0x80, s13, s0, $0xb8;
	[tilespmem:$0x1E800] =	vst v63  }
0x90: {  	_ =	swait.ge [sflag:s19], $0x2000  }
0x91: {  	[sflag:s19] =	ssyncset.done $0x0  }
0x92: {  	s13 =	sadd.s32 $0x1480, s5;
	[sflag:s19] =	ssyncadd.s32 $0xFFFFE000  }
0x93: {  	[spmem:s1] =	stream.indirect.scatter.add.f32 [tilespmem:s3], [sflag:$0x5], $0x80, s13, s0, $0xb8;
	[tilespmem:$0x1E800] =	vst v63  }
0x94: {  	_ =	swait.ge [sflag:s30], $0x2000  }
0x95: {  	[sflag:s30] =	ssyncset.done $0x0  }
0x96: {  	s13 =	sadd.s32 $0x280, s5;
	[sflag:s30] =	ssyncadd.s32 $0xFFFFE000  }
0x97: {  	[tilespmem:s3], [sflag:$0x2] =	stream.indirect.gather [hbm4b:s4+s0], $0x80, s13, s0, $0xb8;
	[tilespmem:$0x1E800] =	vst v63  }
0x98: {  	_ =	swait.ge [sflag:s20], $0x2000  }
0x99: {  	[sflag:s20] =	ssyncset.done $0x0  }
0x9a: {  	s13 =	sadd.s32 $0x1500, s5;
	[sflag:s20] =	ssyncadd.s32 $0xFFFFE000  }
0x9b: {  	[spmem:s1] =	stream.indirect.scatter.add.f32 [tilespmem:s9], [sflag:$0x5], $0x80, s13, s0, $0xb8;
	[tilespmem:$0x1E800] =	vst v63  }
0x9c: {  	_ =	swait.ge [sflag:s30], $0x2000  }
0x9d: {  	[sflag:s30] =	ssyncset.done $0x0  }
0x9e: {  	s13 =	sadd.s32 $0x300, s5;
	[sflag:s30] =	ssyncadd.s32 $0xFFFFE000  }
0x9f: {  	[tilespmem:s9], [sflag:$0x3] =	stream.indirect.gather [hbm4b:s4+s0], $0x80, s13, s0, $0xb8;
	[tilespmem:$0x1E800] =	vst v63  }
0xa0: {  	_ =	swait.ge [sflag:s21], $0x2000  }
0xa1: {  	[sflag:s21] =	ssyncset.done $0x0  }
.Ltmp1:
0xa2: {  	s13 =	sadd.s32 $0x1580, s5;
	[sflag:s21] =	ssyncadd.s32 $0xFFFFE000;
	(pc) =	sbr.rel @p4 .LBB2_4-.Ltmp1, $4  }
0xa3: {  	[spmem:s1] =	stream.indirect.scatter.add.f32 [tilespmem:s17], [sflag:$0x5], $0x80, s13, s0, $0xb8;
	[tilespmem:$0x1E800] =	vst v63  }
0xa4: {  	_ =	swait.ge [sflag:s30], $0x2000  }
0xa5: {  	[sflag:s30] =	ssyncset.done $0x0  }
0xa6: {  	s5 =	sadd.s32 $0x380, s5;
	[sflag:s30] =	ssyncadd.s32 $0xFFFFE000  }
0xa7: {  	[tilespmem:s17], [sflag:$0x4] =	stream.indirect.gather [hbm4b:s4+s0], $0x80, s5, s0, $0xb8;
	[tilespmem:$0x1E800] =	vst v63  }
0xa8: {  	_ =	swait.ge [sflag:s18], $0x2000  }
0xa9: {  	[sflag:s18] =	ssyncset.done $0x0  }
0xaa: {  	[sflag:s18] =	ssyncadd.s32 $0xFFFFE000  }
0xab: {  	[spmem:s1] =	stream.indirect.scatter.add.f32 [tilespmem:s29], [sflag:$0x5], $0x80, s22, s0, $0xb8;
	[tilespmem:$0x1E800] =	vst v63  }
0xac: {  	_ =	swait.ge [sflag:s30], $0x2000  }
0xad: {  	[sflag:s30] =	ssyncset.done $0x0  }
0xae: {  	[sflag:s30] =	ssyncadd.s32 $0xFFFFE000  }
0xaf: {  	_ =	swait.ge [sflag:s19], $0x2000  }
0xb0: {  	[sflag:s19] =	ssyncset.done $0x0  }
0xb1: {  	[sflag:s19] =	ssyncadd.s32 $0xFFFFE000  }
0xb2: {  	[spmem:s1] =	stream.indirect.scatter.add.f32 [tilespmem:s3], [sflag:$0x5], $0x80, s23, s0, $0xb8;
	[tilespmem:$0x1E800] =	vst v63  }
0xb3: {  	_ =	swait.ge [sflag:s30], $0x2000  }
0xb4: {  	[sflag:s30] =	ssyncset.done $0x0  }
0xb5: {  	[sflag:s30] =	ssyncadd.s32 $0xFFFFE000  }
0xb6: {  	_ =	swait.ge [sflag:s20], $0x2000  }
0xb7: {  	[sflag:s20] =	ssyncset.done $0x0  }
0xb8: {  	[sflag:s20] =	ssyncadd.s32 $0xFFFFE000  }
0xb9: {  	[spmem:s1] =	stream.indirect.scatter.add.f32 [tilespmem:s9], [sflag:$0x5], $0x80, s24, s0, $0xb8;
	[tilespmem:$0x1E800] =	vst v63  }
0xba: {  	_ =	swait.ge [sflag:s30], $0x2000  }
0xbb: {  	[sflag:s30] =	ssyncset.done $0x0  }
0xbc: {  	[sflag:s30] =	ssyncadd.s32 $0xFFFFE000  }
0xbd: {  	_ =	swait.ge [sflag:s21], $0x2000  }
0xbe: {  	[sflag:s21] =	ssyncset.done $0x0  }
0xbf: {  	[sflag:s21] =	ssyncadd.s32 $0xFFFFE000  }
0xc0: {  	[spmem:s1] =	stream.indirect.scatter.add.f32 [tilespmem:s17], [sflag:$0x5], $0x80, s25, s0, $0xb8;
	[tilespmem:$0x1E800] =	vst v63  }
0xc1: {  	_ =	swait.ge [sflag:s30], $0x2000  }
0xc2: {  	[sflag:s30] =	ssyncset.done $0x0  }
0xc3: {  	s5 =	simm.s32 @p1 $0x0;
	s11 =	rddreg [dreg:$0x4];
	[sflag:s30] =	ssyncadd.s32 $0xFFFFE000  }
0xc4: {  	[tilespmem:s5], [sflag:$0x5] =	stream.linear.gather @p1 [hbm4b:s11+s5], $0x1400, $0x38;
	[tilespmem:$0x1E800] =	vst v63  }
0xc5: {  	s5 =	simm.s32 @p1 $0x5  }
0xc6: {  	_ =	swait.ge @p1 [sflag:s5], $0x1400  }
0xc7: {  	[sflag:s5] =	ssyncset.done @p1 $0x0  }
0xc8: {  	s11 =	rddreg [dreg:$0x6];
	[sflag:s5] =	ssyncadd.s32 @p1 $0xFFFFEC00;
	s5 =	simm.s32 @!p1 $0x0  }
0xc9: {  	[tilespmem:s5], [sflag:$0x5] =	stream.linear.gather @!p1 [hbm4b:s11+s5], $0x1400, $0x38;
	[tilespmem:$0x1E800] =	vst v63  }
0xca: {  	s5 =	simm.s32 @!p1 $0x5  }
0xcb: {  	_ =	swait.ge @!p1 [sflag:s5], $0x1400  }
0xcc: {  	[sflag:s5] =	ssyncset.done @!p1 $0x0  }
0xcd: {  	s13 =	simm.s32 $0x0;
	[sflag:s5] =	ssyncadd.s32 @!p1 $0xFFFFEC00  }
0xce: {  	[tilespmem:s31], [sflag:$0x5] =	stream.linear.gather [hbm4b:s10+s13], $0x1400, $0x38;
	[tilespmem:$0x1E800] =	vst v63  }
0xcf: {  	_ =	swait.ge [sflag:s30], $0x1400  }
0xd0: {  	[sflag:s30] =	ssyncset.done $0x0  }
0xd1: {  	[sflag:s30] =	ssyncadd.s32 $0xFFFFEC00  }
0xd2: {  	[tilespmem:s29], [sflag:$0x1] =	stream.indirect.gather [hbm4b:s4+s0], $0x80, s13, s0, $0xb8;
	[tilespmem:$0x1E800] =	vst v63  }
0xd3: {  	_ = 	snop  }
0xd4: {  	[tilespmem:s3], [sflag:$0x2] =	stream.indirect.gather [hbm4b:s4+s0], $0x80, s2, s0, $0xb8;
	[tilespmem:$0x1E800] =	vst v63  }
0xd5: {  	_ = 	snop  }
0xd6: {  	[tilespmem:s9], [sflag:$0x3] =	stream.indirect.gather [hbm4b:s4+s0], $0x80, s8, s0, $0xb8;
	[tilespmem:$0x1E800] =	vst v63  }
0xd7: {  	_ = 	snop  }
0xd8: {  	[tilespmem:s17], [sflag:$0x4] =	stream.indirect.gather [hbm4b:s4+s0], $0x80, s12, s0, $0xb8;
	[tilespmem:$0x1E800] =	vst v63  }
0xd9: {  	_ =	swait.ge [sflag:s18], $0x2000  }
0xda: {  	[sflag:s18] =	ssyncset.done $0x0  }
0xdb: {  	s28 =	simm.s32 $0x1400;
	[sflag:s18] =	ssyncadd.s32 $0xFFFFE000  }
0xdc: {  	[spmem:s1] =	stream.indirect.scatter.add.f32 [tilespmem:s29], [sflag:$0x5], $0x80, s28, s0, $0xb8;
	[tilespmem:$0x1E800] =	vst v63  }
0xdd: {  	_ =	swait.ge [sflag:s30], $0x2000  }
0xde: {  	[sflag:s30] =	ssyncset.done $0x0  }
0xdf: {  	s11 =	simm.s32 $0x200;
	[sflag:s30] =	ssyncadd.s32 $0xFFFFE000  }
0xe0: {  	[tilespmem:s29], [sflag:$0x1] =	stream.indirect.gather [hbm4b:s4+s0], $0x80, s11, s0, $0xb8;
	[tilespmem:$0x1E800] =	vst v63  }
0xe1: {  	_ =	swait.ge [sflag:s19], $0x2000  }
0xe2: {  	[sflag:s19] =	ssyncset.done $0x0  }
0xe3: {  	s13 =	simm.s32 $0x1480;
	[sflag:s19] =	ssyncadd.s32 $0xFFFFE000  }
0xe4: {  	[spmem:s1] =	stream.indirect.scatter.add.f32 [tilespmem:s3], [sflag:$0x5], $0x80, s13, s0, $0xb8;
	[tilespmem:$0x1E800] =	vst v63  }
0xe5: {  	_ =	swait.ge [sflag:s30], $0x2000  }
0xe6: {  	[sflag:s30] =	ssyncset.done $0x0  }
0xe7: {  	s28 =	simm.s32 $0x280;
	[sflag:s30] =	ssyncadd.s32 $0xFFFFE000  }
0xe8: {  	[tilespmem:s3], [sflag:$0x2] =	stream.indirect.gather [hbm4b:s4+s0], $0x80, s28, s0, $0xb8;
	[tilespmem:$0x1E800] =	vst v63  }
0xe9: {  	_ =	swait.ge [sflag:s20], $0x2000  }
0xea: {  	[sflag:s20] =	ssyncset.done $0x0  }
0xeb: {  	s11 =	simm.s32 $0x1500;
	[sflag:s20] =	ssyncadd.s32 $0xFFFFE000  }
0xec: {  	[spmem:s1] =	stream.indirect.scatter.add.f32 [tilespmem:s9], [sflag:$0x5], $0x80, s11, s0, $0xb8;
	[tilespmem:$0x1E800] =	vst v63  }
0xed: {  	_ =	swait.ge [sflag:s30], $0x2000  }
0xee: {  	[sflag:s30] =	ssyncset.done $0x0  }
0xef: {  	s13 =	simm.s32 $0x300;
	[sflag:s30] =	ssyncadd.s32 $0xFFFFE000  }
0xf0: {  	[tilespmem:s9], [sflag:$0x3] =	stream.indirect.gather [hbm4b:s4+s0], $0x80, s13, s0, $0xb8;
	[tilespmem:$0x1E800] =	vst v63  }
0xf1: {  	_ =	swait.ge [sflag:s21], $0x2000  }
0xf2: {  	[sflag:s21] =	ssyncset.done $0x0  }
0xf3: {  	s28 =	simm.s32 $0x1580;
	[sflag:s21] =	ssyncadd.s32 $0xFFFFE000  }
0xf4: {  	[spmem:s1] =	stream.indirect.scatter.add.f32 [tilespmem:s17], [sflag:$0x5], $0x80, s28, s0, $0xb8;
	[tilespmem:$0x1E800] =	vst v63  }
0xf5: {  	_ =	swait.ge [sflag:s30], $0x2000  }
0xf6: {  	[sflag:s30] =	ssyncset.done $0x0  }
0xf7: {  	s5 =	simm.s32 $0x380;
	s11 =	simm.s32 $0x800;
	[sflag:s30] =	ssyncadd.s32 $0xFFFFE000  }
.LBB2_6:
0xf8: {  	[tilespmem:s17], [sflag:$0x4] =	stream.indirect.gather [hbm4b:s4+s0], $0x80, s5, s0, $0xb8;
	[tilespmem:$0x1E800] =	vst v63  }
0xf9: {  	s5 =	smov.u32 s11  }
0xfa: {  	p4 =	sne.s32 s11, $0x4000;
	s11 =	sadd.s32 $0x800, s11;
	_ =	swait.ge [sflag:s18], $0x2000  }
0xfb: {  	s5 =	sshra.s32 s5, $0x2;
	[sflag:s18] =	ssyncset.done $0x0  }
0xfc: {  	s13 =	sadd.s32 $0x1400, s5;
	[sflag:s18] =	ssyncadd.s32 $0xFFFFE000  }
0xfd: {  	[spmem:s1] =	stream.indirect.scatter.add.f32 [tilespmem:s29], [sflag:$0x5], $0x80, s13, s0, $0xb8;
	[tilespmem:$0x1E800] =	vst v63  }
0xfe: {  	_ =	swait.ge [sflag:s30], $0x2000  }
0xff: {  	[sflag:s30] =	ssyncset.done $0x0  }
0x100: {  	s13 =	sadd.s32 $0x200, s5;
	[sflag:s30] =	ssyncadd.s32 $0xFFFFE000  }
0x101: {  	[tilespmem:s29], [sflag:$0x1] =	stream.indirect.gather [hbm4b:s4+s0], $0x80, s13, s0, $0xb8;
	[tilespmem:$0x1E800] =	vst v63  }
0x102: {  	_ =	swait.ge [sflag:s19], $0x2000  }
0x103: {  	[sflag:s19] =	ssyncset.done $0x0  }
0x104: {  	s13 =	sadd.s32 $0x1480, s5;
	[sflag:s19] =	ssyncadd.s32 $0xFFFFE000  }
0x105: {  	[spmem:s1] =	stream.indirect.scatter.add.f32 [tilespmem:s3], [sflag:$0x5], $0x80, s13, s0, $0xb8;
	[tilespmem:$0x1E800] =	vst v63  }
0x106: {  	_ =	swait.ge [sflag:s30], $0x2000  }
0x107: {  	[sflag:s30] =	ssyncset.done $0x0  }
0x108: {  	s13 =	sadd.s32 $0x280, s5;
	[sflag:s30] =	ssyncadd.s32 $0xFFFFE000  }
0x109: {  	[tilespmem:s3], [sflag:$0x2] =	stream.indirect.gather [hbm4b:s4+s0], $0x80, s13, s0, $0xb8;
	[tilespmem:$0x1E800] =	vst v63  }
0x10a: {  	_ =	swait.ge [sflag:s20], $0x2000  }
0x10b: {  	[sflag:s20] =	ssyncset.done $0x0  }
0x10c: {  	s13 =	sadd.s32 $0x1500, s5;
	[sflag:s20] =	ssyncadd.s32 $0xFFFFE000  }
0x10d: {  	[spmem:s1] =	stream.indirect.scatter.add.f32 [tilespmem:s9], [sflag:$0x5], $0x80, s13, s0, $0xb8;
	[tilespmem:$0x1E800] =	vst v63  }
0x10e: {  	_ =	swait.ge [sflag:s30], $0x2000  }
0x10f: {  	[sflag:s30] =	ssyncset.done $0x0  }
0x110: {  	s13 =	sadd.s32 $0x300, s5;
	[sflag:s30] =	ssyncadd.s32 $0xFFFFE000  }
0x111: {  	[tilespmem:s9], [sflag:$0x3] =	stream.indirect.gather [hbm4b:s4+s0], $0x80, s13, s0, $0xb8;
	[tilespmem:$0x1E800] =	vst v63  }
0x112: {  	_ =	swait.ge [sflag:s21], $0x2000  }
0x113: {  	[sflag:s21] =	ssyncset.done $0x0  }
.Ltmp2:
0x114: {  	s13 =	sadd.s32 $0x1580, s5;
	[sflag:s21] =	ssyncadd.s32 $0xFFFFE000;
	(pc) =	sbr.rel @p4 .LBB2_6-.Ltmp2, $4  }
0x115: {  	[spmem:s1] =	stream.indirect.scatter.add.f32 [tilespmem:s17], [sflag:$0x5], $0x80, s13, s0, $0xb8;
	[tilespmem:$0x1E800] =	vst v63  }
0x116: {  	_ =	swait.ge [sflag:s30], $0x2000  }
0x117: {  	[sflag:s30] =	ssyncset.done $0x0  }
0x118: {  	s5 =	sadd.s32 $0x380, s5;
	[sflag:s30] =	ssyncadd.s32 $0xFFFFE000  }
0x119: {  	[tilespmem:s17], [sflag:$0x4] =	stream.indirect.gather [hbm4b:s4+s0], $0x80, s5, s0, $0xb8;
	[tilespmem:$0x1E800] =	vst v63  }
0x11a: {  	_ =	swait.ge [sflag:s18], $0x2000  }
0x11b: {  	[sflag:s18] =	ssyncset.done $0x0  }
0x11c: {  	[sflag:s18] =	ssyncadd.s32 $0xFFFFE000  }
0x11d: {  	[spmem:s1] =	stream.indirect.scatter.add.f32 [tilespmem:s29], [sflag:$0x5], $0x80, s22, s0, $0xb8;
	[tilespmem:$0x1E800] =	vst v63  }
0x11e: {  	_ =	swait.ge [sflag:s30], $0x2000  }
0x11f: {  	[sflag:s30] =	ssyncset.done $0x0  }
0x120: {  	[sflag:s30] =	ssyncadd.s32 $0xFFFFE000  }
0x121: {  	_ =	swait.ge [sflag:s19], $0x2000  }
0x122: {  	[sflag:s19] =	ssyncset.done $0x0  }
0x123: {  	[sflag:s19] =	ssyncadd.s32 $0xFFFFE000  }
0x124: {  	[spmem:s1] =	stream.indirect.scatter.add.f32 [tilespmem:s3], [sflag:$0x5], $0x80, s23, s0, $0xb8;
	[tilespmem:$0x1E800] =	vst v63  }
0x125: {  	_ =	swait.ge [sflag:s30], $0x2000  }
0x126: {  	[sflag:s30] =	ssyncset.done $0x0  }
0x127: {  	[sflag:s30] =	ssyncadd.s32 $0xFFFFE000  }
0x128: {  	_ =	swait.ge [sflag:s20], $0x2000  }
0x129: {  	[sflag:s20] =	ssyncset.done $0x0  }
0x12a: {  	[sflag:s20] =	ssyncadd.s32 $0xFFFFE000  }
0x12b: {  	[spmem:s1] =	stream.indirect.scatter.add.f32 [tilespmem:s9], [sflag:$0x5], $0x80, s24, s0, $0xb8;
	[tilespmem:$0x1E800] =	vst v63  }
0x12c: {  	_ =	swait.ge [sflag:s30], $0x2000  }
0x12d: {  	[sflag:s30] =	ssyncset.done $0x0  }
0x12e: {  	[sflag:s30] =	ssyncadd.s32 $0xFFFFE000  }
0x12f: {  	_ =	swait.ge [sflag:s21], $0x2000  }
0x130: {  	[sflag:s21] =	ssyncset.done $0x0  }
0x131: {  	[sflag:s21] =	ssyncadd.s32 $0xFFFFE000  }
0x132: {  	[spmem:s1] =	stream.indirect.scatter.add.f32 [tilespmem:s17], [sflag:$0x5], $0x80, s25, s0, $0xb8;
	[tilespmem:$0x1E800] =	vst v63  }
0x133: {  	_ =	swait.ge [sflag:s30], $0x2000  }
0x134: {  	[sflag:s30] =	ssyncset.done $0x0  }
0x135: {  	s5 =	simm.s32 @!p0 $0x0;
	s11 =	rddreg [dreg:$0x7];
	[sflag:s30] =	ssyncadd.s32 $0xFFFFE000  }
0x136: {  	[tilespmem:s5], [sflag:$0x5] =	stream.linear.gather @!p0 [hbm4b:s11+s5], $0x1400, $0x38;
	[tilespmem:$0x1E800] =	vst v63  }
0x137: {  	s11 =	simm.s32 @!p0 $0x5  }
0x138: {  	_ =	swait.ge @!p0 [sflag:s11], $0x1400  }
0x139: {  	[sflag:s11] =	ssyncset.done @!p0 $0x0  }
0x13a: {  	s13 =	simm.s32 @!p0 $0x1400;
	s28 =	rddreg [dreg:$0x8];
	[sflag:s11] =	ssyncadd.s32 @!p0 $0xFFFFEC00  }
0x13b: {  	[tilespmem:s13], [sflag:$0x5] =	stream.linear.gather @!p0 [hbm4b:s28+s5], $0x1400, $0x38;
	[tilespmem:$0x1E800] =	vst v63  }
0x13c: {  	_ =	swait.ge @!p0 [sflag:s11], $0x1400  }
0x13d: {  	[sflag:s11] =	ssyncset.done @!p0 $0x0  }
0x13e: {  	s5 =	simm.s32 @!p2 $0x0;
	[sflag:s11] =	ssyncadd.s32 @!p0 $0xFFFFEC00;
	s11 =	simm.s32 @!p2 $0x5  }
0x13f: {  	[tilespmem:s5], [sflag:$0x5] =	stream.linear.gather @!p2 [hbm4b:s14+s5], $0x1400, $0x38;
	[tilespmem:$0x1E800] =	vst v63  }
0x140: {  	_ =	swait.ge @!p2 [sflag:s11], $0x1400  }
0x141: {  	[sflag:s11] =	ssyncset.done @!p2 $0x0  }
0x142: {  	s13 =	simm.s32 @!p2 $0x1400;
	[sflag:s11] =	ssyncadd.s32 @!p2 $0xFFFFEC00  }
0x143: {  	[tilespmem:s13], [sflag:$0x5] =	stream.linear.gather @!p2 [hbm4b:s14+s5], $0x1400, $0x38;
	[tilespmem:$0x1E800] =	vst v63  }
0x144: {  	_ =	swait.ge @!p2 [sflag:s11], $0x1400  }
0x145: {  	[sflag:s11] =	ssyncset.done @!p2 $0x0  }
0x146: {  	s13 =	simm.s32 $0x0;
	[sflag:s11] =	ssyncadd.s32 @!p2 $0xFFFFEC00  }
0x147: {  	[tilespmem:s29], [sflag:$0x1] =	stream.indirect.gather [hbm4b:s4+s0], $0x80, s13, s0, $0xb8;
	[tilespmem:$0x1E800] =	vst v63  }
0x148: {  	_ = 	snop  }
0x149: {  	[tilespmem:s3], [sflag:$0x2] =	stream.indirect.gather [hbm4b:s4+s0], $0x80, s2, s0, $0xb8;
	[tilespmem:$0x1E800] =	vst v63  }
0x14a: {  	_ = 	snop  }
0x14b: {  	[tilespmem:s9], [sflag:$0x3] =	stream.indirect.gather [hbm4b:s4+s0], $0x80, s8, s0, $0xb8;
	[tilespmem:$0x1E800] =	vst v63  }
0x14c: {  	_ = 	snop  }
0x14d: {  	[tilespmem:s17], [sflag:$0x4] =	stream.indirect.gather [hbm4b:s4+s0], $0x80, s12, s0, $0xb8;
	[tilespmem:$0x1E800] =	vst v63  }
0x14e: {  	_ =	swait.ge [sflag:s18], $0x2000  }
0x14f: {  	[sflag:s18] =	ssyncset.done $0x0  }
0x150: {  	s28 =	simm.s32 $0x1400;
	[sflag:s18] =	ssyncadd.s32 $0xFFFFE000  }
0x151: {  	[spmem:s1] =	stream.indirect.scatter.add.f32 [tilespmem:s29], [sflag:$0x5], $0x80, s28, s0, $0xb8;
	[tilespmem:$0x1E800] =	vst v63  }
0x152: {  	_ =	swait.ge [sflag:s30], $0x2000  }
0x153: {  	[sflag:s30] =	ssyncset.done $0x0  }
0x154: {  	s11 =	simm.s32 $0x200;
	[sflag:s30] =	ssyncadd.s32 $0xFFFFE000  }
0x155: {  	[tilespmem:s29], [sflag:$0x1] =	stream.indirect.gather [hbm4b:s4+s0], $0x80, s11, s0, $0xb8;
	[tilespmem:$0x1E800] =	vst v63  }
0x156: {  	_ =	swait.ge [sflag:s19], $0x2000  }
0x157: {  	[sflag:s19] =	ssyncset.done $0x0  }
0x158: {  	s13 =	simm.s32 $0x1480;
	[sflag:s19] =	ssyncadd.s32 $0xFFFFE000  }
0x159: {  	[spmem:s1] =	stream.indirect.scatter.add.f32 [tilespmem:s3], [sflag:$0x5], $0x80, s13, s0, $0xb8;
	[tilespmem:$0x1E800] =	vst v63  }
0x15a: {  	_ =	swait.ge [sflag:s30], $0x2000  }
0x15b: {  	[sflag:s30] =	ssyncset.done $0x0  }
0x15c: {  	s28 =	simm.s32 $0x280;
	[sflag:s30] =	ssyncadd.s32 $0xFFFFE000  }
0x15d: {  	[tilespmem:s3], [sflag:$0x2] =	stream.indirect.gather [hbm4b:s4+s0], $0x80, s28, s0, $0xb8;
	[tilespmem:$0x1E800] =	vst v63  }
0x15e: {  	_ =	swait.ge [sflag:s20], $0x2000  }
0x15f: {  	[sflag:s20] =	ssyncset.done $0x0  }
0x160: {  	s11 =	simm.s32 $0x1500;
	[sflag:s20] =	ssyncadd.s32 $0xFFFFE000  }
0x161: {  	[spmem:s1] =	stream.indirect.scatter.add.f32 [tilespmem:s9], [sflag:$0x5], $0x80, s11, s0, $0xb8;
	[tilespmem:$0x1E800] =	vst v63  }
0x162: {  	_ =	swait.ge [sflag:s30], $0x2000  }
0x163: {  	[sflag:s30] =	ssyncset.done $0x0  }
0x164: {  	s13 =	simm.s32 $0x300;
	[sflag:s30] =	ssyncadd.s32 $0xFFFFE000  }
0x165: {  	[tilespmem:s9], [sflag:$0x3] =	stream.indirect.gather [hbm4b:s4+s0], $0x80, s13, s0, $0xb8;
	[tilespmem:$0x1E800] =	vst v63  }
0x166: {  	_ =	swait.ge [sflag:s21], $0x2000  }
0x167: {  	[sflag:s21] =	ssyncset.done $0x0  }
0x168: {  	s28 =	simm.s32 $0x1580;
	[sflag:s21] =	ssyncadd.s32 $0xFFFFE000  }
0x169: {  	[spmem:s1] =	stream.indirect.scatter.add.f32 [tilespmem:s17], [sflag:$0x5], $0x80, s28, s0, $0xb8;
	[tilespmem:$0x1E800] =	vst v63  }
0x16a: {  	_ =	swait.ge [sflag:s30], $0x2000  }
0x16b: {  	[sflag:s30] =	ssyncset.done $0x0  }
0x16c: {  	s5 =	simm.s32 $0x380;
	s11 =	simm.s32 $0x800;
	[sflag:s30] =	ssyncadd.s32 $0xFFFFE000  }
.LBB2_8:
0x16d: {  	[tilespmem:s17], [sflag:$0x4] =	stream.indirect.gather [hbm4b:s4+s0], $0x80, s5, s0, $0xb8;
	[tilespmem:$0x1E800] =	vst v63  }
0x16e: {  	s5 =	smov.u32 s11  }
0x16f: {  	p4 =	sne.s32 s11, $0x4000;
	s11 =	sadd.s32 $0x800, s11;
	_ =	swait.ge [sflag:s18], $0x2000  }
0x170: {  	s5 =	sshra.s32 s5, $0x2;
	[sflag:s18] =	ssyncset.done $0x0  }
0x171: {  	s13 =	sadd.s32 $0x1400, s5;
	[sflag:s18] =	ssyncadd.s32 $0xFFFFE000  }
0x172: {  	[spmem:s1] =	stream.indirect.scatter.add.f32 [tilespmem:s29], [sflag:$0x5], $0x80, s13, s0, $0xb8;
	[tilespmem:$0x1E800] =	vst v63  }
0x173: {  	_ =	swait.ge [sflag:s30], $0x2000  }
0x174: {  	[sflag:s30] =	ssyncset.done $0x0  }
0x175: {  	s13 =	sadd.s32 $0x200, s5;
	[sflag:s30] =	ssyncadd.s32 $0xFFFFE000  }
0x176: {  	[tilespmem:s29], [sflag:$0x1] =	stream.indirect.gather [hbm4b:s4+s0], $0x80, s13, s0, $0xb8;
	[tilespmem:$0x1E800] =	vst v63  }
0x177: {  	_ =	swait.ge [sflag:s19], $0x2000  }
0x178: {  	[sflag:s19] =	ssyncset.done $0x0  }
0x179: {  	s13 =	sadd.s32 $0x1480, s5;
	[sflag:s19] =	ssyncadd.s32 $0xFFFFE000  }
0x17a: {  	[spmem:s1] =	stream.indirect.scatter.add.f32 [tilespmem:s3], [sflag:$0x5], $0x80, s13, s0, $0xb8;
	[tilespmem:$0x1E800] =	vst v63  }
0x17b: {  	_ =	swait.ge [sflag:s30], $0x2000  }
0x17c: {  	[sflag:s30] =	ssyncset.done $0x0  }
0x17d: {  	s13 =	sadd.s32 $0x280, s5;
	[sflag:s30] =	ssyncadd.s32 $0xFFFFE000  }
0x17e: {  	[tilespmem:s3], [sflag:$0x2] =	stream.indirect.gather [hbm4b:s4+s0], $0x80, s13, s0, $0xb8;
	[tilespmem:$0x1E800] =	vst v63  }
0x17f: {  	_ =	swait.ge [sflag:s20], $0x2000  }
0x180: {  	[sflag:s20] =	ssyncset.done $0x0  }
0x181: {  	s13 =	sadd.s32 $0x1500, s5;
	[sflag:s20] =	ssyncadd.s32 $0xFFFFE000  }
0x182: {  	[spmem:s1] =	stream.indirect.scatter.add.f32 [tilespmem:s9], [sflag:$0x5], $0x80, s13, s0, $0xb8;
	[tilespmem:$0x1E800] =	vst v63  }
0x183: {  	_ =	swait.ge [sflag:s30], $0x2000  }
0x184: {  	[sflag:s30] =	ssyncset.done $0x0  }
0x185: {  	s13 =	sadd.s32 $0x300, s5;
	[sflag:s30] =	ssyncadd.s32 $0xFFFFE000  }
0x186: {  	[tilespmem:s9], [sflag:$0x3] =	stream.indirect.gather [hbm4b:s4+s0], $0x80, s13, s0, $0xb8;
	[tilespmem:$0x1E800] =	vst v63  }
0x187: {  	_ =	swait.ge [sflag:s21], $0x2000  }
0x188: {  	[sflag:s21] =	ssyncset.done $0x0  }
.Ltmp3:
0x189: {  	s13 =	sadd.s32 $0x1580, s5;
	[sflag:s21] =	ssyncadd.s32 $0xFFFFE000;
	(pc) =	sbr.rel @p4 .LBB2_8-.Ltmp3, $4  }
0x18a: {  	[spmem:s1] =	stream.indirect.scatter.add.f32 [tilespmem:s17], [sflag:$0x5], $0x80, s13, s0, $0xb8;
	[tilespmem:$0x1E800] =	vst v63  }
0x18b: {  	_ =	swait.ge [sflag:s30], $0x2000  }
0x18c: {  	[sflag:s30] =	ssyncset.done $0x0  }
0x18d: {  	s5 =	sadd.s32 $0x380, s5;
	[sflag:s30] =	ssyncadd.s32 $0xFFFFE000  }
0x18e: {  	[tilespmem:s17], [sflag:$0x4] =	stream.indirect.gather [hbm4b:s4+s0], $0x80, s5, s0, $0xb8;
	[tilespmem:$0x1E800] =	vst v63  }
0x18f: {  	_ =	swait.ge [sflag:s18], $0x2000  }
0x190: {  	[sflag:s18] =	ssyncset.done $0x0  }
0x191: {  	[sflag:s18] =	ssyncadd.s32 $0xFFFFE000  }
0x192: {  	[spmem:s1] =	stream.indirect.scatter.add.f32 [tilespmem:s29], [sflag:$0x5], $0x80, s22, s0, $0xb8;
	[tilespmem:$0x1E800] =	vst v63  }
0x193: {  	_ =	swait.ge [sflag:s30], $0x2000  }
0x194: {  	[sflag:s30] =	ssyncset.done $0x0  }
0x195: {  	[sflag:s30] =	ssyncadd.s32 $0xFFFFE000  }
0x196: {  	_ =	swait.ge [sflag:s19], $0x2000  }
0x197: {  	[sflag:s19] =	ssyncset.done $0x0  }
0x198: {  	[sflag:s19] =	ssyncadd.s32 $0xFFFFE000  }
0x199: {  	[spmem:s1] =	stream.indirect.scatter.add.f32 [tilespmem:s3], [sflag:$0x5], $0x80, s23, s0, $0xb8;
	[tilespmem:$0x1E800] =	vst v63  }
0x19a: {  	_ =	swait.ge [sflag:s30], $0x2000  }
0x19b: {  	[sflag:s30] =	ssyncset.done $0x0  }
0x19c: {  	[sflag:s30] =	ssyncadd.s32 $0xFFFFE000  }
0x19d: {  	_ =	swait.ge [sflag:s20], $0x2000  }
0x19e: {  	[sflag:s20] =	ssyncset.done $0x0  }
0x19f: {  	[sflag:s20] =	ssyncadd.s32 $0xFFFFE000  }
0x1a0: {  	[spmem:s1] =	stream.indirect.scatter.add.f32 [tilespmem:s9], [sflag:$0x5], $0x80, s24, s0, $0xb8;
	[tilespmem:$0x1E800] =	vst v63  }
0x1a1: {  	_ =	swait.ge [sflag:s30], $0x2000  }
0x1a2: {  	[sflag:s30] =	ssyncset.done $0x0  }
0x1a3: {  	[sflag:s30] =	ssyncadd.s32 $0xFFFFE000  }
0x1a4: {  	_ =	swait.ge [sflag:s21], $0x2000  }
0x1a5: {  	[sflag:s21] =	ssyncset.done $0x0  }
0x1a6: {  	[sflag:s21] =	ssyncadd.s32 $0xFFFFE000  }
0x1a7: {  	[spmem:s1] =	stream.indirect.scatter.add.f32 [tilespmem:s17], [sflag:$0x5], $0x80, s25, s0, $0xb8;
	[tilespmem:$0x1E800] =	vst v63  }
0x1a8: {  	_ =	swait.ge [sflag:s30], $0x2000  }
0x1a9: {  	[sflag:s30] =	ssyncset.done $0x0  }
0x1aa: {  	s5 =	simm.s32 @p3 $0x0;
	[sflag:s30] =	ssyncadd.s32 $0xFFFFE000  }
0x1ab: {  	[tilespmem:s5], [sflag:$0x5] =	stream.linear.gather @p3 [hbm4b:s15+s5], $0x1400, $0x38;
	[tilespmem:$0x1E800] =	vst v63  }
0x1ac: {  	s5 =	simm.s32 @p3 $0x5  }
0x1ad: {  	_ =	swait.ge @p3 [sflag:s5], $0x1400  }
0x1ae: {  	[sflag:s5] =	ssyncset.done @p3 $0x0  }
0x1af: {  	s11 =	rddreg [dreg:$0x9];
	[sflag:s5] =	ssyncadd.s32 @p3 $0xFFFFEC00;
	s5 =	simm.s32 @!p3 $0x0  }
0x1b0: {  	[tilespmem:s5], [sflag:$0x5] =	stream.linear.gather @!p3 [hbm4b:s11+s5], $0x1400, $0x38;
	[tilespmem:$0x1E800] =	vst v63  }
0x1b1: {  	s5 =	simm.s32 @!p3 $0x5  }
0x1b2: {  	_ =	swait.ge @!p3 [sflag:s5], $0x1400  }
0x1b3: {  	[sflag:s5] =	ssyncset.done @!p3 $0x0  }
0x1b4: {  	s13 =	simm.s32 $0x0;
	[sflag:s5] =	ssyncadd.s32 @!p3 $0xFFFFEC00  }
0x1b5: {  	[tilespmem:s31], [sflag:$0x5] =	stream.linear.gather [hbm4b:s16+s13], $0x1400, $0x38;
	[tilespmem:$0x1E800] =	vst v63  }
0x1b6: {  	_ =	swait.ge [sflag:s30], $0x1400  }
0x1b7: {  	[sflag:s30] =	ssyncset.done $0x0  }
0x1b8: {  	[sflag:s30] =	ssyncadd.s32 $0xFFFFEC00  }
0x1b9: {  	[tilespmem:s29], [sflag:$0x1] =	stream.indirect.gather [hbm4b:s4+s0], $0x80, s13, s0, $0xb8;
	[tilespmem:$0x1E800] =	vst v63  }
0x1ba: {  	_ = 	snop  }
0x1bb: {  	[tilespmem:s3], [sflag:$0x2] =	stream.indirect.gather [hbm4b:s4+s0], $0x80, s2, s0, $0xb8;
	[tilespmem:$0x1E800] =	vst v63  }
0x1bc: {  	_ = 	snop  }
0x1bd: {  	[tilespmem:s9], [sflag:$0x3] =	stream.indirect.gather [hbm4b:s4+s0], $0x80, s8, s0, $0xb8;
	[tilespmem:$0x1E800] =	vst v63  }
0x1be: {  	_ = 	snop  }
0x1bf: {  	[tilespmem:s17], [sflag:$0x4] =	stream.indirect.gather [hbm4b:s4+s0], $0x80, s12, s0, $0xb8;
	[tilespmem:$0x1E800] =	vst v63  }
0x1c0: {  	_ =	swait.ge [sflag:s18], $0x2000  }
0x1c1: {  	[sflag:s18] =	ssyncset.done $0x0  }
0x1c2: {  	s28 =	simm.s32 $0x1400;
	[sflag:s18] =	ssyncadd.s32 $0xFFFFE000  }
0x1c3: {  	[spmem:s1] =	stream.indirect.scatter.add.f32 [tilespmem:s29], [sflag:$0x5], $0x80, s28, s0, $0xb8;
	[tilespmem:$0x1E800] =	vst v63  }
0x1c4: {  	_ =	swait.ge [sflag:s30], $0x2000  }
0x1c5: {  	[sflag:s30] =	ssyncset.done $0x0  }
0x1c6: {  	s11 =	simm.s32 $0x200;
	[sflag:s30] =	ssyncadd.s32 $0xFFFFE000  }
0x1c7: {  	[tilespmem:s29], [sflag:$0x1] =	stream.indirect.gather [hbm4b:s4+s0], $0x80, s11, s0, $0xb8;
	[tilespmem:$0x1E800] =	vst v63  }
0x1c8: {  	_ =	swait.ge [sflag:s19], $0x2000  }
0x1c9: {  	[sflag:s19] =	ssyncset.done $0x0  }
0x1ca: {  	s13 =	simm.s32 $0x1480;
	[sflag:s19] =	ssyncadd.s32 $0xFFFFE000  }
0x1cb: {  	[spmem:s1] =	stream.indirect.scatter.add.f32 [tilespmem:s3], [sflag:$0x5], $0x80, s13, s0, $0xb8;
	[tilespmem:$0x1E800] =	vst v63  }
0x1cc: {  	_ =	swait.ge [sflag:s30], $0x2000  }
0x1cd: {  	[sflag:s30] =	ssyncset.done $0x0  }
0x1ce: {  	s28 =	simm.s32 $0x280;
	[sflag:s30] =	ssyncadd.s32 $0xFFFFE000  }
0x1cf: {  	[tilespmem:s3], [sflag:$0x2] =	stream.indirect.gather [hbm4b:s4+s0], $0x80, s28, s0, $0xb8;
	[tilespmem:$0x1E800] =	vst v63  }
0x1d0: {  	_ =	swait.ge [sflag:s20], $0x2000  }
0x1d1: {  	[sflag:s20] =	ssyncset.done $0x0  }
0x1d2: {  	s11 =	simm.s32 $0x1500;
	[sflag:s20] =	ssyncadd.s32 $0xFFFFE000  }
0x1d3: {  	[spmem:s1] =	stream.indirect.scatter.add.f32 [tilespmem:s9], [sflag:$0x5], $0x80, s11, s0, $0xb8;
	[tilespmem:$0x1E800] =	vst v63  }
0x1d4: {  	_ =	swait.ge [sflag:s30], $0x2000  }
0x1d5: {  	[sflag:s30] =	ssyncset.done $0x0  }
0x1d6: {  	s13 =	simm.s32 $0x300;
	[sflag:s30] =	ssyncadd.s32 $0xFFFFE000  }
0x1d7: {  	[tilespmem:s9], [sflag:$0x3] =	stream.indirect.gather [hbm4b:s4+s0], $0x80, s13, s0, $0xb8;
	[tilespmem:$0x1E800] =	vst v63  }
0x1d8: {  	_ =	swait.ge [sflag:s21], $0x2000  }
0x1d9: {  	[sflag:s21] =	ssyncset.done $0x0  }
0x1da: {  	s28 =	simm.s32 $0x1580;
	[sflag:s21] =	ssyncadd.s32 $0xFFFFE000  }
0x1db: {  	[spmem:s1] =	stream.indirect.scatter.add.f32 [tilespmem:s17], [sflag:$0x5], $0x80, s28, s0, $0xb8;
	[tilespmem:$0x1E800] =	vst v63  }
0x1dc: {  	_ =	swait.ge [sflag:s30], $0x2000  }
0x1dd: {  	[sflag:s30] =	ssyncset.done $0x0  }
0x1de: {  	s5 =	simm.s32 $0x380;
	s11 =	simm.s32 $0x800;
	[sflag:s30] =	ssyncadd.s32 $0xFFFFE000  }
.LBB2_10:
0x1df: {  	[tilespmem:s17], [sflag:$0x4] =	stream.indirect.gather [hbm4b:s4+s0], $0x80, s5, s0, $0xb8;
	[tilespmem:$0x1E800] =	vst v63  }
0x1e0: {  	s5 =	smov.u32 s11  }
0x1e1: {  	p4 =	sne.s32 s11, $0x4000;
	s11 =	sadd.s32 $0x800, s11;
	_ =	swait.ge [sflag:s18], $0x2000  }
0x1e2: {  	s5 =	sshra.s32 s5, $0x2;
	[sflag:s18] =	ssyncset.done $0x0  }
0x1e3: {  	s13 =	sadd.s32 $0x1400, s5;
	[sflag:s18] =	ssyncadd.s32 $0xFFFFE000  }
0x1e4: {  	[spmem:s1] =	stream.indirect.scatter.add.f32 [tilespmem:s29], [sflag:$0x5], $0x80, s13, s0, $0xb8;
	[tilespmem:$0x1E800] =	vst v63  }
0x1e5: {  	_ =	swait.ge [sflag:s30], $0x2000  }
0x1e6: {  	[sflag:s30] =	ssyncset.done $0x0  }
0x1e7: {  	s13 =	sadd.s32 $0x200, s5;
	[sflag:s30] =	ssyncadd.s32 $0xFFFFE000  }
0x1e8: {  	[tilespmem:s29], [sflag:$0x1] =	stream.indirect.gather [hbm4b:s4+s0], $0x80, s13, s0, $0xb8;
	[tilespmem:$0x1E800] =	vst v63  }
0x1e9: {  	_ =	swait.ge [sflag:s19], $0x2000  }
0x1ea: {  	[sflag:s19] =	ssyncset.done $0x0  }
0x1eb: {  	s13 =	sadd.s32 $0x1480, s5;
	[sflag:s19] =	ssyncadd.s32 $0xFFFFE000  }
0x1ec: {  	[spmem:s1] =	stream.indirect.scatter.add.f32 [tilespmem:s3], [sflag:$0x5], $0x80, s13, s0, $0xb8;
	[tilespmem:$0x1E800] =	vst v63  }
0x1ed: {  	_ =	swait.ge [sflag:s30], $0x2000  }
0x1ee: {  	[sflag:s30] =	ssyncset.done $0x0  }
0x1ef: {  	s13 =	sadd.s32 $0x280, s5;
	[sflag:s30] =	ssyncadd.s32 $0xFFFFE000  }
0x1f0: {  	[tilespmem:s3], [sflag:$0x2] =	stream.indirect.gather [hbm4b:s4+s0], $0x80, s13, s0, $0xb8;
	[tilespmem:$0x1E800] =	vst v63  }
0x1f1: {  	_ =	swait.ge [sflag:s20], $0x2000  }
0x1f2: {  	[sflag:s20] =	ssyncset.done $0x0  }
0x1f3: {  	s13 =	sadd.s32 $0x1500, s5;
	[sflag:s20] =	ssyncadd.s32 $0xFFFFE000  }
0x1f4: {  	[spmem:s1] =	stream.indirect.scatter.add.f32 [tilespmem:s9], [sflag:$0x5], $0x80, s13, s0, $0xb8;
	[tilespmem:$0x1E800] =	vst v63  }
0x1f5: {  	_ =	swait.ge [sflag:s30], $0x2000  }
0x1f6: {  	[sflag:s30] =	ssyncset.done $0x0  }
0x1f7: {  	s13 =	sadd.s32 $0x300, s5;
	[sflag:s30] =	ssyncadd.s32 $0xFFFFE000  }
0x1f8: {  	[tilespmem:s9], [sflag:$0x3] =	stream.indirect.gather [hbm4b:s4+s0], $0x80, s13, s0, $0xb8;
	[tilespmem:$0x1E800] =	vst v63  }
0x1f9: {  	_ =	swait.ge [sflag:s21], $0x2000  }
0x1fa: {  	[sflag:s21] =	ssyncset.done $0x0  }
.Ltmp4:
0x1fb: {  	s13 =	sadd.s32 $0x1580, s5;
	[sflag:s21] =	ssyncadd.s32 $0xFFFFE000;
	(pc) =	sbr.rel @p4 .LBB2_10-.Ltmp4, $4  }
0x1fc: {  	[spmem:s1] =	stream.indirect.scatter.add.f32 [tilespmem:s17], [sflag:$0x5], $0x80, s13, s0, $0xb8;
	[tilespmem:$0x1E800] =	vst v63  }
0x1fd: {  	_ =	swait.ge [sflag:s30], $0x2000  }
0x1fe: {  	[sflag:s30] =	ssyncset.done $0x0  }
0x1ff: {  	s5 =	sadd.s32 $0x380, s5;
	[sflag:s30] =	ssyncadd.s32 $0xFFFFE000  }
0x200: {  	[tilespmem:s17], [sflag:$0x4] =	stream.indirect.gather [hbm4b:s4+s0], $0x80, s5, s0, $0xb8;
	[tilespmem:$0x1E800] =	vst v63  }
0x201: {  	_ =	swait.ge [sflag:s18], $0x2000  }
0x202: {  	[sflag:s18] =	ssyncset.done $0x0  }
0x203: {  	[sflag:s18] =	ssyncadd.s32 $0xFFFFE000  }
0x204: {  	[spmem:s1] =	stream.indirect.scatter.add.f32 [tilespmem:s29], [sflag:$0x5], $0x80, s22, s0, $0xb8;
	[tilespmem:$0x1E800] =	vst v63  }
0x205: {  	_ =	swait.ge [sflag:s30], $0x2000  }
0x206: {  	[sflag:s30] =	ssyncset.done $0x0  }
0x207: {  	[sflag:s30] =	ssyncadd.s32 $0xFFFFE000  }
0x208: {  	_ =	swait.ge [sflag:s19], $0x2000  }
0x209: {  	[sflag:s19] =	ssyncset.done $0x0  }
0x20a: {  	[sflag:s19] =	ssyncadd.s32 $0xFFFFE000  }
0x20b: {  	[spmem:s1] =	stream.indirect.scatter.add.f32 [tilespmem:s3], [sflag:$0x5], $0x80, s23, s0, $0xb8;
	[tilespmem:$0x1E800] =	vst v63  }
0x20c: {  	_ =	swait.ge [sflag:s30], $0x2000  }
0x20d: {  	[sflag:s30] =	ssyncset.done $0x0  }
0x20e: {  	[sflag:s30] =	ssyncadd.s32 $0xFFFFE000  }
0x20f: {  	_ =	swait.ge [sflag:s20], $0x2000  }
0x210: {  	[sflag:s20] =	ssyncset.done $0x0  }
0x211: {  	[sflag:s20] =	ssyncadd.s32 $0xFFFFE000  }
0x212: {  	[spmem:s1] =	stream.indirect.scatter.add.f32 [tilespmem:s9], [sflag:$0x5], $0x80, s24, s0, $0xb8;
	[tilespmem:$0x1E800] =	vst v63  }
0x213: {  	_ =	swait.ge [sflag:s30], $0x2000  }
0x214: {  	[sflag:s30] =	ssyncset.done $0x0  }
0x215: {  	[sflag:s30] =	ssyncadd.s32 $0xFFFFE000  }
0x216: {  	_ =	swait.ge [sflag:s21], $0x2000  }
0x217: {  	[sflag:s21] =	ssyncset.done $0x0  }
0x218: {  	[sflag:s21] =	ssyncadd.s32 $0xFFFFE000  }
0x219: {  	[spmem:s1] =	stream.indirect.scatter.add.f32 [tilespmem:s17], [sflag:$0x5], $0x80, s25, s0, $0xb8;
	[tilespmem:$0x1E800] =	vst v63  }
0x21a: {  	_ =	swait.ge [sflag:s30], $0x2000  }
0x21b: {  	[sflag:s30] =	ssyncset.done $0x0  }
0x21c: {  	s13 =	stileid.u32;
	[sflag:s30] =	ssyncadd.s32 $0xFFFFE000  }
0x21d: {  	s5 =	sshll.u32 s13, $0x6;
	[bflag:$0x0] =	sbarrier.arrive $0xFFFF  }
0x21e: {  	s11 =	sshrl.u32 s7, $0x3;
	s5 =	sor.u32 $0x1C05, s5;
	s13 =	rddreg [dreg:$0xa]  }
0x21f: {  	[hbm:s13], [sflag:s5] =	dma.local [spmem:s11], $0x2800  }
0x220: {  	_ =	swait.ge [sflag:s30], $0x2800  }
0x221: {  	s26 =	sadd.s32 $0x1, s26;
	s28 =	rddreg [dreg:$0xb]  }
0x222: {  	p4 =	sne.s32 s26, s28  }
.Ltmp5:
0x223: {  	_ = 	snop;
	(pc) =	sbr.rel @p4 .LBB2_1-.Ltmp5, $3  }
0x224: {  	_ =	sdelay $0x1  }
0x225: {  	[sflag:s30] =	ssyncset.done $0x0  }
0x226: {  	[sflag:s30] =	ssyncadd.s32 $0xFFFFD800  }
0x227: {  	_ =	sfence.sel $0x180000  }
0x228: {  	[bflag:$0x0] =	sbarrier.arrive $0xFFFF  }
0x229: {  	_ =	strace $0x9000004A  }
0x22a: {  	s0 =	stileid.u32;
	[bflag:$0x2] =	sbarrier.arrive $0xFFFF  }
0x22b: {  	p0 =	sne.s32 s0, $0x0;
	s0 =	rddreg [dreg:$0x3]  }
0x22c: {  	s0 =	sadd.s32 @!p0 $0x100000, s0  }
0x22d: {  	[sflag:s0] =	ssyncadd.tile.s32 @!p0 $0x1;
	_ =	shalt  }
.Lfunc_end2:
_tile_overlayer_lowered:
.L_overlay_start_2:
0x22e: {  	(tag) =	ssettag $0x2  }
0x22f: {  	s0 =	rddreg [dreg:$0x0];
	s2 =	stileid.u32  }
0x230: {  	s1 =	rddreg [dreg:$0x1];
	p0 =	sne.s32 s2, $0x0  }
0x231: {  	s3 =	rddreg [dreg:$0x2];
	[bflag:$0x3] =	sbarrier.arrive $0xFFFF;
	s2 =	simm.s32 @!p0 $0x1C05  }
0x232: {  	[timem:s3], [sflag:s2] =	dma.local @!p0 [hbm:s0], s1  }
0x233: {  	s0 =	simm.s32 @!p0 $0x5  }
0x234: {  	_ =	swait.ge @!p0 [sflag:s0], s1  }
0x235: {  	s1 =	ssub.s32 @!p0 $0x0, s1;
	[sflag:s0] =	ssyncset.done @!p0 $0x0  }
0x236: {  	[sflag:s0] =	ssyncadd.s32 @!p0 s1  }
0x237: {  	[bflag:$0x3] =	sbarrier.arrive $0xFFFF  }
0x238: {  	_ =	shalt  }

// kernel: kernel.14.cloned.1.call-start
scs
__scs_entry_jumppad:
0x0: {  	(pc) =	sbr.rel $0x88, $3  }
0x1: {  	(tag) =	ssettag $0x0;
	lr =	simm.s32 $0x1  }
0x2: {  	[smem:$0x3F9B] =	sst lr;
	_ =	strace $0xD0000000  }
0x3: {  	_ = 	snop  }
0x4: {  	_ = 	snop  }
0x5: {  	_ = 	snop  }
0x6: {  	_ = 	snop  }
0x7: {  	_ = 	snop  }
__scs_overlays_trampoline_lowered:
0x8: {  	[smem:$0x3FAA] =	sst s0  }
0x9: {  	[smem:$0x3FAB] =	sst s1  }
0xa: {  	[smem:$0x3FAC] =	sst s2  }
0xb: {  	[smem:$0x3FAD] =	sst s3  }
0xc: {  	[smem:$0x3FAE] =	sst s4  }
0xd: {  	[smem:$0x3FAF] =	sst s5  }
0xe: {  	[smem:$0x3FB0] =	sst s6  }
0xf: {  	[smem:$0x3FB1] =	sst s7  }
0x10: {  	[smem:$0x3FB2] =	sst s8  }
0x11: {  	[smem:$0x3FB3] =	sst s9;
	s0 =	simm.s32 @!p0 $0x0  }
0x12: {  	s1 =	sld [smem:$0x3F99];
	s0 =	simm.s32 @p0 $0x1  }
0x13: {  	[smem:$0x3FB4] =	sst s0;
	s0 =	simm.s32 @!p1 $0x0  }
0x14: {  	s2 =	sld [smem:$0x3F98];
	s0 =	simm.s32 @p1 $0x1  }
0x15: {  	[smem:$0x3FB5] =	sst s0;
	s0 =	simm.s32 @!p2 $0x0  }
0x16: {  	s3 =	sld [smem:$0x3FDB];
	s0 =	simm.s32 @p2 $0x1  }
0x17: {  	s4 =	simm.s32 $0x1BF5;
	[smem:$0x3FB7] =	sst s0  }
0x18: {  	s0 =	sld [smem:$0x3F9A];
	_ =	swait.ge [sflag:s4], $0x0  }
0x19: {  	s7 =	sld [smem:$0x3F9B]  }
0x1a: {  	s8 =	sadd.s32 $0xFFFFE003, lr  }
0x1b: {  	s9 =	sadd.s32 $0xFFFFFEF7, lr;
	s5 =	simm.s32 $0xFFFFFFFF;
	p2 =	slt.u32 s8, $0xFFFFF086  }
0x1c: {  	p1 =	slt.u32 s9, $0xF7A;
	s5 =	simm.s32 @!p2 $0x0  }
0x1d: {  	s5 =	simm.s32 @p1 $0x1;
	p0 =	seq.s32 s7, s2  }
0x1e: {  	s7 =	smul.u32 @!p0 $0xF7A, s2;
	p2 =	seq.s32 @!p0 s5, $0x0  }
0x1f: {  	s9 =	smul.u32 $0xF7A, s1;
	s8 =	simm.s32 @!p0 $0x1BF5;
	p2 =	por !p2, p0  }
0x20: {  	[sflag:s8] =	ssyncset.s32 @!p0 $0xFFFFF086;
	s6 =	sadd.s32 @!p0 s3, s7;
	s7 =	simm.s32 @!p0 $0x108  }
0x21: {  	s3 =	sadd.s32 s3, s9;
	s6 =	sadd.s32 @!p0 $0x88, s6;
	s7 =	simm.s32 @p2 $0x1082  }
0x22: {  	[simem:s7], [sflag:s8] =	dma.local @!p0 [hbm:s6], $0xF7A  }
0x23: {  	s9 =	sor.u32 $0xD0000000, s2;
	s6 =	simm.s32 $0x108;
	_ =	swait.ge @!p0 [sflag:s8], $0x0  }
0x24: {  	s3 =	sadd.s32 $0x88, s3;
	s6 =	simm.s32 @!p1 $0x1082;
	[sflag:s4] =	ssyncset.s32 $0xFFFFF086  }
0x25: {  	[simem:s6], [sflag:s4] =	dma.local [hbm:s3], $0xF7A  }
0x26: {  	[smem:$0x3F9B] =	sst s1;
	(tag) =	ssettag s2;
	_ =	strace s9  }
0x27: {  	s1 =	sld [smem:$0x3FAB]  }
0x28: {  	s2 =	sld [smem:$0x3FAC]  }
0x29: {  	s4 =	sld [smem:$0x3FAE]  }
0x2a: {  	p0 =	seq.s32 s5, $0x0;
	s5 =	sld [smem:$0x3FAF]  }
0x2b: {  	s6 =	sld [smem:$0x3FB0]  }
0x2c: {  	s7 =	sld [smem:$0x3FB1]  }
0x2d: {  	s3 =	simm.s32 $0x108;
	s8 =	sld [smem:$0x3FB2]  }
0x2e: {  	s3 =	simm.s32 @!p0 $0x1082;
	s9 =	sld [smem:$0x3FB3]  }
0x2f: {  	lr =	sadd.s32 s0, s3;
	s0 =	sld [smem:$0x3FAA]  }
0x30: {  	s3 =	sld [smem:$0x3FAD]  }
0x31: {  	[smem:$0x3FB6] =	sst s10  }
0x32: {  	s10 =	sld [smem:$0x3FB4];
	_ =	sdelay $0x3  }
0x33: {  	p0 =	seq.s32 s10, $0x1;
	s10 =	sld [smem:$0x3FB6];
	_ =	sdelay $0x3  }
0x34: {  	[smem:$0x3FB6] =	sst s10  }
0x35: {  	s10 =	sld [smem:$0x3FB5];
	_ =	sdelay $0x3  }
0x36: {  	p1 =	seq.s32 s10, $0x1;
	s10 =	sld [smem:$0x3FB6];
	_ =	sdelay $0x3  }
0x37: {  	[smem:$0x3FB6] =	sst s10  }
0x38: {  	s10 =	sld [smem:$0x3FB7]  }
0x39: {  	_ = 	snop;
	(pc) =	sbr.ind lr, $3  }
0x3a: {  	_ = 	snop  }
0x3b: {  	_ = 	snop  }
0x3c: {  	p2 =	seq.s32 s10, $0x1;
	s10 =	sld [smem:$0x3FB6]  }
0x3d: {  	_ =	shalt  }
0x3e: {  	_ =	shalt  }
0x3f: {  	_ =	shalt  }
0x40: {  	_ =	shalt  }
0x41: {  	_ =	shalt  }
0x42: {  	_ =	shalt  }
0x43: {  	_ =	shalt  }
0x44: {  	_ =	shalt  }
0x45: {  	_ =	shalt  }
0x46: {  	_ =	shalt  }
0x47: {  	_ =	shalt  }
0x48: {  	_ =	shalt  }
0x49: {  	_ =	shalt  }
0x4a: {  	_ =	shalt  }
0x4b: {  	_ =	shalt  }
0x4c: {  	_ =	shalt  }
0x4d: {  	_ =	shalt  }
0x4e: {  	_ =	shalt  }
0x4f: {  	_ =	shalt  }
0x50: {  	_ =	shalt  }
0x51: {  	_ =	shalt  }
0x52: {  	_ =	shalt  }
0x53: {  	_ =	shalt  }
0x54: {  	_ =	shalt  }
0x55: {  	_ =	shalt  }
0x56: {  	_ =	shalt  }
0x57: {  	_ =	shalt  }
0x58: {  	_ =	shalt  }
0x59: {  	_ =	shalt  }
0x5a: {  	_ =	shalt  }
0x5b: {  	_ =	shalt  }
0x5c: {  	_ =	shalt  }
0x5d: {  	_ =	shalt  }
0x5e: {  	_ =	shalt  }
0x5f: {  	_ =	shalt  }
0x60: {  	_ =	shalt  }
0x61: {  	_ =	shalt  }
0x62: {  	_ =	shalt  }
0x63: {  	_ =	shalt  }
0x64: {  	_ =	shalt  }
0x65: {  	_ =	shalt  }
0x66: {  	_ =	shalt  }
0x67: {  	_ =	shalt  }
0x68: {  	_ =	shalt  }
0x69: {  	_ =	shalt  }
0x6a: {  	_ =	shalt  }
0x6b: {  	_ =	shalt  }
0x6c: {  	_ =	shalt  }
0x6d: {  	_ =	shalt  }
0x6e: {  	_ =	shalt  }
0x6f: {  	_ =	shalt  }
0x70: {  	_ =	shalt  }
0x71: {  	_ =	shalt  }
0x72: {  	_ =	shalt  }
0x73: {  	_ =	shalt  }
0x74: {  	_ =	shalt  }
0x75: {  	_ =	shalt  }
0x76: {  	_ =	shalt  }
0x77: {  	_ =	shalt  }
0x78: {  	_ =	shalt  }
0x79: {  	_ =	shalt  }
0x7a: {  	_ =	shalt  }
0x7b: {  	_ =	shalt  }
0x7c: {  	_ =	shalt  }
0x7d: {  	_ =	shalt  }
0x7e: {  	_ =	shalt  }
0x7f: {  	_ =	shalt  }
0x80: {  	_ =	shalt  }
0x81: {  	_ =	shalt  }
0x82: {  	_ =	shalt  }
0x83: {  	_ =	shalt  }
0x84: {  	_ =	shalt  }
0x85: {  	_ =	shalt  }
0x86: {  	_ =	shalt  }
0x87: {  	_ =	shalt  }
.Lfunc_end0:
.L_simem_size_0:
called_computation.2_lowered:
.L_overlay_start_0:
0x88: {  	s2 =	sld [smem:$0x3FD9]  }
0x89: {  	s3 =	sld [smem:$0x3FFE];
	_ =	sdelay $0x1  }
0x8a: {  	s1 =	srdreg.scid  }
0x8b: {  	s0 =	sand.u32 $0x1, s1  }
0x8c: {  	s17 =	sshll.u32 s0, $0xA;
	s2 =	sadd.s32 s3, s2  }
0x8d: {  	s2 =	sadd.s32 s2, s17  }
0x8e: {  	[smem:$0x3FC2] =	sst s2  }
0x8f: {  	_ = 	snop  }
0x90: {  	s2 =	sld [smem:$0x3FD0];
	(tm) =	ssettm $0x1  }
0x91: {  	s18 =	sld [smem:$0x3FFB];
	_ =	sdelay $0x3  }
0x92: {  	_ =	strace s18  }
0x93: {  	s3 =	sld [smem:$0x3FFC];
	_ =	sdelay $0x3  }
0x94: {  	_ =	strace s3  }
0x95: {  	s3 =	sld [smem:$0x3FFD];
	_ =	sdelay $0x3  }
0x96: {  	_ =	strace s3  }
0x97: {  	_ =	strace $0x8FFFFFFF  }
0x98: {  	s19 =	sld [smem:$0x3FDB];
	_ =	sdelay $0x1  }
0x99: {  	s4 =	simm.s32 $_scs_section_size  }
0x9a: {  	s5 =	simm.s32 $_size__tile_overlayer_lowered;
	s6 =	simm.s32 $_tile_overlayer_lowered  }
0x9b: {  	s22 =	simm.s32 $0x1BFF;
	s21 =	sshll.u32 s6, $0x1;
	s3 =	sadd.s32 s4, s19  }
0x9c: {  	s7 =	simm.s32 $0x0;
	s20 =	sshll.u32 s5, $0x1;
	s5 =	sadd.s32 s21, s3  }
0x9d: {  	[timem:s7], [sflag:s22] =	dma.local [hbm:s5], s20  }
0x9e: {  	_ =	swait.ge [sflag:s22], s20  }
0x9f: {  	s4 =	ssub.s32 $0x0, s20;
	[sflag:s22] =	ssyncset.done $0x0  }
0xa0: {  	[sflag:s22] =	ssyncadd.s32 s4;
	_ =	sdelay $0x1  }
0xa1: {  	s23 =	simm.s32 $0x1B8B  }
0xa2: {  	_ =	swait.ge [sflag:s23], $0x1  }
0xa3: {  	[sflag:s23] =	ssyncset.done $0x0  }
0xa4: {  	s25 =	simm.s32 $0x1B8E;
	s24 =	sld [smem:$0x3FFE];
	[sflag:s23] =	ssyncadd.s32 $0xFFFFFFFF  }
0xa5: {  	s26 =	simm.s32 $execute0_lowered;
	[smem:$0x3FD2] =	sst s25  }
0xa6: {  	s5 =	sshll.u32 s26, $0x1;
	_ =	strace $0x8000004C;
	[dreg:$0x1] =	wrdreg $0xFFFFFFFF  }
0xa7: {  	s28 =	simm.s32 $_size_execute0_lowered;
	s3 =	sadd.s32 s3, s5;
	[dreg:$0x0] =	wrdreg $0x0  }
0xa8: {  	s5 =	sshll.u32 s28, $0x1;
	[dreg:$0x2] =	wrdreg s3  }
0xa9: {  	[dreg:$0x3] =	wrdreg s5  }
0xaa: {  	[dreg:$0x4] =	wrdreg $0xC0  }
0xab: {  	_ =	task [dreg:s7], $0x5FFFF  }
0xac: {  	[dreg:$0x1] =	wrdreg $0xFFFFFFFF  }
0xad: {  	[dreg:$0x0] =	wrdreg $0x60  }
0xae: {  	[dreg:$0x2] =	wrdreg s24  }
0xaf: {  	[dreg:$0x3] =	wrdreg s2  }
0xb0: {  	[dreg:$0x4] =	wrdreg $0xA8000  }
0xb1: {  	[dreg:$0x5] =	wrdreg $0x9  }
0xb2: {  	_ =	task.clear_ibuf [dreg:s7], $0x6FFFF;
	_ =	strace $0x9000004C  }
0xb3: {  	s29 =	simm.s32 $0x9;
	_ =	strace $0x8000004E  }
0xb4: {  	_ =	swait.ge [sflag:s29], $0x1  }
0xb5: {  	[sflag:s29] =	ssyncadd.s32 $0xFFFFFFFF  }
0xb6: {  	_ =	strace $0x9000004E  }
0xb7: {  	_ =	sfence  }
0xb8: {  	s30 =	sld [smem:$0x0];
	_ =	sdelay $0x2  }
0xb9: {  	s31 =	sshll.u32 s1, $0xD;
	s1 =	sshrl.u32 s1, $0x2  }
0xba: {  	s3 =	sand.u32 $0x4000, s31;
	s1 =	sadd.s32 s1, s30  }
0xbb: {  	s0 =	sor.u32 s3, s0;
	s1 =	sshll.u32 s1, $0x11  }
0xbc: {  	s0 =	sor.u32 s1, s0  }
0xbd: {  	s0 =	sadd.s32 $0x8F2B, s0  }
0xbe: {  	[sflag:s0] =	ssyncadd.remote.s32 $0x1  }
0xbf: {  	_ =	sfence.sel $0xFFFF  }
0xc0: {  	[dreg:$0x0] =	wrdreg $0xFFFFFFFF;
	(pc) =	sbr.abs _section_cstart, $3  }
0xc1: {  	[dreg:$0x1] =	wrdreg $0xFFFFFFFF  }
0xc2: {  	_ =	task.clear_ibuf [dreg:s7], $0x2FFFF;
	_ =	strace $0x9FFFFFFF  }
0xc3: {  	(tm) =	ssettm $0x7FFFFFFF  }
tec
execute0_lowered:
.L_overlay_start_1:
0x0: {  	(tag) =	ssettag $0x1  }
0x1: {  	s0 =	rddreg [dreg:$0x0]  }
0x2: {  	s2 =	rddreg [dreg:$0x1]  }
0x3: {  	s1 =	rddreg [dreg:$0x2];
	s3 =	srdreg.scid;
	s4 =	simm.s32 $0x0  }
0x4: {  	s7 =	stileid.u32;
	s29 =	simm.s32 $0x2800;
	s30 =	simm.s32 $0x5  }
0x5: {  	s31 =	simm.s32 $0x1400;
	s3 =	sand.u32 $0x1, s3;
	s6 =	smul.u32 $0x14000, s7  }
0x6: {  	[smem:$0x7FF] =	sst s4;
	s4 =	sadd.s32 $0xD200, s0;
	s20 =	smul.u32 $0x50000, s7  }
0x7: {  	s18 =	sadd.s32 $0xCA00, s0;
	s5 =	smul.u32 $0x140000, s3;
	_ =	strace $0x8000004D  }
0x8: {  	s19 =	sshll.u32 s3, $0x4;
	s3 =	ssub.s32 $0x2, s3;
	[dreg:$0x4] =	wrdreg s18  }
0x9: {  	s8 =	sor.u32 s7, s19;
	s21 =	sshrl.u32 s3, $0x1;
	s10 =	sshrl.u32 s20, $0x2  }
0xa: {  	s5 =	sadd.s32 s6, s5;
	s9 =	smul.u32 $0x5000, s8;
	s3 =	ssub.s32 s3, s21  }
0xb: {  	s22 =	sshll.u32 s8, $0x2;
	s17 =	sshllo.u32 s8, $0x2;
	s7 =	sadd.s32 s10, s1  }
0xc: {  	p1 =	seq.s32 s8, $0x1F;
	p2 =	sne.s32 s8, $0x1F;
	s8 =	simm.s32 $0x100  }
0xd: {  	s5 =	sshrl.u32 s5, $0x3;
	s11 =	sor.u32 $0x2, s22;
	s13 =	smul.u32 $0x1400, s17  }
0xe: {  	s19 =	sadd.s32 $0x2000, s7;
	s20 =	sadd.s32 $0x4000, s7;
	s21 =	sadd.s32 $0x6000, s7  }
0xf: {  	s22 =	sadd.s32 $0x8000, s7;
	p3 =	sgt.u32 s17, $0x7C;
	[dreg:$0xc] =	wrdreg s19  }
0x10: {  	s17 =	simm.s32 $0x8800;
	s5 =	sadd.s32 s5, s0;
	[dreg:$0xd] =	wrdreg s20  }
0x11: {  	s23 =	sshrl.u32 s9, $0x3;
	s12 =	smul.u32 $0x1400, s11;
	[dreg:$0xe] =	wrdreg s21  }
0x12: {  	s9 =	sadd.s32 $0xFFF67800, s9;
	[dreg:$0xf] =	wrdreg s22;
	p0 =	sgt.u32 s11, $0x7C  }
0x13: {  	s19 =	simm.s32 $0x2;
	s20 =	simm.s32 $0x3;
	s21 =	simm.s32 $0x4  }
0x14: {  	s22 =	simm.s32 $0x2600;
	s6 =	sadd.s32 s2, s23;
	s26 =	sshrl.u32 s13, $0x3  }
0x15: {  	s9 =	sshrl.u32 s9, $0x3;
	s13 =	smax.u32 s3, $0x1;
	s23 =	sadd.s32 $0xA000, s7  }
0x16: {  	s3 =	simm.s32 $0x4800;
	s24 =	sadd.s32 $0x13880, s6;
	[dreg:$0xb] =	wrdreg s13  }
0x17: {  	s25 =	sadd.s32 $0x280, s6;
	s10 =	sadd.s32 $0x13B00, s6;
	[dreg:$0x10] =	wrdreg s23  }
0x18: {  	s12 =	sshrl.u32 s12, $0x3;
	s15 =	sadd.s32 s18, s9;
	[dreg:$0x5] =	wrdreg s24  }
0x19: {  	s9 =	simm.s32 $0x6800;
	[dreg:$0x6] =	wrdreg s25;
	s14 =	sadd.s32 s2, s12  }
0x1a: {  	s23 =	simm.s32 $0x2680;
	s2 =	sadd.s32 s2, s26;
	[dreg:$0x7] =	wrdreg s14  }
0x1b: {  	s12 =	sadd.s32 $0x35200, s5;
	s24 =	sadd.s32 $0xC000, s7;
	[dreg:$0x9] =	wrdreg s2  }
0x1c: {  	s25 =	sadd.s32 $0xE000, s7;
	s10 =	smov.u32 @p1 s18;
	[dreg:$0xa] =	wrdreg s12  }
0x1d: {  	s26 =	sadd.s32 $0x10000, s7;
	s18 =	simm.s32 $0x1;
	[dreg:$0x11] =	wrdreg s24  }
0x1e: {  	s28 =	sadd.s32 $0x13880, s14;
	s14 =	sadd.s32 $0xCC80, s0;
	[dreg:$0x12] =	wrdreg s25  }
0x1f: {  	s16 =	sadd.s32 $0x13880, s2;
	[dreg:$0x13] =	wrdreg s26;
	s0 =	simm.s32 $0x40  }
0x20: {  	s2 =	simm.s32 $0x80;
	s12 =	simm.s32 $0x180;
	s24 =	simm.s32 $0x2700  }
0x21: {  	s25 =	simm.s32 $0x2780;
	[dreg:$0x8] =	wrdreg s28;
	s28 =	sadd.s32 $0x12000, s7  }
0x22: {  	v0 =	vimm.f32 $0.0e+00;
	s26 =	simm.s32 $0x0;
	s16 =	smov.u32 @p3 s15;
	[dreg:$0x14] =	wrdreg s28  }
.LBB2_1:
0x23: {  	s11 =	simm.s32 $0x0  }
0x24: {  	s5 =	sand.u32 $0x7E00, s11  }
0x25: {  	s11 =	sand.u32 $0x70, s11;
	s28 =	sshrl.u32 s5, $0x2  }
0x26: {  	s5 =	simm.s32 $0x40;
	s28 =	sor.u32 s11, s28;
	s11 =	simm.s32 $0x0  }
.LBB2_2:
0x27: {  	p4 =	sne.s32 s5, $0x7FC0  }
0x28: {  	[tilespmem:s28+$0x2800] =	vst v0;
	s11 =	sadd.s32 $0x10, s11;
	s28 =	smov.u32 s5;
	s5 =	sadd.s32 $0x40, s5  }
.Ltmp0:
0x29: {  	(pc) =	sbr.rel @p4 .LBB2_2-.Ltmp0, $4  }
0x2a: {  	_ = 	snop  }
0x2b: {  	s28 =	sand.u32 $0x7E00, s28  }
0x2c: {  	s13 =	sand.u32 $0x70, s11;
	s28 =	sshrl.u32 s28, $0x2  }
0x2d: {  	s28 =	sor.u32 s13, s28  }
0x2e: {  	[tilespmem:s28+$0x2800] =	vst v0  }
0x2f: {  	[spmem:s7] =	stream.linear.scatter [tilespmem:s29], [sflag:$0x5], $0x2000, $0x38;
	[tilespmem:$0x1E800] =	vst v63  }
0x30: {  	_ =	swait.ge [sflag:s30], $0x2000  }
0x31: {  	[sflag:s30] =	ssyncset.done $0x0  }
0x32: {  	s5 =	rddreg [dreg:$0xc];
	[sflag:s30] =	ssyncadd.s32 $0xFFFFE000  }
0x33: {  	[spmem:s5] =	stream.linear.scatter [tilespmem:s29], [sflag:$0x5], $0x2000, $0x38;
	[tilespmem:$0x1E800] =	vst v63  }
0x34: {  	_ =	swait.ge [sflag:s30], $0x2000  }
0x35: {  	[sflag:s30] =	ssyncset.done $0x0  }
0x36: {  	s28 =	rddreg [dreg:$0xd];
	[sflag:s30] =	ssyncadd.s32 $0xFFFFE000  }
0x37: {  	[spmem:s28] =	stream.linear.scatter [tilespmem:s29], [sflag:$0x5], $0x2000, $0x38;
	[tilespmem:$0x1E800] =	vst v63  }
0x38: {  	_ =	swait.ge [sflag:s30], $0x2000  }
0x39: {  	[sflag:s30] =	ssyncset.done $0x0  }
0x3a: {  	s11 =	rddreg [dreg:$0xe];
	[sflag:s30] =	ssyncadd.s32 $0xFFFFE000  }
0x3b: {  	[spmem:s11] =	stream.linear.scatter [tilespmem:s29], [sflag:$0x5], $0x2000, $0x38;
	[tilespmem:$0x1E800] =	vst v63  }
0x3c: {  	_ =	swait.ge [sflag:s30], $0x2000  }
0x3d: {  	[sflag:s30] =	ssyncset.done $0x0  }
0x3e: {  	s13 =	rddreg [dreg:$0xf];
	[sflag:s30] =	ssyncadd.s32 $0xFFFFE000  }
0x3f: {  	[spmem:s13] =	stream.linear.scatter [tilespmem:s29], [sflag:$0x5], $0x2000, $0x38;
	[tilespmem:$0x1E800] =	vst v63  }
0x40: {  	_ =	swait.ge [sflag:s30], $0x2000  }
0x41: {  	[sflag:s30] =	ssyncset.done $0x0  }
0x42: {  	s28 =	rddreg [dreg:$0x10];
	[sflag:s30] =	ssyncadd.s32 $0xFFFFE000  }
0x43: {  	[spmem:s28] =	stream.linear.scatter [tilespmem:s29], [sflag:$0x5], $0x2000, $0x38;
	[tilespmem:$0x1E800] =	vst v63  }
0x44: {  	_ =	swait.ge [sflag:s30], $0x2000  }
0x45: {  	[sflag:s30] =	ssyncset.done $0x0  }
0x46: {  	s11 =	rddreg [dreg:$0x11];
	[sflag:s30] =	ssyncadd.s32 $0xFFFFE000  }
0x47: {  	[spmem:s11] =	stream.linear.scatter [tilespmem:s29], [sflag:$0x5], $0x2000, $0x38;
	[tilespmem:$0x1E800] =	vst v63  }
0x48: {  	_ =	swait.ge [sflag:s30], $0x2000  }
0x49: {  	[sflag:s30] =	ssyncset.done $0x0  }
0x4a: {  	s13 =	rddreg [dreg:$0x12];
	[sflag:s30] =	ssyncadd.s32 $0xFFFFE000  }
0x4b: {  	[spmem:s13] =	stream.linear.scatter [tilespmem:s29], [sflag:$0x5], $0x2000, $0x38;
	[tilespmem:$0x1E800] =	vst v63  }
0x4c: {  	_ =	swait.ge [sflag:s30], $0x2000  }
0x4d: {  	[sflag:s30] =	ssyncset.done $0x0  }
0x4e: {  	s28 =	rddreg [dreg:$0x13];
	[sflag:s30] =	ssyncadd.s32 $0xFFFFE000  }
0x4f: {  	[spmem:s28] =	stream.linear.scatter [tilespmem:s29], [sflag:$0x5], $0x2000, $0x38;
	[tilespmem:$0x1E800] =	vst v63  }
0x50: {  	_ =	swait.ge [sflag:s30], $0x2000  }
0x51: {  	[sflag:s30] =	ssyncset.done $0x0  }
0x52: {  	s11 =	rddreg [dreg:$0x14];
	[sflag:s30] =	ssyncadd.s32 $0xFFFFE000  }
0x53: {  	[spmem:s11] =	stream.linear.scatter [tilespmem:s29], [sflag:$0x5], $0x2000, $0x38;
	[tilespmem:$0x1E800] =	vst v63  }
0x54: {  	_ =	swait.ge [sflag:s30], $0x2000  }
0x55: {  	[sflag:s30] =	ssyncset.done $0x0  }
0x56: {  	[sflag:s30] =	ssyncadd.s32 $0xFFFFE000  }
0x57: {  	s13 =	simm.s32 $0x0;
	[bflag:$0x0] =	sbarrier.arrive $0xFFFF  }
0x58: {  	[tilespmem:s13], [sflag:$0x5] =	stream.linear.gather [hbm4b:s6+s13], $0x1400, $0x38;
	[tilespmem:$0x1E800] =	vst v63  }
0x59: {  	_ =	swait.ge [sflag:s30], $0x1400  }
0x5a: {  	[sflag:s30] =	ssyncset.done $0x0  }
0x5b: {  	s11 =	rddreg [dreg:$0x5];
	[sflag:s30] =	ssyncadd.s32 $0xFFFFEC00  }
0x5c: {  	[tilespmem:s31], [sflag:$0x5] =	stream.linear.gather [hbm4b:s11+s13], $0x1400, $0x38;
	[tilespmem:$0x1E800] =	vst v63  }
0x5d: {  	_ =	swait.ge [sflag:s30], $0x1400  }
0x5e: {  	[sflag:s30] =	ssyncset.done $0x0  }
0x5f: {  	[sflag:s30] =	ssyncadd.s32 $0xFFFFEC00  }
0x60: {  	[tilespmem:s29], [sflag:$0x1] =	stream.indirect.gather [hbm4b:s4+s0], $0x80, s13, s0, $0xb8;
	[tilespmem:$0x1E800] =	vst v63  }
0x61: {  	_ = 	snop  }
0x62: {  	[tilespmem:s3], [sflag:$0x2] =	stream.indirect.gather [hbm4b:s4+s0], $0x80, s2, s0, $0xb8;
	[tilespmem:$0x1E800] =	vst v63  }
0x63: {  	_ = 	snop  }
0x64: {  	[tilespmem:s9], [sflag:$0x3] =	stream.indirect.gather [hbm4b:s4+s0], $0x80, s8, s0, $0xb8;
	[tilespmem:$0x1E800] =	vst v63  }
0x65: {  	_ = 	snop  }
0x66: {  	[tilespmem:s17], [sflag:$0x4] =	stream.indirect.gather [hbm4b:s4+s0], $0x80, s12, s0, $0xb8;
	[tilespmem:$0x1E800] =	vst v63  }
0x67: {  	_ =	swait.ge [sflag:s18], $0x2000  }
0x68: {  	[sflag:s18] =	ssyncset.done $0x0  }
0x69: {  	s28 =	simm.s32 $0x1400;
	[sflag:s18] =	ssyncadd.s32 $0xFFFFE000  }
0x6a: {  	[spmem:s1] =	stream.indirect.scatter.add.f32 [tilespmem:s29], [sflag:$0x5], $0x80, s28, s0, $0xb8;
	[tilespmem:$0x1E800] =	vst v63  }
0x6b: {  	_ =	swait.ge [sflag:s30], $0x2000  }
0x6c: {  	[sflag:s30] =	ssyncset.done $0x0  }
0x6d: {  	s11 =	simm.s32 $0x200;
	[sflag:s30] =	ssyncadd.s32 $0xFFFFE000  }
0x6e: {  	[tilespmem:s29], [sflag:$0x1] =	stream.indirect.gather [hbm4b:s4+s0], $0x80, s11, s0, $0xb8;
	[tilespmem:$0x1E800] =	vst v63  }
0x6f: {  	_ =	swait.ge [sflag:s19], $0x2000  }
0x70: {  	[sflag:s19] =	ssyncset.done $0x0  }
0x71: {  	s13 =	simm.s32 $0x1480;
	[sflag:s19] =	ssyncadd.s32 $0xFFFFE000  }
0x72: {  	[spmem:s1] =	stream.indirect.scatter.add.f32 [tilespmem:s3], [sflag:$0x5], $0x80, s13, s0, $0xb8;
	[tilespmem:$0x1E800] =	vst v63  }
0x73: {  	_ =	swait.ge [sflag:s30], $0x2000  }
0x74: {  	[sflag:s30] =	ssyncset.done $0x0  }
0x75: {  	s28 =	simm.s32 $0x280;
	[sflag:s30] =	ssyncadd.s32 $0xFFFFE000  }
0x76: {  	[tilespmem:s3], [sflag:$0x2] =	stream.indirect.gather [hbm4b:s4+s0], $0x80, s28, s0, $0xb8;
	[tilespmem:$0x1E800] =	vst v63  }
0x77: {  	_ =	swait.ge [sflag:s20], $0x2000  }
0x78: {  	[sflag:s20] =	ssyncset.done $0x0  }
0x79: {  	s11 =	simm.s32 $0x1500;
	[sflag:s20] =	ssyncadd.s32 $0xFFFFE000  }
0x7a: {  	[spmem:s1] =	stream.indirect.scatter.add.f32 [tilespmem:s9], [sflag:$0x5], $0x80, s11, s0, $0xb8;
	[tilespmem:$0x1E800] =	vst v63  }
0x7b: {  	_ =	swait.ge [sflag:s30], $0x2000  }
0x7c: {  	[sflag:s30] =	ssyncset.done $0x0  }
0x7d: {  	s13 =	simm.s32 $0x300;
	[sflag:s30] =	ssyncadd.s32 $0xFFFFE000  }
0x7e: {  	[tilespmem:s9], [sflag:$0x3] =	stream.indirect.gather [hbm4b:s4+s0], $0x80, s13, s0, $0xb8;
	[tilespmem:$0x1E800] =	vst v63  }
0x7f: {  	_ =	swait.ge [sflag:s21], $0x2000  }
0x80: {  	[sflag:s21] =	ssyncset.done $0x0  }
0x81: {  	s28 =	simm.s32 $0x1580;
	[sflag:s21] =	ssyncadd.s32 $0xFFFFE000  }
0x82: {  	[spmem:s1] =	stream.indirect.scatter.add.f32 [tilespmem:s17], [sflag:$0x5], $0x80, s28, s0, $0xb8;
	[tilespmem:$0x1E800] =	vst v63  }
0x83: {  	_ =	swait.ge [sflag:s30], $0x2000  }
0x84: {  	[sflag:s30] =	ssyncset.done $0x0  }
0x85: {  	s5 =	simm.s32 $0x380;
	s11 =	simm.s32 $0x800;
	[sflag:s30] =	ssyncadd.s32 $0xFFFFE000  }
.LBB2_4:
0x86: {  	[tilespmem:s17], [sflag:$0x4] =	stream.indirect.gather [hbm4b:s4+s0], $0x80, s5, s0, $0xb8;
	[tilespmem:$0x1E800] =	vst v63  }
0x87: {  	s5 =	smov.u32 s11  }
0x88: {  	p4 =	sne.s32 s11, $0x4000;
	s11 =	sadd.s32 $0x800, s11;
	_ =	swait.ge [sflag:s18], $0x2000  }
0x89: {  	s5 =	sshra.s32 s5, $0x2;
	[sflag:s18] =	ssyncset.done $0x0  }
0x8a: {  	s13 =	sadd.s32 $0x1400, s5;
	[sflag:s18] =	ssyncadd.s32 $0xFFFFE000  }
0x8b: {  	[spmem:s1] =	stream.indirect.scatter.add.f32 [tilespmem:s29], [sflag:$0x5], $0x80, s13, s0, $0xb8;
	[tilespmem:$0x1E800] =	vst v63  }
0x8c: {  	_ =	swait.ge [sflag:s30], $0x2000  }
0x8d: {  	[sflag:s30] =	ssyncset.done $0x0  }
0x8e: {  	s13 =	sadd.s32 $0x200, s5;
	[sflag:s30] =	ssyncadd.s32 $0xFFFFE000  }
0x8f: {  	[tilespmem:s29], [sflag:$0x1] =	stream.indirect.gather [hbm4b:s4+s0], $0x80, s13, s0, $0xb8;
	[tilespmem:$0x1E800] =	vst v63  }
0x90: {  	_ =	swait.ge [sflag:s19], $0x2000  }
0x91: {  	[sflag:s19] =	ssyncset.done $0x0  }
0x92: {  	s13 =	sadd.s32 $0x1480, s5;
	[sflag:s19] =	ssyncadd.s32 $0xFFFFE000  }
0x93: {  	[spmem:s1] =	stream.indirect.scatter.add.f32 [tilespmem:s3], [sflag:$0x5], $0x80, s13, s0, $0xb8;
	[tilespmem:$0x1E800] =	vst v63  }
0x94: {  	_ =	swait.ge [sflag:s30], $0x2000  }
0x95: {  	[sflag:s30] =	ssyncset.done $0x0  }
0x96: {  	s13 =	sadd.s32 $0x280, s5;
	[sflag:s30] =	ssyncadd.s32 $0xFFFFE000  }
0x97: {  	[tilespmem:s3], [sflag:$0x2] =	stream.indirect.gather [hbm4b:s4+s0], $0x80, s13, s0, $0xb8;
	[tilespmem:$0x1E800] =	vst v63  }
0x98: {  	_ =	swait.ge [sflag:s20], $0x2000  }
0x99: {  	[sflag:s20] =	ssyncset.done $0x0  }
0x9a: {  	s13 =	sadd.s32 $0x1500, s5;
	[sflag:s20] =	ssyncadd.s32 $0xFFFFE000  }
0x9b: {  	[spmem:s1] =	stream.indirect.scatter.add.f32 [tilespmem:s9], [sflag:$0x5], $0x80, s13, s0, $0xb8;
	[tilespmem:$0x1E800] =	vst v63  }
0x9c: {  	_ =	swait.ge [sflag:s30], $0x2000  }
0x9d: {  	[sflag:s30] =	ssyncset.done $0x0  }
0x9e: {  	s13 =	sadd.s32 $0x300, s5;
	[sflag:s30] =	ssyncadd.s32 $0xFFFFE000  }
0x9f: {  	[tilespmem:s9], [sflag:$0x3] =	stream.indirect.gather [hbm4b:s4+s0], $0x80, s13, s0, $0xb8;
	[tilespmem:$0x1E800] =	vst v63  }
0xa0: {  	_ =	swait.ge [sflag:s21], $0x2000  }
0xa1: {  	[sflag:s21] =	ssyncset.done $0x0  }
.Ltmp1:
0xa2: {  	s13 =	sadd.s32 $0x1580, s5;
	[sflag:s21] =	ssyncadd.s32 $0xFFFFE000;
	(pc) =	sbr.rel @p4 .LBB2_4-.Ltmp1, $4  }
0xa3: {  	[spmem:s1] =	stream.indirect.scatter.add.f32 [tilespmem:s17], [sflag:$0x5], $0x80, s13, s0, $0xb8;
	[tilespmem:$0x1E800] =	vst v63  }
0xa4: {  	_ =	swait.ge [sflag:s30], $0x2000  }
0xa5: {  	[sflag:s30] =	ssyncset.done $0x0  }
0xa6: {  	s5 =	sadd.s32 $0x380, s5;
	[sflag:s30] =	ssyncadd.s32 $0xFFFFE000  }
0xa7: {  	[tilespmem:s17], [sflag:$0x4] =	stream.indirect.gather [hbm4b:s4+s0], $0x80, s5, s0, $0xb8;
	[tilespmem:$0x1E800] =	vst v63  }
0xa8: {  	_ =	swait.ge [sflag:s18], $0x2000  }
0xa9: {  	[sflag:s18] =	ssyncset.done $0x0  }
0xaa: {  	[sflag:s18] =	ssyncadd.s32 $0xFFFFE000  }
0xab: {  	[spmem:s1] =	stream.indirect.scatter.add.f32 [tilespmem:s29], [sflag:$0x5], $0x80, s22, s0, $0xb8;
	[tilespmem:$0x1E800] =	vst v63  }
0xac: {  	_ =	swait.ge [sflag:s30], $0x2000  }
0xad: {  	[sflag:s30] =	ssyncset.done $0x0  }
0xae: {  	[sflag:s30] =	ssyncadd.s32 $0xFFFFE000  }
0xaf: {  	_ =	swait.ge [sflag:s19], $0x2000  }
0xb0: {  	[sflag:s19] =	ssyncset.done $0x0  }
0xb1: {  	[sflag:s19] =	ssyncadd.s32 $0xFFFFE000  }
0xb2: {  	[spmem:s1] =	stream.indirect.scatter.add.f32 [tilespmem:s3], [sflag:$0x5], $0x80, s23, s0, $0xb8;
	[tilespmem:$0x1E800] =	vst v63  }
0xb3: {  	_ =	swait.ge [sflag:s30], $0x2000  }
0xb4: {  	[sflag:s30] =	ssyncset.done $0x0  }
0xb5: {  	[sflag:s30] =	ssyncadd.s32 $0xFFFFE000  }
0xb6: {  	_ =	swait.ge [sflag:s20], $0x2000  }
0xb7: {  	[sflag:s20] =	ssyncset.done $0x0  }
0xb8: {  	[sflag:s20] =	ssyncadd.s32 $0xFFFFE000  }
0xb9: {  	[spmem:s1] =	stream.indirect.scatter.add.f32 [tilespmem:s9], [sflag:$0x5], $0x80, s24, s0, $0xb8;
	[tilespmem:$0x1E800] =	vst v63  }
0xba: {  	_ =	swait.ge [sflag:s30], $0x2000  }
0xbb: {  	[sflag:s30] =	ssyncset.done $0x0  }
0xbc: {  	[sflag:s30] =	ssyncadd.s32 $0xFFFFE000  }
0xbd: {  	_ =	swait.ge [sflag:s21], $0x2000  }
0xbe: {  	[sflag:s21] =	ssyncset.done $0x0  }
0xbf: {  	[sflag:s21] =	ssyncadd.s32 $0xFFFFE000  }
0xc0: {  	[spmem:s1] =	stream.indirect.scatter.add.f32 [tilespmem:s17], [sflag:$0x5], $0x80, s25, s0, $0xb8;
	[tilespmem:$0x1E800] =	vst v63  }
0xc1: {  	_ =	swait.ge [sflag:s30], $0x2000  }
0xc2: {  	[sflag:s30] =	ssyncset.done $0x0  }
0xc3: {  	s5 =	simm.s32 @p1 $0x0;
	s11 =	rddreg [dreg:$0x4];
	[sflag:s30] =	ssyncadd.s32 $0xFFFFE000  }
0xc4: {  	[tilespmem:s5], [sflag:$0x5] =	stream.linear.gather @p1 [hbm4b:s11+s5], $0x1400, $0x38;
	[tilespmem:$0x1E800] =	vst v63  }
0xc5: {  	s5 =	simm.s32 @p1 $0x5  }
0xc6: {  	_ =	swait.ge @p1 [sflag:s5], $0x1400  }
0xc7: {  	[sflag:s5] =	ssyncset.done @p1 $0x0  }
0xc8: {  	s11 =	rddreg [dreg:$0x6];
	[sflag:s5] =	ssyncadd.s32 @p1 $0xFFFFEC00;
	s5 =	simm.s32 @!p1 $0x0  }
0xc9: {  	[tilespmem:s5], [sflag:$0x5] =	stream.linear.gather @!p1 [hbm4b:s11+s5], $0x1400, $0x38;
	[tilespmem:$0x1E800] =	vst v63  }
0xca: {  	s5 =	simm.s32 @!p1 $0x5  }
0xcb: {  	_ =	swait.ge @!p1 [sflag:s5], $0x1400  }
0xcc: {  	[sflag:s5] =	ssyncset.done @!p1 $0x0  }
0xcd: {  	s13 =	simm.s32 $0x0;
	[sflag:s5] =	ssyncadd.s32 @!p1 $0xFFFFEC00  }
0xce: {  	[tilespmem:s31], [sflag:$0x5] =	stream.linear.gather [hbm4b:s10+s13], $0x1400, $0x38;
	[tilespmem:$0x1E800] =	vst v63  }
0xcf: {  	_ =	swait.ge [sflag:s30], $0x1400  }
0xd0: {  	[sflag:s30] =	ssyncset.done $0x0  }
0xd1: {  	[sflag:s30] =	ssyncadd.s32 $0xFFFFEC00  }
0xd2: {  	[tilespmem:s29], [sflag:$0x1] =	stream.indirect.gather [hbm4b:s4+s0], $0x80, s13, s0, $0xb8;
	[tilespmem:$0x1E800] =	vst v63  }
0xd3: {  	_ = 	snop  }
0xd4: {  	[tilespmem:s3], [sflag:$0x2] =	stream.indirect.gather [hbm4b:s4+s0], $0x80, s2, s0, $0xb8;
	[tilespmem:$0x1E800] =	vst v63  }
0xd5: {  	_ = 	snop  }
0xd6: {  	[tilespmem:s9], [sflag:$0x3] =	stream.indirect.gather [hbm4b:s4+s0], $0x80, s8, s0, $0xb8;
	[tilespmem:$0x1E800] =	vst v63  }
0xd7: {  	_ = 	snop  }
0xd8: {  	[tilespmem:s17], [sflag:$0x4] =	stream.indirect.gather [hbm4b:s4+s0], $0x80, s12, s0, $0xb8;
	[tilespmem:$0x1E800] =	vst v63  }
0xd9: {  	_ =	swait.ge [sflag:s18], $0x2000  }
0xda: {  	[sflag:s18] =	ssyncset.done $0x0  }
0xdb: {  	s28 =	simm.s32 $0x1400;
	[sflag:s18] =	ssyncadd.s32 $0xFFFFE000  }
0xdc: {  	[spmem:s1] =	stream.indirect.scatter.add.f32 [tilespmem:s29], [sflag:$0x5], $0x80, s28, s0, $0xb8;
	[tilespmem:$0x1E800] =	vst v63  }
0xdd: {  	_ =	swait.ge [sflag:s30], $0x2000  }
0xde: {  	[sflag:s30] =	ssyncset.done $0x0  }
0xdf: {  	s11 =	simm.s32 $0x200;
	[sflag:s30] =	ssyncadd.s32 $0xFFFFE000  }
0xe0: {  	[tilespmem:s29], [sflag:$0x1] =	stream.indirect.gather [hbm4b:s4+s0], $0x80, s11, s0, $0xb8;
	[tilespmem:$0x1E800] =	vst v63  }
0xe1: {  	_ =	swait.ge [sflag:s19], $0x2000  }
0xe2: {  	[sflag:s19] =	ssyncset.done $0x0  }
0xe3: {  	s13 =	simm.s32 $0x1480;
	[sflag:s19] =	ssyncadd.s32 $0xFFFFE000  }
0xe4: {  	[spmem:s1] =	stream.indirect.scatter.add.f32 [tilespmem:s3], [sflag:$0x5], $0x80, s13, s0, $0xb8;
	[tilespmem:$0x1E800] =	vst v63  }
0xe5: {  	_ =	swait.ge [sflag:s30], $0x2000  }
0xe6: {  	[sflag:s30] =	ssyncset.done $0x0  }
0xe7: {  	s28 =	simm.s32 $0x280;
	[sflag:s30] =	ssyncadd.s32 $0xFFFFE000  }
0xe8: {  	[tilespmem:s3], [sflag:$0x2] =	stream.indirect.gather [hbm4b:s4+s0], $0x80, s28, s0, $0xb8;
	[tilespmem:$0x1E800] =	vst v63  }
0xe9: {  	_ =	swait.ge [sflag:s20], $0x2000  }
0xea: {  	[sflag:s20] =	ssyncset.done $0x0  }
0xeb: {  	s11 =	simm.s32 $0x1500;
	[sflag:s20] =	ssyncadd.s32 $0xFFFFE000  }
0xec: {  	[spmem:s1] =	stream.indirect.scatter.add.f32 [tilespmem:s9], [sflag:$0x5], $0x80, s11, s0, $0xb8;
	[tilespmem:$0x1E800] =	vst v63  }
0xed: {  	_ =	swait.ge [sflag:s30], $0x2000  }
0xee: {  	[sflag:s30] =	ssyncset.done $0x0  }
0xef: {  	s13 =	simm.s32 $0x300;
	[sflag:s30] =	ssyncadd.s32 $0xFFFFE000  }
0xf0: {  	[tilespmem:s9], [sflag:$0x3] =	stream.indirect.gather [hbm4b:s4+s0], $0x80, s13, s0, $0xb8;
	[tilespmem:$0x1E800] =	vst v63  }
0xf1: {  	_ =	swait.ge [sflag:s21], $0x2000  }
0xf2: {  	[sflag:s21] =	ssyncset.done $0x0  }
0xf3: {  	s28 =	simm.s32 $0x1580;
	[sflag:s21] =	ssyncadd.s32 $0xFFFFE000  }
0xf4: {  	[spmem:s1] =	stream.indirect.scatter.add.f32 [tilespmem:s17], [sflag:$0x5], $0x80, s28, s0, $0xb8;
	[tilespmem:$0x1E800] =	vst v63  }
0xf5: {  	_ =	swait.ge [sflag:s30], $0x2000  }
0xf6: {  	[sflag:s30] =	ssyncset.done $0x0  }
0xf7: {  	s5 =	simm.s32 $0x380;
	s11 =	simm.s32 $0x800;
	[sflag:s30] =	ssyncadd.s32 $0xFFFFE000  }
.LBB2_6:
0xf8: {  	[tilespmem:s17], [sflag:$0x4] =	stream.indirect.gather [hbm4b:s4+s0], $0x80, s5, s0, $0xb8;
	[tilespmem:$0x1E800] =	vst v63  }
0xf9: {  	s5 =	smov.u32 s11  }
0xfa: {  	p4 =	sne.s32 s11, $0x4000;
	s11 =	sadd.s32 $0x800, s11;
	_ =	swait.ge [sflag:s18], $0x2000  }
0xfb: {  	s5 =	sshra.s32 s5, $0x2;
	[sflag:s18] =	ssyncset.done $0x0  }
0xfc: {  	s13 =	sadd.s32 $0x1400, s5;
	[sflag:s18] =	ssyncadd.s32 $0xFFFFE000  }
0xfd: {  	[spmem:s1] =	stream.indirect.scatter.add.f32 [tilespmem:s29], [sflag:$0x5], $0x80, s13, s0, $0xb8;
	[tilespmem:$0x1E800] =	vst v63  }
0xfe: {  	_ =	swait.ge [sflag:s30], $0x2000  }
0xff: {  	[sflag:s30] =	ssyncset.done $0x0  }
0x100: {  	s13 =	sadd.s32 $0x200, s5;
	[sflag:s30] =	ssyncadd.s32 $0xFFFFE000  }
0x101: {  	[tilespmem:s29], [sflag:$0x1] =	stream.indirect.gather [hbm4b:s4+s0], $0x80, s13, s0, $0xb8;
	[tilespmem:$0x1E800] =	vst v63  }
0x102: {  	_ =	swait.ge [sflag:s19], $0x2000  }
0x103: {  	[sflag:s19] =	ssyncset.done $0x0  }
0x104: {  	s13 =	sadd.s32 $0x1480, s5;
	[sflag:s19] =	ssyncadd.s32 $0xFFFFE000  }
0x105: {  	[spmem:s1] =	stream.indirect.scatter.add.f32 [tilespmem:s3], [sflag:$0x5], $0x80, s13, s0, $0xb8;
	[tilespmem:$0x1E800] =	vst v63  }
0x106: {  	_ =	swait.ge [sflag:s30], $0x2000  }
0x107: {  	[sflag:s30] =	ssyncset.done $0x0  }
0x108: {  	s13 =	sadd.s32 $0x280, s5;
	[sflag:s30] =	ssyncadd.s32 $0xFFFFE000  }
0x109: {  	[tilespmem:s3], [sflag:$0x2] =	stream.indirect.gather [hbm4b:s4+s0], $0x80, s13, s0, $0xb8;
	[tilespmem:$0x1E800] =	vst v63  }
0x10a: {  	_ =	swait.ge [sflag:s20], $0x2000  }
0x10b: {  	[sflag:s20] =	ssyncset.done $0x0  }
0x10c: {  	s13 =	sadd.s32 $0x1500, s5;
	[sflag:s20] =	ssyncadd.s32 $0xFFFFE000  }
0x10d: {  	[spmem:s1] =	stream.indirect.scatter.add.f32 [tilespmem:s9], [sflag:$0x5], $0x80, s13, s0, $0xb8;
	[tilespmem:$0x1E800] =	vst v63  }
0x10e: {  	_ =	swait.ge [sflag:s30], $0x2000  }
0x10f: {  	[sflag:s30] =	ssyncset.done $0x0  }
0x110: {  	s13 =	sadd.s32 $0x300, s5;
	[sflag:s30] =	ssyncadd.s32 $0xFFFFE000  }
0x111: {  	[tilespmem:s9], [sflag:$0x3] =	stream.indirect.gather [hbm4b:s4+s0], $0x80, s13, s0, $0xb8;
	[tilespmem:$0x1E800] =	vst v63  }
0x112: {  	_ =	swait.ge [sflag:s21], $0x2000  }
0x113: {  	[sflag:s21] =	ssyncset.done $0x0  }
.Ltmp2:
0x114: {  	s13 =	sadd.s32 $0x1580, s5;
	[sflag:s21] =	ssyncadd.s32 $0xFFFFE000;
	(pc) =	sbr.rel @p4 .LBB2_6-.Ltmp2, $4  }
0x115: {  	[spmem:s1] =	stream.indirect.scatter.add.f32 [tilespmem:s17], [sflag:$0x5], $0x80, s13, s0, $0xb8;
	[tilespmem:$0x1E800] =	vst v63  }
0x116: {  	_ =	swait.ge [sflag:s30], $0x2000  }
0x117: {  	[sflag:s30] =	ssyncset.done $0x0  }
0x118: {  	s5 =	sadd.s32 $0x380, s5;
	[sflag:s30] =	ssyncadd.s32 $0xFFFFE000  }
0x119: {  	[tilespmem:s17], [sflag:$0x4] =	stream.indirect.gather [hbm4b:s4+s0], $0x80, s5, s0, $0xb8;
	[tilespmem:$0x1E800] =	vst v63  }
0x11a: {  	_ =	swait.ge [sflag:s18], $0x2000  }
0x11b: {  	[sflag:s18] =	ssyncset.done $0x0  }
0x11c: {  	[sflag:s18] =	ssyncadd.s32 $0xFFFFE000  }
0x11d: {  	[spmem:s1] =	stream.indirect.scatter.add.f32 [tilespmem:s29], [sflag:$0x5], $0x80, s22, s0, $0xb8;
	[tilespmem:$0x1E800] =	vst v63  }
0x11e: {  	_ =	swait.ge [sflag:s30], $0x2000  }
0x11f: {  	[sflag:s30] =	ssyncset.done $0x0  }
0x120: {  	[sflag:s30] =	ssyncadd.s32 $0xFFFFE000  }
0x121: {  	_ =	swait.ge [sflag:s19], $0x2000  }
0x122: {  	[sflag:s19] =	ssyncset.done $0x0  }
0x123: {  	[sflag:s19] =	ssyncadd.s32 $0xFFFFE000  }
0x124: {  	[spmem:s1] =	stream.indirect.scatter.add.f32 [tilespmem:s3], [sflag:$0x5], $0x80, s23, s0, $0xb8;
	[tilespmem:$0x1E800] =	vst v63  }
0x125: {  	_ =	swait.ge [sflag:s30], $0x2000  }
0x126: {  	[sflag:s30] =	ssyncset.done $0x0  }
0x127: {  	[sflag:s30] =	ssyncadd.s32 $0xFFFFE000  }
0x128: {  	_ =	swait.ge [sflag:s20], $0x2000  }
0x129: {  	[sflag:s20] =	ssyncset.done $0x0  }
0x12a: {  	[sflag:s20] =	ssyncadd.s32 $0xFFFFE000  }
0x12b: {  	[spmem:s1] =	stream.indirect.scatter.add.f32 [tilespmem:s9], [sflag:$0x5], $0x80, s24, s0, $0xb8;
	[tilespmem:$0x1E800] =	vst v63  }
0x12c: {  	_ =	swait.ge [sflag:s30], $0x2000  }
0x12d: {  	[sflag:s30] =	ssyncset.done $0x0  }
0x12e: {  	[sflag:s30] =	ssyncadd.s32 $0xFFFFE000  }
0x12f: {  	_ =	swait.ge [sflag:s21], $0x2000  }
0x130: {  	[sflag:s21] =	ssyncset.done $0x0  }
0x131: {  	[sflag:s21] =	ssyncadd.s32 $0xFFFFE000  }
0x132: {  	[spmem:s1] =	stream.indirect.scatter.add.f32 [tilespmem:s17], [sflag:$0x5], $0x80, s25, s0, $0xb8;
	[tilespmem:$0x1E800] =	vst v63  }
0x133: {  	_ =	swait.ge [sflag:s30], $0x2000  }
0x134: {  	[sflag:s30] =	ssyncset.done $0x0  }
0x135: {  	s5 =	simm.s32 @!p0 $0x0;
	s11 =	rddreg [dreg:$0x7];
	[sflag:s30] =	ssyncadd.s32 $0xFFFFE000  }
0x136: {  	[tilespmem:s5], [sflag:$0x5] =	stream.linear.gather @!p0 [hbm4b:s11+s5], $0x1400, $0x38;
	[tilespmem:$0x1E800] =	vst v63  }
0x137: {  	s11 =	simm.s32 @!p0 $0x5  }
0x138: {  	_ =	swait.ge @!p0 [sflag:s11], $0x1400  }
0x139: {  	[sflag:s11] =	ssyncset.done @!p0 $0x0  }
0x13a: {  	s13 =	simm.s32 @!p0 $0x1400;
	s28 =	rddreg [dreg:$0x8];
	[sflag:s11] =	ssyncadd.s32 @!p0 $0xFFFFEC00  }
0x13b: {  	[tilespmem:s13], [sflag:$0x5] =	stream.linear.gather @!p0 [hbm4b:s28+s5], $0x1400, $0x38;
	[tilespmem:$0x1E800] =	vst v63  }
0x13c: {  	_ =	swait.ge @!p0 [sflag:s11], $0x1400  }
0x13d: {  	[sflag:s11] =	ssyncset.done @!p0 $0x0  }
0x13e: {  	s5 =	simm.s32 @!p2 $0x0;
	[sflag:s11] =	ssyncadd.s32 @!p0 $0xFFFFEC00;
	s11 =	simm.s32 @!p2 $0x5  }
0x13f: {  	[tilespmem:s5], [sflag:$0x5] =	stream.linear.gather @!p2 [hbm4b:s14+s5], $0x1400, $0x38;
	[tilespmem:$0x1E800] =	vst v63  }
0x140: {  	_ =	swait.ge @!p2 [sflag:s11], $0x1400  }
0x141: {  	[sflag:s11] =	ssyncset.done @!p2 $0x0  }
0x142: {  	s13 =	simm.s32 @!p2 $0x1400;
	[sflag:s11] =	ssyncadd.s32 @!p2 $0xFFFFEC00  }
0x143: {  	[tilespmem:s13], [sflag:$0x5] =	stream.linear.gather @!p2 [hbm4b:s14+s5], $0x1400, $0x38;
	[tilespmem:$0x1E800] =	vst v63  }
0x144: {  	_ =	swait.ge @!p2 [sflag:s11], $0x1400  }
0x145: {  	[sflag:s11] =	ssyncset.done @!p2 $0x0  }
0x146: {  	s13 =	simm.s32 $0x0;
	[sflag:s11] =	ssyncadd.s32 @!p2 $0xFFFFEC00  }
0x147: {  	[tilespmem:s29], [sflag:$0x1] =	stream.indirect.gather [hbm4b:s4+s0], $0x80, s13, s0, $0xb8;
	[tilespmem:$0x1E800] =	vst v63  }
0x148: {  	_ = 	snop  }
0x149: {  	[tilespmem:s3], [sflag:$0x2] =	stream.indirect.gather [hbm4b:s4+s0], $0x80, s2, s0, $0xb8;
	[tilespmem:$0x1E800] =	vst v63  }
0x14a: {  	_ = 	snop  }
0x14b: {  	[tilespmem:s9], [sflag:$0x3] =	stream.indirect.gather [hbm4b:s4+s0], $0x80, s8, s0, $0xb8;
	[tilespmem:$0x1E800] =	vst v63  }
0x14c: {  	_ = 	snop  }
0x14d: {  	[tilespmem:s17], [sflag:$0x4] =	stream.indirect.gather [hbm4b:s4+s0], $0x80, s12, s0, $0xb8;
	[tilespmem:$0x1E800] =	vst v63  }
0x14e: {  	_ =	swait.ge [sflag:s18], $0x2000  }
0x14f: {  	[sflag:s18] =	ssyncset.done $0x0  }
0x150: {  	s28 =	simm.s32 $0x1400;
	[sflag:s18] =	ssyncadd.s32 $0xFFFFE000  }
0x151: {  	[spmem:s1] =	stream.indirect.scatter.add.f32 [tilespmem:s29], [sflag:$0x5], $0x80, s28, s0, $0xb8;
	[tilespmem:$0x1E800] =	vst v63  }
0x152: {  	_ =	swait.ge [sflag:s30], $0x2000  }
0x153: {  	[sflag:s30] =	ssyncset.done $0x0  }
0x154: {  	s11 =	simm.s32 $0x200;
	[sflag:s30] =	ssyncadd.s32 $0xFFFFE000  }
0x155: {  	[tilespmem:s29], [sflag:$0x1] =	stream.indirect.gather [hbm4b:s4+s0], $0x80, s11, s0, $0xb8;
	[tilespmem:$0x1E800] =	vst v63  }
0x156: {  	_ =	swait.ge [sflag:s19], $0x2000  }
0x157: {  	[sflag:s19] =	ssyncset.done $0x0  }
0x158: {  	s13 =	simm.s32 $0x1480;
	[sflag:s19] =	ssyncadd.s32 $0xFFFFE000  }
0x159: {  	[spmem:s1] =	stream.indirect.scatter.add.f32 [tilespmem:s3], [sflag:$0x5], $0x80, s13, s0, $0xb8;
	[tilespmem:$0x1E800] =	vst v63  }
0x15a: {  	_ =	swait.ge [sflag:s30], $0x2000  }
0x15b: {  	[sflag:s30] =	ssyncset.done $0x0  }
0x15c: {  	s28 =	simm.s32 $0x280;
	[sflag:s30] =	ssyncadd.s32 $0xFFFFE000  }
0x15d: {  	[tilespmem:s3], [sflag:$0x2] =	stream.indirect.gather [hbm4b:s4+s0], $0x80, s28, s0, $0xb8;
	[tilespmem:$0x1E800] =	vst v63  }
0x15e: {  	_ =	swait.ge [sflag:s20], $0x2000  }
0x15f: {  	[sflag:s20] =	ssyncset.done $0x0  }
0x160: {  	s11 =	simm.s32 $0x1500;
	[sflag:s20] =	ssyncadd.s32 $0xFFFFE000  }
0x161: {  	[spmem:s1] =	stream.indirect.scatter.add.f32 [tilespmem:s9], [sflag:$0x5], $0x80, s11, s0, $0xb8;
	[tilespmem:$0x1E800] =	vst v63  }
0x162: {  	_ =	swait.ge [sflag:s30], $0x2000  }
0x163: {  	[sflag:s30] =	ssyncset.done $0x0  }
0x164: {  	s13 =	simm.s32 $0x300;
	[sflag:s30] =	ssyncadd.s32 $0xFFFFE000  }
0x165: {  	[tilespmem:s9], [sflag:$0x3] =	stream.indirect.gather [hbm4b:s4+s0], $0x80, s13, s0, $0xb8;
	[tilespmem:$0x1E800] =	vst v63  }
0x166: {  	_ =	swait.ge [sflag:s21], $0x2000  }
0x167: {  	[sflag:s21] =	ssyncset.done $0x0  }
0x168: {  	s28 =	simm.s32 $0x1580;
	[sflag:s21] =	ssyncadd.s32 $0xFFFFE000  }
0x169: {  	[spmem:s1] =	stream.indirect.scatter.add.f32 [tilespmem:s17], [sflag:$0x5], $0x80, s28, s0, $0xb8;
	[tilespmem:$0x1E800] =	vst v63  }
0x16a: {  	_ =	swait.ge [sflag:s30], $0x2000  }
0x16b: {  	[sflag:s30] =	ssyncset.done $0x0  }
0x16c: {  	s5 =	simm.s32 $0x380;
	s11 =	simm.s32 $0x800;
	[sflag:s30] =	ssyncadd.s32 $0xFFFFE000  }
.LBB2_8:
0x16d: {  	[tilespmem:s17], [sflag:$0x4] =	stream.indirect.gather [hbm4b:s4+s0], $0x80, s5, s0, $0xb8;
	[tilespmem:$0x1E800] =	vst v63  }
0x16e: {  	s5 =	smov.u32 s11  }
0x16f: {  	p4 =	sne.s32 s11, $0x4000;
	s11 =	sadd.s32 $0x800, s11;
	_ =	swait.ge [sflag:s18], $0x2000  }
0x170: {  	s5 =	sshra.s32 s5, $0x2;
	[sflag:s18] =	ssyncset.done $0x0  }
0x171: {  	s13 =	sadd.s32 $0x1400, s5;
	[sflag:s18] =	ssyncadd.s32 $0xFFFFE000  }
0x172: {  	[spmem:s1] =	stream.indirect.scatter.add.f32 [tilespmem:s29], [sflag:$0x5], $0x80, s13, s0, $0xb8;
	[tilespmem:$0x1E800] =	vst v63  }
0x173: {  	_ =	swait.ge [sflag:s30], $0x2000  }
0x174: {  	[sflag:s30] =	ssyncset.done $0x0  }
0x175: {  	s13 =	sadd.s32 $0x200, s5;
	[sflag:s30] =	ssyncadd.s32 $0xFFFFE000  }
0x176: {  	[tilespmem:s29], [sflag:$0x1] =	stream.indirect.gather [hbm4b:s4+s0], $0x80, s13, s0, $0xb8;
	[tilespmem:$0x1E800] =	vst v63  }
0x177: {  	_ =	swait.ge [sflag:s19], $0x2000  }
0x178: {  	[sflag:s19] =	ssyncset.done $0x0  }
0x179: {  	s13 =	sadd.s32 $0x1480, s5;
	[sflag:s19] =	ssyncadd.s32 $0xFFFFE000  }
0x17a: {  	[spmem:s1] =	stream.indirect.scatter.add.f32 [tilespmem:s3], [sflag:$0x5], $0x80, s13, s0, $0xb8;
	[tilespmem:$0x1E800] =	vst v63  }
0x17b: {  	_ =	swait.ge [sflag:s30], $0x2000  }
0x17c: {  	[sflag:s30] =	ssyncset.done $0x0  }
0x17d: {  	s13 =	sadd.s32 $0x280, s5;
	[sflag:s30] =	ssyncadd.s32 $0xFFFFE000  }
0x17e: {  	[tilespmem:s3], [sflag:$0x2] =	stream.indirect.gather [hbm4b:s4+s0], $0x80, s13, s0, $0xb8;
	[tilespmem:$0x1E800] =	vst v63  }
0x17f: {  	_ =	swait.ge [sflag:s20], $0x2000  }
0x180: {  	[sflag:s20] =	ssyncset.done $0x0  }
0x181: {  	s13 =	sadd.s32 $0x1500, s5;
	[sflag:s20] =	ssyncadd.s32 $0xFFFFE000  }
0x182: {  	[spmem:s1] =	stream.indirect.scatter.add.f32 [tilespmem:s9], [sflag:$0x5], $0x80, s13, s0, $0xb8;
	[tilespmem:$0x1E800] =	vst v63  }
0x183: {  	_ =	swait.ge [sflag:s30], $0x2000  }
0x184: {  	[sflag:s30] =	ssyncset.done $0x0  }
0x185: {  	s13 =	sadd.s32 $0x300, s5;
	[sflag:s30] =	ssyncadd.s32 $0xFFFFE000  }
0x186: {  	[tilespmem:s9], [sflag:$0x3] =	stream.indirect.gather [hbm4b:s4+s0], $0x80, s13, s0, $0xb8;
	[tilespmem:$0x1E800] =	vst v63  }
0x187: {  	_ =	swait.ge [sflag:s21], $0x2000  }
0x188: {  	[sflag:s21] =	ssyncset.done $0x0  }
.Ltmp3:
0x189: {  	s13 =	sadd.s32 $0x1580, s5;
	[sflag:s21] =	ssyncadd.s32 $0xFFFFE000;
	(pc) =	sbr.rel @p4 .LBB2_8-.Ltmp3, $4  }
0x18a: {  	[spmem:s1] =	stream.indirect.scatter.add.f32 [tilespmem:s17], [sflag:$0x5], $0x80, s13, s0, $0xb8;
	[tilespmem:$0x1E800] =	vst v63  }
0x18b: {  	_ =	swait.ge [sflag:s30], $0x2000  }
0x18c: {  	[sflag:s30] =	ssyncset.done $0x0  }
0x18d: {  	s5 =	sadd.s32 $0x380, s5;
	[sflag:s30] =	ssyncadd.s32 $0xFFFFE000  }
0x18e: {  	[tilespmem:s17], [sflag:$0x4] =	stream.indirect.gather [hbm4b:s4+s0], $0x80, s5, s0, $0xb8;
	[tilespmem:$0x1E800] =	vst v63  }
0x18f: {  	_ =	swait.ge [sflag:s18], $0x2000  }
0x190: {  	[sflag:s18] =	ssyncset.done $0x0  }
0x191: {  	[sflag:s18] =	ssyncadd.s32 $0xFFFFE000  }
0x192: {  	[spmem:s1] =	stream.indirect.scatter.add.f32 [tilespmem:s29], [sflag:$0x5], $0x80, s22, s0, $0xb8;
	[tilespmem:$0x1E800] =	vst v63  }
0x193: {  	_ =	swait.ge [sflag:s30], $0x2000  }
0x194: {  	[sflag:s30] =	ssyncset.done $0x0  }
0x195: {  	[sflag:s30] =	ssyncadd.s32 $0xFFFFE000  }
0x196: {  	_ =	swait.ge [sflag:s19], $0x2000  }
0x197: {  	[sflag:s19] =	ssyncset.done $0x0  }
0x198: {  	[sflag:s19] =	ssyncadd.s32 $0xFFFFE000  }
0x199: {  	[spmem:s1] =	stream.indirect.scatter.add.f32 [tilespmem:s3], [sflag:$0x5], $0x80, s23, s0, $0xb8;
	[tilespmem:$0x1E800] =	vst v63  }
0x19a: {  	_ =	swait.ge [sflag:s30], $0x2000  }
0x19b: {  	[sflag:s30] =	ssyncset.done $0x0  }
0x19c: {  	[sflag:s30] =	ssyncadd.s32 $0xFFFFE000  }
0x19d: {  	_ =	swait.ge [sflag:s20], $0x2000  }
0x19e: {  	[sflag:s20] =	ssyncset.done $0x0  }
0x19f: {  	[sflag:s20] =	ssyncadd.s32 $0xFFFFE000  }
0x1a0: {  	[spmem:s1] =	stream.indirect.scatter.add.f32 [tilespmem:s9], [sflag:$0x5], $0x80, s24, s0, $0xb8;
	[tilespmem:$0x1E800] =	vst v63  }
0x1a1: {  	_ =	swait.ge [sflag:s30], $0x2000  }
0x1a2: {  	[sflag:s30] =	ssyncset.done $0x0  }
0x1a3: {  	[sflag:s30] =	ssyncadd.s32 $0xFFFFE000  }
0x1a4: {  	_ =	swait.ge [sflag:s21], $0x2000  }
0x1a5: {  	[sflag:s21] =	ssyncset.done $0x0  }
0x1a6: {  	[sflag:s21] =	ssyncadd.s32 $0xFFFFE000  }
0x1a7: {  	[spmem:s1] =	stream.indirect.scatter.add.f32 [tilespmem:s17], [sflag:$0x5], $0x80, s25, s0, $0xb8;
	[tilespmem:$0x1E800] =	vst v63  }
0x1a8: {  	_ =	swait.ge [sflag:s30], $0x2000  }
0x1a9: {  	[sflag:s30] =	ssyncset.done $0x0  }
0x1aa: {  	s5 =	simm.s32 @p3 $0x0;
	[sflag:s30] =	ssyncadd.s32 $0xFFFFE000  }
0x1ab: {  	[tilespmem:s5], [sflag:$0x5] =	stream.linear.gather @p3 [hbm4b:s15+s5], $0x1400, $0x38;
	[tilespmem:$0x1E800] =	vst v63  }
0x1ac: {  	s5 =	simm.s32 @p3 $0x5  }
0x1ad: {  	_ =	swait.ge @p3 [sflag:s5], $0x1400  }
0x1ae: {  	[sflag:s5] =	ssyncset.done @p3 $0x0  }
0x1af: {  	s11 =	rddreg [dreg:$0x9];
	[sflag:s5] =	ssyncadd.s32 @p3 $0xFFFFEC00;
	s5 =	simm.s32 @!p3 $0x0  }
0x1b0: {  	[tilespmem:s5], [sflag:$0x5] =	stream.linear.gather @!p3 [hbm4b:s11+s5], $0x1400, $0x38;
	[tilespmem:$0x1E800] =	vst v63  }
0x1b1: {  	s5 =	simm.s32 @!p3 $0x5  }
0x1b2: {  	_ =	swait.ge @!p3 [sflag:s5], $0x1400  }
0x1b3: {  	[sflag:s5] =	ssyncset.done @!p3 $0x0  }
0x1b4: {  	s13 =	simm.s32 $0x0;
	[sflag:s5] =	ssyncadd.s32 @!p3 $0xFFFFEC00  }
0x1b5: {  	[tilespmem:s31], [sflag:$0x5] =	stream.linear.gather [hbm4b:s16+s13], $0x1400, $0x38;
	[tilespmem:$0x1E800] =	vst v63  }
0x1b6: {  	_ =	swait.ge [sflag:s30], $0x1400  }
0x1b7: {  	[sflag:s30] =	ssyncset.done $0x0  }
0x1b8: {  	[sflag:s30] =	ssyncadd.s32 $0xFFFFEC00  }
0x1b9: {  	[tilespmem:s29], [sflag:$0x1] =	stream.indirect.gather [hbm4b:s4+s0], $0x80, s13, s0, $0xb8;
	[tilespmem:$0x1E800] =	vst v63  }
0x1ba: {  	_ = 	snop  }
0x1bb: {  	[tilespmem:s3], [sflag:$0x2] =	stream.indirect.gather [hbm4b:s4+s0], $0x80, s2, s0, $0xb8;
	[tilespmem:$0x1E800] =	vst v63  }
0x1bc: {  	_ = 	snop  }
0x1bd: {  	[tilespmem:s9], [sflag:$0x3] =	stream.indirect.gather [hbm4b:s4+s0], $0x80, s8, s0, $0xb8;
	[tilespmem:$0x1E800] =	vst v63  }
0x1be: {  	_ = 	snop  }
0x1bf: {  	[tilespmem:s17], [sflag:$0x4] =	stream.indirect.gather [hbm4b:s4+s0], $0x80, s12, s0, $0xb8;
	[tilespmem:$0x1E800] =	vst v63  }
0x1c0: {  	_ =	swait.ge [sflag:s18], $0x2000  }
0x1c1: {  	[sflag:s18] =	ssyncset.done $0x0  }
0x1c2: {  	s28 =	simm.s32 $0x1400;
	[sflag:s18] =	ssyncadd.s32 $0xFFFFE000  }
0x1c3: {  	[spmem:s1] =	stream.indirect.scatter.add.f32 [tilespmem:s29], [sflag:$0x5], $0x80, s28, s0, $0xb8;
	[tilespmem:$0x1E800] =	vst v63  }
0x1c4: {  	_ =	swait.ge [sflag:s30], $0x2000  }
0x1c5: {  	[sflag:s30] =	ssyncset.done $0x0  }
0x1c6: {  	s11 =	simm.s32 $0x200;
	[sflag:s30] =	ssyncadd.s32 $0xFFFFE000  }
0x1c7: {  	[tilespmem:s29], [sflag:$0x1] =	stream.indirect.gather [hbm4b:s4+s0], $0x80, s11, s0, $0xb8;
	[tilespmem:$0x1E800] =	vst v63  }
0x1c8: {  	_ =	swait.ge [sflag:s19], $0x2000  }
0x1c9: {  	[sflag:s19] =	ssyncset.done $0x0  }
0x1ca: {  	s13 =	simm.s32 $0x1480;
	[sflag:s19] =	ssyncadd.s32 $0xFFFFE000  }
0x1cb: {  	[spmem:s1] =	stream.indirect.scatter.add.f32 [tilespmem:s3], [sflag:$0x5], $0x80, s13, s0, $0xb8;
	[tilespmem:$0x1E800] =	vst v63  }
0x1cc: {  	_ =	swait.ge [sflag:s30], $0x2000  }
0x1cd: {  	[sflag:s30] =	ssyncset.done $0x0  }
0x1ce: {  	s28 =	simm.s32 $0x280;
	[sflag:s30] =	ssyncadd.s32 $0xFFFFE000  }
0x1cf: {  	[tilespmem:s3], [sflag:$0x2] =	stream.indirect.gather [hbm4b:s4+s0], $0x80, s28, s0, $0xb8;
	[tilespmem:$0x1E800] =	vst v63  }
0x1d0: {  	_ =	swait.ge [sflag:s20], $0x2000  }
0x1d1: {  	[sflag:s20] =	ssyncset.done $0x0  }
0x1d2: {  	s11 =	simm.s32 $0x1500;
	[sflag:s20] =	ssyncadd.s32 $0xFFFFE000  }
0x1d3: {  	[spmem:s1] =	stream.indirect.scatter.add.f32 [tilespmem:s9], [sflag:$0x5], $0x80, s11, s0, $0xb8;
	[tilespmem:$0x1E800] =	vst v63  }
0x1d4: {  	_ =	swait.ge [sflag:s30], $0x2000  }
0x1d5: {  	[sflag:s30] =	ssyncset.done $0x0  }
0x1d6: {  	s13 =	simm.s32 $0x300;
	[sflag:s30] =	ssyncadd.s32 $0xFFFFE000  }
0x1d7: {  	[tilespmem:s9], [sflag:$0x3] =	stream.indirect.gather [hbm4b:s4+s0], $0x80, s13, s0, $0xb8;
	[tilespmem:$0x1E800] =	vst v63  }
0x1d8: {  	_ =	swait.ge [sflag:s21], $0x2000  }
0x1d9: {  	[sflag:s21] =	ssyncset.done $0x0  }
0x1da: {  	s28 =	simm.s32 $0x1580;
	[sflag:s21] =	ssyncadd.s32 $0xFFFFE000  }
0x1db: {  	[spmem:s1] =	stream.indirect.scatter.add.f32 [tilespmem:s17], [sflag:$0x5], $0x80, s28, s0, $0xb8;
	[tilespmem:$0x1E800] =	vst v63  }
0x1dc: {  	_ =	swait.ge [sflag:s30], $0x2000  }
0x1dd: {  	[sflag:s30] =	ssyncset.done $0x0  }
0x1de: {  	s5 =	simm.s32 $0x380;
	s11 =	simm.s32 $0x800;
	[sflag:s30] =	ssyncadd.s32 $0xFFFFE000  }
.LBB2_10:
0x1df: {  	[tilespmem:s17], [sflag:$0x4] =	stream.indirect.gather [hbm4b:s4+s0], $0x80, s5, s0, $0xb8;
	[tilespmem:$0x1E800] =	vst v63  }
0x1e0: {  	s5 =	smov.u32 s11  }
0x1e1: {  	p4 =	sne.s32 s11, $0x4000;
	s11 =	sadd.s32 $0x800, s11;
	_ =	swait.ge [sflag:s18], $0x2000  }
0x1e2: {  	s5 =	sshra.s32 s5, $0x2;
	[sflag:s18] =	ssyncset.done $0x0  }
0x1e3: {  	s13 =	sadd.s32 $0x1400, s5;
	[sflag:s18] =	ssyncadd.s32 $0xFFFFE000  }
0x1e4: {  	[spmem:s1] =	stream.indirect.scatter.add.f32 [tilespmem:s29], [sflag:$0x5], $0x80, s13, s0, $0xb8;
	[tilespmem:$0x1E800] =	vst v63  }
0x1e5: {  	_ =	swait.ge [sflag:s30], $0x2000  }
0x1e6: {  	[sflag:s30] =	ssyncset.done $0x0  }
0x1e7: {  	s13 =	sadd.s32 $0x200, s5;
	[sflag:s30] =	ssyncadd.s32 $0xFFFFE000  }
0x1e8: {  	[tilespmem:s29], [sflag:$0x1] =	stream.indirect.gather [hbm4b:s4+s0], $0x80, s13, s0, $0xb8;
	[tilespmem:$0x1E800] =	vst v63  }
0x1e9: {  	_ =	swait.ge [sflag:s19], $0x2000  }
0x1ea: {  	[sflag:s19] =	ssyncset.done $0x0  }
0x1eb: {  	s13 =	sadd.s32 $0x1480, s5;
	[sflag:s19] =	ssyncadd.s32 $0xFFFFE000  }
0x1ec: {  	[spmem:s1] =	stream.indirect.scatter.add.f32 [tilespmem:s3], [sflag:$0x5], $0x80, s13, s0, $0xb8;
	[tilespmem:$0x1E800] =	vst v63  }
0x1ed: {  	_ =	swait.ge [sflag:s30], $0x2000  }
0x1ee: {  	[sflag:s30] =	ssyncset.done $0x0  }
0x1ef: {  	s13 =	sadd.s32 $0x280, s5;
	[sflag:s30] =	ssyncadd.s32 $0xFFFFE000  }
0x1f0: {  	[tilespmem:s3], [sflag:$0x2] =	stream.indirect.gather [hbm4b:s4+s0], $0x80, s13, s0, $0xb8;
	[tilespmem:$0x1E800] =	vst v63  }
0x1f1: {  	_ =	swait.ge [sflag:s20], $0x2000  }
0x1f2: {  	[sflag:s20] =	ssyncset.done $0x0  }
0x1f3: {  	s13 =	sadd.s32 $0x1500, s5;
	[sflag:s20] =	ssyncadd.s32 $0xFFFFE000  }
0x1f4: {  	[spmem:s1] =	stream.indirect.scatter.add.f32 [tilespmem:s9], [sflag:$0x5], $0x80, s13, s0, $0xb8;
	[tilespmem:$0x1E800] =	vst v63  }
0x1f5: {  	_ =	swait.ge [sflag:s30], $0x2000  }
0x1f6: {  	[sflag:s30] =	ssyncset.done $0x0  }
0x1f7: {  	s13 =	sadd.s32 $0x300, s5;
	[sflag:s30] =	ssyncadd.s32 $0xFFFFE000  }
0x1f8: {  	[tilespmem:s9], [sflag:$0x3] =	stream.indirect.gather [hbm4b:s4+s0], $0x80, s13, s0, $0xb8;
	[tilespmem:$0x1E800] =	vst v63  }
0x1f9: {  	_ =	swait.ge [sflag:s21], $0x2000  }
0x1fa: {  	[sflag:s21] =	ssyncset.done $0x0  }
.Ltmp4:
0x1fb: {  	s13 =	sadd.s32 $0x1580, s5;
	[sflag:s21] =	ssyncadd.s32 $0xFFFFE000;
	(pc) =	sbr.rel @p4 .LBB2_10-.Ltmp4, $4  }
0x1fc: {  	[spmem:s1] =	stream.indirect.scatter.add.f32 [tilespmem:s17], [sflag:$0x5], $0x80, s13, s0, $0xb8;
	[tilespmem:$0x1E800] =	vst v63  }
0x1fd: {  	_ =	swait.ge [sflag:s30], $0x2000  }
0x1fe: {  	[sflag:s30] =	ssyncset.done $0x0  }
0x1ff: {  	s5 =	sadd.s32 $0x380, s5;
	[sflag:s30] =	ssyncadd.s32 $0xFFFFE000  }
0x200: {  	[tilespmem:s17], [sflag:$0x4] =	stream.indirect.gather [hbm4b:s4+s0], $0x80, s5, s0, $0xb8;
	[tilespmem:$0x1E800] =	vst v63  }
0x201: {  	_ =	swait.ge [sflag:s18], $0x2000  }
0x202: {  	[sflag:s18] =	ssyncset.done $0x0  }
0x203: {  	[sflag:s18] =	ssyncadd.s32 $0xFFFFE000  }
0x204: {  	[spmem:s1] =	stream.indirect.scatter.add.f32 [tilespmem:s29], [sflag:$0x5], $0x80, s22, s0, $0xb8;
	[tilespmem:$0x1E800] =	vst v63  }
0x205: {  	_ =	swait.ge [sflag:s30], $0x2000  }
0x206: {  	[sflag:s30] =	ssyncset.done $0x0  }
0x207: {  	[sflag:s30] =	ssyncadd.s32 $0xFFFFE000  }
0x208: {  	_ =	swait.ge [sflag:s19], $0x2000  }
0x209: {  	[sflag:s19] =	ssyncset.done $0x0  }
0x20a: {  	[sflag:s19] =	ssyncadd.s32 $0xFFFFE000  }
0x20b: {  	[spmem:s1] =	stream.indirect.scatter.add.f32 [tilespmem:s3], [sflag:$0x5], $0x80, s23, s0, $0xb8;
	[tilespmem:$0x1E800] =	vst v63  }
0x20c: {  	_ =	swait.ge [sflag:s30], $0x2000  }
0x20d: {  	[sflag:s30] =	ssyncset.done $0x0  }
0x20e: {  	[sflag:s30] =	ssyncadd.s32 $0xFFFFE000  }
0x20f: {  	_ =	swait.ge [sflag:s20], $0x2000  }
0x210: {  	[sflag:s20] =	ssyncset.done $0x0  }
0x211: {  	[sflag:s20] =	ssyncadd.s32 $0xFFFFE000  }
0x212: {  	[spmem:s1] =	stream.indirect.scatter.add.f32 [tilespmem:s9], [sflag:$0x5], $0x80, s24, s0, $0xb8;
	[tilespmem:$0x1E800] =	vst v63  }
0x213: {  	_ =	swait.ge [sflag:s30], $0x2000  }
0x214: {  	[sflag:s30] =	ssyncset.done $0x0  }
0x215: {  	[sflag:s30] =	ssyncadd.s32 $0xFFFFE000  }
0x216: {  	_ =	swait.ge [sflag:s21], $0x2000  }
0x217: {  	[sflag:s21] =	ssyncset.done $0x0  }
0x218: {  	[sflag:s21] =	ssyncadd.s32 $0xFFFFE000  }
0x219: {  	[spmem:s1] =	stream.indirect.scatter.add.f32 [tilespmem:s17], [sflag:$0x5], $0x80, s25, s0, $0xb8;
	[tilespmem:$0x1E800] =	vst v63  }
0x21a: {  	_ =	swait.ge [sflag:s30], $0x2000  }
0x21b: {  	[sflag:s30] =	ssyncset.done $0x0  }
0x21c: {  	s13 =	stileid.u32;
	[sflag:s30] =	ssyncadd.s32 $0xFFFFE000  }
0x21d: {  	s5 =	sshll.u32 s13, $0x6;
	[bflag:$0x0] =	sbarrier.arrive $0xFFFF  }
0x21e: {  	s11 =	sshrl.u32 s7, $0x3;
	s5 =	sor.u32 $0x1C05, s5;
	s13 =	rddreg [dreg:$0xa]  }
0x21f: {  	[hbm:s13], [sflag:s5] =	dma.local [spmem:s11], $0x2800  }
0x220: {  	_ =	swait.ge [sflag:s30], $0x2800  }
0x221: {  	s26 =	sadd.s32 $0x1, s26;
	s28 =	rddreg [dreg:$0xb]  }
0x222: {  	p4 =	sne.s32 s26, s28  }
.Ltmp5:
0x223: {  	_ = 	snop;
	(pc) =	sbr.rel @p4 .LBB2_1-.Ltmp5, $3  }
0x224: {  	_ =	sdelay $0x1  }
0x225: {  	[sflag:s30] =	ssyncset.done $0x0  }
0x226: {  	[sflag:s30] =	ssyncadd.s32 $0xFFFFD800  }
0x227: {  	_ =	sfence.sel $0x180000  }
0x228: {  	[bflag:$0x0] =	sbarrier.arrive $0xFFFF  }
0x229: {  	_ =	strace $0x9000004D  }
0x22a: {  	s0 =	stileid.u32;
	[bflag:$0x2] =	sbarrier.arrive $0xFFFF  }
0x22b: {  	p0 =	sne.s32 s0, $0x0;
	s0 =	rddreg [dreg:$0x3]  }
0x22c: {  	s0 =	sadd.s32 @!p0 $0x100000, s0  }
0x22d: {  	[sflag:s0] =	ssyncadd.tile.s32 @!p0 $0x1;
	_ =	shalt  }
.Lfunc_end2:
_tile_overlayer_lowered:
.L_overlay_start_2:
0x22e: {  	(tag) =	ssettag $0x2  }
0x22f: {  	s0 =	rddreg [dreg:$0x0];
	s2 =	stileid.u32  }
0x230: {  	s1 =	rddreg [dreg:$0x1];
	p0 =	sne.s32 s2, $0x0  }
0x231: {  	s3 =	rddreg [dreg:$0x2];
	[bflag:$0x3] =	sbarrier.arrive $0xFFFF;
	s2 =	simm.s32 @!p0 $0x1C05  }
0x232: {  	[timem:s3], [sflag:s2] =	dma.local @!p0 [hbm:s0], s1  }
0x233: {  	s0 =	simm.s32 @!p0 $0x5  }
0x234: {  	_ =	swait.ge @!p0 [sflag:s0], s1  }
0x235: {  	s1 =	ssub.s32 @!p0 $0x0, s1;
	[sflag:s0] =	ssyncset.done @!p0 $0x0  }
0x236: {  	[sflag:s0] =	ssyncadd.s32 @!p0 s1  }
0x237: {  	[bflag:$0x3] =	sbarrier.arrive $0xFFFF  }
0x238: {  	_ =	shalt  }

// kernel: kernel.8.cloned.1.call-start
scs
__scs_entry_jumppad:
0x0: {  	(pc) =	sbr.rel $0x88, $3  }
0x1: {  	(tag) =	ssettag $0x0;
	lr =	simm.s32 $0x1  }
0x2: {  	[smem:$0x3F9B] =	sst lr;
	_ =	strace $0xD0000000  }
0x3: {  	_ = 	snop  }
0x4: {  	_ = 	snop  }
0x5: {  	_ = 	snop  }
0x6: {  	_ = 	snop  }
0x7: {  	_ = 	snop  }
__scs_overlays_trampoline_lowered:
0x8: {  	[smem:$0x3FAA] =	sst s0  }
0x9: {  	[smem:$0x3FAB] =	sst s1  }
0xa: {  	[smem:$0x3FAC] =	sst s2  }
0xb: {  	[smem:$0x3FAD] =	sst s3  }
0xc: {  	[smem:$0x3FAE] =	sst s4  }
0xd: {  	[smem:$0x3FAF] =	sst s5  }
0xe: {  	[smem:$0x3FB0] =	sst s6  }
0xf: {  	[smem:$0x3FB1] =	sst s7  }
0x10: {  	[smem:$0x3FB2] =	sst s8  }
0x11: {  	[smem:$0x3FB3] =	sst s9;
	s0 =	simm.s32 @!p0 $0x0  }
0x12: {  	s1 =	sld [smem:$0x3F99];
	s0 =	simm.s32 @p0 $0x1  }
0x13: {  	[smem:$0x3FB4] =	sst s0;
	s0 =	simm.s32 @!p1 $0x0  }
0x14: {  	s2 =	sld [smem:$0x3F98];
	s0 =	simm.s32 @p1 $0x1  }
0x15: {  	[smem:$0x3FB5] =	sst s0;
	s0 =	simm.s32 @!p2 $0x0  }
0x16: {  	s3 =	sld [smem:$0x3FDB];
	s0 =	simm.s32 @p2 $0x1  }
0x17: {  	s4 =	simm.s32 $0x1BF5;
	[smem:$0x3FB7] =	sst s0  }
0x18: {  	s0 =	sld [smem:$0x3F9A];
	_ =	swait.ge [sflag:s4], $0x0  }
0x19: {  	s7 =	sld [smem:$0x3F9B]  }
0x1a: {  	s8 =	sadd.s32 $0xFFFFE003, lr  }
0x1b: {  	s9 =	sadd.s32 $0xFFFFFEF7, lr;
	s5 =	simm.s32 $0xFFFFFFFF;
	p2 =	slt.u32 s8, $0xFFFFF086  }
0x1c: {  	p1 =	slt.u32 s9, $0xF7A;
	s5 =	simm.s32 @!p2 $0x0  }
0x1d: {  	s5 =	simm.s32 @p1 $0x1;
	p0 =	seq.s32 s7, s2  }
0x1e: {  	s7 =	smul.u32 @!p0 $0xF7A, s2;
	p2 =	seq.s32 @!p0 s5, $0x0  }
0x1f: {  	s9 =	smul.u32 $0xF7A, s1;
	s8 =	simm.s32 @!p0 $0x1BF5;
	p2 =	por !p2, p0  }
0x20: {  	[sflag:s8] =	ssyncset.s32 @!p0 $0xFFFFF086;
	s6 =	sadd.s32 @!p0 s3, s7;
	s7 =	simm.s32 @!p0 $0x108  }
0x21: {  	s3 =	sadd.s32 s3, s9;
	s6 =	sadd.s32 @!p0 $0x88, s6;
	s7 =	simm.s32 @p2 $0x1082  }
0x22: {  	[simem:s7], [sflag:s8] =	dma.local @!p0 [hbm:s6], $0xF7A  }
0x23: {  	s9 =	sor.u32 $0xD0000000, s2;
	s6 =	simm.s32 $0x108;
	_ =	swait.ge @!p0 [sflag:s8], $0x0  }
0x24: {  	s3 =	sadd.s32 $0x88, s3;
	s6 =	simm.s32 @!p1 $0x1082;
	[sflag:s4] =	ssyncset.s32 $0xFFFFF086  }
0x25: {  	[simem:s6], [sflag:s4] =	dma.local [hbm:s3], $0xF7A  }
0x26: {  	[smem:$0x3F9B] =	sst s1;
	(tag) =	ssettag s2;
	_ =	strace s9  }
0x27: {  	s1 =	sld [smem:$0x3FAB]  }
0x28: {  	s2 =	sld [smem:$0x3FAC]  }
0x29: {  	s4 =	sld [smem:$0x3FAE]  }
0x2a: {  	p0 =	seq.s32 s5, $0x0;
	s5 =	sld [smem:$0x3FAF]  }
0x2b: {  	s6 =	sld [smem:$0x3FB0]  }
0x2c: {  	s7 =	sld [smem:$0x3FB1]  }
0x2d: {  	s3 =	simm.s32 $0x108;
	s8 =	sld [smem:$0x3FB2]  }
0x2e: {  	s3 =	simm.s32 @!p0 $0x1082;
	s9 =	sld [smem:$0x3FB3]  }
0x2f: {  	lr =	sadd.s32 s0, s3;
	s0 =	sld [smem:$0x3FAA]  }
0x30: {  	s3 =	sld [smem:$0x3FAD]  }
0x31: {  	[smem:$0x3FB6] =	sst s10  }
0x32: {  	s10 =	sld [smem:$0x3FB4];
	_ =	sdelay $0x3  }
0x33: {  	p0 =	seq.s32 s10, $0x1;
	s10 =	sld [smem:$0x3FB6];
	_ =	sdelay $0x3  }
0x34: {  	[smem:$0x3FB6] =	sst s10  }
0x35: {  	s10 =	sld [smem:$0x3FB5];
	_ =	sdelay $0x3  }
0x36: {  	p1 =	seq.s32 s10, $0x1;
	s10 =	sld [smem:$0x3FB6];
	_ =	sdelay $0x3  }
0x37: {  	[smem:$0x3FB6] =	sst s10  }
0x38: {  	s10 =	sld [smem:$0x3FB7]  }
0x39: {  	_ = 	snop;
	(pc) =	sbr.ind lr, $3  }
0x3a: {  	_ = 	snop  }
0x3b: {  	_ = 	snop  }
0x3c: {  	p2 =	seq.s32 s10, $0x1;
	s10 =	sld [smem:$0x3FB6]  }
0x3d: {  	_ =	shalt  }
0x3e: {  	_ =	shalt  }
0x3f: {  	_ =	shalt  }
0x40: {  	_ =	shalt  }
0x41: {  	_ =	shalt  }
0x42: {  	_ =	shalt  }
0x43: {  	_ =	shalt  }
0x44: {  	_ =	shalt  }
0x45: {  	_ =	shalt  }
0x46: {  	_ =	shalt  }
0x47: {  	_ =	shalt  }
0x48: {  	_ =	shalt  }
0x49: {  	_ =	shalt  }
0x4a: {  	_ =	shalt  }
0x4b: {  	_ =	shalt  }
0x4c: {  	_ =	shalt  }
0x4d: {  	_ =	shalt  }
0x4e: {  	_ =	shalt  }
0x4f: {  	_ =	shalt  }
0x50: {  	_ =	shalt  }
0x51: {  	_ =	shalt  }
0x52: {  	_ =	shalt  }
0x53: {  	_ =	shalt  }
0x54: {  	_ =	shalt  }
0x55: {  	_ =	shalt  }
0x56: {  	_ =	shalt  }
0x57: {  	_ =	shalt  }
0x58: {  	_ =	shalt  }
0x59: {  	_ =	shalt  }
0x5a: {  	_ =	shalt  }
0x5b: {  	_ =	shalt  }
0x5c: {  	_ =	shalt  }
0x5d: {  	_ =	shalt  }
0x5e: {  	_ =	shalt  }
0x5f: {  	_ =	shalt  }
0x60: {  	_ =	shalt  }
0x61: {  	_ =	shalt  }
0x62: {  	_ =	shalt  }
0x63: {  	_ =	shalt  }
0x64: {  	_ =	shalt  }
0x65: {  	_ =	shalt  }
0x66: {  	_ =	shalt  }
0x67: {  	_ =	shalt  }
0x68: {  	_ =	shalt  }
0x69: {  	_ =	shalt  }
0x6a: {  	_ =	shalt  }
0x6b: {  	_ =	shalt  }
0x6c: {  	_ =	shalt  }
0x6d: {  	_ =	shalt  }
0x6e: {  	_ =	shalt  }
0x6f: {  	_ =	shalt  }
0x70: {  	_ =	shalt  }
0x71: {  	_ =	shalt  }
0x72: {  	_ =	shalt  }
0x73: {  	_ =	shalt  }
0x74: {  	_ =	shalt  }
0x75: {  	_ =	shalt  }
0x76: {  	_ =	shalt  }
0x77: {  	_ =	shalt  }
0x78: {  	_ =	shalt  }
0x79: {  	_ =	shalt  }
0x7a: {  	_ =	shalt  }
0x7b: {  	_ =	shalt  }
0x7c: {  	_ =	shalt  }
0x7d: {  	_ =	shalt  }
0x7e: {  	_ =	shalt  }
0x7f: {  	_ =	shalt  }
0x80: {  	_ =	shalt  }
0x81: {  	_ =	shalt  }
0x82: {  	_ =	shalt  }
0x83: {  	_ =	shalt  }
0x84: {  	_ =	shalt  }
0x85: {  	_ =	shalt  }
0x86: {  	_ =	shalt  }
0x87: {  	_ =	shalt  }
.Lfunc_end0:
.L_simem_size_0:
called_computation_lowered:
.L_overlay_start_0:
0x88: {  	s2 =	sld [smem:$0x3FD9]  }
0x89: {  	s3 =	sld [smem:$0x3FFE];
	_ =	sdelay $0x1  }
0x8a: {  	s1 =	srdreg.scid  }
0x8b: {  	s0 =	sand.u32 $0x1, s1  }
0x8c: {  	s17 =	sshll.u32 s0, $0xA;
	s2 =	sadd.s32 s3, s2  }
0x8d: {  	s2 =	sadd.s32 s2, s17  }
0x8e: {  	[smem:$0x3FC2] =	sst s2  }
0x8f: {  	_ = 	snop  }
0x90: {  	s2 =	sld [smem:$0x3FC8];
	(tm) =	ssettm $0x1  }
0x91: {  	s18 =	sld [smem:$0x3FFB];
	_ =	sdelay $0x3  }
0x92: {  	_ =	strace s18  }
0x93: {  	s3 =	sld [smem:$0x3FFC];
	_ =	sdelay $0x3  }
0x94: {  	_ =	strace s3  }
0x95: {  	s3 =	sld [smem:$0x3FFD];
	_ =	sdelay $0x3  }
0x96: {  	_ =	strace s3  }
0x97: {  	_ =	strace $0x8FFFFFFF  }
0x98: {  	s19 =	sld [smem:$0x3FDB];
	_ =	sdelay $0x1  }
0x99: {  	s4 =	simm.s32 $_scs_section_size  }
0x9a: {  	s5 =	simm.s32 $_size__tile_overlayer_lowered;
	s6 =	simm.s32 $_tile_overlayer_lowered  }
0x9b: {  	s22 =	simm.s32 $0x1BFF;
	s21 =	sshll.u32 s6, $0x1;
	s3 =	sadd.s32 s4, s19  }
0x9c: {  	s7 =	simm.s32 $0x0;
	s20 =	sshll.u32 s5, $0x1;
	s5 =	sadd.s32 s21, s3  }
0x9d: {  	[timem:s7], [sflag:s22] =	dma.local [hbm:s5], s20  }
0x9e: {  	_ =	swait.ge [sflag:s22], s20  }
0x9f: {  	s4 =	ssub.s32 $0x0, s20;
	[sflag:s22] =	ssyncset.done $0x0  }
0xa0: {  	[sflag:s22] =	ssyncadd.s32 s4;
	_ =	sdelay $0x1  }
0xa1: {  	s23 =	simm.s32 $0x1B8B  }
0xa2: {  	_ =	swait.ge [sflag:s23], $0x1  }
0xa3: {  	[sflag:s23] =	ssyncset.done $0x0  }
0xa4: {  	s25 =	simm.s32 $0x1B8E;
	s24 =	sld [smem:$0x3FFE];
	[sflag:s23] =	ssyncadd.s32 $0xFFFFFFFF  }
0xa5: {  	s26 =	simm.s32 $execute0_lowered;
	[smem:$0x3FD2] =	sst s25  }
0xa6: {  	s5 =	sshll.u32 s26, $0x1;
	_ =	strace $0x80000046;
	[dreg:$0x1] =	wrdreg $0xFFFFFFFF  }
0xa7: {  	s28 =	simm.s32 $_size_execute0_lowered;
	s3 =	sadd.s32 s3, s5;
	[dreg:$0x0] =	wrdreg $0x0  }
0xa8: {  	s5 =	sshll.u32 s28, $0x1;
	[dreg:$0x2] =	wrdreg s3  }
0xa9: {  	[dreg:$0x3] =	wrdreg s5  }
0xaa: {  	[dreg:$0x4] =	wrdreg $0xC0  }
0xab: {  	_ =	task [dreg:s7], $0x5FFFF  }
0xac: {  	[dreg:$0x1] =	wrdreg $0xFFFFFFFF  }
0xad: {  	[dreg:$0x0] =	wrdreg $0x60  }
0xae: {  	[dreg:$0x2] =	wrdreg s2  }
0xaf: {  	[dreg:$0x3] =	wrdreg s24  }
0xb0: {  	[dreg:$0x4] =	wrdreg $0x9  }
0xb1: {  	_ =	task.clear_ibuf [dreg:s7], $0x5FFFF;
	_ =	strace $0x90000046  }
0xb2: {  	s29 =	simm.s32 $0x9;
	_ =	strace $0x80000048  }
0xb3: {  	_ =	swait.ge [sflag:s29], $0x1  }
0xb4: {  	[sflag:s29] =	ssyncadd.s32 $0xFFFFFFFF  }
0xb5: {  	_ =	strace $0x90000048  }
0xb6: {  	_ =	sfence  }
0xb7: {  	s30 =	sld [smem:$0x0];
	_ =	sdelay $0x2  }
0xb8: {  	s31 =	sshll.u32 s1, $0xD;
	s1 =	sshrl.u32 s1, $0x2  }
0xb9: {  	s3 =	sand.u32 $0x4000, s31;
	s1 =	sadd.s32 s1, s30  }
0xba: {  	s0 =	sor.u32 s3, s0;
	s1 =	sshll.u32 s1, $0x11  }
0xbb: {  	s0 =	sor.u32 s1, s0  }
0xbc: {  	s0 =	sadd.s32 $0x8F2B, s0  }
0xbd: {  	[sflag:s0] =	ssyncadd.remote.s32 $0x1  }
0xbe: {  	_ =	sfence.sel $0xFFFF  }
0xbf: {  	[dreg:$0x0] =	wrdreg $0xFFFFFFFF;
	(pc) =	sbr.abs _section_cstart, $3  }
0xc0: {  	[dreg:$0x1] =	wrdreg $0xFFFFFFFF  }
0xc1: {  	_ =	task.clear_ibuf [dreg:s7], $0x2FFFF;
	_ =	strace $0x9FFFFFFF  }
0xc2: {  	(tm) =	ssettm $0x7FFFFFFF  }
0xc3: {  	_ =	shalt  }
tec
execute0_lowered:
.L_overlay_start_1:
0x0: {  	(tag) =	ssettag $0x1  }
0x1: {  	s5 =	rddreg [dreg:$0x0]  }
0x2: {  	s0 =	srdreg.scid;
	s7 =	rddreg [dreg:$0x1]  }
0x3: {  	s2 =	simm.s32 $0x0;
	s14 =	simm.s32 $0x1;
	s3 =	sand.u32 $0x1, s0  }
0x4: {  	s0 =	stileid.u32;
	[smem:$0x7FF] =	sst s2;
	s9 =	sadd.s32 $0x10, s5  }
0x5: {  	s1 =	sshll.u32 s3, $0x4;
	s6 =	sshll.u32 s0, $0x7;
	s28 =	ssub.s32 $0x2, s3  }
0x6: {  	s3 =	sadd.s32 $0x2600, s7;
	s15 =	sor.u32 s0, s1;
	s6 =	sand.u32 $0x380, s6  }
0x7: {  	s29 =	sshrl.u32 s28, $0x1;
	s1 =	sshrl.u32 s15, $0x3;
	s31 =	smul.u32 $0xA00, s15  }
0x8: {  	s11 =	ssub.s32 s28, s29;
	s30 =	sshll.u32 s15, $0x2;
	s8 =	smul.u32 $0x2800, s15  }
0x9: {  	s17 =	sshllo.u32 s15, $0x2;
	p0 =	seq.s32 s15, $0x1F;
	p2 =	sne.s32 s15, $0x1F  }
0xa: {  	s15 =	simm.s32 $0x2800;
	s4 =	smul.u32 $0x14000, s1;
	s1 =	rddreg [dreg:$0x2]  }
0xb: {  	_ =	strace $0x80000047;
	s16 =	sor.u32 $0x2, s30;
	s13 =	smul.u32 $0x280, s17  }
0xc: {  	s11 =	smax.u32 s11, $0x1;
	p3 =	sgt.u32 s17, $0x7C;
	s17 =	simm.s32 $0x0  }
0xd: {  	s12 =	smul.u32 $0x280, s16;
	s5 =	sadd.s32 s31, s5;
	s8 =	sadd.s32 $0xFFFB3C00, s8  }
0xe: {  	p1 =	sgt.u32 s16, $0x7C;
	s16 =	simm.s32 $0x400;
	s4 =	sor.u32 s6, s4  }
0xf: {  	s5 =	sadd.s32 $0x290, s5;
	s8 =	sshrl.u32 s8, $0x3;
	s4 =	sshrl.u32 s4, $0x3  }
0x10: {  	s6 =	sadd.s32 s12, s9;
	s8 =	sadd.s32 s3, s8;
	s12 =	simm.s32 $0x80  }
0x11: {  	s10 =	sadd.s32 s4, s7;
	s4 =	sadd.s32 s31, s9;
	s7 =	sadd.s32 $0x2740, s7  }
0x12: {  	v0 =	vimm.f32 $0.0e+00;
	v1 =	vimm.f32 $1.000000000e+00;
	s9 =	sadd.s32 s13, s9;
	s13 =	simm.s32 $0x100;
	s10 =	sadd.s32 $0x2A00, s10  }
.LBB2_1:
0x13: {  	[tilespmem:s2], [sflag:$0x1] =	stream.strided.gather [hbm4b:s4+s12], $0xA00, s13, s12, $0x38;
	[tilespmem:$0x5000] =	vst v63  }
0x14: {  	_ =	swait.ge [sflag:s14], $0xA00  }
0x15: {  	[sflag:s14] =	ssyncset.done $0x0  }
0x16: {  	s18 =	simm.s32 @p0 $0x0;
	s19 =	simm.s32 @p0 $0xA00;
	[sflag:s14] =	ssyncadd.s32 $0xFFFFF600  }
0x17: {  	[tilespmem:s19], [sflag:$0x1] =	stream.linear.gather @p0 [hbm4b:s3+s18], $0xA00, $0x38;
	[tilespmem:$0x5000] =	vst v63  }
0x18: {  	s20 =	simm.s32 @!p0 $0xA00;
	s18 =	simm.s32 @!p0 $0x80;
	s19 =	simm.s32 @!p0 $0x100  }
0x19: {  	[tilespmem:s20], [sflag:$0x1] =	stream.strided.gather @!p0 [hbm4b:s5+s18], $0xA00, s19, s18, $0x38;
	[tilespmem:$0x5000] =	vst v63  }
0x1a: {  	_ =	swait.ge [sflag:s14], $0xA00  }
0x1b: {  	s18 =	simm.s32 @!p1 $0x80;
	[sflag:s14] =	ssyncset.done $0x0  }
0x1c: {  	s19 =	simm.s32 @!p1 $0x100;
	s20 =	simm.s32 @!p1 $0x1400;
	[sflag:s14] =	ssyncadd.s32 $0xFFFFF600  }
0x1d: {  	[tilespmem:s20], [sflag:$0x1] =	stream.strided.gather @!p1 [hbm4b:s6+s18], $0xA00, s19, s18, $0x38;
	[tilespmem:$0x5000] =	vst v63  }
0x1e: {  	s18 =	simm.s32 @!p1 $0x1  }
0x1f: {  	_ =	swait.ge @!p1 [sflag:s18], $0xA00  }
0x20: {  	[sflag:s18] =	ssyncset.done @!p1 $0x0  }
0x21: {  	s19 =	simm.s32 @!p2 $0x1400;
	[sflag:s18] =	ssyncadd.s32 @!p1 $0xFFFFF600;
	s18 =	simm.s32 @!p2 $0x0  }
0x22: {  	[tilespmem:s19], [sflag:$0x1] =	stream.linear.gather @!p2 [hbm4b:s7+s18], $0xA00, $0x38;
	[tilespmem:$0x5000] =	vst v63  }
0x23: {  	s18 =	simm.s32 @!p2 $0x1  }
0x24: {  	_ =	swait.ge @!p2 [sflag:s18], $0xA00  }
0x25: {  	[sflag:s18] =	ssyncset.done @!p2 $0x0  }
0x26: {  	s19 =	simm.s32 @p3 $0x1E00;
	[sflag:s18] =	ssyncadd.s32 @!p2 $0xFFFFF600;
	s18 =	simm.s32 @p3 $0x0  }
0x27: {  	[tilespmem:s19], [sflag:$0x1] =	stream.linear.gather @p3 [hbm4b:s8+s18], $0xA00, $0x38;
	[tilespmem:$0x5000] =	vst v63  }
0x28: {  	s20 =	simm.s32 @!p3 $0x1E00;
	s18 =	simm.s32 @!p3 $0x80;
	s19 =	simm.s32 @!p3 $0x100  }
0x29: {  	[tilespmem:s20], [sflag:$0x1] =	stream.strided.gather @!p3 [hbm4b:s9+s18], $0xA00, s19, s18, $0x38;
	[tilespmem:$0x5000] =	vst v63  }
0x2a: {  	_ =	swait.ge [sflag:s14], $0xA00  }
0x2b: {  	[sflag:s14] =	ssyncset.done $0x0  }
0x2c: {  	s18 =	simm.s32 $0x0;
	[sflag:s14] =	ssyncadd.s32 $0xFFFFF600  }
.LBB2_2:
0x2d: {  	p4 =	sne.s32 s18, $0x9FC0  }
.Ltmp0:
0x2e: {  	_ = 	snop;
	(pc) =	sbr.rel @p4 .LBB2_2-.Ltmp0, $3  }
0x2f: {  	_ =	sdelay $0x1  }
0x30: {  	s19 =	sshra.s32 s18, $0x2  }
0x31: {  	s18 =	sadd.s32 $0x40, s18;
	[tilespmem:s19+$0x2800] =	vst v0  }
0x32: {  	s19 =	simm.s32 $0x0;
	s18 =	simm.s32 $0x40  }
.LBB2_4:
0x33: {  	p4 =	sne.s32 s18, $0x9FC0;
	v2 =	vld [tilespmem:s19+$0x0];
	_ =	sdelay $0x3  }
.Ltmp1:
0x34: {  	(pc) =	sbr.rel @p4 .LBB2_4-.Ltmp1, $2  }
0x35: {  	_ =	sdelay $0x2  }
0x36: {  	s19 =	sshra.s32 s18, $0x2;
	s18 =	sadd.s32 $0x40, s18;
	[tilespmem:v2+s15+$0x0] =	vst.idx.add.f32.msk $0xffff, v1  }
0x37: {  	v2 =	vld [tilespmem:s19+$0x0];
	_ =	sdelay $0x5  }
0x38: {  	s17 =	sadd.s32 $0x1, s17  }
0x39: {  	p4 =	sne.s32 s17, s11  }
.Ltmp2:
0x3a: {  	[tilespmem:v2+s15+$0x0] =	vst.idx.add.f32.msk $0xffff, v1;
	(pc) =	sbr.rel @p4 .LBB2_1-.Ltmp2, $4  }
0x3b: {  	[hbm4b:s10+s12] =	stream.strided.scatter [tilespmem:s15], [sflag:$0x1], $0x2800, s16, s12, $0x38;
	[tilespmem:$0x5000] =	vst v63  }
0x3c: {  	_ =	swait.ge [sflag:s14], $0x2800  }
0x3d: {  	[sflag:s14] =	ssyncset.done $0x0  }
0x3e: {  	[sflag:s14] =	ssyncadd.s32 $0xFFFFD800  }
0x3f: {  	_ =	sfence.sel $0x180000  }
0x40: {  	[bflag:$0x0] =	sbarrier.arrive $0xFFFF  }
0x41: {  	p0 =	sne.s32 s0, $0x0;
	_ =	strace $0x90000047  }
0x42: {  	s0 =	sadd.s32 @!p0 $0x100000, s1;
	[bflag:$0x2] =	sbarrier.arrive $0xFFFF  }
0x43: {  	[sflag:s0] =	ssyncadd.tile.s32 @!p0 $0x1;
	_ =	shalt  }
.Lfunc_end2:
_tile_overlayer_lowered:
.L_overlay_start_2:
0x44: {  	(tag) =	ssettag $0x2  }
0x45: {  	s0 =	rddreg [dreg:$0x0];
	s2 =	stileid.u32  }
0x46: {  	s1 =	rddreg [dreg:$0x1];
	p0 =	sne.s32 s2, $0x0  }
0x47: {  	s3 =	rddreg [dreg:$0x2];
	[bflag:$0x3] =	sbarrier.arrive $0xFFFF;
	s2 =	simm.s32 @!p0 $0x1C01  }
0x48: {  	[timem:s3], [sflag:s2] =	dma.local @!p0 [hbm:s0], s1  }
0x49: {  	s0 =	simm.s32 @!p0 $0x1  }
0x4a: {  	_ =	swait.ge @!p0 [sflag:s0], s1  }
0x4b: {  	s1 =	ssub.s32 @!p0 $0x0, s1;
	[sflag:s0] =	ssyncset.done @!p0 $0x0  }
0x4c: {  	[sflag:s0] =	ssyncadd.s32 @!p0 s1  }
0x4d: {  	[bflag:$0x3] =	sbarrier.arrive $0xFFFF  }
0x4e: {  	_ =	shalt  }

</sc_bundles>
